<compile_context>
chip_gen: v7x
topology: tpu7x:2x2x1
jax: 0.10.2.dev20260603
libtpu: 0.0.44.dev20260713+nightly
codegen_flags: <defaults>
</compile_context>

<pallas_src>
import jax
import jax.numpy as jnp
from jax import lax
from jax.experimental import pallas as pl
from jax.experimental.pallas import tpu as pltpu
from jax.experimental.pallas import tpu_sc as plsc

_N = 10000
_D = 128
_NC = 2
_NS = 16
_NW = _NC * _NS
_CH = 128
_NPAD = 10048
_RPT = 632
_LRPT = _NPAD - 15 * _RPT
_DW = 128


def _make_segsum(k_chunks: int):
    assert k_chunks % 2 == 0
    mesh = plsc.VectorSubcoreMesh(core_axis_name="c", subcore_axis_name="s")
    out_type = [jax.ShapeDtypeStruct((_NC, _NPAD, _D), jnp.float32)]
    scratch = [
        pltpu.VMEM((k_chunks, _CH), jnp.int32),
        pltpu.VMEM((2, _CH), jnp.int32),
        pltpu.VMEM((2, _CH, _D), jnp.float32),
        pltpu.VMEM_SHARED((_NPAD, _D), jnp.float32),
        pltpu.SemaphoreType.DMA,
        pltpu.SemaphoreType.DMA,
    ]

    def body(x_hbm, src_hbm, dst_hbm, zmsg_hbm, msg_out,
             src_v, dstb_v, rows_v, acc_sh, sem0, sem1):
        c = lax.axis_index("c")
        s = lax.axis_index("s")
        t = c * _NS + s
        r0 = s * _RPT

        pltpu.sync_copy(src_hbm.at[t], src_v)

        @pl.when(s < _NS - 1)
        def _():
            pltpu.sync_copy(zmsg_hbm.at[pl.ds(r0, _RPT)],
                            acc_sh.at[pl.ds(r0, _RPT)])

        @pl.when(s == _NS - 1)
        def _():
            pltpu.sync_copy(zmsg_hbm.at[pl.ds(r0, _LRPT)],
                            acc_sh.at[pl.ds(r0, _LRPT)])
        plsc.subcore_barrier()

        def _start(k, slot, sem):
            pltpu.async_copy(x_hbm.at[src_v.at[k]], rows_v.at[slot], sem)
            pltpu.async_copy(dst_hbm.at[t, k], dstb_v.at[slot], sem)

        def _wait(k, slot, sem):
            pltpu.make_async_copy(x_hbm.at[src_v.at[k]], rows_v.at[slot],
                                  sem).wait()
            pltpu.make_async_copy(dst_hbm.at[t, k], dstb_v.at[slot],
                                  sem).wait()

        def _scat(k, slot):
            pltpu.sync_copy(rows_v.at[slot], acc_sh.at[dstb_v.at[slot]],
                            add=True)

        half = k_chunks // 2
        _start(0, 0, sem0)

        def _loop(kk, carry):
            k0 = kk * 2
            _start(k0 + 1, 1, sem1)
            _wait(k0, 0, sem0)
            _scat(k0, 0)

            @pl.when(kk < half - 1)
            def _():
                _start(k0 + 2, 0, sem0)
            _wait(k0 + 1, 1, sem1)
            _scat(k0 + 1, 1)
            return carry
        lax.fori_loop(0, half, _loop, 0)

        plsc.subcore_barrier()

        @pl.when(s < _NS - 1)
        def _():
            pltpu.sync_copy(acc_sh.at[pl.ds(r0, _RPT)],
                            msg_out.at[c, pl.ds(r0, _RPT)])

        @pl.when(s == _NS - 1)
        def _():
            pltpu.sync_copy(acc_sh.at[pl.ds(r0, _LRPT)],
                            msg_out.at[c, pl.ds(r0, _LRPT)])

    return pl.kernel(body, out_type=out_type, mesh=mesh,
                     scratch_types=scratch)


def _make_segdeg(k_chunks: int):
    mesh = plsc.VectorSubcoreMesh(core_axis_name="c", subcore_axis_name="s")
    out_type = [jax.ShapeDtypeStruct((_NC, _NPAD, _DW), jnp.float32)]
    scratch = [
        pltpu.VMEM((k_chunks, _CH), jnp.int32),
        pltpu.VMEM((_CH, _DW), jnp.float32),
        pltpu.VMEM_SHARED((_NPAD, _DW), jnp.float32),
    ]

    def body(dst_hbm, zdeg_hbm, ones_hbm, deg_out, dst_v, ones_v, dacc_sh):
        c = lax.axis_index("c")
        s = lax.axis_index("s")
        t = c * _NS + s
        r0 = s * _RPT
        pltpu.sync_copy(dst_hbm.at[t], dst_v)
        pltpu.sync_copy(ones_hbm, ones_v)

        @pl.when(s < _NS - 1)
        def _():
            pltpu.sync_copy(zdeg_hbm.at[pl.ds(r0, _RPT)],
                            dacc_sh.at[pl.ds(r0, _RPT)])

        @pl.when(s == _NS - 1)
        def _():
            pltpu.sync_copy(zdeg_hbm.at[pl.ds(r0, _LRPT)],
                            dacc_sh.at[pl.ds(r0, _LRPT)])
        plsc.subcore_barrier()

        def _loop(k, carry):
            pltpu.sync_copy(ones_v, dacc_sh.at[dst_v.at[k]], add=True)
            return carry
        lax.fori_loop(0, k_chunks, _loop, 0)

        plsc.subcore_barrier()

        @pl.when(s < _NS - 1)
        def _():
            pltpu.sync_copy(dacc_sh.at[pl.ds(r0, _RPT)],
                            deg_out.at[c, pl.ds(r0, _RPT)])

        @pl.when(s == _NS - 1)
        def _():
            pltpu.sync_copy(dacc_sh.at[pl.ds(r0, _LRPT)],
                            deg_out.at[c, pl.ds(r0, _LRPT)])

    return pl.kernel(body, out_type=out_type, mesh=mesh,
                     scratch_types=scratch)


_BLK = 1000


def _tc1_body(msgp, x, degp, w1, b1, h1_out):
    deg = (degp[0] + degp[1])[:, :1] + 1.0
    agg = (msgp[0] + msgp[1] + x[...]) / deg
    h = jnp.dot(agg, w1[...], preferred_element_type=jnp.float32) + b1[...]
    h1_out[...] = jnp.maximum(h, 0.0)


def _tc2_body(msgp, h1, degp, w2, b2, wp1, bp1, wp2, bp2, wc1, bc1, wc2, bc2,
              z_out, c_out):
    deg = (degp[0] + degp[1])[:, :1] + 1.0
    agg = (msgp[0] + msgp[1] + h1[...]) / deg
    h2 = jnp.dot(agg, w2[...], preferred_element_type=jnp.float32) + b2[...]
    u = jnp.maximum(jnp.dot(h2, wp1[...], preferred_element_type=jnp.float32)
                    + bp1[...], 0.0)
    zp = jnp.dot(u, wp2[...], preferred_element_type=jnp.float32) + bp2[...]
    nrm = jnp.sqrt(jnp.sum(zp * zp, axis=1, keepdims=True))
    z_out[...] = zp / jnp.maximum(nrm, 1e-12)
    v = jnp.maximum(jnp.dot(h2, wc1[...], preferred_element_type=jnp.float32)
                    + bc1[...], 0.0)
    lg = jnp.dot(v, wc2[...], preferred_element_type=jnp.float32) + bc2[...]
    m = jnp.max(lg, axis=1, keepdims=True)
    e = jnp.exp(lg - m)
    c_out[...] = e / jnp.sum(e, axis=1, keepdims=True)


def _full(arr):
    return pl.BlockSpec(arr.shape, lambda i: (0,) * arr.ndim)


def _tc1(msgp, x, degp, w1, b1):
    grid = (_N // _BLK,)
    return pl.pallas_call(
        _tc1_body,
        grid=grid,
        in_specs=[
            pl.BlockSpec((_NC, _BLK, _D), lambda i: (0, i, 0)),
            pl.BlockSpec((_BLK, _D), lambda i: (i, 0)),
            pl.BlockSpec((_NC, _BLK, _DW), lambda i: (0, i, 0)),
            _full(w1), _full(b1),
        ],
        out_specs=pl.BlockSpec((_BLK, _D), lambda i: (i, 0)),
        out_shape=jax.ShapeDtypeStruct((_N, _D), jnp.float32),
    )(msgp, x, degp, w1, b1)


def _tc2(msgp, h1, degp, w2, b2, wp1, bp1, wp2, bp2, wc1, bc1, wc2, bc2):
    grid = (_N // _BLK,)
    dp = wp2.shape[1]
    ncl = wc2.shape[1]
    return pl.pallas_call(
        _tc2_body,
        grid=grid,
        in_specs=[
            pl.BlockSpec((_NC, _BLK, _D), lambda i: (0, i, 0)),
            pl.BlockSpec((_BLK, _D), lambda i: (i, 0)),
            pl.BlockSpec((_NC, _BLK, _DW), lambda i: (0, i, 0)),
            _full(w2), _full(b2), _full(wp1), _full(bp1), _full(wp2),
            _full(bp2), _full(wc1), _full(bc1), _full(wc2), _full(bc2),
        ],
        out_specs=[
            pl.BlockSpec((_BLK, dp), lambda i: (i, 0)),
            pl.BlockSpec((_BLK, ncl), lambda i: (i, 0)),
        ],
        out_shape=[
            jax.ShapeDtypeStruct((_N, dp), jnp.float32),
            jax.ShapeDtypeStruct((_N, ncl), jnp.float32),
        ],
    )(msgp, h1, degp, w2, b2, wp1, bp1, wp2, bp2, wc1, bc1, wc2, bc2)


def _prep_edges(ei):
    e = ei.shape[1]
    k = -(-e // (_NW * _CH))
    k += k % 2
    epad = _NW * k * _CH
    src = ei[0].astype(jnp.int32)
    dst = ei[1].astype(jnp.int32)
    pad_src = jnp.arange(epad - e, dtype=jnp.int32) % _N
    src = jnp.concatenate([src, pad_src])
    dst = jnp.concatenate([dst, jnp.full((epad - e,), _N, jnp.int32)])
    return src.reshape(_NW, k, _CH), dst.reshape(_NW, k, _CH), k


def kernel(x_i, edge_index_i, x_j, edge_index_j, W1, b1, W2, b2,
           Wp1, bp1, Wp2, bp2, Wc1, bc1, Wc2, bc2):
    src_i, dst_i, k = _prep_edges(edge_index_i)
    src_j, dst_j, _ = _prep_edges(edge_index_j)
    zm = jnp.zeros((_NPAD, _D), jnp.float32)
    ones_pay = jnp.ones((_CH, _DW), jnp.float32)
    seg = _make_segsum(k)
    segdeg = _make_segdeg(k)
    b1r, b2r = b1.reshape(1, _D), b2.reshape(1, _D)
    bp1r, bp2r = bp1.reshape(1, -1), bp2.reshape(1, -1)
    bc1r, bc2r = bc1.reshape(1, -1), bc2.reshape(1, -1)

    (msgp_i,) = seg(x_i, src_i, dst_i, zm)
    (msgp_j,) = seg(x_j, src_j, dst_j, zm)
    (degp_i,) = segdeg(dst_i, zm, ones_pay)
    (degp_j,) = segdeg(dst_j, zm, ones_pay)
    h1_i = _tc1(msgp_i, x_i, degp_i, W1, b1r)
    h1_j = _tc1(msgp_j, x_j, degp_j, W1, b1r)
    (msg2_i,) = seg(h1_i, src_i, dst_i, zm)
    (msg2_j,) = seg(h1_j, src_j, dst_j, zm)
    z_i, c_i = _tc2(msg2_i, h1_i, degp_i, W2, b2r, Wp1, bp1r, Wp2, bp2r,
                    Wc1, bc1r, Wc2, bc2r)
    z_j, c_j = _tc2(msg2_j, h1_j, degp_j, W2, b2r, Wp1, bp1r, Wp2, bp2r,
                    Wc1, bc1r, Wc2, bc2r)
    return (z_i, z_j, c_i, c_j)

# --- scband reference (transcript-rebuilt; emitter-appended) ---
"""Pipeline reference for scband-contrastive-clustering-26929444945972 (READ-ONLY COPY).

The authoritative reference and input builder live on the scoring server;
editing this copy changes nothing except your own understanding.
"""

import jax, jax.numpy as jnp
import numpy as np

N = 10000
E = 320000
D = 128
NC = 16
DP = D // 4


def setup_inputs(seed: int = 0) -> dict:
    key = jax.random.key(seed)
    ks = jax.random.split(key, 20)
    s = 1.0 / np.sqrt(D)
    inp = {}
    inp['x_i'] = jax.random.normal(ks[0], (N, D), dtype=jnp.float32)
    inp['edge_index_i'] = jax.random.randint(ks[1], (2, E), 0, N, dtype=jnp.int64)
    inp['x_j'] = jax.random.normal(ks[2], (N, D), dtype=jnp.float32)
    inp['edge_index_j'] = jax.random.randint(ks[3], (2, E), 0, N, dtype=jnp.int64)
    # MultiLayerGNN (SAGEConv, gcn aggregator): fc_neigh only
    inp['W1'] = jax.random.normal(ks[4], (D, D), dtype=jnp.float32) * s
    inp['b1'] = jnp.zeros((D,), dtype=jnp.float32)
    inp['W2'] = jax.random.normal(ks[5], (D, D), dtype=jnp.float32) * s
    inp['b2'] = jnp.zeros((D,), dtype=jnp.float32)
    # instance projector: Linear(D,D) -> ReLU -> Linear(D, D//4)
    inp['Wp1'] = jax.random.normal(ks[6], (D, D), dtype=jnp.float32) * s
    inp['bp1'] = jnp.zeros((D,), dtype=jnp.float32)
    inp['Wp2'] = jax.random.normal(ks[7], (D, DP), dtype=jnp.float32) * s
    inp['bp2'] = jnp.zeros((DP,), dtype=jnp.float32)
    # cluster projector: Linear(D,D) -> ReLU -> Linear(D, n_clusters) -> Softmax
    inp['Wc1'] = jax.random.normal(ks[8], (D, D), dtype=jnp.float32) * s
    inp['bc1'] = jnp.zeros((D,), dtype=jnp.float32)
    inp['Wc2'] = jax.random.normal(ks[9], (D, NC), dtype=jnp.float32) * s
    inp['bc2'] = jnp.zeros((NC,), dtype=jnp.float32)
    return inp


def _sage_gcn(x, src, dst, W, b):
    # DGL SAGEConv 'gcn' aggregator: h = fc_neigh((sum_{u in N(v)} x_u + x_v) / (deg(v) + 1))
    msg = jax.ops.segment_sum(jnp.take(x, src, axis=0), dst, num_segments=N)
    deg = jax.ops.segment_sum(jnp.ones((src.shape[0],), dtype=jnp.float32), dst, num_segments=N)
    agg = (msg + x) / (deg[:, None] + 1.0)
    return agg @ W + b


def reference(x_i, edge_index_i, x_j, edge_index_j, W1, b1, W2, b2, Wp1, bp1, Wp2, bp2, Wc1, bc1, Wc2, bc2):
    def encode(x, ei):
        src, dst = ei[0], ei[1]
        h = jax.nn.relu(_sage_gcn(x, src, dst, W1, b1))
        h = _sage_gcn(h, src, dst, W2, b2)
        return h

    def instance_proj(h):
        z = jax.nn.relu(h @ Wp1 + bp1) @ Wp2 + bp2
        n = jnp.sqrt(jnp.sum(z * z, axis=1, keepdims=True))
        return z / jnp.maximum(n, 1e-12)

    def cluster_proj(h):
        logits = jax.nn.relu(h @ Wc1 + bc1) @ Wc2 + bc2
        return jax.nn.softmax(logits, axis=1)

    h_i = encode(x_i, edge_index_i)
    h_j = encode(x_j, edge_index_j)
    z_i = instance_proj(h_i)
    z_j = instance_proj(h_j)
    c_i = cluster_proj(h_i)
    c_j = cluster_proj(h_j)
    return (z_i, z_j, c_i, c_j)

if __name__ == "__main__":
    import jax
    _d = setup_inputs()
    print(jax.jit(kernel)(*tuple(_d.values())))

</pallas_src>

<mosaic_0001>
#map = affine_map<(d0, d1) -> (0, 0, 0)>
#map1 = affine_map<(d0, d1) -> (0, 0)>
module attributes {stable_mosaic.version = 14 : i64} {
  func.func @body(%arg0: i32, %arg1: i32, %arg2: memref<32x80x128xi32, #tpu.memory_space<hbm>>, %arg3: memref<10048x128xf32, #tpu.memory_space<hbm>>, %arg4: memref<128x128xf32, #tpu.memory_space<hbm>>, %arg5: memref<2x10048x128xf32, #tpu.memory_space<hbm>>, %arg6: memref<80x128xi32, #tpu.memory_space<vmem>>, %arg7: memref<128x128xf32, #tpu.memory_space<vmem>>, %arg8: memref<10048x128xf32, #tpu.memory_space<vmem_shared>>) attributes {dimension_semantics = [#tpu.dimension_semantics<core_parallel>, #tpu.dimension_semantics<subcore_parallel>], iteration_bounds = array<i64: 2, 16>, scalar_prefetch = 0 : i64, scratch_operands = 3 : i64, tpu.core_type = #tpu.core_type<sc_vector_subcore>, window_params = [{transform_indices = #map}, {transform_indices = #map1}, {transform_indices = #map1}, {transform_indices = #map}]} {
    %mul3A = arith.constant 16 : i32
    %mul3A_0 = arith.muli %arg0, %mul3A : i32
    %add3A = arith.addi %mul3A_0, %arg1 : i32
    %mul3A_1 = arith.constant 632 : i32
    %mul3A_2 = arith.muli %arg1, %mul3A_1 : i32
    "tpu.region"() ({
      %run_scoped3A = tpu.sem_alloc : memref<!tpu.dma_semaphore, #tpu.memory_space<semaphore_mem>>
      %dma_start3A = arith.constant 0 : i32
      %dma_start3A_25 = arith.constant 0 : i32
      %dma_start3A_26 = tpu.memref_slice %arg2[%add3A, %dma_start3A, %dma_start3A_25] : memref<32x80x128xi32, #tpu.memory_space<hbm>> -> memref<1x80x128xi32, #tpu.memory_space<hbm>>
      %dma_start3A_27 = tpu.memref_squeeze %dma_start3A_26 : memref<1x80x128xi32, #tpu.memory_space<hbm>> -> memref<80x128xi32, #tpu.memory_space<hbm>>
      %dma_start3A_28 = arith.constant 0 : i32
      %dma_start3A_29 = arith.constant 0 : i32
      %dma_start3A_30 = tpu.memref_slice %arg2[%add3A, %dma_start3A_28, %dma_start3A_29] : memref<32x80x128xi32, #tpu.memory_space<hbm>> -> memref<1x80x128xi32, #tpu.memory_space<hbm>>
      %dma_start3A_31 = tpu.memref_squeeze %dma_start3A_30 : memref<1x80x128xi32, #tpu.memory_space<hbm>> -> memref<80x128xi32, #tpu.memory_space<hbm>>
      tpu.enqueue_dma source(%dma_start3A_31 : memref<80x128xi32, #tpu.memory_space<hbm>>) target(%arg6 : memref<80x128xi32, #tpu.memory_space<vmem>>) target_semaphore(%run_scoped3A : memref<!tpu.dma_semaphore, #tpu.memory_space<semaphore_mem>>)
      %dma_wait3A = arith.constant 0 : i32
      %dma_wait3A_32 = arith.constant 0 : i32
      %dma_wait3A_33 = tpu.memref_slice %arg2[%add3A, %dma_wait3A, %dma_wait3A_32] : memref<32x80x128xi32, #tpu.memory_space<hbm>> -> memref<1x80x128xi32, #tpu.memory_space<hbm>>
      %dma_wait3A_34 = tpu.memref_squeeze %dma_wait3A_33 : memref<1x80x128xi32, #tpu.memory_space<hbm>> -> memref<80x128xi32, #tpu.memory_space<hbm>>
      %dma_wait3A_35 = arith.constant 0 : i32
      %dma_wait3A_36 = arith.constant 0 : i32
      %dma_wait3A_37 = tpu.memref_slice %arg2[%add3A, %dma_wait3A_35, %dma_wait3A_36] : memref<32x80x128xi32, #tpu.memory_space<hbm>> -> memref<1x80x128xi32, #tpu.memory_space<hbm>>
      %dma_wait3A_38 = tpu.memref_squeeze %dma_wait3A_37 : memref<1x80x128xi32, #tpu.memory_space<hbm>> -> memref<80x128xi32, #tpu.memory_space<hbm>>
      tpu.wait_dma2 semaphore(%run_scoped3A : memref<!tpu.dma_semaphore, #tpu.memory_space<semaphore_mem>>) src(%dma_wait3A_38 : memref<80x128xi32, #tpu.memory_space<hbm>>) dst(%arg6 : memref<80x128xi32, #tpu.memory_space<vmem>>)
      tpu.yield
    }) : () -> ()
    "tpu.region"() ({
      %run_scoped3A = tpu.sem_alloc : memref<!tpu.dma_semaphore, #tpu.memory_space<semaphore_mem>>
      tpu.enqueue_dma source(%arg4 : memref<128x128xf32, #tpu.memory_space<hbm>>) target(%arg7 : memref<128x128xf32, #tpu.memory_space<vmem>>) target_semaphore(%run_scoped3A : memref<!tpu.dma_semaphore, #tpu.memory_space<semaphore_mem>>)
      tpu.wait_dma2 semaphore(%run_scoped3A : memref<!tpu.dma_semaphore, #tpu.memory_space<semaphore_mem>>) src(%arg4 : memref<128x128xf32, #tpu.memory_space<hbm>>) dst(%arg7 : memref<128x128xf32, #tpu.memory_space<vmem>>)
      tpu.yield
    }) : () -> ()
    %lt3A = arith.constant 15 : i32
    %lt3A_3 = arith.cmpi slt, %arg1, %lt3A : i32
    %convert_element_type3A = arith.extui %lt3A_3 : i1 to i32
    %cond3A = arith.constant 0 : i32
    %cond3A_4 = arith.cmpi ne, %convert_element_type3A, %cond3A : i32
    scf.if %cond3A_4 {
      "tpu.region"() ({
        %run_scoped3A = tpu.sem_alloc : memref<!tpu.dma_semaphore, #tpu.memory_space<semaphore_mem>>
        %dma_start3A = arith.constant 0 : i32
        %dma_start3A_25 = tpu.memref_slice %arg8[%mul3A_2, %dma_start3A] : memref<10048x128xf32, #tpu.memory_space<vmem_shared>> -> memref<632x128xf32, #tpu.memory_space<vmem_shared>>
        %dma_start3A_26 = arith.constant 0 : i32
        %dma_start3A_27 = tpu.memref_slice %arg3[%mul3A_2, %dma_start3A_26] : memref<10048x128xf32, #tpu.memory_space<hbm>> -> memref<632x128xf32, #tpu.memory_space<hbm>>
        tpu.enqueue_dma source(%dma_start3A_27 : memref<632x128xf32, #tpu.memory_space<hbm>>) target(%dma_start3A_25 : memref<632x128xf32, #tpu.memory_space<vmem_shared>>) target_semaphore(%run_scoped3A : memref<!tpu.dma_semaphore, #tpu.memory_space<semaphore_mem>>)
        %dma_wait3A = arith.constant 0 : i32
        %dma_wait3A_28 = tpu.memref_slice %arg8[%mul3A_2, %dma_wait3A] : memref<10048x128xf32, #tpu.memory_space<vmem_shared>> -> memref<632x128xf32, #tpu.memory_space<vmem_shared>>
        %dma_wait3A_29 = arith.constant 0 : i32
        %dma_wait3A_30 = tpu.memref_slice %arg3[%mul3A_2, %dma_wait3A_29] : memref<10048x128xf32, #tpu.memory_space<hbm>> -> memref<632x128xf32, #tpu.memory_space<hbm>>
        tpu.wait_dma2 semaphore(%run_scoped3A : memref<!tpu.dma_semaphore, #tpu.memory_space<semaphore_mem>>) src(%dma_wait3A_30 : memref<632x128xf32, #tpu.memory_space<hbm>>) dst(%dma_wait3A_28 : memref<632x128xf32, #tpu.memory_space<vmem_shared>>)
        tpu.yield
      }) : () -> ()
    } else {
    }
    %eq3A = arith.constant 15 : i32
    %eq3A_5 = arith.cmpi eq, %arg1, %eq3A : i32
    %convert_element_type3A_6 = arith.extui %eq3A_5 : i1 to i32
    %cond3A_7 = arith.constant 0 : i32
    %cond3A_8 = arith.cmpi ne, %convert_element_type3A_6, %cond3A_7 : i32
    scf.if %cond3A_8 {
      "tpu.region"() ({
        %run_scoped3A = tpu.sem_alloc : memref<!tpu.dma_semaphore, #tpu.memory_space<semaphore_mem>>
        %dma_start3A = arith.constant 0 : i32
        %dma_start3A_25 = tpu.memref_slice %arg8[%mul3A_2, %dma_start3A] : memref<10048x128xf32, #tpu.memory_space<vmem_shared>> -> memref<568x128xf32, #tpu.memory_space<vmem_shared>>
        %dma_start3A_26 = arith.constant 0 : i32
        %dma_start3A_27 = tpu.memref_slice %arg3[%mul3A_2, %dma_start3A_26] : memref<10048x128xf32, #tpu.memory_space<hbm>> -> memref<568x128xf32, #tpu.memory_space<hbm>>
        tpu.enqueue_dma source(%dma_start3A_27 : memref<568x128xf32, #tpu.memory_space<hbm>>) target(%dma_start3A_25 : memref<568x128xf32, #tpu.memory_space<vmem_shared>>) target_semaphore(%run_scoped3A : memref<!tpu.dma_semaphore, #tpu.memory_space<semaphore_mem>>)
        %dma_wait3A = arith.constant 0 : i32
        %dma_wait3A_28 = tpu.memref_slice %arg8[%mul3A_2, %dma_wait3A] : memref<10048x128xf32, #tpu.memory_space<vmem_shared>> -> memref<568x128xf32, #tpu.memory_space<vmem_shared>>
        %dma_wait3A_29 = arith.constant 0 : i32
        %dma_wait3A_30 = tpu.memref_slice %arg3[%mul3A_2, %dma_wait3A_29] : memref<10048x128xf32, #tpu.memory_space<hbm>> -> memref<568x128xf32, #tpu.memory_space<hbm>>
        tpu.wait_dma2 semaphore(%run_scoped3A : memref<!tpu.dma_semaphore, #tpu.memory_space<semaphore_mem>>) src(%dma_wait3A_30 : memref<568x128xf32, #tpu.memory_space<hbm>>) dst(%dma_wait3A_28 : memref<568x128xf32, #tpu.memory_space<vmem_shared>>)
        tpu.yield
      }) : () -> ()
    } else {
    }
    %barrier3A = arith.constant 0 : index
    tpu.barrier barrier_id(%barrier3A)
    %scan3A = arith.constant 0 : i32
    %scan3A_9 = arith.constant 0 : i32
    %scan3A_10 = arith.constant 80 : i32
    %scan3A_11 = arith.addi %scan3A_9, %scan3A_10 : i32
    %scan3A_12 = arith.constant 1 : i32
    scf.for %scan3A_25 = %scan3A_9 to %scan3A_11 step %scan3A_12  : i32 {
      "tpu.region"() ({
        %run_scoped3A = tpu.sem_alloc : memref<!tpu.dma_semaphore, #tpu.memory_space<semaphore_mem>>
        %dma_start3A = arith.constant 0 : i32
        %dma_start3A_26 = tpu.memref_slice %arg6[%scan3A_25, %dma_start3A] : memref<80x128xi32, #tpu.memory_space<vmem>> -> memref<1x128xi32, #tpu.memory_space<vmem>>
        %dma_start3A_27 = tpu.memref_squeeze %dma_start3A_26 : memref<1x128xi32, #tpu.memory_space<vmem>> -> memref<128xi32, #tpu.memory_space<vmem>>
        %dma_start3A_28 = arith.constant 0 : i32
        %dma_start3A_29 = arith.constant 0 : i32
        %dma_start3A_30 = tpu.memref_slice %arg8[%dma_start3A_28, %dma_start3A_29] : memref<10048x128xf32, #tpu.memory_space<vmem_shared>> -> memref<10048x128xf32, #tpu.memory_space<vmem_shared>>
        tpu.enqueue_indirect_dma source(%arg7 : memref<128x128xf32, #tpu.memory_space<vmem>>) target(%dma_start3A_30 : memref<10048x128xf32, #tpu.memory_space<vmem_shared>>) offsets(%dma_start3A_27 : memref<128xi32, #tpu.memory_space<vmem>>) semaphore(%run_scoped3A : memref<!tpu.dma_semaphore, #tpu.memory_space<semaphore_mem>>) {add = true}
        %dma_wait3A = arith.constant 0 : i32
        %dma_wait3A_31 = tpu.memref_slice %arg6[%scan3A_25, %dma_wait3A] : memref<80x128xi32, #tpu.memory_space<vmem>> -> memref<1x128xi32, #tpu.memory_space<vmem>>
        %dma_wait3A_32 = tpu.memref_squeeze %dma_wait3A_31 : memref<1x128xi32, #tpu.memory_space<vmem>> -> memref<128xi32, #tpu.memory_space<vmem>>
        %dma_wait3A_33 = arith.constant 0 : i32
        %dma_wait3A_34 = arith.constant 0 : i32
        %dma_wait3A_35 = tpu.memref_slice %arg8[%dma_wait3A_33, %dma_wait3A_34] : memref<10048x128xf32, #tpu.memory_space<vmem_shared>> -> memref<10048x128xf32, #tpu.memory_space<vmem_shared>>
        tpu.wait_indirect_dma semaphore(%run_scoped3A : memref<!tpu.dma_semaphore, #tpu.memory_space<semaphore_mem>>) src(%arg7 : memref<128x128xf32, #tpu.memory_space<vmem>>) dst(%dma_wait3A_35 : memref<10048x128xf32, #tpu.memory_space<vmem_shared>>)
        tpu.yield
      }) : () -> ()
    }
    %scan3A_13 = arith.constant 80 : i32
    %barrier3A_14 = arith.constant 0 : index
    tpu.barrier barrier_id(%barrier3A_14)
    %lt3A_15 = arith.constant 15 : i32
    %lt3A_16 = arith.cmpi slt, %arg1, %lt3A_15 : i32
    %convert_element_type3A_17 = arith.extui %lt3A_16 : i1 to i32
    %cond3A_18 = arith.constant 0 : i32
    %cond3A_19 = arith.cmpi ne, %convert_element_type3A_17, %cond3A_18 : i32
    scf.if %cond3A_19 {
      "tpu.region"() ({
        %run_scoped3A = tpu.sem_alloc : memref<!tpu.dma_semaphore, #tpu.memory_space<semaphore_mem>>
        %dma_start3A = arith.constant 0 : i32
        %dma_start3A_25 = tpu.memref_slice %arg5[%arg0, %mul3A_2, %dma_start3A] : memref<2x10048x128xf32, #tpu.memory_space<hbm>> -> memref<1x632x128xf32, #tpu.memory_space<hbm>>
        %dma_start3A_26 = tpu.memref_squeeze %dma_start3A_25 : memref<1x632x128xf32, #tpu.memory_space<hbm>> -> memref<632x128xf32, #tpu.memory_space<hbm>>
        %dma_start3A_27 = arith.constant 0 : i32
        %dma_start3A_28 = tpu.memref_slice %arg8[%mul3A_2, %dma_start3A_27] : memref<10048x128xf32, #tpu.memory_space<vmem_shared>> -> memref<632x128xf32, #tpu.memory_space<vmem_shared>>
        tpu.enqueue_dma source(%dma_start3A_28 : memref<632x128xf32, #tpu.memory_space<vmem_shared>>) target(%dma_start3A_26 : memref<632x128xf32, #tpu.memory_space<hbm>>) target_semaphore(%run_scoped3A : memref<!tpu.dma_semaphore, #tpu.memory_space<semaphore_mem>>)
        %dma_wait3A = arith.constant 0 : i32
        %dma_wait3A_29 = tpu.memref_slice %arg5[%arg0, %mul3A_2, %dma_wait3A] : memref<2x10048x128xf32, #tpu.memory_space<hbm>> -> memref<1x632x128xf32, #tpu.memory_space<hbm>>
        %dma_wait3A_30 = tpu.memref_squeeze %dma_wait3A_29 : memref<1x632x128xf32, #tpu.memory_space<hbm>> -> memref<632x128xf32, #tpu.memory_space<hbm>>
        %dma_wait3A_31 = arith.constant 0 : i32
        %dma_wait3A_32 = tpu.memref_slice %arg8[%mul3A_2, %dma_wait3A_31] : memref<10048x128xf32, #tpu.memory_space<vmem_shared>> -> memref<632x128xf32, #tpu.memory_space<vmem_shared>>
        tpu.wait_dma2 semaphore(%run_scoped3A : memref<!tpu.dma_semaphore, #tpu.memory_space<semaphore_mem>>) src(%dma_wait3A_32 : memref<632x128xf32, #tpu.memory_space<vmem_shared>>) dst(%dma_wait3A_30 : memref<632x128xf32, #tpu.memory_space<hbm>>)
        tpu.yield
      }) : () -> ()
    } else {
    }
    %eq3A_20 = arith.constant 15 : i32
    %eq3A_21 = arith.cmpi eq, %arg1, %eq3A_20 : i32
    %convert_element_type3A_22 = arith.extui %eq3A_21 : i1 to i32
    %cond3A_23 = arith.constant 0 : i32
    %cond3A_24 = arith.cmpi ne, %convert_element_type3A_22, %cond3A_23 : i32
    scf.if %cond3A_24 {
      "tpu.region"() ({
        %run_scoped3A = tpu.sem_alloc : memref<!tpu.dma_semaphore, #tpu.memory_space<semaphore_mem>>
        %dma_start3A = arith.constant 0 : i32
        %dma_start3A_25 = tpu.memref_slice %arg5[%arg0, %mul3A_2, %dma_start3A] : memref<2x10048x128xf32, #tpu.memory_space<hbm>> -> memref<1x568x128xf32, #tpu.memory_space<hbm>>
        %dma_start3A_26 = tpu.memref_squeeze %dma_start3A_25 : memref<1x568x128xf32, #tpu.memory_space<hbm>> -> memref<568x128xf32, #tpu.memory_space<hbm>>
        %dma_start3A_27 = arith.constant 0 : i32
        %dma_start3A_28 = tpu.memref_slice %arg8[%mul3A_2, %dma_start3A_27] : memref<10048x128xf32, #tpu.memory_space<vmem_shared>> -> memref<568x128xf32, #tpu.memory_space<vmem_shared>>
        tpu.enqueue_dma source(%dma_start3A_28 : memref<568x128xf32, #tpu.memory_space<vmem_shared>>) target(%dma_start3A_26 : memref<568x128xf32, #tpu.memory_space<hbm>>) target_semaphore(%run_scoped3A : memref<!tpu.dma_semaphore, #tpu.memory_space<semaphore_mem>>)
        %dma_wait3A = arith.constant 0 : i32
        %dma_wait3A_29 = tpu.memref_slice %arg5[%arg0, %mul3A_2, %dma_wait3A] : memref<2x10048x128xf32, #tpu.memory_space<hbm>> -> memref<1x568x128xf32, #tpu.memory_space<hbm>>
        %dma_wait3A_30 = tpu.memref_squeeze %dma_wait3A_29 : memref<1x568x128xf32, #tpu.memory_space<hbm>> -> memref<568x128xf32, #tpu.memory_space<hbm>>
        %dma_wait3A_31 = arith.constant 0 : i32
        %dma_wait3A_32 = tpu.memref_slice %arg8[%mul3A_2, %dma_wait3A_31] : memref<10048x128xf32, #tpu.memory_space<vmem_shared>> -> memref<568x128xf32, #tpu.memory_space<vmem_shared>>
        tpu.wait_dma2 semaphore(%run_scoped3A : memref<!tpu.dma_semaphore, #tpu.memory_space<semaphore_mem>>) src(%dma_wait3A_32 : memref<568x128xf32, #tpu.memory_space<vmem_shared>>) dst(%dma_wait3A_30 : memref<568x128xf32, #tpu.memory_space<hbm>>)
        tpu.yield
      }) : () -> ()
    } else {
    }
    return
  }
}

#map = affine_map<(d0, d1) -> (0, 0)>
#map1 = affine_map<(d0, d1) -> (0, 0, 0)>
module attributes {stable_mosaic.version = 14 : i64} {
  func.func @body(%arg0: i32, %arg1: i32, %arg2: memref<10000x128xf32, #tpu.memory_space<hbm>>, %arg3: memref<32x80x128xi32, #tpu.memory_space<hbm>>, %arg4: memref<32x80x128xi32, #tpu.memory_space<hbm>>, %arg5: memref<10048x128xf32, #tpu.memory_space<hbm>>, %arg6: memref<2x10048x128xf32, #tpu.memory_space<hbm>>, %arg7: memref<80x128xi32, #tpu.memory_space<vmem>>, %arg8: memref<2x128xi32, #tpu.memory_space<vmem>>, %arg9: memref<2x128x128xf32, #tpu.memory_space<vmem>>, %arg10: memref<10048x128xf32, #tpu.memory_space<vmem_shared>>, %arg11: memref<!tpu.dma_semaphore, #tpu.memory_space<semaphore_mem>>, %arg12: memref<!tpu.dma_semaphore, #tpu.memory_space<semaphore_mem>>) attributes {dimension_semantics = [#tpu.dimension_semantics<core_parallel>, #tpu.dimension_semantics<subcore_parallel>], iteration_bounds = array<i64: 2, 16>, scalar_prefetch = 0 : i64, scratch_operands = 6 : i64, tpu.core_type = #tpu.core_type<sc_vector_subcore>, window_params = [{transform_indices = #map}, {transform_indices = #map1}, {transform_indices = #map1}, {transform_indices = #map}, {transform_indices = #map1}]} {
    %mul3A = arith.constant 16 : i32
    %mul3A_0 = arith.muli %arg0, %mul3A : i32
    %add3A = arith.addi %mul3A_0, %arg1 : i32
    %mul3A_1 = arith.constant 632 : i32
    %mul3A_2 = arith.muli %arg1, %mul3A_1 : i32
    "tpu.region"() ({
      %run_scoped3A = tpu.sem_alloc : memref<!tpu.dma_semaphore, #tpu.memory_space<semaphore_mem>>
      %dma_start3A_50 = arith.constant 0 : i32
      %dma_start3A_51 = arith.constant 0 : i32
      %dma_start3A_52 = tpu.memref_slice %arg3[%add3A, %dma_start3A_50, %dma_start3A_51] : memref<32x80x128xi32, #tpu.memory_space<hbm>> -> memref<1x80x128xi32, #tpu.memory_space<hbm>>
      %dma_start3A_53 = tpu.memref_squeeze %dma_start3A_52 : memref<1x80x128xi32, #tpu.memory_space<hbm>> -> memref<80x128xi32, #tpu.memory_space<hbm>>
      %dma_start3A_54 = arith.constant 0 : i32
      %dma_start3A_55 = arith.constant 0 : i32
      %dma_start3A_56 = tpu.memref_slice %arg3[%add3A, %dma_start3A_54, %dma_start3A_55] : memref<32x80x128xi32, #tpu.memory_space<hbm>> -> memref<1x80x128xi32, #tpu.memory_space<hbm>>
      %dma_start3A_57 = tpu.memref_squeeze %dma_start3A_56 : memref<1x80x128xi32, #tpu.memory_space<hbm>> -> memref<80x128xi32, #tpu.memory_space<hbm>>
      tpu.enqueue_dma source(%dma_start3A_57 : memref<80x128xi32, #tpu.memory_space<hbm>>) target(%arg7 : memref<80x128xi32, #tpu.memory_space<vmem>>) target_semaphore(%run_scoped3A : memref<!tpu.dma_semaphore, #tpu.memory_space<semaphore_mem>>)
      %dma_wait3A = arith.constant 0 : i32
      %dma_wait3A_58 = arith.constant 0 : i32
      %dma_wait3A_59 = tpu.memref_slice %arg3[%add3A, %dma_wait3A, %dma_wait3A_58] : memref<32x80x128xi32, #tpu.memory_space<hbm>> -> memref<1x80x128xi32, #tpu.memory_space<hbm>>
      %dma_wait3A_60 = tpu.memref_squeeze %dma_wait3A_59 : memref<1x80x128xi32, #tpu.memory_space<hbm>> -> memref<80x128xi32, #tpu.memory_space<hbm>>
      %dma_wait3A_61 = arith.constant 0 : i32
      %dma_wait3A_62 = arith.constant 0 : i32
      %dma_wait3A_63 = tpu.memref_slice %arg3[%add3A, %dma_wait3A_61, %dma_wait3A_62] : memref<32x80x128xi32, #tpu.memory_space<hbm>> -> memref<1x80x128xi32, #tpu.memory_space<hbm>>
      %dma_wait3A_64 = tpu.memref_squeeze %dma_wait3A_63 : memref<1x80x128xi32, #tpu.memory_space<hbm>> -> memref<80x128xi32, #tpu.memory_space<hbm>>
      tpu.wait_dma2 semaphore(%run_scoped3A : memref<!tpu.dma_semaphore, #tpu.memory_space<semaphore_mem>>) src(%dma_wait3A_64 : memref<80x128xi32, #tpu.memory_space<hbm>>) dst(%arg7 : memref<80x128xi32, #tpu.memory_space<vmem>>)
      tpu.yield
    }) : () -> ()
    %lt3A = arith.constant 15 : i32
    %lt3A_3 = arith.cmpi slt, %arg1, %lt3A : i32
    %convert_element_type3A = arith.extui %lt3A_3 : i1 to i32
    %cond3A = arith.constant 0 : i32
    %cond3A_4 = arith.cmpi ne, %convert_element_type3A, %cond3A : i32
    scf.if %cond3A_4 {
      "tpu.region"() ({
        %run_scoped3A = tpu.sem_alloc : memref<!tpu.dma_semaphore, #tpu.memory_space<semaphore_mem>>
        %dma_start3A_50 = arith.constant 0 : i32
        %dma_start3A_51 = tpu.memref_slice %arg10[%mul3A_2, %dma_start3A_50] : memref<10048x128xf32, #tpu.memory_space<vmem_shared>> -> memref<632x128xf32, #tpu.memory_space<vmem_shared>>
        %dma_start3A_52 = arith.constant 0 : i32
        %dma_start3A_53 = tpu.memref_slice %arg5[%mul3A_2, %dma_start3A_52] : memref<10048x128xf32, #tpu.memory_space<hbm>> -> memref<632x128xf32, #tpu.memory_space<hbm>>
        tpu.enqueue_dma source(%dma_start3A_53 : memref<632x128xf32, #tpu.memory_space<hbm>>) target(%dma_start3A_51 : memref<632x128xf32, #tpu.memory_space<vmem_shared>>) target_semaphore(%run_scoped3A : memref<!tpu.dma_semaphore, #tpu.memory_space<semaphore_mem>>)
        %dma_wait3A = arith.constant 0 : i32
        %dma_wait3A_54 = tpu.memref_slice %arg10[%mul3A_2, %dma_wait3A] : memref<10048x128xf32, #tpu.memory_space<vmem_shared>> -> memref<632x128xf32, #tpu.memory_space<vmem_shared>>
        %dma_wait3A_55 = arith.constant 0 : i32
        %dma_wait3A_56 = tpu.memref_slice %arg5[%mul3A_2, %dma_wait3A_55] : memref<10048x128xf32, #tpu.memory_space<hbm>> -> memref<632x128xf32, #tpu.memory_space<hbm>>
        tpu.wait_dma2 semaphore(%run_scoped3A : memref<!tpu.dma_semaphore, #tpu.memory_space<semaphore_mem>>) src(%dma_wait3A_56 : memref<632x128xf32, #tpu.memory_space<hbm>>) dst(%dma_wait3A_54 : memref<632x128xf32, #tpu.memory_space<vmem_shared>>)
        tpu.yield
      }) : () -> ()
    } else {
    }
    %eq3A = arith.constant 15 : i32
    %eq3A_5 = arith.cmpi eq, %arg1, %eq3A : i32
    %convert_element_type3A_6 = arith.extui %eq3A_5 : i1 to i32
    %cond3A_7 = arith.constant 0 : i32
    %cond3A_8 = arith.cmpi ne, %convert_element_type3A_6, %cond3A_7 : i32
    scf.if %cond3A_8 {
      "tpu.region"() ({
        %run_scoped3A = tpu.sem_alloc : memref<!tpu.dma_semaphore, #tpu.memory_space<semaphore_mem>>
        %dma_start3A_50 = arith.constant 0 : i32
        %dma_start3A_51 = tpu.memref_slice %arg10[%mul3A_2, %dma_start3A_50] : memref<10048x128xf32, #tpu.memory_space<vmem_shared>> -> memref<568x128xf32, #tpu.memory_space<vmem_shared>>
        %dma_start3A_52 = arith.constant 0 : i32
        %dma_start3A_53 = tpu.memref_slice %arg5[%mul3A_2, %dma_start3A_52] : memref<10048x128xf32, #tpu.memory_space<hbm>> -> memref<568x128xf32, #tpu.memory_space<hbm>>
        tpu.enqueue_dma source(%dma_start3A_53 : memref<568x128xf32, #tpu.memory_space<hbm>>) target(%dma_start3A_51 : memref<568x128xf32, #tpu.memory_space<vmem_shared>>) target_semaphore(%run_scoped3A : memref<!tpu.dma_semaphore, #tpu.memory_space<semaphore_mem>>)
        %dma_wait3A = arith.constant 0 : i32
        %dma_wait3A_54 = tpu.memref_slice %arg10[%mul3A_2, %dma_wait3A] : memref<10048x128xf32, #tpu.memory_space<vmem_shared>> -> memref<568x128xf32, #tpu.memory_space<vmem_shared>>
        %dma_wait3A_55 = arith.constant 0 : i32
        %dma_wait3A_56 = tpu.memref_slice %arg5[%mul3A_2, %dma_wait3A_55] : memref<10048x128xf32, #tpu.memory_space<hbm>> -> memref<568x128xf32, #tpu.memory_space<hbm>>
        tpu.wait_dma2 semaphore(%run_scoped3A : memref<!tpu.dma_semaphore, #tpu.memory_space<semaphore_mem>>) src(%dma_wait3A_56 : memref<568x128xf32, #tpu.memory_space<hbm>>) dst(%dma_wait3A_54 : memref<568x128xf32, #tpu.memory_space<vmem_shared>>)
        tpu.yield
      }) : () -> ()
    } else {
    }
    %barrier3A = arith.constant 0 : index
    tpu.barrier barrier_id(%barrier3A)
    %dma_start3A = arith.constant 0 : i32
    %dma_start3A_9 = arith.constant 0 : i32
    %dma_start3A_10 = arith.constant 0 : i32
    %dma_start3A_11 = arith.constant 0 : i32
    %dma_start3A_12 = tpu.memref_slice %arg9[%dma_start3A_9, %dma_start3A_10, %dma_start3A_11] : memref<2x128x128xf32, #tpu.memory_space<vmem>> -> memref<1x128x128xf32, #tpu.memory_space<vmem>>
    %dma_start3A_13 = tpu.memref_squeeze %dma_start3A_12 : memref<1x128x128xf32, #tpu.memory_space<vmem>> -> memref<128x128xf32, #tpu.memory_space<vmem>>
    %dma_start3A_14 = arith.constant 0 : i32
    %dma_start3A_15 = tpu.memref_slice %arg7[%dma_start3A, %dma_start3A_14] : memref<80x128xi32, #tpu.memory_space<vmem>> -> memref<1x128xi32, #tpu.memory_space<vmem>>
    %dma_start3A_16 = tpu.memref_squeeze %dma_start3A_15 : memref<1x128xi32, #tpu.memory_space<vmem>> -> memref<128xi32, #tpu.memory_space<vmem>>
    %dma_start3A_17 = arith.constant 0 : i32
    %dma_start3A_18 = arith.constant 0 : i32
    %dma_start3A_19 = tpu.memref_slice %arg2[%dma_start3A_17, %dma_start3A_18] : memref<10000x128xf32, #tpu.memory_space<hbm>> -> memref<10000x128xf32, #tpu.memory_space<hbm>>
    tpu.enqueue_indirect_dma source(%dma_start3A_19 : memref<10000x128xf32, #tpu.memory_space<hbm>>) target(%dma_start3A_13 : memref<128x128xf32, #tpu.memory_space<vmem>>) offsets(%dma_start3A_16 : memref<128xi32, #tpu.memory_space<vmem>>) semaphore(%arg11 : memref<!tpu.dma_semaphore, #tpu.memory_space<semaphore_mem>>)
    %dma_start3A_20 = arith.constant 0 : i32
    %dma_start3A_21 = arith.constant 0 : i32
    %dma_start3A_22 = arith.constant 0 : i32
    %dma_start3A_23 = tpu.memref_slice %arg8[%dma_start3A_21, %dma_start3A_22] : memref<2x128xi32, #tpu.memory_space<vmem>> -> memref<1x128xi32, #tpu.memory_space<vmem>>
    %dma_start3A_24 = tpu.memref_squeeze %dma_start3A_23 : memref<1x128xi32, #tpu.memory_space<vmem>> -> memref<128xi32, #tpu.memory_space<vmem>>
    %dma_start3A_25 = arith.constant 0 : i32
    %dma_start3A_26 = tpu.memref_slice %arg4[%add3A, %dma_start3A_20, %dma_start3A_25] : memref<32x80x128xi32, #tpu.memory_space<hbm>> -> memref<1x1x128xi32, #tpu.memory_space<hbm>>
    %dma_start3A_27 = tpu.memref_squeeze %dma_start3A_26 : memref<1x1x128xi32, #tpu.memory_space<hbm>> -> memref<128xi32, #tpu.memory_space<hbm>>
    %dma_start3A_28 = arith.constant 0 : i32
    %dma_start3A_29 = tpu.memref_slice %arg8[%dma_start3A_21, %dma_start3A_28] : memref<2x128xi32, #tpu.memory_space<vmem>> -> memref<1x128xi32, #tpu.memory_space<vmem>>
    %dma_start3A_30 = tpu.memref_squeeze %dma_start3A_29 : memref<1x128xi32, #tpu.memory_space<vmem>> -> memref<128xi32, #tpu.memory_space<vmem>>
    %dma_start3A_31 = arith.constant 0 : i32
    %dma_start3A_32 = tpu.memref_slice %arg4[%add3A, %dma_start3A_20, %dma_start3A_31] : memref<32x80x128xi32, #tpu.memory_space<hbm>> -> memref<1x1x128xi32, #tpu.memory_space<hbm>>
    %dma_start3A_33 = tpu.memref_squeeze %dma_start3A_32 : memref<1x1x128xi32, #tpu.memory_space<hbm>> -> memref<128xi32, #tpu.memory_space<hbm>>
    tpu.enqueue_dma source(%dma_start3A_33 : memref<128xi32, #tpu.memory_space<hbm>>) target(%dma_start3A_30 : memref<128xi32, #tpu.memory_space<vmem>>) target_semaphore(%arg11 : memref<!tpu.dma_semaphore, #tpu.memory_space<semaphore_mem>>)
    %scan3A = arith.constant 0 : i32
    %scan3A_34 = arith.constant 0 : i32
    %scan3A_35 = arith.constant 40 : i32
    %scan3A_36 = arith.addi %scan3A_34, %scan3A_35 : i32
    %scan3A_37 = arith.constant 1 : i32
    scf.for %scan3A_50 = %scan3A_34 to %scan3A_36 step %scan3A_37  : i32 {
      %mul3A_51 = arith.constant 2 : i32
      %mul3A_52 = arith.muli %scan3A_50, %mul3A_51 : i32
      %add3A_53 = arith.constant 1 : i32
      %add3A_54 = arith.addi %mul3A_52, %add3A_53 : i32
      %dma_start3A_55 = arith.constant 1 : i32
      %dma_start3A_56 = arith.constant 0 : i32
      %dma_start3A_57 = arith.constant 0 : i32
      %dma_start3A_58 = tpu.memref_slice %arg9[%dma_start3A_55, %dma_start3A_56, %dma_start3A_57] : memref<2x128x128xf32, #tpu.memory_space<vmem>> -> memref<1x128x128xf32, #tpu.memory_space<vmem>>
      %dma_start3A_59 = tpu.memref_squeeze %dma_start3A_58 : memref<1x128x128xf32, #tpu.memory_space<vmem>> -> memref<128x128xf32, #tpu.memory_space<vmem>>
      %dma_start3A_60 = arith.constant 0 : i32
      %dma_start3A_61 = tpu.memref_slice %arg7[%add3A_54, %dma_start3A_60] : memref<80x128xi32, #tpu.memory_space<vmem>> -> memref<1x128xi32, #tpu.memory_space<vmem>>
      %dma_start3A_62 = tpu.memref_squeeze %dma_start3A_61 : memref<1x128xi32, #tpu.memory_space<vmem>> -> memref<128xi32, #tpu.memory_space<vmem>>
      %dma_start3A_63 = arith.constant 0 : i32
      %dma_start3A_64 = arith.constant 0 : i32
      %dma_start3A_65 = tpu.memref_slice %arg2[%dma_start3A_63, %dma_start3A_64] : memref<10000x128xf32, #tpu.memory_space<hbm>> -> memref<10000x128xf32, #tpu.memory_space<hbm>>
      tpu.enqueue_indirect_dma source(%dma_start3A_65 : memref<10000x128xf32, #tpu.memory_space<hbm>>) target(%dma_start3A_59 : memref<128x128xf32, #tpu.memory_space<vmem>>) offsets(%dma_start3A_62 : memref<128xi32, #tpu.memory_space<vmem>>) semaphore(%arg12 : memref<!tpu.dma_semaphore, #tpu.memory_space<semaphore_mem>>)
      %dma_start3A_66 = arith.constant 1 : i32
      %dma_start3A_67 = arith.constant 0 : i32
      %dma_start3A_68 = tpu.memref_slice %arg8[%dma_start3A_66, %dma_start3A_67] : memref<2x128xi32, #tpu.memory_space<vmem>> -> memref<1x128xi32, #tpu.memory_space<vmem>>
      %dma_start3A_69 = tpu.memref_squeeze %dma_start3A_68 : memref<1x128xi32, #tpu.memory_space<vmem>> -> memref<128xi32, #tpu.memory_space<vmem>>
      %dma_start3A_70 = arith.constant 0 : i32
      %dma_start3A_71 = tpu.memref_slice %arg4[%add3A, %add3A_54, %dma_start3A_70] : memref<32x80x128xi32, #tpu.memory_space<hbm>> -> memref<1x1x128xi32, #tpu.memory_space<hbm>>
      %dma_start3A_72 = tpu.memref_squeeze %dma_start3A_71 : memref<1x1x128xi32, #tpu.memory_space<hbm>> -> memref<128xi32, #tpu.memory_space<hbm>>
      %dma_start3A_73 = arith.constant 0 : i32
      %dma_start3A_74 = tpu.memref_slice %arg8[%dma_start3A_66, %dma_start3A_73] : memref<2x128xi32, #tpu.memory_space<vmem>> -> memref<1x128xi32, #tpu.memory_space<vmem>>
      %dma_start3A_75 = tpu.memref_squeeze %dma_start3A_74 : memref<1x128xi32, #tpu.memory_space<vmem>> -> memref<128xi32, #tpu.memory_space<vmem>>
      %dma_start3A_76 = arith.constant 0 : i32
      %dma_start3A_77 = tpu.memref_slice %arg4[%add3A, %add3A_54, %dma_start3A_76] : memref<32x80x128xi32, #tpu.memory_space<hbm>> -> memref<1x1x128xi32, #tpu.memory_space<hbm>>
      %dma_start3A_78 = tpu.memref_squeeze %dma_start3A_77 : memref<1x1x128xi32, #tpu.memory_space<hbm>> -> memref<128xi32, #tpu.memory_space<hbm>>
      tpu.enqueue_dma source(%dma_start3A_78 : memref<128xi32, #tpu.memory_space<hbm>>) target(%dma_start3A_75 : memref<128xi32, #tpu.memory_space<vmem>>) target_semaphore(%arg12 : memref<!tpu.dma_semaphore, #tpu.memory_space<semaphore_mem>>)
      %dma_wait3A = arith.constant 0 : i32
      %dma_wait3A_79 = arith.constant 0 : i32
      %dma_wait3A_80 = arith.constant 0 : i32
      %dma_wait3A_81 = tpu.memref_slice %arg9[%dma_wait3A, %dma_wait3A_79, %dma_wait3A_80] : memref<2x128x128xf32, #tpu.memory_space<vmem>> -> memref<1x128x128xf32, #tpu.memory_space<vmem>>
      %dma_wait3A_82 = tpu.memref_squeeze %dma_wait3A_81 : memref<1x128x128xf32, #tpu.memory_space<vmem>> -> memref<128x128xf32, #tpu.memory_space<vmem>>
      %dma_wait3A_83 = arith.constant 0 : i32
      %dma_wait3A_84 = tpu.memref_slice %arg7[%mul3A_52, %dma_wait3A_83] : memref<80x128xi32, #tpu.memory_space<vmem>> -> memref<1x128xi32, #tpu.memory_space<vmem>>
      %dma_wait3A_85 = tpu.memref_squeeze %dma_wait3A_84 : memref<1x128xi32, #tpu.memory_space<vmem>> -> memref<128xi32, #tpu.memory_space<vmem>>
      %dma_wait3A_86 = arith.constant 0 : i32
      %dma_wait3A_87 = arith.constant 0 : i32
      %dma_wait3A_88 = tpu.memref_slice %arg2[%dma_wait3A_86, %dma_wait3A_87] : memref<10000x128xf32, #tpu.memory_space<hbm>> -> memref<10000x128xf32, #tpu.memory_space<hbm>>
      tpu.wait_indirect_dma semaphore(%arg11 : memref<!tpu.dma_semaphore, #tpu.memory_space<semaphore_mem>>) src(%dma_wait3A_88 : memref<10000x128xf32, #tpu.memory_space<hbm>>) dst(%dma_wait3A_82 : memref<128x128xf32, #tpu.memory_space<vmem>>)
      %dma_wait3A_89 = arith.constant 0 : i32
      %dma_wait3A_90 = arith.constant 0 : i32
      %dma_wait3A_91 = tpu.memref_slice %arg8[%dma_wait3A_89, %dma_wait3A_90] : memref<2x128xi32, #tpu.memory_space<vmem>> -> memref<1x128xi32, #tpu.memory_space<vmem>>
      %dma_wait3A_92 = tpu.memref_squeeze %dma_wait3A_91 : memref<1x128xi32, #tpu.memory_space<vmem>> -> memref<128xi32, #tpu.memory_space<vmem>>
      %dma_wait3A_93 = arith.constant 0 : i32
      %dma_wait3A_94 = tpu.memref_slice %arg4[%add3A, %mul3A_52, %dma_wait3A_93] : memref<32x80x128xi32, #tpu.memory_space<hbm>> -> memref<1x1x128xi32, #tpu.memory_space<hbm>>
      %dma_wait3A_95 = tpu.memref_squeeze %dma_wait3A_94 : memref<1x1x128xi32, #tpu.memory_space<hbm>> -> memref<128xi32, #tpu.memory_space<hbm>>
      %dma_wait3A_96 = arith.constant 0 : i32
      %dma_wait3A_97 = tpu.memref_slice %arg8[%dma_wait3A_89, %dma_wait3A_96] : memref<2x128xi32, #tpu.memory_space<vmem>> -> memref<1x128xi32, #tpu.memory_space<vmem>>
      %dma_wait3A_98 = tpu.memref_squeeze %dma_wait3A_97 : memref<1x128xi32, #tpu.memory_space<vmem>> -> memref<128xi32, #tpu.memory_space<vmem>>
      %dma_wait3A_99 = arith.constant 0 : i32
      %dma_wait3A_100 = tpu.memref_slice %arg4[%add3A, %mul3A_52, %dma_wait3A_99] : memref<32x80x128xi32, #tpu.memory_space<hbm>> -> memref<1x1x128xi32, #tpu.memory_space<hbm>>
      %dma_wait3A_101 = tpu.memref_squeeze %dma_wait3A_100 : memref<1x1x128xi32, #tpu.memory_space<hbm>> -> memref<128xi32, #tpu.memory_space<hbm>>
      tpu.wait_dma2 semaphore(%arg11 : memref<!tpu.dma_semaphore, #tpu.memory_space<semaphore_mem>>) src(%dma_wait3A_101 : memref<128xi32, #tpu.memory_space<hbm>>) dst(%dma_wait3A_98 : memref<128xi32, #tpu.memory_space<vmem>>)
      %run_scoped3A = arith.constant 0 : i32
      %run_scoped3A_102 = arith.constant 0 : i32
      "tpu.region"() ({
        %run_scoped3A_138 = tpu.sem_alloc : memref<!tpu.dma_semaphore, #tpu.memory_space<semaphore_mem>>
        %dma_start3A_139 = arith.constant 0 : i32
        %dma_start3A_140 = arith.constant 0 : i32
        %dma_start3A_141 = tpu.memref_slice %arg9[%run_scoped3A, %dma_start3A_139, %dma_start3A_140] : memref<2x128x128xf32, #tpu.memory_space<vmem>> -> memref<1x128x128xf32, #tpu.memory_space<vmem>>
        %dma_start3A_142 = tpu.memref_squeeze %dma_start3A_141 : memref<1x128x128xf32, #tpu.memory_space<vmem>> -> memref<128x128xf32, #tpu.memory_space<vmem>>
        %dma_start3A_143 = arith.constant 0 : i32
        %dma_start3A_144 = tpu.memref_slice %arg8[%run_scoped3A_102, %dma_start3A_143] : memref<2x128xi32, #tpu.memory_space<vmem>> -> memref<1x128xi32, #tpu.memory_space<vmem>>
        %dma_start3A_145 = tpu.memref_squeeze %dma_start3A_144 : memref<1x128xi32, #tpu.memory_space<vmem>> -> memref<128xi32, #tpu.memory_space<vmem>>
        %dma_start3A_146 = arith.constant 0 : i32
        %dma_start3A_147 = arith.constant 0 : i32
        %dma_start3A_148 = tpu.memref_slice %arg10[%dma_start3A_146, %dma_start3A_147] : memref<10048x128xf32, #tpu.memory_space<vmem_shared>> -> memref<10048x128xf32, #tpu.memory_space<vmem_shared>>
        tpu.enqueue_indirect_dma source(%dma_start3A_142 : memref<128x128xf32, #tpu.memory_space<vmem>>) target(%dma_start3A_148 : memref<10048x128xf32, #tpu.memory_space<vmem_shared>>) offsets(%dma_start3A_145 : memref<128xi32, #tpu.memory_space<vmem>>) semaphore(%run_scoped3A_138 : memref<!tpu.dma_semaphore, #tpu.memory_space<semaphore_mem>>) {add = true}
        %dma_wait3A_149 = arith.constant 0 : i32
        %dma_wait3A_150 = arith.constant 0 : i32
        %dma_wait3A_151 = tpu.memref_slice %arg9[%run_scoped3A, %dma_wait3A_149, %dma_wait3A_150] : memref<2x128x128xf32, #tpu.memory_space<vmem>> -> memref<1x128x128xf32, #tpu.memory_space<vmem>>
        %dma_wait3A_152 = tpu.memref_squeeze %dma_wait3A_151 : memref<1x128x128xf32, #tpu.memory_space<vmem>> -> memref<128x128xf32, #tpu.memory_space<vmem>>
        %dma_wait3A_153 = arith.constant 0 : i32
        %dma_wait3A_154 = tpu.memref_slice %arg8[%run_scoped3A_102, %dma_wait3A_153] : memref<2x128xi32, #tpu.memory_space<vmem>> -> memref<1x128xi32, #tpu.memory_space<vmem>>
        %dma_wait3A_155 = tpu.memref_squeeze %dma_wait3A_154 : memref<1x128xi32, #tpu.memory_space<vmem>> -> memref<128xi32, #tpu.memory_space<vmem>>
        %dma_wait3A_156 = arith.constant 0 : i32
        %dma_wait3A_157 = arith.constant 0 : i32
        %dma_wait3A_158 = tpu.memref_slice %arg10[%dma_wait3A_156, %dma_wait3A_157] : memref<10048x128xf32, #tpu.memory_space<vmem_shared>> -> memref<10048x128xf32, #tpu.memory_space<vmem_shared>>
        tpu.wait_indirect_dma semaphore(%run_scoped3A_138 : memref<!tpu.dma_semaphore, #tpu.memory_space<semaphore_mem>>) src(%dma_wait3A_152 : memref<128x128xf32, #tpu.memory_space<vmem>>) dst(%dma_wait3A_158 : memref<10048x128xf32, #tpu.memory_space<vmem_shared>>)
        tpu.yield
      }) : () -> ()
      %lt3A_103 = arith.constant 39 : i32
      %lt3A_104 = arith.cmpi slt, %scan3A_50, %lt3A_103 : i32
      %convert_element_type3A_105 = arith.extui %lt3A_104 : i1 to i32
      %cond3A_106 = arith.constant 0 : i32
      %cond3A_107 = arith.cmpi ne, %convert_element_type3A_105, %cond3A_106 : i32
      scf.if %cond3A_107 {
        %add3A_138 = arith.constant 2 : i32
        %add3A_139 = arith.addi %mul3A_52, %add3A_138 : i32
        %dma_start3A_140 = arith.constant 0 : i32
        %dma_start3A_141 = arith.constant 0 : i32
        %dma_start3A_142 = arith.constant 0 : i32
        %dma_start3A_143 = tpu.memref_slice %arg9[%dma_start3A_140, %dma_start3A_141, %dma_start3A_142] : memref<2x128x128xf32, #tpu.memory_space<vmem>> -> memref<1x128x128xf32, #tpu.memory_space<vmem>>
        %dma_start3A_144 = tpu.memref_squeeze %dma_start3A_143 : memref<1x128x128xf32, #tpu.memory_space<vmem>> -> memref<128x128xf32, #tpu.memory_space<vmem>>
        %dma_start3A_145 = arith.constant 0 : i32
        %dma_start3A_146 = tpu.memref_slice %arg7[%add3A_139, %dma_start3A_145] : memref<80x128xi32, #tpu.memory_space<vmem>> -> memref<1x128xi32, #tpu.memory_space<vmem>>
        %dma_start3A_147 = tpu.memref_squeeze %dma_start3A_146 : memref<1x128xi32, #tpu.memory_space<vmem>> -> memref<128xi32, #tpu.memory_space<vmem>>
        %dma_start3A_148 = arith.constant 0 : i32
        %dma_start3A_149 = arith.constant 0 : i32
        %dma_start3A_150 = tpu.memref_slice %arg2[%dma_start3A_148, %dma_start3A_149] : memref<10000x128xf32, #tpu.memory_space<hbm>> -> memref<10000x128xf32, #tpu.memory_space<hbm>>
        tpu.enqueue_indirect_dma source(%dma_start3A_150 : memref<10000x128xf32, #tpu.memory_space<hbm>>) target(%dma_start3A_144 : memref<128x128xf32, #tpu.memory_space<vmem>>) offsets(%dma_start3A_147 : memref<128xi32, #tpu.memory_space<vmem>>) semaphore(%arg11 : memref<!tpu.dma_semaphore, #tpu.memory_space<semaphore_mem>>)
        %dma_start3A_151 = arith.constant 0 : i32
        %dma_start3A_152 = arith.constant 0 : i32
        %dma_start3A_153 = tpu.memref_slice %arg8[%dma_start3A_151, %dma_start3A_152] : memref<2x128xi32, #tpu.memory_space<vmem>> -> memref<1x128xi32, #tpu.memory_space<vmem>>
        %dma_start3A_154 = tpu.memref_squeeze %dma_start3A_153 : memref<1x128xi32, #tpu.memory_space<vmem>> -> memref<128xi32, #tpu.memory_space<vmem>>
        %dma_start3A_155 = arith.constant 0 : i32
        %dma_start3A_156 = tpu.memref_slice %arg4[%add3A, %add3A_139, %dma_start3A_155] : memref<32x80x128xi32, #tpu.memory_space<hbm>> -> memref<1x1x128xi32, #tpu.memory_space<hbm>>
        %dma_start3A_157 = tpu.memref_squeeze %dma_start3A_156 : memref<1x1x128xi32, #tpu.memory_space<hbm>> -> memref<128xi32, #tpu.memory_space<hbm>>
        %dma_start3A_158 = arith.constant 0 : i32
        %dma_start3A_159 = tpu.memref_slice %arg8[%dma_start3A_151, %dma_start3A_158] : memref<2x128xi32, #tpu.memory_space<vmem>> -> memref<1x128xi32, #tpu.memory_space<vmem>>
        %dma_start3A_160 = tpu.memref_squeeze %dma_start3A_159 : memref<1x128xi32, #tpu.memory_space<vmem>> -> memref<128xi32, #tpu.memory_space<vmem>>
        %dma_start3A_161 = arith.constant 0 : i32
        %dma_start3A_162 = tpu.memref_slice %arg4[%add3A, %add3A_139, %dma_start3A_161] : memref<32x80x128xi32, #tpu.memory_space<hbm>> -> memref<1x1x128xi32, #tpu.memory_space<hbm>>
        %dma_start3A_163 = tpu.memref_squeeze %dma_start3A_162 : memref<1x1x128xi32, #tpu.memory_space<hbm>> -> memref<128xi32, #tpu.memory_space<hbm>>
        tpu.enqueue_dma source(%dma_start3A_163 : memref<128xi32, #tpu.memory_space<hbm>>) target(%dma_start3A_160 : memref<128xi32, #tpu.memory_space<vmem>>) target_semaphore(%arg11 : memref<!tpu.dma_semaphore, #tpu.memory_space<semaphore_mem>>)
      } else {
      }
      %add3A_108 = arith.constant 1 : i32
      %add3A_109 = arith.addi %mul3A_52, %add3A_108 : i32
      %dma_wait3A_110 = arith.constant 1 : i32
      %dma_wait3A_111 = arith.constant 0 : i32
      %dma_wait3A_112 = arith.constant 0 : i32
      %dma_wait3A_113 = tpu.memref_slice %arg9[%dma_wait3A_110, %dma_wait3A_111, %dma_wait3A_112] : memref<2x128x128xf32, #tpu.memory_space<vmem>> -> memref<1x128x128xf32, #tpu.memory_space<vmem>>
      %dma_wait3A_114 = tpu.memref_squeeze %dma_wait3A_113 : memref<1x128x128xf32, #tpu.memory_space<vmem>> -> memref<128x128xf32, #tpu.memory_space<vmem>>
      %dma_wait3A_115 = arith.constant 0 : i32
      %dma_wait3A_116 = tpu.memref_slice %arg7[%add3A_109, %dma_wait3A_115] : memref<80x128xi32, #tpu.memory_space<vmem>> -> memref<1x128xi32, #tpu.memory_space<vmem>>
      %dma_wait3A_117 = tpu.memref_squeeze %dma_wait3A_116 : memref<1x128xi32, #tpu.memory_space<vmem>> -> memref<128xi32, #tpu.memory_space<vmem>>
      %dma_wait3A_118 = arith.constant 0 : i32
      %dma_wait3A_119 = arith.constant 0 : i32
      %dma_wait3A_120 = tpu.memref_slice %arg2[%dma_wait3A_118, %dma_wait3A_119] : memref<10000x128xf32, #tpu.memory_space<hbm>> -> memref<10000x128xf32, #tpu.memory_space<hbm>>
      tpu.wait_indirect_dma semaphore(%arg12 : memref<!tpu.dma_semaphore, #tpu.memory_space<semaphore_mem>>) src(%dma_wait3A_120 : memref<10000x128xf32, #tpu.memory_space<hbm>>) dst(%dma_wait3A_114 : memref<128x128xf32, #tpu.memory_space<vmem>>)
      %dma_wait3A_121 = arith.constant 1 : i32
      %dma_wait3A_122 = arith.constant 0 : i32
      %dma_wait3A_123 = tpu.memref_slice %arg8[%dma_wait3A_121, %dma_wait3A_122] : memref<2x128xi32, #tpu.memory_space<vmem>> -> memref<1x128xi32, #tpu.memory_space<vmem>>
      %dma_wait3A_124 = tpu.memref_squeeze %dma_wait3A_123 : memref<1x128xi32, #tpu.memory_space<vmem>> -> memref<128xi32, #tpu.memory_space<vmem>>
      %dma_wait3A_125 = arith.constant 0 : i32
      %dma_wait3A_126 = tpu.memref_slice %arg4[%add3A, %add3A_109, %dma_wait3A_125] : memref<32x80x128xi32, #tpu.memory_space<hbm>> -> memref<1x1x128xi32, #tpu.memory_space<hbm>>
      %dma_wait3A_127 = tpu.memref_squeeze %dma_wait3A_126 : memref<1x1x128xi32, #tpu.memory_space<hbm>> -> memref<128xi32, #tpu.memory_space<hbm>>
      %dma_wait3A_128 = arith.constant 0 : i32
      %dma_wait3A_129 = tpu.memref_slice %arg8[%dma_wait3A_121, %dma_wait3A_128] : memref<2x128xi32, #tpu.memory_space<vmem>> -> memref<1x128xi32, #tpu.memory_space<vmem>>
      %dma_wait3A_130 = tpu.memref_squeeze %dma_wait3A_129 : memref<1x128xi32, #tpu.memory_space<vmem>> -> memref<128xi32, #tpu.memory_space<vmem>>
      %dma_wait3A_131 = arith.constant 0 : i32
      %dma_wait3A_132 = tpu.memref_slice %arg4[%add3A, %add3A_109, %dma_wait3A_131] : memref<32x80x128xi32, #tpu.memory_space<hbm>> -> memref<1x1x128xi32, #tpu.memory_space<hbm>>
      %dma_wait3A_133 = tpu.memref_squeeze %dma_wait3A_132 : memref<1x1x128xi32, #tpu.memory_space<hbm>> -> memref<128xi32, #tpu.memory_space<hbm>>
      tpu.wait_dma2 semaphore(%arg12 : memref<!tpu.dma_semaphore, #tpu.memory_space<semaphore_mem>>) src(%dma_wait3A_133 : memref<128xi32, #tpu.memory_space<hbm>>) dst(%dma_wait3A_130 : memref<128xi32, #tpu.memory_space<vmem>>)
      %add3A_134 = arith.constant 1 : i32
      %add3A_135 = arith.addi %mul3A_52, %add3A_134 : i32
      %run_scoped3A_136 = arith.constant 1 : i32
      %run_scoped3A_137 = arith.constant 1 : i32
      "tpu.region"() ({
        %run_scoped3A_138 = tpu.sem_alloc : memref<!tpu.dma_semaphore, #tpu.memory_space<semaphore_mem>>
        %dma_start3A_139 = arith.constant 0 : i32
        %dma_start3A_140 = arith.constant 0 : i32
        %dma_start3A_141 = tpu.memref_slice %arg9[%run_scoped3A_136, %dma_start3A_139, %dma_start3A_140] : memref<2x128x128xf32, #tpu.memory_space<vmem>> -> memref<1x128x128xf32, #tpu.memory_space<vmem>>
        %dma_start3A_142 = tpu.memref_squeeze %dma_start3A_141 : memref<1x128x128xf32, #tpu.memory_space<vmem>> -> memref<128x128xf32, #tpu.memory_space<vmem>>
        %dma_start3A_143 = arith.constant 0 : i32
        %dma_start3A_144 = tpu.memref_slice %arg8[%run_scoped3A_137, %dma_start3A_143] : memref<2x128xi32, #tpu.memory_space<vmem>> -> memref<1x128xi32, #tpu.memory_space<vmem>>
        %dma_start3A_145 = tpu.memref_squeeze %dma_start3A_144 : memref<1x128xi32, #tpu.memory_space<vmem>> -> memref<128xi32, #tpu.memory_space<vmem>>
        %dma_start3A_146 = arith.constant 0 : i32
        %dma_start3A_147 = arith.constant 0 : i32
        %dma_start3A_148 = tpu.memref_slice %arg10[%dma_start3A_146, %dma_start3A_147] : memref<10048x128xf32, #tpu.memory_space<vmem_shared>> -> memref<10048x128xf32, #tpu.memory_space<vmem_shared>>
        tpu.enqueue_indirect_dma source(%dma_start3A_142 : memref<128x128xf32, #tpu.memory_space<vmem>>) target(%dma_start3A_148 : memref<10048x128xf32, #tpu.memory_space<vmem_shared>>) offsets(%dma_start3A_145 : memref<128xi32, #tpu.memory_space<vmem>>) semaphore(%run_scoped3A_138 : memref<!tpu.dma_semaphore, #tpu.memory_space<semaphore_mem>>) {add = true}
        %dma_wait3A_149 = arith.constant 0 : i32
        %dma_wait3A_150 = arith.constant 0 : i32
        %dma_wait3A_151 = tpu.memref_slice %arg9[%run_scoped3A_136, %dma_wait3A_149, %dma_wait3A_150] : memref<2x128x128xf32, #tpu.memory_space<vmem>> -> memref<1x128x128xf32, #tpu.memory_space<vmem>>
        %dma_wait3A_152 = tpu.memref_squeeze %dma_wait3A_151 : memref<1x128x128xf32, #tpu.memory_space<vmem>> -> memref<128x128xf32, #tpu.memory_space<vmem>>
        %dma_wait3A_153 = arith.constant 0 : i32
        %dma_wait3A_154 = tpu.memref_slice %arg8[%run_scoped3A_137, %dma_wait3A_153] : memref<2x128xi32, #tpu.memory_space<vmem>> -> memref<1x128xi32, #tpu.memory_space<vmem>>
        %dma_wait3A_155 = tpu.memref_squeeze %dma_wait3A_154 : memref<1x128xi32, #tpu.memory_space<vmem>> -> memref<128xi32, #tpu.memory_space<vmem>>
        %dma_wait3A_156 = arith.constant 0 : i32
        %dma_wait3A_157 = arith.constant 0 : i32
        %dma_wait3A_158 = tpu.memref_slice %arg10[%dma_wait3A_156, %dma_wait3A_157] : memref<10048x128xf32, #tpu.memory_space<vmem_shared>> -> memref<10048x128xf32, #tpu.memory_space<vmem_shared>>
        tpu.wait_indirect_dma semaphore(%run_scoped3A_138 : memref<!tpu.dma_semaphore, #tpu.memory_space<semaphore_mem>>) src(%dma_wait3A_152 : memref<128x128xf32, #tpu.memory_space<vmem>>) dst(%dma_wait3A_158 : memref<10048x128xf32, #tpu.memory_space<vmem_shared>>)
        tpu.yield
      }) : () -> ()
    }
    %scan3A_38 = arith.constant 40 : i32
    %barrier3A_39 = arith.constant 0 : index
    tpu.barrier barrier_id(%barrier3A_39)
    %lt3A_40 = arith.constant 15 : i32
    %lt3A_41 = arith.cmpi slt, %arg1, %lt3A_40 : i32
    %convert_element_type3A_42 = arith.extui %lt3A_41 : i1 to i32
    %cond3A_43 = arith.constant 0 : i32
    %cond3A_44 = arith.cmpi ne, %convert_element_type3A_42, %cond3A_43 : i32
    scf.if %cond3A_44 {
      "tpu.region"() ({
        %run_scoped3A = tpu.sem_alloc : memref<!tpu.dma_semaphore, #tpu.memory_space<semaphore_mem>>
        %dma_start3A_50 = arith.constant 0 : i32
        %dma_start3A_51 = tpu.memref_slice %arg6[%arg0, %mul3A_2, %dma_start3A_50] : memref<2x10048x128xf32, #tpu.memory_space<hbm>> -> memref<1x632x128xf32, #tpu.memory_space<hbm>>
        %dma_start3A_52 = tpu.memref_squeeze %dma_start3A_51 : memref<1x632x128xf32, #tpu.memory_space<hbm>> -> memref<632x128xf32, #tpu.memory_space<hbm>>
        %dma_start3A_53 = arith.constant 0 : i32
        %dma_start3A_54 = tpu.memref_slice %arg10[%mul3A_2, %dma_start3A_53] : memref<10048x128xf32, #tpu.memory_space<vmem_shared>> -> memref<632x128xf32, #tpu.memory_space<vmem_shared>>
        tpu.enqueue_dma source(%dma_start3A_54 : memref<632x128xf32, #tpu.memory_space<vmem_shared>>) target(%dma_start3A_52 : memref<632x128xf32, #tpu.memory_space<hbm>>) target_semaphore(%run_scoped3A : memref<!tpu.dma_semaphore, #tpu.memory_space<semaphore_mem>>)
        %dma_wait3A = arith.constant 0 : i32
        %dma_wait3A_55 = tpu.memref_slice %arg6[%arg0, %mul3A_2, %dma_wait3A] : memref<2x10048x128xf32, #tpu.memory_space<hbm>> -> memref<1x632x128xf32, #tpu.memory_space<hbm>>
        %dma_wait3A_56 = tpu.memref_squeeze %dma_wait3A_55 : memref<1x632x128xf32, #tpu.memory_space<hbm>> -> memref<632x128xf32, #tpu.memory_space<hbm>>
        %dma_wait3A_57 = arith.constant 0 : i32
        %dma_wait3A_58 = tpu.memref_slice %arg10[%mul3A_2, %dma_wait3A_57] : memref<10048x128xf32, #tpu.memory_space<vmem_shared>> -> memref<632x128xf32, #tpu.memory_space<vmem_shared>>
        tpu.wait_dma2 semaphore(%run_scoped3A : memref<!tpu.dma_semaphore, #tpu.memory_space<semaphore_mem>>) src(%dma_wait3A_58 : memref<632x128xf32, #tpu.memory_space<vmem_shared>>) dst(%dma_wait3A_56 : memref<632x128xf32, #tpu.memory_space<hbm>>)
        tpu.yield
      }) : () -> ()
    } else {
    }
    %eq3A_45 = arith.constant 15 : i32
    %eq3A_46 = arith.cmpi eq, %arg1, %eq3A_45 : i32
    %convert_element_type3A_47 = arith.extui %eq3A_46 : i1 to i32
    %cond3A_48 = arith.constant 0 : i32
    %cond3A_49 = arith.cmpi ne, %convert_element_type3A_47, %cond3A_48 : i32
    scf.if %cond3A_49 {
      "tpu.region"() ({
        %run_scoped3A = tpu.sem_alloc : memref<!tpu.dma_semaphore, #tpu.memory_space<semaphore_mem>>
        %dma_start3A_50 = arith.constant 0 : i32
        %dma_start3A_51 = tpu.memref_slice %arg6[%arg0, %mul3A_2, %dma_start3A_50] : memref<2x10048x128xf32, #tpu.memory_space<hbm>> -> memref<1x568x128xf32, #tpu.memory_space<hbm>>
        %dma_start3A_52 = tpu.memref_squeeze %dma_start3A_51 : memref<1x568x128xf32, #tpu.memory_space<hbm>> -> memref<568x128xf32, #tpu.memory_space<hbm>>
        %dma_start3A_53 = arith.constant 0 : i32
        %dma_start3A_54 = tpu.memref_slice %arg10[%mul3A_2, %dma_start3A_53] : memref<10048x128xf32, #tpu.memory_space<vmem_shared>> -> memref<568x128xf32, #tpu.memory_space<vmem_shared>>
        tpu.enqueue_dma source(%dma_start3A_54 : memref<568x128xf32, #tpu.memory_space<vmem_shared>>) target(%dma_start3A_52 : memref<568x128xf32, #tpu.memory_space<hbm>>) target_semaphore(%run_scoped3A : memref<!tpu.dma_semaphore, #tpu.memory_space<semaphore_mem>>)
        %dma_wait3A = arith.constant 0 : i32
        %dma_wait3A_55 = tpu.memref_slice %arg6[%arg0, %mul3A_2, %dma_wait3A] : memref<2x10048x128xf32, #tpu.memory_space<hbm>> -> memref<1x568x128xf32, #tpu.memory_space<hbm>>
        %dma_wait3A_56 = tpu.memref_squeeze %dma_wait3A_55 : memref<1x568x128xf32, #tpu.memory_space<hbm>> -> memref<568x128xf32, #tpu.memory_space<hbm>>
        %dma_wait3A_57 = arith.constant 0 : i32
        %dma_wait3A_58 = tpu.memref_slice %arg10[%mul3A_2, %dma_wait3A_57] : memref<10048x128xf32, #tpu.memory_space<vmem_shared>> -> memref<568x128xf32, #tpu.memory_space<vmem_shared>>
        tpu.wait_dma2 semaphore(%run_scoped3A : memref<!tpu.dma_semaphore, #tpu.memory_space<semaphore_mem>>) src(%dma_wait3A_58 : memref<568x128xf32, #tpu.memory_space<vmem_shared>>) dst(%dma_wait3A_56 : memref<568x128xf32, #tpu.memory_space<hbm>>)
        tpu.yield
      }) : () -> ()
    } else {
    }
    return
  }
}

#map = affine_map<(d0, d1) -> (0, 0, 0)>
#map1 = affine_map<(d0, d1) -> (0, 0)>
module attributes {stable_mosaic.version = 14 : i64} {
  func.func @body(%arg0: i32, %arg1: i32, %arg2: memref<32x80x128xi32, #tpu.memory_space<hbm>>, %arg3: memref<10048x128xf32, #tpu.memory_space<hbm>>, %arg4: memref<128x128xf32, #tpu.memory_space<hbm>>, %arg5: memref<2x10048x128xf32, #tpu.memory_space<hbm>>, %arg6: memref<80x128xi32, #tpu.memory_space<vmem>>, %arg7: memref<128x128xf32, #tpu.memory_space<vmem>>, %arg8: memref<10048x128xf32, #tpu.memory_space<vmem_shared>>) attributes {dimension_semantics = [#tpu.dimension_semantics<core_parallel>, #tpu.dimension_semantics<subcore_parallel>], iteration_bounds = array<i64: 2, 16>, scalar_prefetch = 0 : i64, scratch_operands = 3 : i64, tpu.core_type = #tpu.core_type<sc_vector_subcore>, window_params = [{transform_indices = #map}, {transform_indices = #map1}, {transform_indices = #map1}, {transform_indices = #map}]} {
    %mul3A = arith.constant 16 : i32
    %mul3A_0 = arith.muli %arg0, %mul3A : i32
    %add3A = arith.addi %mul3A_0, %arg1 : i32
    %mul3A_1 = arith.constant 632 : i32
    %mul3A_2 = arith.muli %arg1, %mul3A_1 : i32
    "tpu.region"() ({
      %run_scoped3A = tpu.sem_alloc : memref<!tpu.dma_semaphore, #tpu.memory_space<semaphore_mem>>
      %dma_start3A = arith.constant 0 : i32
      %dma_start3A_25 = arith.constant 0 : i32
      %dma_start3A_26 = tpu.memref_slice %arg2[%add3A, %dma_start3A, %dma_start3A_25] : memref<32x80x128xi32, #tpu.memory_space<hbm>> -> memref<1x80x128xi32, #tpu.memory_space<hbm>>
      %dma_start3A_27 = tpu.memref_squeeze %dma_start3A_26 : memref<1x80x128xi32, #tpu.memory_space<hbm>> -> memref<80x128xi32, #tpu.memory_space<hbm>>
      %dma_start3A_28 = arith.constant 0 : i32
      %dma_start3A_29 = arith.constant 0 : i32
      %dma_start3A_30 = tpu.memref_slice %arg2[%add3A, %dma_start3A_28, %dma_start3A_29] : memref<32x80x128xi32, #tpu.memory_space<hbm>> -> memref<1x80x128xi32, #tpu.memory_space<hbm>>
      %dma_start3A_31 = tpu.memref_squeeze %dma_start3A_30 : memref<1x80x128xi32, #tpu.memory_space<hbm>> -> memref<80x128xi32, #tpu.memory_space<hbm>>
      tpu.enqueue_dma source(%dma_start3A_31 : memref<80x128xi32, #tpu.memory_space<hbm>>) target(%arg6 : memref<80x128xi32, #tpu.memory_space<vmem>>) target_semaphore(%run_scoped3A : memref<!tpu.dma_semaphore, #tpu.memory_space<semaphore_mem>>)
      %dma_wait3A = arith.constant 0 : i32
      %dma_wait3A_32 = arith.constant 0 : i32
      %dma_wait3A_33 = tpu.memref_slice %arg2[%add3A, %dma_wait3A, %dma_wait3A_32] : memref<32x80x128xi32, #tpu.memory_space<hbm>> -> memref<1x80x128xi32, #tpu.memory_space<hbm>>
      %dma_wait3A_34 = tpu.memref_squeeze %dma_wait3A_33 : memref<1x80x128xi32, #tpu.memory_space<hbm>> -> memref<80x128xi32, #tpu.memory_space<hbm>>
      %dma_wait3A_35 = arith.constant 0 : i32
      %dma_wait3A_36 = arith.constant 0 : i32
      %dma_wait3A_37 = tpu.memref_slice %arg2[%add3A, %dma_wait3A_35, %dma_wait3A_36] : memref<32x80x128xi32, #tpu.memory_space<hbm>> -> memref<1x80x128xi32, #tpu.memory_space<hbm>>
      %dma_wait3A_38 = tpu.memref_squeeze %dma_wait3A_37 : memref<1x80x128xi32, #tpu.memory_space<hbm>> -> memref<80x128xi32, #tpu.memory_space<hbm>>
      tpu.wait_dma2 semaphore(%run_scoped3A : memref<!tpu.dma_semaphore, #tpu.memory_space<semaphore_mem>>) src(%dma_wait3A_38 : memref<80x128xi32, #tpu.memory_space<hbm>>) dst(%arg6 : memref<80x128xi32, #tpu.memory_space<vmem>>)
      tpu.yield
    }) : () -> ()
    "tpu.region"() ({
      %run_scoped3A = tpu.sem_alloc : memref<!tpu.dma_semaphore, #tpu.memory_space<semaphore_mem>>
      tpu.enqueue_dma source(%arg4 : memref<128x128xf32, #tpu.memory_space<hbm>>) target(%arg7 : memref<128x128xf32, #tpu.memory_space<vmem>>) target_semaphore(%run_scoped3A : memref<!tpu.dma_semaphore, #tpu.memory_space<semaphore_mem>>)
      tpu.wait_dma2 semaphore(%run_scoped3A : memref<!tpu.dma_semaphore, #tpu.memory_space<semaphore_mem>>) src(%arg4 : memref<128x128xf32, #tpu.memory_space<hbm>>) dst(%arg7 : memref<128x128xf32, #tpu.memory_space<vmem>>)
      tpu.yield
    }) : () -> ()
    %lt3A = arith.constant 15 : i32
    %lt3A_3 = arith.cmpi slt, %arg1, %lt3A : i32
    %convert_element_type3A = arith.extui %lt3A_3 : i1 to i32
    %cond3A = arith.constant 0 : i32
    %cond3A_4 = arith.cmpi ne, %convert_element_type3A, %cond3A : i32
    scf.if %cond3A_4 {
      "tpu.region"() ({
        %run_scoped3A = tpu.sem_alloc : memref<!tpu.dma_semaphore, #tpu.memory_space<semaphore_mem>>
        %dma_start3A = arith.constant 0 : i32
        %dma_start3A_25 = tpu.memref_slice %arg8[%mul3A_2, %dma_start3A] : memref<10048x128xf32, #tpu.memory_space<vmem_shared>> -> memref<632x128xf32, #tpu.memory_space<vmem_shared>>
        %dma_start3A_26 = arith.constant 0 : i32
        %dma_start3A_27 = tpu.memref_slice %arg3[%mul3A_2, %dma_start3A_26] : memref<10048x128xf32, #tpu.memory_space<hbm>> -> memref<632x128xf32, #tpu.memory_space<hbm>>
        tpu.enqueue_dma source(%dma_start3A_27 : memref<632x128xf32, #tpu.memory_space<hbm>>) target(%dma_start3A_25 : memref<632x128xf32, #tpu.memory_space<vmem_shared>>) target_semaphore(%run_scoped3A : memref<!tpu.dma_semaphore, #tpu.memory_space<semaphore_mem>>)
        %dma_wait3A = arith.constant 0 : i32
        %dma_wait3A_28 = tpu.memref_slice %arg8[%mul3A_2, %dma_wait3A] : memref<10048x128xf32, #tpu.memory_space<vmem_shared>> -> memref<632x128xf32, #tpu.memory_space<vmem_shared>>
        %dma_wait3A_29 = arith.constant 0 : i32
        %dma_wait3A_30 = tpu.memref_slice %arg3[%mul3A_2, %dma_wait3A_29] : memref<10048x128xf32, #tpu.memory_space<hbm>> -> memref<632x128xf32, #tpu.memory_space<hbm>>
        tpu.wait_dma2 semaphore(%run_scoped3A : memref<!tpu.dma_semaphore, #tpu.memory_space<semaphore_mem>>) src(%dma_wait3A_30 : memref<632x128xf32, #tpu.memory_space<hbm>>) dst(%dma_wait3A_28 : memref<632x128xf32, #tpu.memory_space<vmem_shared>>)
        tpu.yield
      }) : () -> ()
    } else {
    }
    %eq3A = arith.constant 15 : i32
    %eq3A_5 = arith.cmpi eq, %arg1, %eq3A : i32
    %convert_element_type3A_6 = arith.extui %eq3A_5 : i1 to i32
    %cond3A_7 = arith.constant 0 : i32
    %cond3A_8 = arith.cmpi ne, %convert_element_type3A_6, %cond3A_7 : i32
    scf.if %cond3A_8 {
      "tpu.region"() ({
        %run_scoped3A = tpu.sem_alloc : memref<!tpu.dma_semaphore, #tpu.memory_space<semaphore_mem>>
        %dma_start3A = arith.constant 0 : i32
        %dma_start3A_25 = tpu.memref_slice %arg8[%mul3A_2, %dma_start3A] : memref<10048x128xf32, #tpu.memory_space<vmem_shared>> -> memref<568x128xf32, #tpu.memory_space<vmem_shared>>
        %dma_start3A_26 = arith.constant 0 : i32
        %dma_start3A_27 = tpu.memref_slice %arg3[%mul3A_2, %dma_start3A_26] : memref<10048x128xf32, #tpu.memory_space<hbm>> -> memref<568x128xf32, #tpu.memory_space<hbm>>
        tpu.enqueue_dma source(%dma_start3A_27 : memref<568x128xf32, #tpu.memory_space<hbm>>) target(%dma_start3A_25 : memref<568x128xf32, #tpu.memory_space<vmem_shared>>) target_semaphore(%run_scoped3A : memref<!tpu.dma_semaphore, #tpu.memory_space<semaphore_mem>>)
        %dma_wait3A = arith.constant 0 : i32
        %dma_wait3A_28 = tpu.memref_slice %arg8[%mul3A_2, %dma_wait3A] : memref<10048x128xf32, #tpu.memory_space<vmem_shared>> -> memref<568x128xf32, #tpu.memory_space<vmem_shared>>
        %dma_wait3A_29 = arith.constant 0 : i32
        %dma_wait3A_30 = tpu.memref_slice %arg3[%mul3A_2, %dma_wait3A_29] : memref<10048x128xf32, #tpu.memory_space<hbm>> -> memref<568x128xf32, #tpu.memory_space<hbm>>
        tpu.wait_dma2 semaphore(%run_scoped3A : memref<!tpu.dma_semaphore, #tpu.memory_space<semaphore_mem>>) src(%dma_wait3A_30 : memref<568x128xf32, #tpu.memory_space<hbm>>) dst(%dma_wait3A_28 : memref<568x128xf32, #tpu.memory_space<vmem_shared>>)
        tpu.yield
      }) : () -> ()
    } else {
    }
    %barrier3A = arith.constant 0 : index
    tpu.barrier barrier_id(%barrier3A)
    %scan3A = arith.constant 0 : i32
    %scan3A_9 = arith.constant 0 : i32
    %scan3A_10 = arith.constant 80 : i32
    %scan3A_11 = arith.addi %scan3A_9, %scan3A_10 : i32
    %scan3A_12 = arith.constant 1 : i32
    scf.for %scan3A_25 = %scan3A_9 to %scan3A_11 step %scan3A_12  : i32 {
      "tpu.region"() ({
        %run_scoped3A = tpu.sem_alloc : memref<!tpu.dma_semaphore, #tpu.memory_space<semaphore_mem>>
        %dma_start3A = arith.constant 0 : i32
        %dma_start3A_26 = tpu.memref_slice %arg6[%scan3A_25, %dma_start3A] : memref<80x128xi32, #tpu.memory_space<vmem>> -> memref<1x128xi32, #tpu.memory_space<vmem>>
        %dma_start3A_27 = tpu.memref_squeeze %dma_start3A_26 : memref<1x128xi32, #tpu.memory_space<vmem>> -> memref<128xi32, #tpu.memory_space<vmem>>
        %dma_start3A_28 = arith.constant 0 : i32
        %dma_start3A_29 = arith.constant 0 : i32
        %dma_start3A_30 = tpu.memref_slice %arg8[%dma_start3A_28, %dma_start3A_29] : memref<10048x128xf32, #tpu.memory_space<vmem_shared>> -> memref<10048x128xf32, #tpu.memory_space<vmem_shared>>
        tpu.enqueue_indirect_dma source(%arg7 : memref<128x128xf32, #tpu.memory_space<vmem>>) target(%dma_start3A_30 : memref<10048x128xf32, #tpu.memory_space<vmem_shared>>) offsets(%dma_start3A_27 : memref<128xi32, #tpu.memory_space<vmem>>) semaphore(%run_scoped3A : memref<!tpu.dma_semaphore, #tpu.memory_space<semaphore_mem>>) {add = true}
        %dma_wait3A = arith.constant 0 : i32
        %dma_wait3A_31 = tpu.memref_slice %arg6[%scan3A_25, %dma_wait3A] : memref<80x128xi32, #tpu.memory_space<vmem>> -> memref<1x128xi32, #tpu.memory_space<vmem>>
        %dma_wait3A_32 = tpu.memref_squeeze %dma_wait3A_31 : memref<1x128xi32, #tpu.memory_space<vmem>> -> memref<128xi32, #tpu.memory_space<vmem>>
        %dma_wait3A_33 = arith.constant 0 : i32
        %dma_wait3A_34 = arith.constant 0 : i32
        %dma_wait3A_35 = tpu.memref_slice %arg8[%dma_wait3A_33, %dma_wait3A_34] : memref<10048x128xf32, #tpu.memory_space<vmem_shared>> -> memref<10048x128xf32, #tpu.memory_space<vmem_shared>>
        tpu.wait_indirect_dma semaphore(%run_scoped3A : memref<!tpu.dma_semaphore, #tpu.memory_space<semaphore_mem>>) src(%arg7 : memref<128x128xf32, #tpu.memory_space<vmem>>) dst(%dma_wait3A_35 : memref<10048x128xf32, #tpu.memory_space<vmem_shared>>)
        tpu.yield
      }) : () -> ()
    }
    %scan3A_13 = arith.constant 80 : i32
    %barrier3A_14 = arith.constant 0 : index
    tpu.barrier barrier_id(%barrier3A_14)
    %lt3A_15 = arith.constant 15 : i32
    %lt3A_16 = arith.cmpi slt, %arg1, %lt3A_15 : i32
    %convert_element_type3A_17 = arith.extui %lt3A_16 : i1 to i32
    %cond3A_18 = arith.constant 0 : i32
    %cond3A_19 = arith.cmpi ne, %convert_element_type3A_17, %cond3A_18 : i32
    scf.if %cond3A_19 {
      "tpu.region"() ({
        %run_scoped3A = tpu.sem_alloc : memref<!tpu.dma_semaphore, #tpu.memory_space<semaphore_mem>>
        %dma_start3A = arith.constant 0 : i32
        %dma_start3A_25 = tpu.memref_slice %arg5[%arg0, %mul3A_2, %dma_start3A] : memref<2x10048x128xf32, #tpu.memory_space<hbm>> -> memref<1x632x128xf32, #tpu.memory_space<hbm>>
        %dma_start3A_26 = tpu.memref_squeeze %dma_start3A_25 : memref<1x632x128xf32, #tpu.memory_space<hbm>> -> memref<632x128xf32, #tpu.memory_space<hbm>>
        %dma_start3A_27 = arith.constant 0 : i32
        %dma_start3A_28 = tpu.memref_slice %arg8[%mul3A_2, %dma_start3A_27] : memref<10048x128xf32, #tpu.memory_space<vmem_shared>> -> memref<632x128xf32, #tpu.memory_space<vmem_shared>>
        tpu.enqueue_dma source(%dma_start3A_28 : memref<632x128xf32, #tpu.memory_space<vmem_shared>>) target(%dma_start3A_26 : memref<632x128xf32, #tpu.memory_space<hbm>>) target_semaphore(%run_scoped3A : memref<!tpu.dma_semaphore, #tpu.memory_space<semaphore_mem>>)
        %dma_wait3A = arith.constant 0 : i32
        %dma_wait3A_29 = tpu.memref_slice %arg5[%arg0, %mul3A_2, %dma_wait3A] : memref<2x10048x128xf32, #tpu.memory_space<hbm>> -> memref<1x632x128xf32, #tpu.memory_space<hbm>>
        %dma_wait3A_30 = tpu.memref_squeeze %dma_wait3A_29 : memref<1x632x128xf32, #tpu.memory_space<hbm>> -> memref<632x128xf32, #tpu.memory_space<hbm>>
        %dma_wait3A_31 = arith.constant 0 : i32
        %dma_wait3A_32 = tpu.memref_slice %arg8[%mul3A_2, %dma_wait3A_31] : memref<10048x128xf32, #tpu.memory_space<vmem_shared>> -> memref<632x128xf32, #tpu.memory_space<vmem_shared>>
        tpu.wait_dma2 semaphore(%run_scoped3A : memref<!tpu.dma_semaphore, #tpu.memory_space<semaphore_mem>>) src(%dma_wait3A_32 : memref<632x128xf32, #tpu.memory_space<vmem_shared>>) dst(%dma_wait3A_30 : memref<632x128xf32, #tpu.memory_space<hbm>>)
        tpu.yield
      }) : () -> ()
    } else {
    }
    %eq3A_20 = arith.constant 15 : i32
    %eq3A_21 = arith.cmpi eq, %arg1, %eq3A_20 : i32
    %convert_element_type3A_22 = arith.extui %eq3A_21 : i1 to i32
    %cond3A_23 = arith.constant 0 : i32
    %cond3A_24 = arith.cmpi ne, %convert_element_type3A_22, %cond3A_23 : i32
    scf.if %cond3A_24 {
      "tpu.region"() ({
        %run_scoped3A = tpu.sem_alloc : memref<!tpu.dma_semaphore, #tpu.memory_space<semaphore_mem>>
        %dma_start3A = arith.constant 0 : i32
        %dma_start3A_25 = tpu.memref_slice %arg5[%arg0, %mul3A_2, %dma_start3A] : memref<2x10048x128xf32, #tpu.memory_space<hbm>> -> memref<1x568x128xf32, #tpu.memory_space<hbm>>
        %dma_start3A_26 = tpu.memref_squeeze %dma_start3A_25 : memref<1x568x128xf32, #tpu.memory_space<hbm>> -> memref<568x128xf32, #tpu.memory_space<hbm>>
        %dma_start3A_27 = arith.constant 0 : i32
        %dma_start3A_28 = tpu.memref_slice %arg8[%mul3A_2, %dma_start3A_27] : memref<10048x128xf32, #tpu.memory_space<vmem_shared>> -> memref<568x128xf32, #tpu.memory_space<vmem_shared>>
        tpu.enqueue_dma source(%dma_start3A_28 : memref<568x128xf32, #tpu.memory_space<vmem_shared>>) target(%dma_start3A_26 : memref<568x128xf32, #tpu.memory_space<hbm>>) target_semaphore(%run_scoped3A : memref<!tpu.dma_semaphore, #tpu.memory_space<semaphore_mem>>)
        %dma_wait3A = arith.constant 0 : i32
        %dma_wait3A_29 = tpu.memref_slice %arg5[%arg0, %mul3A_2, %dma_wait3A] : memref<2x10048x128xf32, #tpu.memory_space<hbm>> -> memref<1x568x128xf32, #tpu.memory_space<hbm>>
        %dma_wait3A_30 = tpu.memref_squeeze %dma_wait3A_29 : memref<1x568x128xf32, #tpu.memory_space<hbm>> -> memref<568x128xf32, #tpu.memory_space<hbm>>
        %dma_wait3A_31 = arith.constant 0 : i32
        %dma_wait3A_32 = tpu.memref_slice %arg8[%mul3A_2, %dma_wait3A_31] : memref<10048x128xf32, #tpu.memory_space<vmem_shared>> -> memref<568x128xf32, #tpu.memory_space<vmem_shared>>
        tpu.wait_dma2 semaphore(%run_scoped3A : memref<!tpu.dma_semaphore, #tpu.memory_space<semaphore_mem>>) src(%dma_wait3A_32 : memref<568x128xf32, #tpu.memory_space<vmem_shared>>) dst(%dma_wait3A_30 : memref<568x128xf32, #tpu.memory_space<hbm>>)
        tpu.yield
      }) : () -> ()
    } else {
    }
    return
  }
}

#map = affine_map<(d0, d1) -> (0, 0)>
#map1 = affine_map<(d0, d1) -> (0, 0, 0)>
module attributes {stable_mosaic.version = 14 : i64} {
  func.func @body(%arg0: i32, %arg1: i32, %arg2: memref<10000x128xf32, #tpu.memory_space<hbm>>, %arg3: memref<32x80x128xi32, #tpu.memory_space<hbm>>, %arg4: memref<32x80x128xi32, #tpu.memory_space<hbm>>, %arg5: memref<10048x128xf32, #tpu.memory_space<hbm>>, %arg6: memref<2x10048x128xf32, #tpu.memory_space<hbm>>, %arg7: memref<80x128xi32, #tpu.memory_space<vmem>>, %arg8: memref<2x128xi32, #tpu.memory_space<vmem>>, %arg9: memref<2x128x128xf32, #tpu.memory_space<vmem>>, %arg10: memref<10048x128xf32, #tpu.memory_space<vmem_shared>>, %arg11: memref<!tpu.dma_semaphore, #tpu.memory_space<semaphore_mem>>, %arg12: memref<!tpu.dma_semaphore, #tpu.memory_space<semaphore_mem>>) attributes {dimension_semantics = [#tpu.dimension_semantics<core_parallel>, #tpu.dimension_semantics<subcore_parallel>], iteration_bounds = array<i64: 2, 16>, scalar_prefetch = 0 : i64, scratch_operands = 6 : i64, tpu.core_type = #tpu.core_type<sc_vector_subcore>, window_params = [{transform_indices = #map}, {transform_indices = #map1}, {transform_indices = #map1}, {transform_indices = #map}, {transform_indices = #map1}]} {
    %mul3A = arith.constant 16 : i32
    %mul3A_0 = arith.muli %arg0, %mul3A : i32
    %add3A = arith.addi %mul3A_0, %arg1 : i32
    %mul3A_1 = arith.constant 632 : i32
    %mul3A_2 = arith.muli %arg1, %mul3A_1 : i32
    "tpu.region"() ({
      %run_scoped3A = tpu.sem_alloc : memref<!tpu.dma_semaphore, #tpu.memory_space<semaphore_mem>>
      %dma_start3A_50 = arith.constant 0 : i32
      %dma_start3A_51 = arith.constant 0 : i32
      %dma_start3A_52 = tpu.memref_slice %arg3[%add3A, %dma_start3A_50, %dma_start3A_51] : memref<32x80x128xi32, #tpu.memory_space<hbm>> -> memref<1x80x128xi32, #tpu.memory_space<hbm>>
      %dma_start3A_53 = tpu.memref_squeeze %dma_start3A_52 : memref<1x80x128xi32, #tpu.memory_space<hbm>> -> memref<80x128xi32, #tpu.memory_space<hbm>>
      %dma_start3A_54 = arith.constant 0 : i32
      %dma_start3A_55 = arith.constant 0 : i32
      %dma_start3A_56 = tpu.memref_slice %arg3[%add3A, %dma_start3A_54, %dma_start3A_55] : memref<32x80x128xi32, #tpu.memory_space<hbm>> -> memref<1x80x128xi32, #tpu.memory_space<hbm>>
      %dma_start3A_57 = tpu.memref_squeeze %dma_start3A_56 : memref<1x80x128xi32, #tpu.memory_space<hbm>> -> memref<80x128xi32, #tpu.memory_space<hbm>>
      tpu.enqueue_dma source(%dma_start3A_57 : memref<80x128xi32, #tpu.memory_space<hbm>>) target(%arg7 : memref<80x128xi32, #tpu.memory_space<vmem>>) target_semaphore(%run_scoped3A : memref<!tpu.dma_semaphore, #tpu.memory_space<semaphore_mem>>)
      %dma_wait3A = arith.constant 0 : i32
      %dma_wait3A_58 = arith.constant 0 : i32
      %dma_wait3A_59 = tpu.memref_slice %arg3[%add3A, %dma_wait3A, %dma_wait3A_58] : memref<32x80x128xi32, #tpu.memory_space<hbm>> -> memref<1x80x128xi32, #tpu.memory_space<hbm>>
      %dma_wait3A_60 = tpu.memref_squeeze %dma_wait3A_59 : memref<1x80x128xi32, #tpu.memory_space<hbm>> -> memref<80x128xi32, #tpu.memory_space<hbm>>
      %dma_wait3A_61 = arith.constant 0 : i32
      %dma_wait3A_62 = arith.constant 0 : i32
      %dma_wait3A_63 = tpu.memref_slice %arg3[%add3A, %dma_wait3A_61, %dma_wait3A_62] : memref<32x80x128xi32, #tpu.memory_space<hbm>> -> memref<1x80x128xi32, #tpu.memory_space<hbm>>
      %dma_wait3A_64 = tpu.memref_squeeze %dma_wait3A_63 : memref<1x80x128xi32, #tpu.memory_space<hbm>> -> memref<80x128xi32, #tpu.memory_space<hbm>>
      tpu.wait_dma2 semaphore(%run_scoped3A : memref<!tpu.dma_semaphore, #tpu.memory_space<semaphore_mem>>) src(%dma_wait3A_64 : memref<80x128xi32, #tpu.memory_space<hbm>>) dst(%arg7 : memref<80x128xi32, #tpu.memory_space<vmem>>)
      tpu.yield
    }) : () -> ()
    %lt3A = arith.constant 15 : i32
    %lt3A_3 = arith.cmpi slt, %arg1, %lt3A : i32
    %convert_element_type3A = arith.extui %lt3A_3 : i1 to i32
    %cond3A = arith.constant 0 : i32
    %cond3A_4 = arith.cmpi ne, %convert_element_type3A, %cond3A : i32
    scf.if %cond3A_4 {
      "tpu.region"() ({
        %run_scoped3A = tpu.sem_alloc : memref<!tpu.dma_semaphore, #tpu.memory_space<semaphore_mem>>
        %dma_start3A_50 = arith.constant 0 : i32
        %dma_start3A_51 = tpu.memref_slice %arg10[%mul3A_2, %dma_start3A_50] : memref<10048x128xf32, #tpu.memory_space<vmem_shared>> -> memref<632x128xf32, #tpu.memory_space<vmem_shared>>
        %dma_start3A_52 = arith.constant 0 : i32
        %dma_start3A_53 = tpu.memref_slice %arg5[%mul3A_2, %dma_start3A_52] : memref<10048x128xf32, #tpu.memory_space<hbm>> -> memref<632x128xf32, #tpu.memory_space<hbm>>
        tpu.enqueue_dma source(%dma_start3A_53 : memref<632x128xf32, #tpu.memory_space<hbm>>) target(%dma_start3A_51 : memref<632x128xf32, #tpu.memory_space<vmem_shared>>) target_semaphore(%run_scoped3A : memref<!tpu.dma_semaphore, #tpu.memory_space<semaphore_mem>>)
        %dma_wait3A = arith.constant 0 : i32
        %dma_wait3A_54 = tpu.memref_slice %arg10[%mul3A_2, %dma_wait3A] : memref<10048x128xf32, #tpu.memory_space<vmem_shared>> -> memref<632x128xf32, #tpu.memory_space<vmem_shared>>
        %dma_wait3A_55 = arith.constant 0 : i32
        %dma_wait3A_56 = tpu.memref_slice %arg5[%mul3A_2, %dma_wait3A_55] : memref<10048x128xf32, #tpu.memory_space<hbm>> -> memref<632x128xf32, #tpu.memory_space<hbm>>
        tpu.wait_dma2 semaphore(%run_scoped3A : memref<!tpu.dma_semaphore, #tpu.memory_space<semaphore_mem>>) src(%dma_wait3A_56 : memref<632x128xf32, #tpu.memory_space<hbm>>) dst(%dma_wait3A_54 : memref<632x128xf32, #tpu.memory_space<vmem_shared>>)
        tpu.yield
      }) : () -> ()
    } else {
    }
    %eq3A = arith.constant 15 : i32
    %eq3A_5 = arith.cmpi eq, %arg1, %eq3A : i32
    %convert_element_type3A_6 = arith.extui %eq3A_5 : i1 to i32
    %cond3A_7 = arith.constant 0 : i32
    %cond3A_8 = arith.cmpi ne, %convert_element_type3A_6, %cond3A_7 : i32
    scf.if %cond3A_8 {
      "tpu.region"() ({
        %run_scoped3A = tpu.sem_alloc : memref<!tpu.dma_semaphore, #tpu.memory_space<semaphore_mem>>
        %dma_start3A_50 = arith.constant 0 : i32
        %dma_start3A_51 = tpu.memref_slice %arg10[%mul3A_2, %dma_start3A_50] : memref<10048x128xf32, #tpu.memory_space<vmem_shared>> -> memref<568x128xf32, #tpu.memory_space<vmem_shared>>
        %dma_start3A_52 = arith.constant 0 : i32
        %dma_start3A_53 = tpu.memref_slice %arg5[%mul3A_2, %dma_start3A_52] : memref<10048x128xf32, #tpu.memory_space<hbm>> -> memref<568x128xf32, #tpu.memory_space<hbm>>
        tpu.enqueue_dma source(%dma_start3A_53 : memref<568x128xf32, #tpu.memory_space<hbm>>) target(%dma_start3A_51 : memref<568x128xf32, #tpu.memory_space<vmem_shared>>) target_semaphore(%run_scoped3A : memref<!tpu.dma_semaphore, #tpu.memory_space<semaphore_mem>>)
        %dma_wait3A = arith.constant 0 : i32
        %dma_wait3A_54 = tpu.memref_slice %arg10[%mul3A_2, %dma_wait3A] : memref<10048x128xf32, #tpu.memory_space<vmem_shared>> -> memref<568x128xf32, #tpu.memory_space<vmem_shared>>
        %dma_wait3A_55 = arith.constant 0 : i32
        %dma_wait3A_56 = tpu.memref_slice %arg5[%mul3A_2, %dma_wait3A_55] : memref<10048x128xf32, #tpu.memory_space<hbm>> -> memref<568x128xf32, #tpu.memory_space<hbm>>
        tpu.wait_dma2 semaphore(%run_scoped3A : memref<!tpu.dma_semaphore, #tpu.memory_space<semaphore_mem>>) src(%dma_wait3A_56 : memref<568x128xf32, #tpu.memory_space<hbm>>) dst(%dma_wait3A_54 : memref<568x128xf32, #tpu.memory_space<vmem_shared>>)
        tpu.yield
      }) : () -> ()
    } else {
    }
    %barrier3A = arith.constant 0 : index
    tpu.barrier barrier_id(%barrier3A)
    %dma_start3A = arith.constant 0 : i32
    %dma_start3A_9 = arith.constant 0 : i32
    %dma_start3A_10 = arith.constant 0 : i32
    %dma_start3A_11 = arith.constant 0 : i32
    %dma_start3A_12 = tpu.memref_slice %arg9[%dma_start3A_9, %dma_start3A_10, %dma_start3A_11] : memref<2x128x128xf32, #tpu.memory_space<vmem>> -> memref<1x128x128xf32, #tpu.memory_space<vmem>>
    %dma_start3A_13 = tpu.memref_squeeze %dma_start3A_12 : memref<1x128x128xf32, #tpu.memory_space<vmem>> -> memref<128x128xf32, #tpu.memory_space<vmem>>
    %dma_start3A_14 = arith.constant 0 : i32
    %dma_start3A_15 = tpu.memref_slice %arg7[%dma_start3A, %dma_start3A_14] : memref<80x128xi32, #tpu.memory_space<vmem>> -> memref<1x128xi32, #tpu.memory_space<vmem>>
    %dma_start3A_16 = tpu.memref_squeeze %dma_start3A_15 : memref<1x128xi32, #tpu.memory_space<vmem>> -> memref<128xi32, #tpu.memory_space<vmem>>
    %dma_start3A_17 = arith.constant 0 : i32
    %dma_start3A_18 = arith.constant 0 : i32
    %dma_start3A_19 = tpu.memref_slice %arg2[%dma_start3A_17, %dma_start3A_18] : memref<10000x128xf32, #tpu.memory_space<hbm>> -> memref<10000x128xf32, #tpu.memory_space<hbm>>
    tpu.enqueue_indirect_dma source(%dma_start3A_19 : memref<10000x128xf32, #tpu.memory_space<hbm>>) target(%dma_start3A_13 : memref<128x128xf32, #tpu.memory_space<vmem>>) offsets(%dma_start3A_16 : memref<128xi32, #tpu.memory_space<vmem>>) semaphore(%arg11 : memref<!tpu.dma_semaphore, #tpu.memory_space<semaphore_mem>>)
    %dma_start3A_20 = arith.constant 0 : i32
    %dma_start3A_21 = arith.constant 0 : i32
    %dma_start3A_22 = arith.constant 0 : i32
    %dma_start3A_23 = tpu.memref_slice %arg8[%dma_start3A_21, %dma_start3A_22] : memref<2x128xi32, #tpu.memory_space<vmem>> -> memref<1x128xi32, #tpu.memory_space<vmem>>
    %dma_start3A_24 = tpu.memref_squeeze %dma_start3A_23 : memref<1x128xi32, #tpu.memory_space<vmem>> -> memref<128xi32, #tpu.memory_space<vmem>>
    %dma_start3A_25 = arith.constant 0 : i32
    %dma_start3A_26 = tpu.memref_slice %arg4[%add3A, %dma_start3A_20, %dma_start3A_25] : memref<32x80x128xi32, #tpu.memory_space<hbm>> -> memref<1x1x128xi32, #tpu.memory_space<hbm>>
    %dma_start3A_27 = tpu.memref_squeeze %dma_start3A_26 : memref<1x1x128xi32, #tpu.memory_space<hbm>> -> memref<128xi32, #tpu.memory_space<hbm>>
    %dma_start3A_28 = arith.constant 0 : i32
    %dma_start3A_29 = tpu.memref_slice %arg8[%dma_start3A_21, %dma_start3A_28] : memref<2x128xi32, #tpu.memory_space<vmem>> -> memref<1x128xi32, #tpu.memory_space<vmem>>
    %dma_start3A_30 = tpu.memref_squeeze %dma_start3A_29 : memref<1x128xi32, #tpu.memory_space<vmem>> -> memref<128xi32, #tpu.memory_space<vmem>>
    %dma_start3A_31 = arith.constant 0 : i32
    %dma_start3A_32 = tpu.memref_slice %arg4[%add3A, %dma_start3A_20, %dma_start3A_31] : memref<32x80x128xi32, #tpu.memory_space<hbm>> -> memref<1x1x128xi32, #tpu.memory_space<hbm>>
    %dma_start3A_33 = tpu.memref_squeeze %dma_start3A_32 : memref<1x1x128xi32, #tpu.memory_space<hbm>> -> memref<128xi32, #tpu.memory_space<hbm>>
    tpu.enqueue_dma source(%dma_start3A_33 : memref<128xi32, #tpu.memory_space<hbm>>) target(%dma_start3A_30 : memref<128xi32, #tpu.memory_space<vmem>>) target_semaphore(%arg11 : memref<!tpu.dma_semaphore, #tpu.memory_space<semaphore_mem>>)
    %scan3A = arith.constant 0 : i32
    %scan3A_34 = arith.constant 0 : i32
    %scan3A_35 = arith.constant 40 : i32
    %scan3A_36 = arith.addi %scan3A_34, %scan3A_35 : i32
    %scan3A_37 = arith.constant 1 : i32
    scf.for %scan3A_50 = %scan3A_34 to %scan3A_36 step %scan3A_37  : i32 {
      %mul3A_51 = arith.constant 2 : i32
      %mul3A_52 = arith.muli %scan3A_50, %mul3A_51 : i32
      %add3A_53 = arith.constant 1 : i32
      %add3A_54 = arith.addi %mul3A_52, %add3A_53 : i32
      %dma_start3A_55 = arith.constant 1 : i32
      %dma_start3A_56 = arith.constant 0 : i32
      %dma_start3A_57 = arith.constant 0 : i32
      %dma_start3A_58 = tpu.memref_slice %arg9[%dma_start3A_55, %dma_start3A_56, %dma_start3A_57] : memref<2x128x128xf32, #tpu.memory_space<vmem>> -> memref<1x128x128xf32, #tpu.memory_space<vmem>>
      %dma_start3A_59 = tpu.memref_squeeze %dma_start3A_58 : memref<1x128x128xf32, #tpu.memory_space<vmem>> -> memref<128x128xf32, #tpu.memory_space<vmem>>
      %dma_start3A_60 = arith.constant 0 : i32
      %dma_start3A_61 = tpu.memref_slice %arg7[%add3A_54, %dma_start3A_60] : memref<80x128xi32, #tpu.memory_space<vmem>> -> memref<1x128xi32, #tpu.memory_space<vmem>>
      %dma_start3A_62 = tpu.memref_squeeze %dma_start3A_61 : memref<1x128xi32, #tpu.memory_space<vmem>> -> memref<128xi32, #tpu.memory_space<vmem>>
      %dma_start3A_63 = arith.constant 0 : i32
      %dma_start3A_64 = arith.constant 0 : i32
      %dma_start3A_65 = tpu.memref_slice %arg2[%dma_start3A_63, %dma_start3A_64] : memref<10000x128xf32, #tpu.memory_space<hbm>> -> memref<10000x128xf32, #tpu.memory_space<hbm>>
      tpu.enqueue_indirect_dma source(%dma_start3A_65 : memref<10000x128xf32, #tpu.memory_space<hbm>>) target(%dma_start3A_59 : memref<128x128xf32, #tpu.memory_space<vmem>>) offsets(%dma_start3A_62 : memref<128xi32, #tpu.memory_space<vmem>>) semaphore(%arg12 : memref<!tpu.dma_semaphore, #tpu.memory_space<semaphore_mem>>)
      %dma_start3A_66 = arith.constant 1 : i32
      %dma_start3A_67 = arith.constant 0 : i32
      %dma_start3A_68 = tpu.memref_slice %arg8[%dma_start3A_66, %dma_start3A_67] : memref<2x128xi32, #tpu.memory_space<vmem>> -> memref<1x128xi32, #tpu.memory_space<vmem>>
      %dma_start3A_69 = tpu.memref_squeeze %dma_start3A_68 : memref<1x128xi32, #tpu.memory_space<vmem>> -> memref<128xi32, #tpu.memory_space<vmem>>
      %dma_start3A_70 = arith.constant 0 : i32
      %dma_start3A_71 = tpu.memref_slice %arg4[%add3A, %add3A_54, %dma_start3A_70] : memref<32x80x128xi32, #tpu.memory_space<hbm>> -> memref<1x1x128xi32, #tpu.memory_space<hbm>>
      %dma_start3A_72 = tpu.memref_squeeze %dma_start3A_71 : memref<1x1x128xi32, #tpu.memory_space<hbm>> -> memref<128xi32, #tpu.memory_space<hbm>>
      %dma_start3A_73 = arith.constant 0 : i32
      %dma_start3A_74 = tpu.memref_slice %arg8[%dma_start3A_66, %dma_start3A_73] : memref<2x128xi32, #tpu.memory_space<vmem>> -> memref<1x128xi32, #tpu.memory_space<vmem>>
      %dma_start3A_75 = tpu.memref_squeeze %dma_start3A_74 : memref<1x128xi32, #tpu.memory_space<vmem>> -> memref<128xi32, #tpu.memory_space<vmem>>
      %dma_start3A_76 = arith.constant 0 : i32
      %dma_start3A_77 = tpu.memref_slice %arg4[%add3A, %add3A_54, %dma_start3A_76] : memref<32x80x128xi32, #tpu.memory_space<hbm>> -> memref<1x1x128xi32, #tpu.memory_space<hbm>>
      %dma_start3A_78 = tpu.memref_squeeze %dma_start3A_77 : memref<1x1x128xi32, #tpu.memory_space<hbm>> -> memref<128xi32, #tpu.memory_space<hbm>>
      tpu.enqueue_dma source(%dma_start3A_78 : memref<128xi32, #tpu.memory_space<hbm>>) target(%dma_start3A_75 : memref<128xi32, #tpu.memory_space<vmem>>) target_semaphore(%arg12 : memref<!tpu.dma_semaphore, #tpu.memory_space<semaphore_mem>>)
      %dma_wait3A = arith.constant 0 : i32
      %dma_wait3A_79 = arith.constant 0 : i32
      %dma_wait3A_80 = arith.constant 0 : i32
      %dma_wait3A_81 = tpu.memref_slice %arg9[%dma_wait3A, %dma_wait3A_79, %dma_wait3A_80] : memref<2x128x128xf32, #tpu.memory_space<vmem>> -> memref<1x128x128xf32, #tpu.memory_space<vmem>>
      %dma_wait3A_82 = tpu.memref_squeeze %dma_wait3A_81 : memref<1x128x128xf32, #tpu.memory_space<vmem>> -> memref<128x128xf32, #tpu.memory_space<vmem>>
      %dma_wait3A_83 = arith.constant 0 : i32
      %dma_wait3A_84 = tpu.memref_slice %arg7[%mul3A_52, %dma_wait3A_83] : memref<80x128xi32, #tpu.memory_space<vmem>> -> memref<1x128xi32, #tpu.memory_space<vmem>>
      %dma_wait3A_85 = tpu.memref_squeeze %dma_wait3A_84 : memref<1x128xi32, #tpu.memory_space<vmem>> -> memref<128xi32, #tpu.memory_space<vmem>>
      %dma_wait3A_86 = arith.constant 0 : i32
      %dma_wait3A_87 = arith.constant 0 : i32
      %dma_wait3A_88 = tpu.memref_slice %arg2[%dma_wait3A_86, %dma_wait3A_87] : memref<10000x128xf32, #tpu.memory_space<hbm>> -> memref<10000x128xf32, #tpu.memory_space<hbm>>
      tpu.wait_indirect_dma semaphore(%arg11 : memref<!tpu.dma_semaphore, #tpu.memory_space<semaphore_mem>>) src(%dma_wait3A_88 : memref<10000x128xf32, #tpu.memory_space<hbm>>) dst(%dma_wait3A_82 : memref<128x128xf32, #tpu.memory_space<vmem>>)
      %dma_wait3A_89 = arith.constant 0 : i32
      %dma_wait3A_90 = arith.constant 0 : i32
      %dma_wait3A_91 = tpu.memref_slice %arg8[%dma_wait3A_89, %dma_wait3A_90] : memref<2x128xi32, #tpu.memory_space<vmem>> -> memref<1x128xi32, #tpu.memory_space<vmem>>
      %dma_wait3A_92 = tpu.memref_squeeze %dma_wait3A_91 : memref<1x128xi32, #tpu.memory_space<vmem>> -> memref<128xi32, #tpu.memory_space<vmem>>
      %dma_wait3A_93 = arith.constant 0 : i32
      %dma_wait3A_94 = tpu.memref_slice %arg4[%add3A, %mul3A_52, %dma_wait3A_93] : memref<32x80x128xi32, #tpu.memory_space<hbm>> -> memref<1x1x128xi32, #tpu.memory_space<hbm>>
      %dma_wait3A_95 = tpu.memref_squeeze %dma_wait3A_94 : memref<1x1x128xi32, #tpu.memory_space<hbm>> -> memref<128xi32, #tpu.memory_space<hbm>>
      %dma_wait3A_96 = arith.constant 0 : i32
      %dma_wait3A_97 = tpu.memref_slice %arg8[%dma_wait3A_89, %dma_wait3A_96] : memref<2x128xi32, #tpu.memory_space<vmem>> -> memref<1x128xi32, #tpu.memory_space<vmem>>
      %dma_wait3A_98 = tpu.memref_squeeze %dma_wait3A_97 : memref<1x128xi32, #tpu.memory_space<vmem>> -> memref<128xi32, #tpu.memory_space<vmem>>
      %dma_wait3A_99 = arith.constant 0 : i32
      %dma_wait3A_100 = tpu.memref_slice %arg4[%add3A, %mul3A_52, %dma_wait3A_99] : memref<32x80x128xi32, #tpu.memory_space<hbm>> -> memref<1x1x128xi32, #tpu.memory_space<hbm>>
      %dma_wait3A_101 = tpu.memref_squeeze %dma_wait3A_100 : memref<1x1x128xi32, #tpu.memory_space<hbm>> -> memref<128xi32, #tpu.memory_space<hbm>>
      tpu.wait_dma2 semaphore(%arg11 : memref<!tpu.dma_semaphore, #tpu.memory_space<semaphore_mem>>) src(%dma_wait3A_101 : memref<128xi32, #tpu.memory_space<hbm>>) dst(%dma_wait3A_98 : memref<128xi32, #tpu.memory_space<vmem>>)
      %run_scoped3A = arith.constant 0 : i32
      %run_scoped3A_102 = arith.constant 0 : i32
      "tpu.region"() ({
        %run_scoped3A_138 = tpu.sem_alloc : memref<!tpu.dma_semaphore, #tpu.memory_space<semaphore_mem>>
        %dma_start3A_139 = arith.constant 0 : i32
        %dma_start3A_140 = arith.constant 0 : i32
        %dma_start3A_141 = tpu.memref_slice %arg9[%run_scoped3A, %dma_start3A_139, %dma_start3A_140] : memref<2x128x128xf32, #tpu.memory_space<vmem>> -> memref<1x128x128xf32, #tpu.memory_space<vmem>>
        %dma_start3A_142 = tpu.memref_squeeze %dma_start3A_141 : memref<1x128x128xf32, #tpu.memory_space<vmem>> -> memref<128x128xf32, #tpu.memory_space<vmem>>
        %dma_start3A_143 = arith.constant 0 : i32
        %dma_start3A_144 = tpu.memref_slice %arg8[%run_scoped3A_102, %dma_start3A_143] : memref<2x128xi32, #tpu.memory_space<vmem>> -> memref<1x128xi32, #tpu.memory_space<vmem>>
        %dma_start3A_145 = tpu.memref_squeeze %dma_start3A_144 : memref<1x128xi32, #tpu.memory_space<vmem>> -> memref<128xi32, #tpu.memory_space<vmem>>
        %dma_start3A_146 = arith.constant 0 : i32
        %dma_start3A_147 = arith.constant 0 : i32
        %dma_start3A_148 = tpu.memref_slice %arg10[%dma_start3A_146, %dma_start3A_147] : memref<10048x128xf32, #tpu.memory_space<vmem_shared>> -> memref<10048x128xf32, #tpu.memory_space<vmem_shared>>
        tpu.enqueue_indirect_dma source(%dma_start3A_142 : memref<128x128xf32, #tpu.memory_space<vmem>>) target(%dma_start3A_148 : memref<10048x128xf32, #tpu.memory_space<vmem_shared>>) offsets(%dma_start3A_145 : memref<128xi32, #tpu.memory_space<vmem>>) semaphore(%run_scoped3A_138 : memref<!tpu.dma_semaphore, #tpu.memory_space<semaphore_mem>>) {add = true}
        %dma_wait3A_149 = arith.constant 0 : i32
        %dma_wait3A_150 = arith.constant 0 : i32
        %dma_wait3A_151 = tpu.memref_slice %arg9[%run_scoped3A, %dma_wait3A_149, %dma_wait3A_150] : memref<2x128x128xf32, #tpu.memory_space<vmem>> -> memref<1x128x128xf32, #tpu.memory_space<vmem>>
        %dma_wait3A_152 = tpu.memref_squeeze %dma_wait3A_151 : memref<1x128x128xf32, #tpu.memory_space<vmem>> -> memref<128x128xf32, #tpu.memory_space<vmem>>
        %dma_wait3A_153 = arith.constant 0 : i32
        %dma_wait3A_154 = tpu.memref_slice %arg8[%run_scoped3A_102, %dma_wait3A_153] : memref<2x128xi32, #tpu.memory_space<vmem>> -> memref<1x128xi32, #tpu.memory_space<vmem>>
        %dma_wait3A_155 = tpu.memref_squeeze %dma_wait3A_154 : memref<1x128xi32, #tpu.memory_space<vmem>> -> memref<128xi32, #tpu.memory_space<vmem>>
        %dma_wait3A_156 = arith.constant 0 : i32
        %dma_wait3A_157 = arith.constant 0 : i32
        %dma_wait3A_158 = tpu.memref_slice %arg10[%dma_wait3A_156, %dma_wait3A_157] : memref<10048x128xf32, #tpu.memory_space<vmem_shared>> -> memref<10048x128xf32, #tpu.memory_space<vmem_shared>>
        tpu.wait_indirect_dma semaphore(%run_scoped3A_138 : memref<!tpu.dma_semaphore, #tpu.memory_space<semaphore_mem>>) src(%dma_wait3A_152 : memref<128x128xf32, #tpu.memory_space<vmem>>) dst(%dma_wait3A_158 : memref<10048x128xf32, #tpu.memory_space<vmem_shared>>)
        tpu.yield
      }) : () -> ()
      %lt3A_103 = arith.constant 39 : i32
      %lt3A_104 = arith.cmpi slt, %scan3A_50, %lt3A_103 : i32
      %convert_element_type3A_105 = arith.extui %lt3A_104 : i1 to i32
      %cond3A_106 = arith.constant 0 : i32
      %cond3A_107 = arith.cmpi ne, %convert_element_type3A_105, %cond3A_106 : i32
      scf.if %cond3A_107 {
        %add3A_138 = arith.constant 2 : i32
        %add3A_139 = arith.addi %mul3A_52, %add3A_138 : i32
        %dma_start3A_140 = arith.constant 0 : i32
        %dma_start3A_141 = arith.constant 0 : i32
        %dma_start3A_142 = arith.constant 0 : i32
        %dma_start3A_143 = tpu.memref_slice %arg9[%dma_start3A_140, %dma_start3A_141, %dma_start3A_142] : memref<2x128x128xf32, #tpu.memory_space<vmem>> -> memref<1x128x128xf32, #tpu.memory_space<vmem>>
        %dma_start3A_144 = tpu.memref_squeeze %dma_start3A_143 : memref<1x128x128xf32, #tpu.memory_space<vmem>> -> memref<128x128xf32, #tpu.memory_space<vmem>>
        %dma_start3A_145 = arith.constant 0 : i32
        %dma_start3A_146 = tpu.memref_slice %arg7[%add3A_139, %dma_start3A_145] : memref<80x128xi32, #tpu.memory_space<vmem>> -> memref<1x128xi32, #tpu.memory_space<vmem>>
        %dma_start3A_147 = tpu.memref_squeeze %dma_start3A_146 : memref<1x128xi32, #tpu.memory_space<vmem>> -> memref<128xi32, #tpu.memory_space<vmem>>
        %dma_start3A_148 = arith.constant 0 : i32
        %dma_start3A_149 = arith.constant 0 : i32
        %dma_start3A_150 = tpu.memref_slice %arg2[%dma_start3A_148, %dma_start3A_149] : memref<10000x128xf32, #tpu.memory_space<hbm>> -> memref<10000x128xf32, #tpu.memory_space<hbm>>
        tpu.enqueue_indirect_dma source(%dma_start3A_150 : memref<10000x128xf32, #tpu.memory_space<hbm>>) target(%dma_start3A_144 : memref<128x128xf32, #tpu.memory_space<vmem>>) offsets(%dma_start3A_147 : memref<128xi32, #tpu.memory_space<vmem>>) semaphore(%arg11 : memref<!tpu.dma_semaphore, #tpu.memory_space<semaphore_mem>>)
        %dma_start3A_151 = arith.constant 0 : i32
        %dma_start3A_152 = arith.constant 0 : i32
        %dma_start3A_153 = tpu.memref_slice %arg8[%dma_start3A_151, %dma_start3A_152] : memref<2x128xi32, #tpu.memory_space<vmem>> -> memref<1x128xi32, #tpu.memory_space<vmem>>
        %dma_start3A_154 = tpu.memref_squeeze %dma_start3A_153 : memref<1x128xi32, #tpu.memory_space<vmem>> -> memref<128xi32, #tpu.memory_space<vmem>>
        %dma_start3A_155 = arith.constant 0 : i32
        %dma_start3A_156 = tpu.memref_slice %arg4[%add3A, %add3A_139, %dma_start3A_155] : memref<32x80x128xi32, #tpu.memory_space<hbm>> -> memref<1x1x128xi32, #tpu.memory_space<hbm>>
        %dma_start3A_157 = tpu.memref_squeeze %dma_start3A_156 : memref<1x1x128xi32, #tpu.memory_space<hbm>> -> memref<128xi32, #tpu.memory_space<hbm>>
        %dma_start3A_158 = arith.constant 0 : i32
        %dma_start3A_159 = tpu.memref_slice %arg8[%dma_start3A_151, %dma_start3A_158] : memref<2x128xi32, #tpu.memory_space<vmem>> -> memref<1x128xi32, #tpu.memory_space<vmem>>
        %dma_start3A_160 = tpu.memref_squeeze %dma_start3A_159 : memref<1x128xi32, #tpu.memory_space<vmem>> -> memref<128xi32, #tpu.memory_space<vmem>>
        %dma_start3A_161 = arith.constant 0 : i32
        %dma_start3A_162 = tpu.memref_slice %arg4[%add3A, %add3A_139, %dma_start3A_161] : memref<32x80x128xi32, #tpu.memory_space<hbm>> -> memref<1x1x128xi32, #tpu.memory_space<hbm>>
        %dma_start3A_163 = tpu.memref_squeeze %dma_start3A_162 : memref<1x1x128xi32, #tpu.memory_space<hbm>> -> memref<128xi32, #tpu.memory_space<hbm>>
        tpu.enqueue_dma source(%dma_start3A_163 : memref<128xi32, #tpu.memory_space<hbm>>) target(%dma_start3A_160 : memref<128xi32, #tpu.memory_space<vmem>>) target_semaphore(%arg11 : memref<!tpu.dma_semaphore, #tpu.memory_space<semaphore_mem>>)
      } else {
      }
      %add3A_108 = arith.constant 1 : i32
      %add3A_109 = arith.addi %mul3A_52, %add3A_108 : i32
      %dma_wait3A_110 = arith.constant 1 : i32
      %dma_wait3A_111 = arith.constant 0 : i32
      %dma_wait3A_112 = arith.constant 0 : i32
      %dma_wait3A_113 = tpu.memref_slice %arg9[%dma_wait3A_110, %dma_wait3A_111, %dma_wait3A_112] : memref<2x128x128xf32, #tpu.memory_space<vmem>> -> memref<1x128x128xf32, #tpu.memory_space<vmem>>
      %dma_wait3A_114 = tpu.memref_squeeze %dma_wait3A_113 : memref<1x128x128xf32, #tpu.memory_space<vmem>> -> memref<128x128xf32, #tpu.memory_space<vmem>>
      %dma_wait3A_115 = arith.constant 0 : i32
      %dma_wait3A_116 = tpu.memref_slice %arg7[%add3A_109, %dma_wait3A_115] : memref<80x128xi32, #tpu.memory_space<vmem>> -> memref<1x128xi32, #tpu.memory_space<vmem>>
      %dma_wait3A_117 = tpu.memref_squeeze %dma_wait3A_116 : memref<1x128xi32, #tpu.memory_space<vmem>> -> memref<128xi32, #tpu.memory_space<vmem>>
      %dma_wait3A_118 = arith.constant 0 : i32
      %dma_wait3A_119 = arith.constant 0 : i32
      %dma_wait3A_120 = tpu.memref_slice %arg2[%dma_wait3A_118, %dma_wait3A_119] : memref<10000x128xf32, #tpu.memory_space<hbm>> -> memref<10000x128xf32, #tpu.memory_space<hbm>>
      tpu.wait_indirect_dma semaphore(%arg12 : memref<!tpu.dma_semaphore, #tpu.memory_space<semaphore_mem>>) src(%dma_wait3A_120 : memref<10000x128xf32, #tpu.memory_space<hbm>>) dst(%dma_wait3A_114 : memref<128x128xf32, #tpu.memory_space<vmem>>)
      %dma_wait3A_121 = arith.constant 1 : i32
      %dma_wait3A_122 = arith.constant 0 : i32
      %dma_wait3A_123 = tpu.memref_slice %arg8[%dma_wait3A_121, %dma_wait3A_122] : memref<2x128xi32, #tpu.memory_space<vmem>> -> memref<1x128xi32, #tpu.memory_space<vmem>>
      %dma_wait3A_124 = tpu.memref_squeeze %dma_wait3A_123 : memref<1x128xi32, #tpu.memory_space<vmem>> -> memref<128xi32, #tpu.memory_space<vmem>>
      %dma_wait3A_125 = arith.constant 0 : i32
      %dma_wait3A_126 = tpu.memref_slice %arg4[%add3A, %add3A_109, %dma_wait3A_125] : memref<32x80x128xi32, #tpu.memory_space<hbm>> -> memref<1x1x128xi32, #tpu.memory_space<hbm>>
      %dma_wait3A_127 = tpu.memref_squeeze %dma_wait3A_126 : memref<1x1x128xi32, #tpu.memory_space<hbm>> -> memref<128xi32, #tpu.memory_space<hbm>>
      %dma_wait3A_128 = arith.constant 0 : i32
      %dma_wait3A_129 = tpu.memref_slice %arg8[%dma_wait3A_121, %dma_wait3A_128] : memref<2x128xi32, #tpu.memory_space<vmem>> -> memref<1x128xi32, #tpu.memory_space<vmem>>
      %dma_wait3A_130 = tpu.memref_squeeze %dma_wait3A_129 : memref<1x128xi32, #tpu.memory_space<vmem>> -> memref<128xi32, #tpu.memory_space<vmem>>
      %dma_wait3A_131 = arith.constant 0 : i32
      %dma_wait3A_132 = tpu.memref_slice %arg4[%add3A, %add3A_109, %dma_wait3A_131] : memref<32x80x128xi32, #tpu.memory_space<hbm>> -> memref<1x1x128xi32, #tpu.memory_space<hbm>>
      %dma_wait3A_133 = tpu.memref_squeeze %dma_wait3A_132 : memref<1x1x128xi32, #tpu.memory_space<hbm>> -> memref<128xi32, #tpu.memory_space<hbm>>
      tpu.wait_dma2 semaphore(%arg12 : memref<!tpu.dma_semaphore, #tpu.memory_space<semaphore_mem>>) src(%dma_wait3A_133 : memref<128xi32, #tpu.memory_space<hbm>>) dst(%dma_wait3A_130 : memref<128xi32, #tpu.memory_space<vmem>>)
      %add3A_134 = arith.constant 1 : i32
      %add3A_135 = arith.addi %mul3A_52, %add3A_134 : i32
      %run_scoped3A_136 = arith.constant 1 : i32
      %run_scoped3A_137 = arith.constant 1 : i32
      "tpu.region"() ({
        %run_scoped3A_138 = tpu.sem_alloc : memref<!tpu.dma_semaphore, #tpu.memory_space<semaphore_mem>>
        %dma_start3A_139 = arith.constant 0 : i32
        %dma_start3A_140 = arith.constant 0 : i32
        %dma_start3A_141 = tpu.memref_slice %arg9[%run_scoped3A_136, %dma_start3A_139, %dma_start3A_140] : memref<2x128x128xf32, #tpu.memory_space<vmem>> -> memref<1x128x128xf32, #tpu.memory_space<vmem>>
        %dma_start3A_142 = tpu.memref_squeeze %dma_start3A_141 : memref<1x128x128xf32, #tpu.memory_space<vmem>> -> memref<128x128xf32, #tpu.memory_space<vmem>>
        %dma_start3A_143 = arith.constant 0 : i32
        %dma_start3A_144 = tpu.memref_slice %arg8[%run_scoped3A_137, %dma_start3A_143] : memref<2x128xi32, #tpu.memory_space<vmem>> -> memref<1x128xi32, #tpu.memory_space<vmem>>
        %dma_start3A_145 = tpu.memref_squeeze %dma_start3A_144 : memref<1x128xi32, #tpu.memory_space<vmem>> -> memref<128xi32, #tpu.memory_space<vmem>>
        %dma_start3A_146 = arith.constant 0 : i32
        %dma_start3A_147 = arith.constant 0 : i32
        %dma_start3A_148 = tpu.memref_slice %arg10[%dma_start3A_146, %dma_start3A_147] : memref<10048x128xf32, #tpu.memory_space<vmem_shared>> -> memref<10048x128xf32, #tpu.memory_space<vmem_shared>>
        tpu.enqueue_indirect_dma source(%dma_start3A_142 : memref<128x128xf32, #tpu.memory_space<vmem>>) target(%dma_start3A_148 : memref<10048x128xf32, #tpu.memory_space<vmem_shared>>) offsets(%dma_start3A_145 : memref<128xi32, #tpu.memory_space<vmem>>) semaphore(%run_scoped3A_138 : memref<!tpu.dma_semaphore, #tpu.memory_space<semaphore_mem>>) {add = true}
        %dma_wait3A_149 = arith.constant 0 : i32
        %dma_wait3A_150 = arith.constant 0 : i32
        %dma_wait3A_151 = tpu.memref_slice %arg9[%run_scoped3A_136, %dma_wait3A_149, %dma_wait3A_150] : memref<2x128x128xf32, #tpu.memory_space<vmem>> -> memref<1x128x128xf32, #tpu.memory_space<vmem>>
        %dma_wait3A_152 = tpu.memref_squeeze %dma_wait3A_151 : memref<1x128x128xf32, #tpu.memory_space<vmem>> -> memref<128x128xf32, #tpu.memory_space<vmem>>
        %dma_wait3A_153 = arith.constant 0 : i32
        %dma_wait3A_154 = tpu.memref_slice %arg8[%run_scoped3A_137, %dma_wait3A_153] : memref<2x128xi32, #tpu.memory_space<vmem>> -> memref<1x128xi32, #tpu.memory_space<vmem>>
        %dma_wait3A_155 = tpu.memref_squeeze %dma_wait3A_154 : memref<1x128xi32, #tpu.memory_space<vmem>> -> memref<128xi32, #tpu.memory_space<vmem>>
        %dma_wait3A_156 = arith.constant 0 : i32
        %dma_wait3A_157 = arith.constant 0 : i32
        %dma_wait3A_158 = tpu.memref_slice %arg10[%dma_wait3A_156, %dma_wait3A_157] : memref<10048x128xf32, #tpu.memory_space<vmem_shared>> -> memref<10048x128xf32, #tpu.memory_space<vmem_shared>>
        tpu.wait_indirect_dma semaphore(%run_scoped3A_138 : memref<!tpu.dma_semaphore, #tpu.memory_space<semaphore_mem>>) src(%dma_wait3A_152 : memref<128x128xf32, #tpu.memory_space<vmem>>) dst(%dma_wait3A_158 : memref<10048x128xf32, #tpu.memory_space<vmem_shared>>)
        tpu.yield
      }) : () -> ()
    }
    %scan3A_38 = arith.constant 40 : i32
    %barrier3A_39 = arith.constant 0 : index
    tpu.barrier barrier_id(%barrier3A_39)
    %lt3A_40 = arith.constant 15 : i32
    %lt3A_41 = arith.cmpi slt, %arg1, %lt3A_40 : i32
    %convert_element_type3A_42 = arith.extui %lt3A_41 : i1 to i32
    %cond3A_43 = arith.constant 0 : i32
    %cond3A_44 = arith.cmpi ne, %convert_element_type3A_42, %cond3A_43 : i32
    scf.if %cond3A_44 {
      "tpu.region"() ({
        %run_scoped3A = tpu.sem_alloc : memref<!tpu.dma_semaphore, #tpu.memory_space<semaphore_mem>>
        %dma_start3A_50 = arith.constant 0 : i32
        %dma_start3A_51 = tpu.memref_slice %arg6[%arg0, %mul3A_2, %dma_start3A_50] : memref<2x10048x128xf32, #tpu.memory_space<hbm>> -> memref<1x632x128xf32, #tpu.memory_space<hbm>>
        %dma_start3A_52 = tpu.memref_squeeze %dma_start3A_51 : memref<1x632x128xf32, #tpu.memory_space<hbm>> -> memref<632x128xf32, #tpu.memory_space<hbm>>
        %dma_start3A_53 = arith.constant 0 : i32
        %dma_start3A_54 = tpu.memref_slice %arg10[%mul3A_2, %dma_start3A_53] : memref<10048x128xf32, #tpu.memory_space<vmem_shared>> -> memref<632x128xf32, #tpu.memory_space<vmem_shared>>
        tpu.enqueue_dma source(%dma_start3A_54 : memref<632x128xf32, #tpu.memory_space<vmem_shared>>) target(%dma_start3A_52 : memref<632x128xf32, #tpu.memory_space<hbm>>) target_semaphore(%run_scoped3A : memref<!tpu.dma_semaphore, #tpu.memory_space<semaphore_mem>>)
        %dma_wait3A = arith.constant 0 : i32
        %dma_wait3A_55 = tpu.memref_slice %arg6[%arg0, %mul3A_2, %dma_wait3A] : memref<2x10048x128xf32, #tpu.memory_space<hbm>> -> memref<1x632x128xf32, #tpu.memory_space<hbm>>
        %dma_wait3A_56 = tpu.memref_squeeze %dma_wait3A_55 : memref<1x632x128xf32, #tpu.memory_space<hbm>> -> memref<632x128xf32, #tpu.memory_space<hbm>>
        %dma_wait3A_57 = arith.constant 0 : i32
        %dma_wait3A_58 = tpu.memref_slice %arg10[%mul3A_2, %dma_wait3A_57] : memref<10048x128xf32, #tpu.memory_space<vmem_shared>> -> memref<632x128xf32, #tpu.memory_space<vmem_shared>>
        tpu.wait_dma2 semaphore(%run_scoped3A : memref<!tpu.dma_semaphore, #tpu.memory_space<semaphore_mem>>) src(%dma_wait3A_58 : memref<632x128xf32, #tpu.memory_space<vmem_shared>>) dst(%dma_wait3A_56 : memref<632x128xf32, #tpu.memory_space<hbm>>)
        tpu.yield
      }) : () -> ()
    } else {
    }
    %eq3A_45 = arith.constant 15 : i32
    %eq3A_46 = arith.cmpi eq, %arg1, %eq3A_45 : i32
    %convert_element_type3A_47 = arith.extui %eq3A_46 : i1 to i32
    %cond3A_48 = arith.constant 0 : i32
    %cond3A_49 = arith.cmpi ne, %convert_element_type3A_47, %cond3A_48 : i32
    scf.if %cond3A_49 {
      "tpu.region"() ({
        %run_scoped3A = tpu.sem_alloc : memref<!tpu.dma_semaphore, #tpu.memory_space<semaphore_mem>>
        %dma_start3A_50 = arith.constant 0 : i32
        %dma_start3A_51 = tpu.memref_slice %arg6[%arg0, %mul3A_2, %dma_start3A_50] : memref<2x10048x128xf32, #tpu.memory_space<hbm>> -> memref<1x568x128xf32, #tpu.memory_space<hbm>>
        %dma_start3A_52 = tpu.memref_squeeze %dma_start3A_51 : memref<1x568x128xf32, #tpu.memory_space<hbm>> -> memref<568x128xf32, #tpu.memory_space<hbm>>
        %dma_start3A_53 = arith.constant 0 : i32
        %dma_start3A_54 = tpu.memref_slice %arg10[%mul3A_2, %dma_start3A_53] : memref<10048x128xf32, #tpu.memory_space<vmem_shared>> -> memref<568x128xf32, #tpu.memory_space<vmem_shared>>
        tpu.enqueue_dma source(%dma_start3A_54 : memref<568x128xf32, #tpu.memory_space<vmem_shared>>) target(%dma_start3A_52 : memref<568x128xf32, #tpu.memory_space<hbm>>) target_semaphore(%run_scoped3A : memref<!tpu.dma_semaphore, #tpu.memory_space<semaphore_mem>>)
        %dma_wait3A = arith.constant 0 : i32
        %dma_wait3A_55 = tpu.memref_slice %arg6[%arg0, %mul3A_2, %dma_wait3A] : memref<2x10048x128xf32, #tpu.memory_space<hbm>> -> memref<1x568x128xf32, #tpu.memory_space<hbm>>
        %dma_wait3A_56 = tpu.memref_squeeze %dma_wait3A_55 : memref<1x568x128xf32, #tpu.memory_space<hbm>> -> memref<568x128xf32, #tpu.memory_space<hbm>>
        %dma_wait3A_57 = arith.constant 0 : i32
        %dma_wait3A_58 = tpu.memref_slice %arg10[%mul3A_2, %dma_wait3A_57] : memref<10048x128xf32, #tpu.memory_space<vmem_shared>> -> memref<568x128xf32, #tpu.memory_space<vmem_shared>>
        tpu.wait_dma2 semaphore(%run_scoped3A : memref<!tpu.dma_semaphore, #tpu.memory_space<semaphore_mem>>) src(%dma_wait3A_58 : memref<568x128xf32, #tpu.memory_space<vmem_shared>>) dst(%dma_wait3A_56 : memref<568x128xf32, #tpu.memory_space<hbm>>)
        tpu.yield
      }) : () -> ()
    } else {
    }
    return
  }
}

#map = affine_map<(d0, d1) -> (0, 0)>
#map1 = affine_map<(d0, d1) -> (0, 0, 0)>
module attributes {stable_mosaic.version = 14 : i64} {
  func.func @body(%arg0: i32, %arg1: i32, %arg2: memref<10000x128xf32, #tpu.memory_space<hbm>>, %arg3: memref<32x80x128xi32, #tpu.memory_space<hbm>>, %arg4: memref<32x80x128xi32, #tpu.memory_space<hbm>>, %arg5: memref<10048x128xf32, #tpu.memory_space<hbm>>, %arg6: memref<2x10048x128xf32, #tpu.memory_space<hbm>>, %arg7: memref<80x128xi32, #tpu.memory_space<vmem>>, %arg8: memref<2x128xi32, #tpu.memory_space<vmem>>, %arg9: memref<2x128x128xf32, #tpu.memory_space<vmem>>, %arg10: memref<10048x128xf32, #tpu.memory_space<vmem_shared>>, %arg11: memref<!tpu.dma_semaphore, #tpu.memory_space<semaphore_mem>>, %arg12: memref<!tpu.dma_semaphore, #tpu.memory_space<semaphore_mem>>) attributes {dimension_semantics = [#tpu.dimension_semantics<core_parallel>, #tpu.dimension_semantics<subcore_parallel>], iteration_bounds = array<i64: 2, 16>, scalar_prefetch = 0 : i64, scratch_operands = 6 : i64, tpu.core_type = #tpu.core_type<sc_vector_subcore>, window_params = [{transform_indices = #map}, {transform_indices = #map1}, {transform_indices = #map1}, {transform_indices = #map}, {transform_indices = #map1}]} {
    %mul3A = arith.constant 16 : i32
    %mul3A_0 = arith.muli %arg0, %mul3A : i32
    %add3A = arith.addi %mul3A_0, %arg1 : i32
    %mul3A_1 = arith.constant 632 : i32
    %mul3A_2 = arith.muli %arg1, %mul3A_1 : i32
    "tpu.region"() ({
      %run_scoped3A = tpu.sem_alloc : memref<!tpu.dma_semaphore, #tpu.memory_space<semaphore_mem>>
      %dma_start3A_50 = arith.constant 0 : i32
      %dma_start3A_51 = arith.constant 0 : i32
      %dma_start3A_52 = tpu.memref_slice %arg3[%add3A, %dma_start3A_50, %dma_start3A_51] : memref<32x80x128xi32, #tpu.memory_space<hbm>> -> memref<1x80x128xi32, #tpu.memory_space<hbm>>
      %dma_start3A_53 = tpu.memref_squeeze %dma_start3A_52 : memref<1x80x128xi32, #tpu.memory_space<hbm>> -> memref<80x128xi32, #tpu.memory_space<hbm>>
      %dma_start3A_54 = arith.constant 0 : i32
      %dma_start3A_55 = arith.constant 0 : i32
      %dma_start3A_56 = tpu.memref_slice %arg3[%add3A, %dma_start3A_54, %dma_start3A_55] : memref<32x80x128xi32, #tpu.memory_space<hbm>> -> memref<1x80x128xi32, #tpu.memory_space<hbm>>
      %dma_start3A_57 = tpu.memref_squeeze %dma_start3A_56 : memref<1x80x128xi32, #tpu.memory_space<hbm>> -> memref<80x128xi32, #tpu.memory_space<hbm>>
      tpu.enqueue_dma source(%dma_start3A_57 : memref<80x128xi32, #tpu.memory_space<hbm>>) target(%arg7 : memref<80x128xi32, #tpu.memory_space<vmem>>) target_semaphore(%run_scoped3A : memref<!tpu.dma_semaphore, #tpu.memory_space<semaphore_mem>>)
      %dma_wait3A = arith.constant 0 : i32
      %dma_wait3A_58 = arith.constant 0 : i32
      %dma_wait3A_59 = tpu.memref_slice %arg3[%add3A, %dma_wait3A, %dma_wait3A_58] : memref<32x80x128xi32, #tpu.memory_space<hbm>> -> memref<1x80x128xi32, #tpu.memory_space<hbm>>
      %dma_wait3A_60 = tpu.memref_squeeze %dma_wait3A_59 : memref<1x80x128xi32, #tpu.memory_space<hbm>> -> memref<80x128xi32, #tpu.memory_space<hbm>>
      %dma_wait3A_61 = arith.constant 0 : i32
      %dma_wait3A_62 = arith.constant 0 : i32
      %dma_wait3A_63 = tpu.memref_slice %arg3[%add3A, %dma_wait3A_61, %dma_wait3A_62] : memref<32x80x128xi32, #tpu.memory_space<hbm>> -> memref<1x80x128xi32, #tpu.memory_space<hbm>>
      %dma_wait3A_64 = tpu.memref_squeeze %dma_wait3A_63 : memref<1x80x128xi32, #tpu.memory_space<hbm>> -> memref<80x128xi32, #tpu.memory_space<hbm>>
      tpu.wait_dma2 semaphore(%run_scoped3A : memref<!tpu.dma_semaphore, #tpu.memory_space<semaphore_mem>>) src(%dma_wait3A_64 : memref<80x128xi32, #tpu.memory_space<hbm>>) dst(%arg7 : memref<80x128xi32, #tpu.memory_space<vmem>>)
      tpu.yield
    }) : () -> ()
    %lt3A = arith.constant 15 : i32
    %lt3A_3 = arith.cmpi slt, %arg1, %lt3A : i32
    %convert_element_type3A = arith.extui %lt3A_3 : i1 to i32
    %cond3A = arith.constant 0 : i32
    %cond3A_4 = arith.cmpi ne, %convert_element_type3A, %cond3A : i32
    scf.if %cond3A_4 {
      "tpu.region"() ({
        %run_scoped3A = tpu.sem_alloc : memref<!tpu.dma_semaphore, #tpu.memory_space<semaphore_mem>>
        %dma_start3A_50 = arith.constant 0 : i32
        %dma_start3A_51 = tpu.memref_slice %arg10[%mul3A_2, %dma_start3A_50] : memref<10048x128xf32, #tpu.memory_space<vmem_shared>> -> memref<632x128xf32, #tpu.memory_space<vmem_shared>>
        %dma_start3A_52 = arith.constant 0 : i32
        %dma_start3A_53 = tpu.memref_slice %arg5[%mul3A_2, %dma_start3A_52] : memref<10048x128xf32, #tpu.memory_space<hbm>> -> memref<632x128xf32, #tpu.memory_space<hbm>>
        tpu.enqueue_dma source(%dma_start3A_53 : memref<632x128xf32, #tpu.memory_space<hbm>>) target(%dma_start3A_51 : memref<632x128xf32, #tpu.memory_space<vmem_shared>>) target_semaphore(%run_scoped3A : memref<!tpu.dma_semaphore, #tpu.memory_space<semaphore_mem>>)
        %dma_wait3A = arith.constant 0 : i32
        %dma_wait3A_54 = tpu.memref_slice %arg10[%mul3A_2, %dma_wait3A] : memref<10048x128xf32, #tpu.memory_space<vmem_shared>> -> memref<632x128xf32, #tpu.memory_space<vmem_shared>>
        %dma_wait3A_55 = arith.constant 0 : i32
        %dma_wait3A_56 = tpu.memref_slice %arg5[%mul3A_2, %dma_wait3A_55] : memref<10048x128xf32, #tpu.memory_space<hbm>> -> memref<632x128xf32, #tpu.memory_space<hbm>>
        tpu.wait_dma2 semaphore(%run_scoped3A : memref<!tpu.dma_semaphore, #tpu.memory_space<semaphore_mem>>) src(%dma_wait3A_56 : memref<632x128xf32, #tpu.memory_space<hbm>>) dst(%dma_wait3A_54 : memref<632x128xf32, #tpu.memory_space<vmem_shared>>)
        tpu.yield
      }) : () -> ()
    } else {
    }
    %eq3A = arith.constant 15 : i32
    %eq3A_5 = arith.cmpi eq, %arg1, %eq3A : i32
    %convert_element_type3A_6 = arith.extui %eq3A_5 : i1 to i32
    %cond3A_7 = arith.constant 0 : i32
    %cond3A_8 = arith.cmpi ne, %convert_element_type3A_6, %cond3A_7 : i32
    scf.if %cond3A_8 {
      "tpu.region"() ({
        %run_scoped3A = tpu.sem_alloc : memref<!tpu.dma_semaphore, #tpu.memory_space<semaphore_mem>>
        %dma_start3A_50 = arith.constant 0 : i32
        %dma_start3A_51 = tpu.memref_slice %arg10[%mul3A_2, %dma_start3A_50] : memref<10048x128xf32, #tpu.memory_space<vmem_shared>> -> memref<568x128xf32, #tpu.memory_space<vmem_shared>>
        %dma_start3A_52 = arith.constant 0 : i32
        %dma_start3A_53 = tpu.memref_slice %arg5[%mul3A_2, %dma_start3A_52] : memref<10048x128xf32, #tpu.memory_space<hbm>> -> memref<568x128xf32, #tpu.memory_space<hbm>>
        tpu.enqueue_dma source(%dma_start3A_53 : memref<568x128xf32, #tpu.memory_space<hbm>>) target(%dma_start3A_51 : memref<568x128xf32, #tpu.memory_space<vmem_shared>>) target_semaphore(%run_scoped3A : memref<!tpu.dma_semaphore, #tpu.memory_space<semaphore_mem>>)
        %dma_wait3A = arith.constant 0 : i32
        %dma_wait3A_54 = tpu.memref_slice %arg10[%mul3A_2, %dma_wait3A] : memref<10048x128xf32, #tpu.memory_space<vmem_shared>> -> memref<568x128xf32, #tpu.memory_space<vmem_shared>>
        %dma_wait3A_55 = arith.constant 0 : i32
        %dma_wait3A_56 = tpu.memref_slice %arg5[%mul3A_2, %dma_wait3A_55] : memref<10048x128xf32, #tpu.memory_space<hbm>> -> memref<568x128xf32, #tpu.memory_space<hbm>>
        tpu.wait_dma2 semaphore(%run_scoped3A : memref<!tpu.dma_semaphore, #tpu.memory_space<semaphore_mem>>) src(%dma_wait3A_56 : memref<568x128xf32, #tpu.memory_space<hbm>>) dst(%dma_wait3A_54 : memref<568x128xf32, #tpu.memory_space<vmem_shared>>)
        tpu.yield
      }) : () -> ()
    } else {
    }
    %barrier3A = arith.constant 0 : index
    tpu.barrier barrier_id(%barrier3A)
    %dma_start3A = arith.constant 0 : i32
    %dma_start3A_9 = arith.constant 0 : i32
    %dma_start3A_10 = arith.constant 0 : i32
    %dma_start3A_11 = arith.constant 0 : i32
    %dma_start3A_12 = tpu.memref_slice %arg9[%dma_start3A_9, %dma_start3A_10, %dma_start3A_11] : memref<2x128x128xf32, #tpu.memory_space<vmem>> -> memref<1x128x128xf32, #tpu.memory_space<vmem>>
    %dma_start3A_13 = tpu.memref_squeeze %dma_start3A_12 : memref<1x128x128xf32, #tpu.memory_space<vmem>> -> memref<128x128xf32, #tpu.memory_space<vmem>>
    %dma_start3A_14 = arith.constant 0 : i32
    %dma_start3A_15 = tpu.memref_slice %arg7[%dma_start3A, %dma_start3A_14] : memref<80x128xi32, #tpu.memory_space<vmem>> -> memref<1x128xi32, #tpu.memory_space<vmem>>
    %dma_start3A_16 = tpu.memref_squeeze %dma_start3A_15 : memref<1x128xi32, #tpu.memory_space<vmem>> -> memref<128xi32, #tpu.memory_space<vmem>>
    %dma_start3A_17 = arith.constant 0 : i32
    %dma_start3A_18 = arith.constant 0 : i32
    %dma_start3A_19 = tpu.memref_slice %arg2[%dma_start3A_17, %dma_start3A_18] : memref<10000x128xf32, #tpu.memory_space<hbm>> -> memref<10000x128xf32, #tpu.memory_space<hbm>>
    tpu.enqueue_indirect_dma source(%dma_start3A_19 : memref<10000x128xf32, #tpu.memory_space<hbm>>) target(%dma_start3A_13 : memref<128x128xf32, #tpu.memory_space<vmem>>) offsets(%dma_start3A_16 : memref<128xi32, #tpu.memory_space<vmem>>) semaphore(%arg11 : memref<!tpu.dma_semaphore, #tpu.memory_space<semaphore_mem>>)
    %dma_start3A_20 = arith.constant 0 : i32
    %dma_start3A_21 = arith.constant 0 : i32
    %dma_start3A_22 = arith.constant 0 : i32
    %dma_start3A_23 = tpu.memref_slice %arg8[%dma_start3A_21, %dma_start3A_22] : memref<2x128xi32, #tpu.memory_space<vmem>> -> memref<1x128xi32, #tpu.memory_space<vmem>>
    %dma_start3A_24 = tpu.memref_squeeze %dma_start3A_23 : memref<1x128xi32, #tpu.memory_space<vmem>> -> memref<128xi32, #tpu.memory_space<vmem>>
    %dma_start3A_25 = arith.constant 0 : i32
    %dma_start3A_26 = tpu.memref_slice %arg4[%add3A, %dma_start3A_20, %dma_start3A_25] : memref<32x80x128xi32, #tpu.memory_space<hbm>> -> memref<1x1x128xi32, #tpu.memory_space<hbm>>
    %dma_start3A_27 = tpu.memref_squeeze %dma_start3A_26 : memref<1x1x128xi32, #tpu.memory_space<hbm>> -> memref<128xi32, #tpu.memory_space<hbm>>
    %dma_start3A_28 = arith.constant 0 : i32
    %dma_start3A_29 = tpu.memref_slice %arg8[%dma_start3A_21, %dma_start3A_28] : memref<2x128xi32, #tpu.memory_space<vmem>> -> memref<1x128xi32, #tpu.memory_space<vmem>>
    %dma_start3A_30 = tpu.memref_squeeze %dma_start3A_29 : memref<1x128xi32, #tpu.memory_space<vmem>> -> memref<128xi32, #tpu.memory_space<vmem>>
    %dma_start3A_31 = arith.constant 0 : i32
    %dma_start3A_32 = tpu.memref_slice %arg4[%add3A, %dma_start3A_20, %dma_start3A_31] : memref<32x80x128xi32, #tpu.memory_space<hbm>> -> memref<1x1x128xi32, #tpu.memory_space<hbm>>
    %dma_start3A_33 = tpu.memref_squeeze %dma_start3A_32 : memref<1x1x128xi32, #tpu.memory_space<hbm>> -> memref<128xi32, #tpu.memory_space<hbm>>
    tpu.enqueue_dma source(%dma_start3A_33 : memref<128xi32, #tpu.memory_space<hbm>>) target(%dma_start3A_30 : memref<128xi32, #tpu.memory_space<vmem>>) target_semaphore(%arg11 : memref<!tpu.dma_semaphore, #tpu.memory_space<semaphore_mem>>)
    %scan3A = arith.constant 0 : i32
    %scan3A_34 = arith.constant 0 : i32
    %scan3A_35 = arith.constant 40 : i32
    %scan3A_36 = arith.addi %scan3A_34, %scan3A_35 : i32
    %scan3A_37 = arith.constant 1 : i32
    scf.for %scan3A_50 = %scan3A_34 to %scan3A_36 step %scan3A_37  : i32 {
      %mul3A_51 = arith.constant 2 : i32
      %mul3A_52 = arith.muli %scan3A_50, %mul3A_51 : i32
      %add3A_53 = arith.constant 1 : i32
      %add3A_54 = arith.addi %mul3A_52, %add3A_53 : i32
      %dma_start3A_55 = arith.constant 1 : i32
      %dma_start3A_56 = arith.constant 0 : i32
      %dma_start3A_57 = arith.constant 0 : i32
      %dma_start3A_58 = tpu.memref_slice %arg9[%dma_start3A_55, %dma_start3A_56, %dma_start3A_57] : memref<2x128x128xf32, #tpu.memory_space<vmem>> -> memref<1x128x128xf32, #tpu.memory_space<vmem>>
      %dma_start3A_59 = tpu.memref_squeeze %dma_start3A_58 : memref<1x128x128xf32, #tpu.memory_space<vmem>> -> memref<128x128xf32, #tpu.memory_space<vmem>>
      %dma_start3A_60 = arith.constant 0 : i32
      %dma_start3A_61 = tpu.memref_slice %arg7[%add3A_54, %dma_start3A_60] : memref<80x128xi32, #tpu.memory_space<vmem>> -> memref<1x128xi32, #tpu.memory_space<vmem>>
      %dma_start3A_62 = tpu.memref_squeeze %dma_start3A_61 : memref<1x128xi32, #tpu.memory_space<vmem>> -> memref<128xi32, #tpu.memory_space<vmem>>
      %dma_start3A_63 = arith.constant 0 : i32
      %dma_start3A_64 = arith.constant 0 : i32
      %dma_start3A_65 = tpu.memref_slice %arg2[%dma_start3A_63, %dma_start3A_64] : memref<10000x128xf32, #tpu.memory_space<hbm>> -> memref<10000x128xf32, #tpu.memory_space<hbm>>
      tpu.enqueue_indirect_dma source(%dma_start3A_65 : memref<10000x128xf32, #tpu.memory_space<hbm>>) target(%dma_start3A_59 : memref<128x128xf32, #tpu.memory_space<vmem>>) offsets(%dma_start3A_62 : memref<128xi32, #tpu.memory_space<vmem>>) semaphore(%arg12 : memref<!tpu.dma_semaphore, #tpu.memory_space<semaphore_mem>>)
      %dma_start3A_66 = arith.constant 1 : i32
      %dma_start3A_67 = arith.constant 0 : i32
      %dma_start3A_68 = tpu.memref_slice %arg8[%dma_start3A_66, %dma_start3A_67] : memref<2x128xi32, #tpu.memory_space<vmem>> -> memref<1x128xi32, #tpu.memory_space<vmem>>
      %dma_start3A_69 = tpu.memref_squeeze %dma_start3A_68 : memref<1x128xi32, #tpu.memory_space<vmem>> -> memref<128xi32, #tpu.memory_space<vmem>>
      %dma_start3A_70 = arith.constant 0 : i32
      %dma_start3A_71 = tpu.memref_slice %arg4[%add3A, %add3A_54, %dma_start3A_70] : memref<32x80x128xi32, #tpu.memory_space<hbm>> -> memref<1x1x128xi32, #tpu.memory_space<hbm>>
      %dma_start3A_72 = tpu.memref_squeeze %dma_start3A_71 : memref<1x1x128xi32, #tpu.memory_space<hbm>> -> memref<128xi32, #tpu.memory_space<hbm>>
      %dma_start3A_73 = arith.constant 0 : i32
      %dma_start3A_74 = tpu.memref_slice %arg8[%dma_start3A_66, %dma_start3A_73] : memref<2x128xi32, #tpu.memory_space<vmem>> -> memref<1x128xi32, #tpu.memory_space<vmem>>
      %dma_start3A_75 = tpu.memref_squeeze %dma_start3A_74 : memref<1x128xi32, #tpu.memory_space<vmem>> -> memref<128xi32, #tpu.memory_space<vmem>>
      %dma_start3A_76 = arith.constant 0 : i32
      %dma_start3A_77 = tpu.memref_slice %arg4[%add3A, %add3A_54, %dma_start3A_76] : memref<32x80x128xi32, #tpu.memory_space<hbm>> -> memref<1x1x128xi32, #tpu.memory_space<hbm>>
      %dma_start3A_78 = tpu.memref_squeeze %dma_start3A_77 : memref<1x1x128xi32, #tpu.memory_space<hbm>> -> memref<128xi32, #tpu.memory_space<hbm>>
      tpu.enqueue_dma source(%dma_start3A_78 : memref<128xi32, #tpu.memory_space<hbm>>) target(%dma_start3A_75 : memref<128xi32, #tpu.memory_space<vmem>>) target_semaphore(%arg12 : memref<!tpu.dma_semaphore, #tpu.memory_space<semaphore_mem>>)
      %dma_wait3A = arith.constant 0 : i32
      %dma_wait3A_79 = arith.constant 0 : i32
      %dma_wait3A_80 = arith.constant 0 : i32
      %dma_wait3A_81 = tpu.memref_slice %arg9[%dma_wait3A, %dma_wait3A_79, %dma_wait3A_80] : memref<2x128x128xf32, #tpu.memory_space<vmem>> -> memref<1x128x128xf32, #tpu.memory_space<vmem>>
      %dma_wait3A_82 = tpu.memref_squeeze %dma_wait3A_81 : memref<1x128x128xf32, #tpu.memory_space<vmem>> -> memref<128x128xf32, #tpu.memory_space<vmem>>
      %dma_wait3A_83 = arith.constant 0 : i32
      %dma_wait3A_84 = tpu.memref_slice %arg7[%mul3A_52, %dma_wait3A_83] : memref<80x128xi32, #tpu.memory_space<vmem>> -> memref<1x128xi32, #tpu.memory_space<vmem>>
      %dma_wait3A_85 = tpu.memref_squeeze %dma_wait3A_84 : memref<1x128xi32, #tpu.memory_space<vmem>> -> memref<128xi32, #tpu.memory_space<vmem>>
      %dma_wait3A_86 = arith.constant 0 : i32
      %dma_wait3A_87 = arith.constant 0 : i32
      %dma_wait3A_88 = tpu.memref_slice %arg2[%dma_wait3A_86, %dma_wait3A_87] : memref<10000x128xf32, #tpu.memory_space<hbm>> -> memref<10000x128xf32, #tpu.memory_space<hbm>>
      tpu.wait_indirect_dma semaphore(%arg11 : memref<!tpu.dma_semaphore, #tpu.memory_space<semaphore_mem>>) src(%dma_wait3A_88 : memref<10000x128xf32, #tpu.memory_space<hbm>>) dst(%dma_wait3A_82 : memref<128x128xf32, #tpu.memory_space<vmem>>)
      %dma_wait3A_89 = arith.constant 0 : i32
      %dma_wait3A_90 = arith.constant 0 : i32
      %dma_wait3A_91 = tpu.memref_slice %arg8[%dma_wait3A_89, %dma_wait3A_90] : memref<2x128xi32, #tpu.memory_space<vmem>> -> memref<1x128xi32, #tpu.memory_space<vmem>>
      %dma_wait3A_92 = tpu.memref_squeeze %dma_wait3A_91 : memref<1x128xi32, #tpu.memory_space<vmem>> -> memref<128xi32, #tpu.memory_space<vmem>>
      %dma_wait3A_93 = arith.constant 0 : i32
      %dma_wait3A_94 = tpu.memref_slice %arg4[%add3A, %mul3A_52, %dma_wait3A_93] : memref<32x80x128xi32, #tpu.memory_space<hbm>> -> memref<1x1x128xi32, #tpu.memory_space<hbm>>
      %dma_wait3A_95 = tpu.memref_squeeze %dma_wait3A_94 : memref<1x1x128xi32, #tpu.memory_space<hbm>> -> memref<128xi32, #tpu.memory_space<hbm>>
      %dma_wait3A_96 = arith.constant 0 : i32
      %dma_wait3A_97 = tpu.memref_slice %arg8[%dma_wait3A_89, %dma_wait3A_96] : memref<2x128xi32, #tpu.memory_space<vmem>> -> memref<1x128xi32, #tpu.memory_space<vmem>>
      %dma_wait3A_98 = tpu.memref_squeeze %dma_wait3A_97 : memref<1x128xi32, #tpu.memory_space<vmem>> -> memref<128xi32, #tpu.memory_space<vmem>>
      %dma_wait3A_99 = arith.constant 0 : i32
      %dma_wait3A_100 = tpu.memref_slice %arg4[%add3A, %mul3A_52, %dma_wait3A_99] : memref<32x80x128xi32, #tpu.memory_space<hbm>> -> memref<1x1x128xi32, #tpu.memory_space<hbm>>
      %dma_wait3A_101 = tpu.memref_squeeze %dma_wait3A_100 : memref<1x1x128xi32, #tpu.memory_space<hbm>> -> memref<128xi32, #tpu.memory_space<hbm>>
      tpu.wait_dma2 semaphore(%arg11 : memref<!tpu.dma_semaphore, #tpu.memory_space<semaphore_mem>>) src(%dma_wait3A_101 : memref<128xi32, #tpu.memory_space<hbm>>) dst(%dma_wait3A_98 : memref<128xi32, #tpu.memory_space<vmem>>)
      %run_scoped3A = arith.constant 0 : i32
      %run_scoped3A_102 = arith.constant 0 : i32
      "tpu.region"() ({
        %run_scoped3A_138 = tpu.sem_alloc : memref<!tpu.dma_semaphore, #tpu.memory_space<semaphore_mem>>
        %dma_start3A_139 = arith.constant 0 : i32
        %dma_start3A_140 = arith.constant 0 : i32
        %dma_start3A_141 = tpu.memref_slice %arg9[%run_scoped3A, %dma_start3A_139, %dma_start3A_140] : memref<2x128x128xf32, #tpu.memory_space<vmem>> -> memref<1x128x128xf32, #tpu.memory_space<vmem>>
        %dma_start3A_142 = tpu.memref_squeeze %dma_start3A_141 : memref<1x128x128xf32, #tpu.memory_space<vmem>> -> memref<128x128xf32, #tpu.memory_space<vmem>>
        %dma_start3A_143 = arith.constant 0 : i32
        %dma_start3A_144 = tpu.memref_slice %arg8[%run_scoped3A_102, %dma_start3A_143] : memref<2x128xi32, #tpu.memory_space<vmem>> -> memref<1x128xi32, #tpu.memory_space<vmem>>
        %dma_start3A_145 = tpu.memref_squeeze %dma_start3A_144 : memref<1x128xi32, #tpu.memory_space<vmem>> -> memref<128xi32, #tpu.memory_space<vmem>>
        %dma_start3A_146 = arith.constant 0 : i32
        %dma_start3A_147 = arith.constant 0 : i32
        %dma_start3A_148 = tpu.memref_slice %arg10[%dma_start3A_146, %dma_start3A_147] : memref<10048x128xf32, #tpu.memory_space<vmem_shared>> -> memref<10048x128xf32, #tpu.memory_space<vmem_shared>>
        tpu.enqueue_indirect_dma source(%dma_start3A_142 : memref<128x128xf32, #tpu.memory_space<vmem>>) target(%dma_start3A_148 : memref<10048x128xf32, #tpu.memory_space<vmem_shared>>) offsets(%dma_start3A_145 : memref<128xi32, #tpu.memory_space<vmem>>) semaphore(%run_scoped3A_138 : memref<!tpu.dma_semaphore, #tpu.memory_space<semaphore_mem>>) {add = true}
        %dma_wait3A_149 = arith.constant 0 : i32
        %dma_wait3A_150 = arith.constant 0 : i32
        %dma_wait3A_151 = tpu.memref_slice %arg9[%run_scoped3A, %dma_wait3A_149, %dma_wait3A_150] : memref<2x128x128xf32, #tpu.memory_space<vmem>> -> memref<1x128x128xf32, #tpu.memory_space<vmem>>
        %dma_wait3A_152 = tpu.memref_squeeze %dma_wait3A_151 : memref<1x128x128xf32, #tpu.memory_space<vmem>> -> memref<128x128xf32, #tpu.memory_space<vmem>>
        %dma_wait3A_153 = arith.constant 0 : i32
        %dma_wait3A_154 = tpu.memref_slice %arg8[%run_scoped3A_102, %dma_wait3A_153] : memref<2x128xi32, #tpu.memory_space<vmem>> -> memref<1x128xi32, #tpu.memory_space<vmem>>
        %dma_wait3A_155 = tpu.memref_squeeze %dma_wait3A_154 : memref<1x128xi32, #tpu.memory_space<vmem>> -> memref<128xi32, #tpu.memory_space<vmem>>
        %dma_wait3A_156 = arith.constant 0 : i32
        %dma_wait3A_157 = arith.constant 0 : i32
        %dma_wait3A_158 = tpu.memref_slice %arg10[%dma_wait3A_156, %dma_wait3A_157] : memref<10048x128xf32, #tpu.memory_space<vmem_shared>> -> memref<10048x128xf32, #tpu.memory_space<vmem_shared>>
        tpu.wait_indirect_dma semaphore(%run_scoped3A_138 : memref<!tpu.dma_semaphore, #tpu.memory_space<semaphore_mem>>) src(%dma_wait3A_152 : memref<128x128xf32, #tpu.memory_space<vmem>>) dst(%dma_wait3A_158 : memref<10048x128xf32, #tpu.memory_space<vmem_shared>>)
        tpu.yield
      }) : () -> ()
      %lt3A_103 = arith.constant 39 : i32
      %lt3A_104 = arith.cmpi slt, %scan3A_50, %lt3A_103 : i32
      %convert_element_type3A_105 = arith.extui %lt3A_104 : i1 to i32
      %cond3A_106 = arith.constant 0 : i32
      %cond3A_107 = arith.cmpi ne, %convert_element_type3A_105, %cond3A_106 : i32
      scf.if %cond3A_107 {
        %add3A_138 = arith.constant 2 : i32
        %add3A_139 = arith.addi %mul3A_52, %add3A_138 : i32
        %dma_start3A_140 = arith.constant 0 : i32
        %dma_start3A_141 = arith.constant 0 : i32
        %dma_start3A_142 = arith.constant 0 : i32
        %dma_start3A_143 = tpu.memref_slice %arg9[%dma_start3A_140, %dma_start3A_141, %dma_start3A_142] : memref<2x128x128xf32, #tpu.memory_space<vmem>> -> memref<1x128x128xf32, #tpu.memory_space<vmem>>
        %dma_start3A_144 = tpu.memref_squeeze %dma_start3A_143 : memref<1x128x128xf32, #tpu.memory_space<vmem>> -> memref<128x128xf32, #tpu.memory_space<vmem>>
        %dma_start3A_145 = arith.constant 0 : i32
        %dma_start3A_146 = tpu.memref_slice %arg7[%add3A_139, %dma_start3A_145] : memref<80x128xi32, #tpu.memory_space<vmem>> -> memref<1x128xi32, #tpu.memory_space<vmem>>
        %dma_start3A_147 = tpu.memref_squeeze %dma_start3A_146 : memref<1x128xi32, #tpu.memory_space<vmem>> -> memref<128xi32, #tpu.memory_space<vmem>>
        %dma_start3A_148 = arith.constant 0 : i32
        %dma_start3A_149 = arith.constant 0 : i32
        %dma_start3A_150 = tpu.memref_slice %arg2[%dma_start3A_148, %dma_start3A_149] : memref<10000x128xf32, #tpu.memory_space<hbm>> -> memref<10000x128xf32, #tpu.memory_space<hbm>>
        tpu.enqueue_indirect_dma source(%dma_start3A_150 : memref<10000x128xf32, #tpu.memory_space<hbm>>) target(%dma_start3A_144 : memref<128x128xf32, #tpu.memory_space<vmem>>) offsets(%dma_start3A_147 : memref<128xi32, #tpu.memory_space<vmem>>) semaphore(%arg11 : memref<!tpu.dma_semaphore, #tpu.memory_space<semaphore_mem>>)
        %dma_start3A_151 = arith.constant 0 : i32
        %dma_start3A_152 = arith.constant 0 : i32
        %dma_start3A_153 = tpu.memref_slice %arg8[%dma_start3A_151, %dma_start3A_152] : memref<2x128xi32, #tpu.memory_space<vmem>> -> memref<1x128xi32, #tpu.memory_space<vmem>>
        %dma_start3A_154 = tpu.memref_squeeze %dma_start3A_153 : memref<1x128xi32, #tpu.memory_space<vmem>> -> memref<128xi32, #tpu.memory_space<vmem>>
        %dma_start3A_155 = arith.constant 0 : i32
        %dma_start3A_156 = tpu.memref_slice %arg4[%add3A, %add3A_139, %dma_start3A_155] : memref<32x80x128xi32, #tpu.memory_space<hbm>> -> memref<1x1x128xi32, #tpu.memory_space<hbm>>
        %dma_start3A_157 = tpu.memref_squeeze %dma_start3A_156 : memref<1x1x128xi32, #tpu.memory_space<hbm>> -> memref<128xi32, #tpu.memory_space<hbm>>
        %dma_start3A_158 = arith.constant 0 : i32
        %dma_start3A_159 = tpu.memref_slice %arg8[%dma_start3A_151, %dma_start3A_158] : memref<2x128xi32, #tpu.memory_space<vmem>> -> memref<1x128xi32, #tpu.memory_space<vmem>>
        %dma_start3A_160 = tpu.memref_squeeze %dma_start3A_159 : memref<1x128xi32, #tpu.memory_space<vmem>> -> memref<128xi32, #tpu.memory_space<vmem>>
        %dma_start3A_161 = arith.constant 0 : i32
        %dma_start3A_162 = tpu.memref_slice %arg4[%add3A, %add3A_139, %dma_start3A_161] : memref<32x80x128xi32, #tpu.memory_space<hbm>> -> memref<1x1x128xi32, #tpu.memory_space<hbm>>
        %dma_start3A_163 = tpu.memref_squeeze %dma_start3A_162 : memref<1x1x128xi32, #tpu.memory_space<hbm>> -> memref<128xi32, #tpu.memory_space<hbm>>
        tpu.enqueue_dma source(%dma_start3A_163 : memref<128xi32, #tpu.memory_space<hbm>>) target(%dma_start3A_160 : memref<128xi32, #tpu.memory_space<vmem>>) target_semaphore(%arg11 : memref<!tpu.dma_semaphore, #tpu.memory_space<semaphore_mem>>)
      } else {
      }
      %add3A_108 = arith.constant 1 : i32
      %add3A_109 = arith.addi %mul3A_52, %add3A_108 : i32
      %dma_wait3A_110 = arith.constant 1 : i32
      %dma_wait3A_111 = arith.constant 0 : i32
      %dma_wait3A_112 = arith.constant 0 : i32
      %dma_wait3A_113 = tpu.memref_slice %arg9[%dma_wait3A_110, %dma_wait3A_111, %dma_wait3A_112] : memref<2x128x128xf32, #tpu.memory_space<vmem>> -> memref<1x128x128xf32, #tpu.memory_space<vmem>>
      %dma_wait3A_114 = tpu.memref_squeeze %dma_wait3A_113 : memref<1x128x128xf32, #tpu.memory_space<vmem>> -> memref<128x128xf32, #tpu.memory_space<vmem>>
      %dma_wait3A_115 = arith.constant 0 : i32
      %dma_wait3A_116 = tpu.memref_slice %arg7[%add3A_109, %dma_wait3A_115] : memref<80x128xi32, #tpu.memory_space<vmem>> -> memref<1x128xi32, #tpu.memory_space<vmem>>
      %dma_wait3A_117 = tpu.memref_squeeze %dma_wait3A_116 : memref<1x128xi32, #tpu.memory_space<vmem>> -> memref<128xi32, #tpu.memory_space<vmem>>
      %dma_wait3A_118 = arith.constant 0 : i32
      %dma_wait3A_119 = arith.constant 0 : i32
      %dma_wait3A_120 = tpu.memref_slice %arg2[%dma_wait3A_118, %dma_wait3A_119] : memref<10000x128xf32, #tpu.memory_space<hbm>> -> memref<10000x128xf32, #tpu.memory_space<hbm>>
      tpu.wait_indirect_dma semaphore(%arg12 : memref<!tpu.dma_semaphore, #tpu.memory_space<semaphore_mem>>) src(%dma_wait3A_120 : memref<10000x128xf32, #tpu.memory_space<hbm>>) dst(%dma_wait3A_114 : memref<128x128xf32, #tpu.memory_space<vmem>>)
      %dma_wait3A_121 = arith.constant 1 : i32
      %dma_wait3A_122 = arith.constant 0 : i32
      %dma_wait3A_123 = tpu.memref_slice %arg8[%dma_wait3A_121, %dma_wait3A_122] : memref<2x128xi32, #tpu.memory_space<vmem>> -> memref<1x128xi32, #tpu.memory_space<vmem>>
      %dma_wait3A_124 = tpu.memref_squeeze %dma_wait3A_123 : memref<1x128xi32, #tpu.memory_space<vmem>> -> memref<128xi32, #tpu.memory_space<vmem>>
      %dma_wait3A_125 = arith.constant 0 : i32
      %dma_wait3A_126 = tpu.memref_slice %arg4[%add3A, %add3A_109, %dma_wait3A_125] : memref<32x80x128xi32, #tpu.memory_space<hbm>> -> memref<1x1x128xi32, #tpu.memory_space<hbm>>
      %dma_wait3A_127 = tpu.memref_squeeze %dma_wait3A_126 : memref<1x1x128xi32, #tpu.memory_space<hbm>> -> memref<128xi32, #tpu.memory_space<hbm>>
      %dma_wait3A_128 = arith.constant 0 : i32
      %dma_wait3A_129 = tpu.memref_slice %arg8[%dma_wait3A_121, %dma_wait3A_128] : memref<2x128xi32, #tpu.memory_space<vmem>> -> memref<1x128xi32, #tpu.memory_space<vmem>>
      %dma_wait3A_130 = tpu.memref_squeeze %dma_wait3A_129 : memref<1x128xi32, #tpu.memory_space<vmem>> -> memref<128xi32, #tpu.memory_space<vmem>>
      %dma_wait3A_131 = arith.constant 0 : i32
      %dma_wait3A_132 = tpu.memref_slice %arg4[%add3A, %add3A_109, %dma_wait3A_131] : memref<32x80x128xi32, #tpu.memory_space<hbm>> -> memref<1x1x128xi32, #tpu.memory_space<hbm>>
      %dma_wait3A_133 = tpu.memref_squeeze %dma_wait3A_132 : memref<1x1x128xi32, #tpu.memory_space<hbm>> -> memref<128xi32, #tpu.memory_space<hbm>>
      tpu.wait_dma2 semaphore(%arg12 : memref<!tpu.dma_semaphore, #tpu.memory_space<semaphore_mem>>) src(%dma_wait3A_133 : memref<128xi32, #tpu.memory_space<hbm>>) dst(%dma_wait3A_130 : memref<128xi32, #tpu.memory_space<vmem>>)
      %add3A_134 = arith.constant 1 : i32
      %add3A_135 = arith.addi %mul3A_52, %add3A_134 : i32
      %run_scoped3A_136 = arith.constant 1 : i32
      %run_scoped3A_137 = arith.constant 1 : i32
      "tpu.region"() ({
        %run_scoped3A_138 = tpu.sem_alloc : memref<!tpu.dma_semaphore, #tpu.memory_space<semaphore_mem>>
        %dma_start3A_139 = arith.constant 0 : i32
        %dma_start3A_140 = arith.constant 0 : i32
        %dma_start3A_141 = tpu.memref_slice %arg9[%run_scoped3A_136, %dma_start3A_139, %dma_start3A_140] : memref<2x128x128xf32, #tpu.memory_space<vmem>> -> memref<1x128x128xf32, #tpu.memory_space<vmem>>
        %dma_start3A_142 = tpu.memref_squeeze %dma_start3A_141 : memref<1x128x128xf32, #tpu.memory_space<vmem>> -> memref<128x128xf32, #tpu.memory_space<vmem>>
        %dma_start3A_143 = arith.constant 0 : i32
        %dma_start3A_144 = tpu.memref_slice %arg8[%run_scoped3A_137, %dma_start3A_143] : memref<2x128xi32, #tpu.memory_space<vmem>> -> memref<1x128xi32, #tpu.memory_space<vmem>>
        %dma_start3A_145 = tpu.memref_squeeze %dma_start3A_144 : memref<1x128xi32, #tpu.memory_space<vmem>> -> memref<128xi32, #tpu.memory_space<vmem>>
        %dma_start3A_146 = arith.constant 0 : i32
        %dma_start3A_147 = arith.constant 0 : i32
        %dma_start3A_148 = tpu.memref_slice %arg10[%dma_start3A_146, %dma_start3A_147] : memref<10048x128xf32, #tpu.memory_space<vmem_shared>> -> memref<10048x128xf32, #tpu.memory_space<vmem_shared>>
        tpu.enqueue_indirect_dma source(%dma_start3A_142 : memref<128x128xf32, #tpu.memory_space<vmem>>) target(%dma_start3A_148 : memref<10048x128xf32, #tpu.memory_space<vmem_shared>>) offsets(%dma_start3A_145 : memref<128xi32, #tpu.memory_space<vmem>>) semaphore(%run_scoped3A_138 : memref<!tpu.dma_semaphore, #tpu.memory_space<semaphore_mem>>) {add = true}
        %dma_wait3A_149 = arith.constant 0 : i32
        %dma_wait3A_150 = arith.constant 0 : i32
        %dma_wait3A_151 = tpu.memref_slice %arg9[%run_scoped3A_136, %dma_wait3A_149, %dma_wait3A_150] : memref<2x128x128xf32, #tpu.memory_space<vmem>> -> memref<1x128x128xf32, #tpu.memory_space<vmem>>
        %dma_wait3A_152 = tpu.memref_squeeze %dma_wait3A_151 : memref<1x128x128xf32, #tpu.memory_space<vmem>> -> memref<128x128xf32, #tpu.memory_space<vmem>>
        %dma_wait3A_153 = arith.constant 0 : i32
        %dma_wait3A_154 = tpu.memref_slice %arg8[%run_scoped3A_137, %dma_wait3A_153] : memref<2x128xi32, #tpu.memory_space<vmem>> -> memref<1x128xi32, #tpu.memory_space<vmem>>
        %dma_wait3A_155 = tpu.memref_squeeze %dma_wait3A_154 : memref<1x128xi32, #tpu.memory_space<vmem>> -> memref<128xi32, #tpu.memory_space<vmem>>
        %dma_wait3A_156 = arith.constant 0 : i32
        %dma_wait3A_157 = arith.constant 0 : i32
        %dma_wait3A_158 = tpu.memref_slice %arg10[%dma_wait3A_156, %dma_wait3A_157] : memref<10048x128xf32, #tpu.memory_space<vmem_shared>> -> memref<10048x128xf32, #tpu.memory_space<vmem_shared>>
        tpu.wait_indirect_dma semaphore(%run_scoped3A_138 : memref<!tpu.dma_semaphore, #tpu.memory_space<semaphore_mem>>) src(%dma_wait3A_152 : memref<128x128xf32, #tpu.memory_space<vmem>>) dst(%dma_wait3A_158 : memref<10048x128xf32, #tpu.memory_space<vmem_shared>>)
        tpu.yield
      }) : () -> ()
    }
    %scan3A_38 = arith.constant 40 : i32
    %barrier3A_39 = arith.constant 0 : index
    tpu.barrier barrier_id(%barrier3A_39)
    %lt3A_40 = arith.constant 15 : i32
    %lt3A_41 = arith.cmpi slt, %arg1, %lt3A_40 : i32
    %convert_element_type3A_42 = arith.extui %lt3A_41 : i1 to i32
    %cond3A_43 = arith.constant 0 : i32
    %cond3A_44 = arith.cmpi ne, %convert_element_type3A_42, %cond3A_43 : i32
    scf.if %cond3A_44 {
      "tpu.region"() ({
        %run_scoped3A = tpu.sem_alloc : memref<!tpu.dma_semaphore, #tpu.memory_space<semaphore_mem>>
        %dma_start3A_50 = arith.constant 0 : i32
        %dma_start3A_51 = tpu.memref_slice %arg6[%arg0, %mul3A_2, %dma_start3A_50] : memref<2x10048x128xf32, #tpu.memory_space<hbm>> -> memref<1x632x128xf32, #tpu.memory_space<hbm>>
        %dma_start3A_52 = tpu.memref_squeeze %dma_start3A_51 : memref<1x632x128xf32, #tpu.memory_space<hbm>> -> memref<632x128xf32, #tpu.memory_space<hbm>>
        %dma_start3A_53 = arith.constant 0 : i32
        %dma_start3A_54 = tpu.memref_slice %arg10[%mul3A_2, %dma_start3A_53] : memref<10048x128xf32, #tpu.memory_space<vmem_shared>> -> memref<632x128xf32, #tpu.memory_space<vmem_shared>>
        tpu.enqueue_dma source(%dma_start3A_54 : memref<632x128xf32, #tpu.memory_space<vmem_shared>>) target(%dma_start3A_52 : memref<632x128xf32, #tpu.memory_space<hbm>>) target_semaphore(%run_scoped3A : memref<!tpu.dma_semaphore, #tpu.memory_space<semaphore_mem>>)
        %dma_wait3A = arith.constant 0 : i32
        %dma_wait3A_55 = tpu.memref_slice %arg6[%arg0, %mul3A_2, %dma_wait3A] : memref<2x10048x128xf32, #tpu.memory_space<hbm>> -> memref<1x632x128xf32, #tpu.memory_space<hbm>>
        %dma_wait3A_56 = tpu.memref_squeeze %dma_wait3A_55 : memref<1x632x128xf32, #tpu.memory_space<hbm>> -> memref<632x128xf32, #tpu.memory_space<hbm>>
        %dma_wait3A_57 = arith.constant 0 : i32
        %dma_wait3A_58 = tpu.memref_slice %arg10[%mul3A_2, %dma_wait3A_57] : memref<10048x128xf32, #tpu.memory_space<vmem_shared>> -> memref<632x128xf32, #tpu.memory_space<vmem_shared>>
        tpu.wait_dma2 semaphore(%run_scoped3A : memref<!tpu.dma_semaphore, #tpu.memory_space<semaphore_mem>>) src(%dma_wait3A_58 : memref<632x128xf32, #tpu.memory_space<vmem_shared>>) dst(%dma_wait3A_56 : memref<632x128xf32, #tpu.memory_space<hbm>>)
        tpu.yield
      }) : () -> ()
    } else {
    }
    %eq3A_45 = arith.constant 15 : i32
    %eq3A_46 = arith.cmpi eq, %arg1, %eq3A_45 : i32
    %convert_element_type3A_47 = arith.extui %eq3A_46 : i1 to i32
    %cond3A_48 = arith.constant 0 : i32
    %cond3A_49 = arith.cmpi ne, %convert_element_type3A_47, %cond3A_48 : i32
    scf.if %cond3A_49 {
      "tpu.region"() ({
        %run_scoped3A = tpu.sem_alloc : memref<!tpu.dma_semaphore, #tpu.memory_space<semaphore_mem>>
        %dma_start3A_50 = arith.constant 0 : i32
        %dma_start3A_51 = tpu.memref_slice %arg6[%arg0, %mul3A_2, %dma_start3A_50] : memref<2x10048x128xf32, #tpu.memory_space<hbm>> -> memref<1x568x128xf32, #tpu.memory_space<hbm>>
        %dma_start3A_52 = tpu.memref_squeeze %dma_start3A_51 : memref<1x568x128xf32, #tpu.memory_space<hbm>> -> memref<568x128xf32, #tpu.memory_space<hbm>>
        %dma_start3A_53 = arith.constant 0 : i32
        %dma_start3A_54 = tpu.memref_slice %arg10[%mul3A_2, %dma_start3A_53] : memref<10048x128xf32, #tpu.memory_space<vmem_shared>> -> memref<568x128xf32, #tpu.memory_space<vmem_shared>>
        tpu.enqueue_dma source(%dma_start3A_54 : memref<568x128xf32, #tpu.memory_space<vmem_shared>>) target(%dma_start3A_52 : memref<568x128xf32, #tpu.memory_space<hbm>>) target_semaphore(%run_scoped3A : memref<!tpu.dma_semaphore, #tpu.memory_space<semaphore_mem>>)
        %dma_wait3A = arith.constant 0 : i32
        %dma_wait3A_55 = tpu.memref_slice %arg6[%arg0, %mul3A_2, %dma_wait3A] : memref<2x10048x128xf32, #tpu.memory_space<hbm>> -> memref<1x568x128xf32, #tpu.memory_space<hbm>>
        %dma_wait3A_56 = tpu.memref_squeeze %dma_wait3A_55 : memref<1x568x128xf32, #tpu.memory_space<hbm>> -> memref<568x128xf32, #tpu.memory_space<hbm>>
        %dma_wait3A_57 = arith.constant 0 : i32
        %dma_wait3A_58 = tpu.memref_slice %arg10[%mul3A_2, %dma_wait3A_57] : memref<10048x128xf32, #tpu.memory_space<vmem_shared>> -> memref<568x128xf32, #tpu.memory_space<vmem_shared>>
        tpu.wait_dma2 semaphore(%run_scoped3A : memref<!tpu.dma_semaphore, #tpu.memory_space<semaphore_mem>>) src(%dma_wait3A_58 : memref<568x128xf32, #tpu.memory_space<vmem_shared>>) dst(%dma_wait3A_56 : memref<568x128xf32, #tpu.memory_space<hbm>>)
        tpu.yield
      }) : () -> ()
    } else {
    }
    return
  }
}

#map = affine_map<(d0, d1) -> (0, 0)>
#map1 = affine_map<(d0, d1) -> (0, 0, 0)>
module attributes {stable_mosaic.version = 14 : i64} {
  func.func @body(%arg0: i32, %arg1: i32, %arg2: memref<10000x128xf32, #tpu.memory_space<hbm>>, %arg3: memref<32x80x128xi32, #tpu.memory_space<hbm>>, %arg4: memref<32x80x128xi32, #tpu.memory_space<hbm>>, %arg5: memref<10048x128xf32, #tpu.memory_space<hbm>>, %arg6: memref<2x10048x128xf32, #tpu.memory_space<hbm>>, %arg7: memref<80x128xi32, #tpu.memory_space<vmem>>, %arg8: memref<2x128xi32, #tpu.memory_space<vmem>>, %arg9: memref<2x128x128xf32, #tpu.memory_space<vmem>>, %arg10: memref<10048x128xf32, #tpu.memory_space<vmem_shared>>, %arg11: memref<!tpu.dma_semaphore, #tpu.memory_space<semaphore_mem>>, %arg12: memref<!tpu.dma_semaphore, #tpu.memory_space<semaphore_mem>>) attributes {dimension_semantics = [#tpu.dimension_semantics<core_parallel>, #tpu.dimension_semantics<subcore_parallel>], iteration_bounds = array<i64: 2, 16>, scalar_prefetch = 0 : i64, scratch_operands = 6 : i64, tpu.core_type = #tpu.core_type<sc_vector_subcore>, window_params = [{transform_indices = #map}, {transform_indices = #map1}, {transform_indices = #map1}, {transform_indices = #map}, {transform_indices = #map1}]} {
    %mul3A = arith.constant 16 : i32
    %mul3A_0 = arith.muli %arg0, %mul3A : i32
    %add3A = arith.addi %mul3A_0, %arg1 : i32
    %mul3A_1 = arith.constant 632 : i32
    %mul3A_2 = arith.muli %arg1, %mul3A_1 : i32
    "tpu.region"() ({
      %run_scoped3A = tpu.sem_alloc : memref<!tpu.dma_semaphore, #tpu.memory_space<semaphore_mem>>
      %dma_start3A_50 = arith.constant 0 : i32
      %dma_start3A_51 = arith.constant 0 : i32
      %dma_start3A_52 = tpu.memref_slice %arg3[%add3A, %dma_start3A_50, %dma_start3A_51] : memref<32x80x128xi32, #tpu.memory_space<hbm>> -> memref<1x80x128xi32, #tpu.memory_space<hbm>>
      %dma_start3A_53 = tpu.memref_squeeze %dma_start3A_52 : memref<1x80x128xi32, #tpu.memory_space<hbm>> -> memref<80x128xi32, #tpu.memory_space<hbm>>
      %dma_start3A_54 = arith.constant 0 : i32
      %dma_start3A_55 = arith.constant 0 : i32
      %dma_start3A_56 = tpu.memref_slice %arg3[%add3A, %dma_start3A_54, %dma_start3A_55] : memref<32x80x128xi32, #tpu.memory_space<hbm>> -> memref<1x80x128xi32, #tpu.memory_space<hbm>>
      %dma_start3A_57 = tpu.memref_squeeze %dma_start3A_56 : memref<1x80x128xi32, #tpu.memory_space<hbm>> -> memref<80x128xi32, #tpu.memory_space<hbm>>
      tpu.enqueue_dma source(%dma_start3A_57 : memref<80x128xi32, #tpu.memory_space<hbm>>) target(%arg7 : memref<80x128xi32, #tpu.memory_space<vmem>>) target_semaphore(%run_scoped3A : memref<!tpu.dma_semaphore, #tpu.memory_space<semaphore_mem>>)
      %dma_wait3A = arith.constant 0 : i32
      %dma_wait3A_58 = arith.constant 0 : i32
      %dma_wait3A_59 = tpu.memref_slice %arg3[%add3A, %dma_wait3A, %dma_wait3A_58] : memref<32x80x128xi32, #tpu.memory_space<hbm>> -> memref<1x80x128xi32, #tpu.memory_space<hbm>>
      %dma_wait3A_60 = tpu.memref_squeeze %dma_wait3A_59 : memref<1x80x128xi32, #tpu.memory_space<hbm>> -> memref<80x128xi32, #tpu.memory_space<hbm>>
      %dma_wait3A_61 = arith.constant 0 : i32
      %dma_wait3A_62 = arith.constant 0 : i32
      %dma_wait3A_63 = tpu.memref_slice %arg3[%add3A, %dma_wait3A_61, %dma_wait3A_62] : memref<32x80x128xi32, #tpu.memory_space<hbm>> -> memref<1x80x128xi32, #tpu.memory_space<hbm>>
      %dma_wait3A_64 = tpu.memref_squeeze %dma_wait3A_63 : memref<1x80x128xi32, #tpu.memory_space<hbm>> -> memref<80x128xi32, #tpu.memory_space<hbm>>
      tpu.wait_dma2 semaphore(%run_scoped3A : memref<!tpu.dma_semaphore, #tpu.memory_space<semaphore_mem>>) src(%dma_wait3A_64 : memref<80x128xi32, #tpu.memory_space<hbm>>) dst(%arg7 : memref<80x128xi32, #tpu.memory_space<vmem>>)
      tpu.yield
    }) : () -> ()
    %lt3A = arith.constant 15 : i32
    %lt3A_3 = arith.cmpi slt, %arg1, %lt3A : i32
    %convert_element_type3A = arith.extui %lt3A_3 : i1 to i32
    %cond3A = arith.constant 0 : i32
    %cond3A_4 = arith.cmpi ne, %convert_element_type3A, %cond3A : i32
    scf.if %cond3A_4 {
      "tpu.region"() ({
        %run_scoped3A = tpu.sem_alloc : memref<!tpu.dma_semaphore, #tpu.memory_space<semaphore_mem>>
        %dma_start3A_50 = arith.constant 0 : i32
        %dma_start3A_51 = tpu.memref_slice %arg10[%mul3A_2, %dma_start3A_50] : memref<10048x128xf32, #tpu.memory_space<vmem_shared>> -> memref<632x128xf32, #tpu.memory_space<vmem_shared>>
        %dma_start3A_52 = arith.constant 0 : i32
        %dma_start3A_53 = tpu.memref_slice %arg5[%mul3A_2, %dma_start3A_52] : memref<10048x128xf32, #tpu.memory_space<hbm>> -> memref<632x128xf32, #tpu.memory_space<hbm>>
        tpu.enqueue_dma source(%dma_start3A_53 : memref<632x128xf32, #tpu.memory_space<hbm>>) target(%dma_start3A_51 : memref<632x128xf32, #tpu.memory_space<vmem_shared>>) target_semaphore(%run_scoped3A : memref<!tpu.dma_semaphore, #tpu.memory_space<semaphore_mem>>)
        %dma_wait3A = arith.constant 0 : i32
        %dma_wait3A_54 = tpu.memref_slice %arg10[%mul3A_2, %dma_wait3A] : memref<10048x128xf32, #tpu.memory_space<vmem_shared>> -> memref<632x128xf32, #tpu.memory_space<vmem_shared>>
        %dma_wait3A_55 = arith.constant 0 : i32
        %dma_wait3A_56 = tpu.memref_slice %arg5[%mul3A_2, %dma_wait3A_55] : memref<10048x128xf32, #tpu.memory_space<hbm>> -> memref<632x128xf32, #tpu.memory_space<hbm>>
        tpu.wait_dma2 semaphore(%run_scoped3A : memref<!tpu.dma_semaphore, #tpu.memory_space<semaphore_mem>>) src(%dma_wait3A_56 : memref<632x128xf32, #tpu.memory_space<hbm>>) dst(%dma_wait3A_54 : memref<632x128xf32, #tpu.memory_space<vmem_shared>>)
        tpu.yield
      }) : () -> ()
    } else {
    }
    %eq3A = arith.constant 15 : i32
    %eq3A_5 = arith.cmpi eq, %arg1, %eq3A : i32
    %convert_element_type3A_6 = arith.extui %eq3A_5 : i1 to i32
    %cond3A_7 = arith.constant 0 : i32
    %cond3A_8 = arith.cmpi ne, %convert_element_type3A_6, %cond3A_7 : i32
    scf.if %cond3A_8 {
      "tpu.region"() ({
        %run_scoped3A = tpu.sem_alloc : memref<!tpu.dma_semaphore, #tpu.memory_space<semaphore_mem>>
        %dma_start3A_50 = arith.constant 0 : i32
        %dma_start3A_51 = tpu.memref_slice %arg10[%mul3A_2, %dma_start3A_50] : memref<10048x128xf32, #tpu.memory_space<vmem_shared>> -> memref<568x128xf32, #tpu.memory_space<vmem_shared>>
        %dma_start3A_52 = arith.constant 0 : i32
        %dma_start3A_53 = tpu.memref_slice %arg5[%mul3A_2, %dma_start3A_52] : memref<10048x128xf32, #tpu.memory_space<hbm>> -> memref<568x128xf32, #tpu.memory_space<hbm>>
        tpu.enqueue_dma source(%dma_start3A_53 : memref<568x128xf32, #tpu.memory_space<hbm>>) target(%dma_start3A_51 : memref<568x128xf32, #tpu.memory_space<vmem_shared>>) target_semaphore(%run_scoped3A : memref<!tpu.dma_semaphore, #tpu.memory_space<semaphore_mem>>)
        %dma_wait3A = arith.constant 0 : i32
        %dma_wait3A_54 = tpu.memref_slice %arg10[%mul3A_2, %dma_wait3A] : memref<10048x128xf32, #tpu.memory_space<vmem_shared>> -> memref<568x128xf32, #tpu.memory_space<vmem_shared>>
        %dma_wait3A_55 = arith.constant 0 : i32
        %dma_wait3A_56 = tpu.memref_slice %arg5[%mul3A_2, %dma_wait3A_55] : memref<10048x128xf32, #tpu.memory_space<hbm>> -> memref<568x128xf32, #tpu.memory_space<hbm>>
        tpu.wait_dma2 semaphore(%run_scoped3A : memref<!tpu.dma_semaphore, #tpu.memory_space<semaphore_mem>>) src(%dma_wait3A_56 : memref<568x128xf32, #tpu.memory_space<hbm>>) dst(%dma_wait3A_54 : memref<568x128xf32, #tpu.memory_space<vmem_shared>>)
        tpu.yield
      }) : () -> ()
    } else {
    }
    %barrier3A = arith.constant 0 : index
    tpu.barrier barrier_id(%barrier3A)
    %dma_start3A = arith.constant 0 : i32
    %dma_start3A_9 = arith.constant 0 : i32
    %dma_start3A_10 = arith.constant 0 : i32
    %dma_start3A_11 = arith.constant 0 : i32
    %dma_start3A_12 = tpu.memref_slice %arg9[%dma_start3A_9, %dma_start3A_10, %dma_start3A_11] : memref<2x128x128xf32, #tpu.memory_space<vmem>> -> memref<1x128x128xf32, #tpu.memory_space<vmem>>
    %dma_start3A_13 = tpu.memref_squeeze %dma_start3A_12 : memref<1x128x128xf32, #tpu.memory_space<vmem>> -> memref<128x128xf32, #tpu.memory_space<vmem>>
    %dma_start3A_14 = arith.constant 0 : i32
    %dma_start3A_15 = tpu.memref_slice %arg7[%dma_start3A, %dma_start3A_14] : memref<80x128xi32, #tpu.memory_space<vmem>> -> memref<1x128xi32, #tpu.memory_space<vmem>>
    %dma_start3A_16 = tpu.memref_squeeze %dma_start3A_15 : memref<1x128xi32, #tpu.memory_space<vmem>> -> memref<128xi32, #tpu.memory_space<vmem>>
    %dma_start3A_17 = arith.constant 0 : i32
    %dma_start3A_18 = arith.constant 0 : i32
    %dma_start3A_19 = tpu.memref_slice %arg2[%dma_start3A_17, %dma_start3A_18] : memref<10000x128xf32, #tpu.memory_space<hbm>> -> memref<10000x128xf32, #tpu.memory_space<hbm>>
    tpu.enqueue_indirect_dma source(%dma_start3A_19 : memref<10000x128xf32, #tpu.memory_space<hbm>>) target(%dma_start3A_13 : memref<128x128xf32, #tpu.memory_space<vmem>>) offsets(%dma_start3A_16 : memref<128xi32, #tpu.memory_space<vmem>>) semaphore(%arg11 : memref<!tpu.dma_semaphore, #tpu.memory_space<semaphore_mem>>)
    %dma_start3A_20 = arith.constant 0 : i32
    %dma_start3A_21 = arith.constant 0 : i32
    %dma_start3A_22 = arith.constant 0 : i32
    %dma_start3A_23 = tpu.memref_slice %arg8[%dma_start3A_21, %dma_start3A_22] : memref<2x128xi32, #tpu.memory_space<vmem>> -> memref<1x128xi32, #tpu.memory_space<vmem>>
    %dma_start3A_24 = tpu.memref_squeeze %dma_start3A_23 : memref<1x128xi32, #tpu.memory_space<vmem>> -> memref<128xi32, #tpu.memory_space<vmem>>
    %dma_start3A_25 = arith.constant 0 : i32
    %dma_start3A_26 = tpu.memref_slice %arg4[%add3A, %dma_start3A_20, %dma_start3A_25] : memref<32x80x128xi32, #tpu.memory_space<hbm>> -> memref<1x1x128xi32, #tpu.memory_space<hbm>>
    %dma_start3A_27 = tpu.memref_squeeze %dma_start3A_26 : memref<1x1x128xi32, #tpu.memory_space<hbm>> -> memref<128xi32, #tpu.memory_space<hbm>>
    %dma_start3A_28 = arith.constant 0 : i32
    %dma_start3A_29 = tpu.memref_slice %arg8[%dma_start3A_21, %dma_start3A_28] : memref<2x128xi32, #tpu.memory_space<vmem>> -> memref<1x128xi32, #tpu.memory_space<vmem>>
    %dma_start3A_30 = tpu.memref_squeeze %dma_start3A_29 : memref<1x128xi32, #tpu.memory_space<vmem>> -> memref<128xi32, #tpu.memory_space<vmem>>
    %dma_start3A_31 = arith.constant 0 : i32
    %dma_start3A_32 = tpu.memref_slice %arg4[%add3A, %dma_start3A_20, %dma_start3A_31] : memref<32x80x128xi32, #tpu.memory_space<hbm>> -> memref<1x1x128xi32, #tpu.memory_space<hbm>>
    %dma_start3A_33 = tpu.memref_squeeze %dma_start3A_32 : memref<1x1x128xi32, #tpu.memory_space<hbm>> -> memref<128xi32, #tpu.memory_space<hbm>>
    tpu.enqueue_dma source(%dma_start3A_33 : memref<128xi32, #tpu.memory_space<hbm>>) target(%dma_start3A_30 : memref<128xi32, #tpu.memory_space<vmem>>) target_semaphore(%arg11 : memref<!tpu.dma_semaphore, #tpu.memory_space<semaphore_mem>>)
    %scan3A = arith.constant 0 : i32
    %scan3A_34 = arith.constant 0 : i32
    %scan3A_35 = arith.constant 40 : i32
    %scan3A_36 = arith.addi %scan3A_34, %scan3A_35 : i32
    %scan3A_37 = arith.constant 1 : i32
    scf.for %scan3A_50 = %scan3A_34 to %scan3A_36 step %scan3A_37  : i32 {
      %mul3A_51 = arith.constant 2 : i32
      %mul3A_52 = arith.muli %scan3A_50, %mul3A_51 : i32
      %add3A_53 = arith.constant 1 : i32
      %add3A_54 = arith.addi %mul3A_52, %add3A_53 : i32
      %dma_start3A_55 = arith.constant 1 : i32
      %dma_start3A_56 = arith.constant 0 : i32
      %dma_start3A_57 = arith.constant 0 : i32
      %dma_start3A_58 = tpu.memref_slice %arg9[%dma_start3A_55, %dma_start3A_56, %dma_start3A_57] : memref<2x128x128xf32, #tpu.memory_space<vmem>> -> memref<1x128x128xf32, #tpu.memory_space<vmem>>
      %dma_start3A_59 = tpu.memref_squeeze %dma_start3A_58 : memref<1x128x128xf32, #tpu.memory_space<vmem>> -> memref<128x128xf32, #tpu.memory_space<vmem>>
      %dma_start3A_60 = arith.constant 0 : i32
      %dma_start3A_61 = tpu.memref_slice %arg7[%add3A_54, %dma_start3A_60] : memref<80x128xi32, #tpu.memory_space<vmem>> -> memref<1x128xi32, #tpu.memory_space<vmem>>
      %dma_start3A_62 = tpu.memref_squeeze %dma_start3A_61 : memref<1x128xi32, #tpu.memory_space<vmem>> -> memref<128xi32, #tpu.memory_space<vmem>>
      %dma_start3A_63 = arith.constant 0 : i32
      %dma_start3A_64 = arith.constant 0 : i32
      %dma_start3A_65 = tpu.memref_slice %arg2[%dma_start3A_63, %dma_start3A_64] : memref<10000x128xf32, #tpu.memory_space<hbm>> -> memref<10000x128xf32, #tpu.memory_space<hbm>>
      tpu.enqueue_indirect_dma source(%dma_start3A_65 : memref<10000x128xf32, #tpu.memory_space<hbm>>) target(%dma_start3A_59 : memref<128x128xf32, #tpu.memory_space<vmem>>) offsets(%dma_start3A_62 : memref<128xi32, #tpu.memory_space<vmem>>) semaphore(%arg12 : memref<!tpu.dma_semaphore, #tpu.memory_space<semaphore_mem>>)
      %dma_start3A_66 = arith.constant 1 : i32
      %dma_start3A_67 = arith.constant 0 : i32
      %dma_start3A_68 = tpu.memref_slice %arg8[%dma_start3A_66, %dma_start3A_67] : memref<2x128xi32, #tpu.memory_space<vmem>> -> memref<1x128xi32, #tpu.memory_space<vmem>>
      %dma_start3A_69 = tpu.memref_squeeze %dma_start3A_68 : memref<1x128xi32, #tpu.memory_space<vmem>> -> memref<128xi32, #tpu.memory_space<vmem>>
      %dma_start3A_70 = arith.constant 0 : i32
      %dma_start3A_71 = tpu.memref_slice %arg4[%add3A, %add3A_54, %dma_start3A_70] : memref<32x80x128xi32, #tpu.memory_space<hbm>> -> memref<1x1x128xi32, #tpu.memory_space<hbm>>
      %dma_start3A_72 = tpu.memref_squeeze %dma_start3A_71 : memref<1x1x128xi32, #tpu.memory_space<hbm>> -> memref<128xi32, #tpu.memory_space<hbm>>
      %dma_start3A_73 = arith.constant 0 : i32
      %dma_start3A_74 = tpu.memref_slice %arg8[%dma_start3A_66, %dma_start3A_73] : memref<2x128xi32, #tpu.memory_space<vmem>> -> memref<1x128xi32, #tpu.memory_space<vmem>>
      %dma_start3A_75 = tpu.memref_squeeze %dma_start3A_74 : memref<1x128xi32, #tpu.memory_space<vmem>> -> memref<128xi32, #tpu.memory_space<vmem>>
      %dma_start3A_76 = arith.constant 0 : i32
      %dma_start3A_77 = tpu.memref_slice %arg4[%add3A, %add3A_54, %dma_start3A_76] : memref<32x80x128xi32, #tpu.memory_space<hbm>> -> memref<1x1x128xi32, #tpu.memory_space<hbm>>
      %dma_start3A_78 = tpu.memref_squeeze %dma_start3A_77 : memref<1x1x128xi32, #tpu.memory_space<hbm>> -> memref<128xi32, #tpu.memory_space<hbm>>
      tpu.enqueue_dma source(%dma_start3A_78 : memref<128xi32, #tpu.memory_space<hbm>>) target(%dma_start3A_75 : memref<128xi32, #tpu.memory_space<vmem>>) target_semaphore(%arg12 : memref<!tpu.dma_semaphore, #tpu.memory_space<semaphore_mem>>)
      %dma_wait3A = arith.constant 0 : i32
      %dma_wait3A_79 = arith.constant 0 : i32
      %dma_wait3A_80 = arith.constant 0 : i32
      %dma_wait3A_81 = tpu.memref_slice %arg9[%dma_wait3A, %dma_wait3A_79, %dma_wait3A_80] : memref<2x128x128xf32, #tpu.memory_space<vmem>> -> memref<1x128x128xf32, #tpu.memory_space<vmem>>
      %dma_wait3A_82 = tpu.memref_squeeze %dma_wait3A_81 : memref<1x128x128xf32, #tpu.memory_space<vmem>> -> memref<128x128xf32, #tpu.memory_space<vmem>>
      %dma_wait3A_83 = arith.constant 0 : i32
      %dma_wait3A_84 = tpu.memref_slice %arg7[%mul3A_52, %dma_wait3A_83] : memref<80x128xi32, #tpu.memory_space<vmem>> -> memref<1x128xi32, #tpu.memory_space<vmem>>
      %dma_wait3A_85 = tpu.memref_squeeze %dma_wait3A_84 : memref<1x128xi32, #tpu.memory_space<vmem>> -> memref<128xi32, #tpu.memory_space<vmem>>
      %dma_wait3A_86 = arith.constant 0 : i32
      %dma_wait3A_87 = arith.constant 0 : i32
      %dma_wait3A_88 = tpu.memref_slice %arg2[%dma_wait3A_86, %dma_wait3A_87] : memref<10000x128xf32, #tpu.memory_space<hbm>> -> memref<10000x128xf32, #tpu.memory_space<hbm>>
      tpu.wait_indirect_dma semaphore(%arg11 : memref<!tpu.dma_semaphore, #tpu.memory_space<semaphore_mem>>) src(%dma_wait3A_88 : memref<10000x128xf32, #tpu.memory_space<hbm>>) dst(%dma_wait3A_82 : memref<128x128xf32, #tpu.memory_space<vmem>>)
      %dma_wait3A_89 = arith.constant 0 : i32
      %dma_wait3A_90 = arith.constant 0 : i32
      %dma_wait3A_91 = tpu.memref_slice %arg8[%dma_wait3A_89, %dma_wait3A_90] : memref<2x128xi32, #tpu.memory_space<vmem>> -> memref<1x128xi32, #tpu.memory_space<vmem>>
      %dma_wait3A_92 = tpu.memref_squeeze %dma_wait3A_91 : memref<1x128xi32, #tpu.memory_space<vmem>> -> memref<128xi32, #tpu.memory_space<vmem>>
      %dma_wait3A_93 = arith.constant 0 : i32
      %dma_wait3A_94 = tpu.memref_slice %arg4[%add3A, %mul3A_52, %dma_wait3A_93] : memref<32x80x128xi32, #tpu.memory_space<hbm>> -> memref<1x1x128xi32, #tpu.memory_space<hbm>>
      %dma_wait3A_95 = tpu.memref_squeeze %dma_wait3A_94 : memref<1x1x128xi32, #tpu.memory_space<hbm>> -> memref<128xi32, #tpu.memory_space<hbm>>
      %dma_wait3A_96 = arith.constant 0 : i32
      %dma_wait3A_97 = tpu.memref_slice %arg8[%dma_wait3A_89, %dma_wait3A_96] : memref<2x128xi32, #tpu.memory_space<vmem>> -> memref<1x128xi32, #tpu.memory_space<vmem>>
      %dma_wait3A_98 = tpu.memref_squeeze %dma_wait3A_97 : memref<1x128xi32, #tpu.memory_space<vmem>> -> memref<128xi32, #tpu.memory_space<vmem>>
      %dma_wait3A_99 = arith.constant 0 : i32
      %dma_wait3A_100 = tpu.memref_slice %arg4[%add3A, %mul3A_52, %dma_wait3A_99] : memref<32x80x128xi32, #tpu.memory_space<hbm>> -> memref<1x1x128xi32, #tpu.memory_space<hbm>>
      %dma_wait3A_101 = tpu.memref_squeeze %dma_wait3A_100 : memref<1x1x128xi32, #tpu.memory_space<hbm>> -> memref<128xi32, #tpu.memory_space<hbm>>
      tpu.wait_dma2 semaphore(%arg11 : memref<!tpu.dma_semaphore, #tpu.memory_space<semaphore_mem>>) src(%dma_wait3A_101 : memref<128xi32, #tpu.memory_space<hbm>>) dst(%dma_wait3A_98 : memref<128xi32, #tpu.memory_space<vmem>>)
      %run_scoped3A = arith.constant 0 : i32
      %run_scoped3A_102 = arith.constant 0 : i32
      "tpu.region"() ({
        %run_scoped3A_138 = tpu.sem_alloc : memref<!tpu.dma_semaphore, #tpu.memory_space<semaphore_mem>>
        %dma_start3A_139 = arith.constant 0 : i32
        %dma_start3A_140 = arith.constant 0 : i32
        %dma_start3A_141 = tpu.memref_slice %arg9[%run_scoped3A, %dma_start3A_139, %dma_start3A_140] : memref<2x128x128xf32, #tpu.memory_space<vmem>> -> memref<1x128x128xf32, #tpu.memory_space<vmem>>
        %dma_start3A_142 = tpu.memref_squeeze %dma_start3A_141 : memref<1x128x128xf32, #tpu.memory_space<vmem>> -> memref<128x128xf32, #tpu.memory_space<vmem>>
        %dma_start3A_143 = arith.constant 0 : i32
        %dma_start3A_144 = tpu.memref_slice %arg8[%run_scoped3A_102, %dma_start3A_143] : memref<2x128xi32, #tpu.memory_space<vmem>> -> memref<1x128xi32, #tpu.memory_space<vmem>>
        %dma_start3A_145 = tpu.memref_squeeze %dma_start3A_144 : memref<1x128xi32, #tpu.memory_space<vmem>> -> memref<128xi32, #tpu.memory_space<vmem>>
        %dma_start3A_146 = arith.constant 0 : i32
        %dma_start3A_147 = arith.constant 0 : i32
        %dma_start3A_148 = tpu.memref_slice %arg10[%dma_start3A_146, %dma_start3A_147] : memref<10048x128xf32, #tpu.memory_space<vmem_shared>> -> memref<10048x128xf32, #tpu.memory_space<vmem_shared>>
        tpu.enqueue_indirect_dma source(%dma_start3A_142 : memref<128x128xf32, #tpu.memory_space<vmem>>) target(%dma_start3A_148 : memref<10048x128xf32, #tpu.memory_space<vmem_shared>>) offsets(%dma_start3A_145 : memref<128xi32, #tpu.memory_space<vmem>>) semaphore(%run_scoped3A_138 : memref<!tpu.dma_semaphore, #tpu.memory_space<semaphore_mem>>) {add = true}
        %dma_wait3A_149 = arith.constant 0 : i32
        %dma_wait3A_150 = arith.constant 0 : i32
        %dma_wait3A_151 = tpu.memref_slice %arg9[%run_scoped3A, %dma_wait3A_149, %dma_wait3A_150] : memref<2x128x128xf32, #tpu.memory_space<vmem>> -> memref<1x128x128xf32, #tpu.memory_space<vmem>>
        %dma_wait3A_152 = tpu.memref_squeeze %dma_wait3A_151 : memref<1x128x128xf32, #tpu.memory_space<vmem>> -> memref<128x128xf32, #tpu.memory_space<vmem>>
        %dma_wait3A_153 = arith.constant 0 : i32
        %dma_wait3A_154 = tpu.memref_slice %arg8[%run_scoped3A_102, %dma_wait3A_153] : memref<2x128xi32, #tpu.memory_space<vmem>> -> memref<1x128xi32, #tpu.memory_space<vmem>>
        %dma_wait3A_155 = tpu.memref_squeeze %dma_wait3A_154 : memref<1x128xi32, #tpu.memory_space<vmem>> -> memref<128xi32, #tpu.memory_space<vmem>>
        %dma_wait3A_156 = arith.constant 0 : i32
        %dma_wait3A_157 = arith.constant 0 : i32
        %dma_wait3A_158 = tpu.memref_slice %arg10[%dma_wait3A_156, %dma_wait3A_157] : memref<10048x128xf32, #tpu.memory_space<vmem_shared>> -> memref<10048x128xf32, #tpu.memory_space<vmem_shared>>
        tpu.wait_indirect_dma semaphore(%run_scoped3A_138 : memref<!tpu.dma_semaphore, #tpu.memory_space<semaphore_mem>>) src(%dma_wait3A_152 : memref<128x128xf32, #tpu.memory_space<vmem>>) dst(%dma_wait3A_158 : memref<10048x128xf32, #tpu.memory_space<vmem_shared>>)
        tpu.yield
      }) : () -> ()
      %lt3A_103 = arith.constant 39 : i32
      %lt3A_104 = arith.cmpi slt, %scan3A_50, %lt3A_103 : i32
      %convert_element_type3A_105 = arith.extui %lt3A_104 : i1 to i32
      %cond3A_106 = arith.constant 0 : i32
      %cond3A_107 = arith.cmpi ne, %convert_element_type3A_105, %cond3A_106 : i32
      scf.if %cond3A_107 {
        %add3A_138 = arith.constant 2 : i32
        %add3A_139 = arith.addi %mul3A_52, %add3A_138 : i32
        %dma_start3A_140 = arith.constant 0 : i32
        %dma_start3A_141 = arith.constant 0 : i32
        %dma_start3A_142 = arith.constant 0 : i32
        %dma_start3A_143 = tpu.memref_slice %arg9[%dma_start3A_140, %dma_start3A_141, %dma_start3A_142] : memref<2x128x128xf32, #tpu.memory_space<vmem>> -> memref<1x128x128xf32, #tpu.memory_space<vmem>>
        %dma_start3A_144 = tpu.memref_squeeze %dma_start3A_143 : memref<1x128x128xf32, #tpu.memory_space<vmem>> -> memref<128x128xf32, #tpu.memory_space<vmem>>
        %dma_start3A_145 = arith.constant 0 : i32
        %dma_start3A_146 = tpu.memref_slice %arg7[%add3A_139, %dma_start3A_145] : memref<80x128xi32, #tpu.memory_space<vmem>> -> memref<1x128xi32, #tpu.memory_space<vmem>>
        %dma_start3A_147 = tpu.memref_squeeze %dma_start3A_146 : memref<1x128xi32, #tpu.memory_space<vmem>> -> memref<128xi32, #tpu.memory_space<vmem>>
        %dma_start3A_148 = arith.constant 0 : i32
        %dma_start3A_149 = arith.constant 0 : i32
        %dma_start3A_150 = tpu.memref_slice %arg2[%dma_start3A_148, %dma_start3A_149] : memref<10000x128xf32, #tpu.memory_space<hbm>> -> memref<10000x128xf32, #tpu.memory_space<hbm>>
        tpu.enqueue_indirect_dma source(%dma_start3A_150 : memref<10000x128xf32, #tpu.memory_space<hbm>>) target(%dma_start3A_144 : memref<128x128xf32, #tpu.memory_space<vmem>>) offsets(%dma_start3A_147 : memref<128xi32, #tpu.memory_space<vmem>>) semaphore(%arg11 : memref<!tpu.dma_semaphore, #tpu.memory_space<semaphore_mem>>)
        %dma_start3A_151 = arith.constant 0 : i32
        %dma_start3A_152 = arith.constant 0 : i32
        %dma_start3A_153 = tpu.memref_slice %arg8[%dma_start3A_151, %dma_start3A_152] : memref<2x128xi32, #tpu.memory_space<vmem>> -> memref<1x128xi32, #tpu.memory_space<vmem>>
        %dma_start3A_154 = tpu.memref_squeeze %dma_start3A_153 : memref<1x128xi32, #tpu.memory_space<vmem>> -> memref<128xi32, #tpu.memory_space<vmem>>
        %dma_start3A_155 = arith.constant 0 : i32
        %dma_start3A_156 = tpu.memref_slice %arg4[%add3A, %add3A_139, %dma_start3A_155] : memref<32x80x128xi32, #tpu.memory_space<hbm>> -> memref<1x1x128xi32, #tpu.memory_space<hbm>>
        %dma_start3A_157 = tpu.memref_squeeze %dma_start3A_156 : memref<1x1x128xi32, #tpu.memory_space<hbm>> -> memref<128xi32, #tpu.memory_space<hbm>>
        %dma_start3A_158 = arith.constant 0 : i32
        %dma_start3A_159 = tpu.memref_slice %arg8[%dma_start3A_151, %dma_start3A_158] : memref<2x128xi32, #tpu.memory_space<vmem>> -> memref<1x128xi32, #tpu.memory_space<vmem>>
        %dma_start3A_160 = tpu.memref_squeeze %dma_start3A_159 : memref<1x128xi32, #tpu.memory_space<vmem>> -> memref<128xi32, #tpu.memory_space<vmem>>
        %dma_start3A_161 = arith.constant 0 : i32
        %dma_start3A_162 = tpu.memref_slice %arg4[%add3A, %add3A_139, %dma_start3A_161] : memref<32x80x128xi32, #tpu.memory_space<hbm>> -> memref<1x1x128xi32, #tpu.memory_space<hbm>>
        %dma_start3A_163 = tpu.memref_squeeze %dma_start3A_162 : memref<1x1x128xi32, #tpu.memory_space<hbm>> -> memref<128xi32, #tpu.memory_space<hbm>>
        tpu.enqueue_dma source(%dma_start3A_163 : memref<128xi32, #tpu.memory_space<hbm>>) target(%dma_start3A_160 : memref<128xi32, #tpu.memory_space<vmem>>) target_semaphore(%arg11 : memref<!tpu.dma_semaphore, #tpu.memory_space<semaphore_mem>>)
      } else {
      }
      %add3A_108 = arith.constant 1 : i32
      %add3A_109 = arith.addi %mul3A_52, %add3A_108 : i32
      %dma_wait3A_110 = arith.constant 1 : i32
      %dma_wait3A_111 = arith.constant 0 : i32
      %dma_wait3A_112 = arith.constant 0 : i32
      %dma_wait3A_113 = tpu.memref_slice %arg9[%dma_wait3A_110, %dma_wait3A_111, %dma_wait3A_112] : memref<2x128x128xf32, #tpu.memory_space<vmem>> -> memref<1x128x128xf32, #tpu.memory_space<vmem>>
      %dma_wait3A_114 = tpu.memref_squeeze %dma_wait3A_113 : memref<1x128x128xf32, #tpu.memory_space<vmem>> -> memref<128x128xf32, #tpu.memory_space<vmem>>
      %dma_wait3A_115 = arith.constant 0 : i32
      %dma_wait3A_116 = tpu.memref_slice %arg7[%add3A_109, %dma_wait3A_115] : memref<80x128xi32, #tpu.memory_space<vmem>> -> memref<1x128xi32, #tpu.memory_space<vmem>>
      %dma_wait3A_117 = tpu.memref_squeeze %dma_wait3A_116 : memref<1x128xi32, #tpu.memory_space<vmem>> -> memref<128xi32, #tpu.memory_space<vmem>>
      %dma_wait3A_118 = arith.constant 0 : i32
      %dma_wait3A_119 = arith.constant 0 : i32
      %dma_wait3A_120 = tpu.memref_slice %arg2[%dma_wait3A_118, %dma_wait3A_119] : memref<10000x128xf32, #tpu.memory_space<hbm>> -> memref<10000x128xf32, #tpu.memory_space<hbm>>
      tpu.wait_indirect_dma semaphore(%arg12 : memref<!tpu.dma_semaphore, #tpu.memory_space<semaphore_mem>>) src(%dma_wait3A_120 : memref<10000x128xf32, #tpu.memory_space<hbm>>) dst(%dma_wait3A_114 : memref<128x128xf32, #tpu.memory_space<vmem>>)
      %dma_wait3A_121 = arith.constant 1 : i32
      %dma_wait3A_122 = arith.constant 0 : i32
      %dma_wait3A_123 = tpu.memref_slice %arg8[%dma_wait3A_121, %dma_wait3A_122] : memref<2x128xi32, #tpu.memory_space<vmem>> -> memref<1x128xi32, #tpu.memory_space<vmem>>
      %dma_wait3A_124 = tpu.memref_squeeze %dma_wait3A_123 : memref<1x128xi32, #tpu.memory_space<vmem>> -> memref<128xi32, #tpu.memory_space<vmem>>
      %dma_wait3A_125 = arith.constant 0 : i32
      %dma_wait3A_126 = tpu.memref_slice %arg4[%add3A, %add3A_109, %dma_wait3A_125] : memref<32x80x128xi32, #tpu.memory_space<hbm>> -> memref<1x1x128xi32, #tpu.memory_space<hbm>>
      %dma_wait3A_127 = tpu.memref_squeeze %dma_wait3A_126 : memref<1x1x128xi32, #tpu.memory_space<hbm>> -> memref<128xi32, #tpu.memory_space<hbm>>
      %dma_wait3A_128 = arith.constant 0 : i32
      %dma_wait3A_129 = tpu.memref_slice %arg8[%dma_wait3A_121, %dma_wait3A_128] : memref<2x128xi32, #tpu.memory_space<vmem>> -> memref<1x128xi32, #tpu.memory_space<vmem>>
      %dma_wait3A_130 = tpu.memref_squeeze %dma_wait3A_129 : memref<1x128xi32, #tpu.memory_space<vmem>> -> memref<128xi32, #tpu.memory_space<vmem>>
      %dma_wait3A_131 = arith.constant 0 : i32
      %dma_wait3A_132 = tpu.memref_slice %arg4[%add3A, %add3A_109, %dma_wait3A_131] : memref<32x80x128xi32, #tpu.memory_space<hbm>> -> memref<1x1x128xi32, #tpu.memory_space<hbm>>
      %dma_wait3A_133 = tpu.memref_squeeze %dma_wait3A_132 : memref<1x1x128xi32, #tpu.memory_space<hbm>> -> memref<128xi32, #tpu.memory_space<hbm>>
      tpu.wait_dma2 semaphore(%arg12 : memref<!tpu.dma_semaphore, #tpu.memory_space<semaphore_mem>>) src(%dma_wait3A_133 : memref<128xi32, #tpu.memory_space<hbm>>) dst(%dma_wait3A_130 : memref<128xi32, #tpu.memory_space<vmem>>)
      %add3A_134 = arith.constant 1 : i32
      %add3A_135 = arith.addi %mul3A_52, %add3A_134 : i32
      %run_scoped3A_136 = arith.constant 1 : i32
      %run_scoped3A_137 = arith.constant 1 : i32
      "tpu.region"() ({
        %run_scoped3A_138 = tpu.sem_alloc : memref<!tpu.dma_semaphore, #tpu.memory_space<semaphore_mem>>
        %dma_start3A_139 = arith.constant 0 : i32
        %dma_start3A_140 = arith.constant 0 : i32
        %dma_start3A_141 = tpu.memref_slice %arg9[%run_scoped3A_136, %dma_start3A_139, %dma_start3A_140] : memref<2x128x128xf32, #tpu.memory_space<vmem>> -> memref<1x128x128xf32, #tpu.memory_space<vmem>>
        %dma_start3A_142 = tpu.memref_squeeze %dma_start3A_141 : memref<1x128x128xf32, #tpu.memory_space<vmem>> -> memref<128x128xf32, #tpu.memory_space<vmem>>
        %dma_start3A_143 = arith.constant 0 : i32
        %dma_start3A_144 = tpu.memref_slice %arg8[%run_scoped3A_137, %dma_start3A_143] : memref<2x128xi32, #tpu.memory_space<vmem>> -> memref<1x128xi32, #tpu.memory_space<vmem>>
        %dma_start3A_145 = tpu.memref_squeeze %dma_start3A_144 : memref<1x128xi32, #tpu.memory_space<vmem>> -> memref<128xi32, #tpu.memory_space<vmem>>
        %dma_start3A_146 = arith.constant 0 : i32
        %dma_start3A_147 = arith.constant 0 : i32
        %dma_start3A_148 = tpu.memref_slice %arg10[%dma_start3A_146, %dma_start3A_147] : memref<10048x128xf32, #tpu.memory_space<vmem_shared>> -> memref<10048x128xf32, #tpu.memory_space<vmem_shared>>
        tpu.enqueue_indirect_dma source(%dma_start3A_142 : memref<128x128xf32, #tpu.memory_space<vmem>>) target(%dma_start3A_148 : memref<10048x128xf32, #tpu.memory_space<vmem_shared>>) offsets(%dma_start3A_145 : memref<128xi32, #tpu.memory_space<vmem>>) semaphore(%run_scoped3A_138 : memref<!tpu.dma_semaphore, #tpu.memory_space<semaphore_mem>>) {add = true}
        %dma_wait3A_149 = arith.constant 0 : i32
        %dma_wait3A_150 = arith.constant 0 : i32
        %dma_wait3A_151 = tpu.memref_slice %arg9[%run_scoped3A_136, %dma_wait3A_149, %dma_wait3A_150] : memref<2x128x128xf32, #tpu.memory_space<vmem>> -> memref<1x128x128xf32, #tpu.memory_space<vmem>>
        %dma_wait3A_152 = tpu.memref_squeeze %dma_wait3A_151 : memref<1x128x128xf32, #tpu.memory_space<vmem>> -> memref<128x128xf32, #tpu.memory_space<vmem>>
        %dma_wait3A_153 = arith.constant 0 : i32
        %dma_wait3A_154 = tpu.memref_slice %arg8[%run_scoped3A_137, %dma_wait3A_153] : memref<2x128xi32, #tpu.memory_space<vmem>> -> memref<1x128xi32, #tpu.memory_space<vmem>>
        %dma_wait3A_155 = tpu.memref_squeeze %dma_wait3A_154 : memref<1x128xi32, #tpu.memory_space<vmem>> -> memref<128xi32, #tpu.memory_space<vmem>>
        %dma_wait3A_156 = arith.constant 0 : i32
        %dma_wait3A_157 = arith.constant 0 : i32
        %dma_wait3A_158 = tpu.memref_slice %arg10[%dma_wait3A_156, %dma_wait3A_157] : memref<10048x128xf32, #tpu.memory_space<vmem_shared>> -> memref<10048x128xf32, #tpu.memory_space<vmem_shared>>
        tpu.wait_indirect_dma semaphore(%run_scoped3A_138 : memref<!tpu.dma_semaphore, #tpu.memory_space<semaphore_mem>>) src(%dma_wait3A_152 : memref<128x128xf32, #tpu.memory_space<vmem>>) dst(%dma_wait3A_158 : memref<10048x128xf32, #tpu.memory_space<vmem_shared>>)
        tpu.yield
      }) : () -> ()
    }
    %scan3A_38 = arith.constant 40 : i32
    %barrier3A_39 = arith.constant 0 : index
    tpu.barrier barrier_id(%barrier3A_39)
    %lt3A_40 = arith.constant 15 : i32
    %lt3A_41 = arith.cmpi slt, %arg1, %lt3A_40 : i32
    %convert_element_type3A_42 = arith.extui %lt3A_41 : i1 to i32
    %cond3A_43 = arith.constant 0 : i32
    %cond3A_44 = arith.cmpi ne, %convert_element_type3A_42, %cond3A_43 : i32
    scf.if %cond3A_44 {
      "tpu.region"() ({
        %run_scoped3A = tpu.sem_alloc : memref<!tpu.dma_semaphore, #tpu.memory_space<semaphore_mem>>
        %dma_start3A_50 = arith.constant 0 : i32
        %dma_start3A_51 = tpu.memref_slice %arg6[%arg0, %mul3A_2, %dma_start3A_50] : memref<2x10048x128xf32, #tpu.memory_space<hbm>> -> memref<1x632x128xf32, #tpu.memory_space<hbm>>
        %dma_start3A_52 = tpu.memref_squeeze %dma_start3A_51 : memref<1x632x128xf32, #tpu.memory_space<hbm>> -> memref<632x128xf32, #tpu.memory_space<hbm>>
        %dma_start3A_53 = arith.constant 0 : i32
        %dma_start3A_54 = tpu.memref_slice %arg10[%mul3A_2, %dma_start3A_53] : memref<10048x128xf32, #tpu.memory_space<vmem_shared>> -> memref<632x128xf32, #tpu.memory_space<vmem_shared>>
        tpu.enqueue_dma source(%dma_start3A_54 : memref<632x128xf32, #tpu.memory_space<vmem_shared>>) target(%dma_start3A_52 : memref<632x128xf32, #tpu.memory_space<hbm>>) target_semaphore(%run_scoped3A : memref<!tpu.dma_semaphore, #tpu.memory_space<semaphore_mem>>)
        %dma_wait3A = arith.constant 0 : i32
        %dma_wait3A_55 = tpu.memref_slice %arg6[%arg0, %mul3A_2, %dma_wait3A] : memref<2x10048x128xf32, #tpu.memory_space<hbm>> -> memref<1x632x128xf32, #tpu.memory_space<hbm>>
        %dma_wait3A_56 = tpu.memref_squeeze %dma_wait3A_55 : memref<1x632x128xf32, #tpu.memory_space<hbm>> -> memref<632x128xf32, #tpu.memory_space<hbm>>
        %dma_wait3A_57 = arith.constant 0 : i32
        %dma_wait3A_58 = tpu.memref_slice %arg10[%mul3A_2, %dma_wait3A_57] : memref<10048x128xf32, #tpu.memory_space<vmem_shared>> -> memref<632x128xf32, #tpu.memory_space<vmem_shared>>
        tpu.wait_dma2 semaphore(%run_scoped3A : memref<!tpu.dma_semaphore, #tpu.memory_space<semaphore_mem>>) src(%dma_wait3A_58 : memref<632x128xf32, #tpu.memory_space<vmem_shared>>) dst(%dma_wait3A_56 : memref<632x128xf32, #tpu.memory_space<hbm>>)
        tpu.yield
      }) : () -> ()
    } else {
    }
    %eq3A_45 = arith.constant 15 : i32
    %eq3A_46 = arith.cmpi eq, %arg1, %eq3A_45 : i32
    %convert_element_type3A_47 = arith.extui %eq3A_46 : i1 to i32
    %cond3A_48 = arith.constant 0 : i32
    %cond3A_49 = arith.cmpi ne, %convert_element_type3A_47, %cond3A_48 : i32
    scf.if %cond3A_49 {
      "tpu.region"() ({
        %run_scoped3A = tpu.sem_alloc : memref<!tpu.dma_semaphore, #tpu.memory_space<semaphore_mem>>
        %dma_start3A_50 = arith.constant 0 : i32
        %dma_start3A_51 = tpu.memref_slice %arg6[%arg0, %mul3A_2, %dma_start3A_50] : memref<2x10048x128xf32, #tpu.memory_space<hbm>> -> memref<1x568x128xf32, #tpu.memory_space<hbm>>
        %dma_start3A_52 = tpu.memref_squeeze %dma_start3A_51 : memref<1x568x128xf32, #tpu.memory_space<hbm>> -> memref<568x128xf32, #tpu.memory_space<hbm>>
        %dma_start3A_53 = arith.constant 0 : i32
        %dma_start3A_54 = tpu.memref_slice %arg10[%mul3A_2, %dma_start3A_53] : memref<10048x128xf32, #tpu.memory_space<vmem_shared>> -> memref<568x128xf32, #tpu.memory_space<vmem_shared>>
        tpu.enqueue_dma source(%dma_start3A_54 : memref<568x128xf32, #tpu.memory_space<vmem_shared>>) target(%dma_start3A_52 : memref<568x128xf32, #tpu.memory_space<hbm>>) target_semaphore(%run_scoped3A : memref<!tpu.dma_semaphore, #tpu.memory_space<semaphore_mem>>)
        %dma_wait3A = arith.constant 0 : i32
        %dma_wait3A_55 = tpu.memref_slice %arg6[%arg0, %mul3A_2, %dma_wait3A] : memref<2x10048x128xf32, #tpu.memory_space<hbm>> -> memref<1x568x128xf32, #tpu.memory_space<hbm>>
        %dma_wait3A_56 = tpu.memref_squeeze %dma_wait3A_55 : memref<1x568x128xf32, #tpu.memory_space<hbm>> -> memref<568x128xf32, #tpu.memory_space<hbm>>
        %dma_wait3A_57 = arith.constant 0 : i32
        %dma_wait3A_58 = tpu.memref_slice %arg10[%mul3A_2, %dma_wait3A_57] : memref<10048x128xf32, #tpu.memory_space<vmem_shared>> -> memref<568x128xf32, #tpu.memory_space<vmem_shared>>
        tpu.wait_dma2 semaphore(%run_scoped3A : memref<!tpu.dma_semaphore, #tpu.memory_space<semaphore_mem>>) src(%dma_wait3A_58 : memref<568x128xf32, #tpu.memory_space<vmem_shared>>) dst(%dma_wait3A_56 : memref<568x128xf32, #tpu.memory_space<hbm>>)
        tpu.yield
      }) : () -> ()
    } else {
    }
    return
  }
}

module attributes {stable_mosaic.version = 14 : i64} {
  func.func @_tc1_body(%arg0: i32, %arg1: memref<2x1000x128xf32, #tpu.memory_space<vmem>>, %arg2: memref<1000x128xf32, #tpu.memory_space<vmem>>, %arg3: memref<2x1000x128xf32, #tpu.memory_space<vmem>>, %arg4: memref<128x128xf32, #tpu.memory_space<vmem>>, %arg5: memref<1x128xf32, #tpu.memory_space<vmem>>, %arg6: memref<1000x128xf32, #tpu.memory_space<vmem>>) attributes {dimension_semantics = [#tpu.dimension_semantics<arbitrary>], iteration_bounds = array<i64: 10>, scalar_prefetch = 0 : i64, scratch_operands = 0 : i64, tpu.core_type = #tpu.core_type<tc>, window_params = [{transform_indices = @transform_0, window_bounds = array<i64: 2, 1000, 128>}, {transform_indices = @transform_1, window_bounds = array<i64: 1000, 128>}, {transform_indices = @transform_2, window_bounds = array<i64: 2, 1000, 128>}, {pipeline_mode = #tpu.pipeline_mode<synchronous>, transform_indices = @transform_3, window_bounds = array<i64: 128, 128>}, {pipeline_mode = #tpu.pipeline_mode<synchronous>, transform_indices = @transform_4, window_bounds = array<i64: 1, 128>}, {transform_indices = @transform_5, window_bounds = array<i64: 1000, 128>}]} {
    %get3A = arith.constant 0 : index
    %get3A_0 = arith.constant 0 : index
    %get3A_1 = arith.constant 0 : index
    %get3A_2 = vector.load %arg3[%get3A, %get3A_0, %get3A_1] : memref<2x1000x128xf32, #tpu.memory_space<vmem>>, vector<1x1000x128xf32>
    %get3A_3 = vector.shape_cast %get3A_2 : vector<1x1000x128xf32> to vector<1000x128xf32>
    %get3A_4 = arith.constant 1 : index
    %get3A_5 = arith.constant 0 : index
    %get3A_6 = arith.constant 0 : index
    %get3A_7 = vector.load %arg3[%get3A_4, %get3A_5, %get3A_6] : memref<2x1000x128xf32, #tpu.memory_space<vmem>>, vector<1x1000x128xf32>
    %get3A_8 = vector.shape_cast %get3A_7 : vector<1x1000x128xf32> to vector<1000x128xf32>
    %add3A = arith.addf %get3A_3, %get3A_8 : vector<1000x128xf32>
    %slice3A = vector.extract_strided_slice %add3A {offsets = [0, 0], sizes = [1000, 1], strides = [1, 1]} : vector<1000x128xf32> to vector<1000x1xf32>
    %add3A_9 = arith.constant 1.000000e+00 : f32
    %add3A_10 = vector.broadcast %add3A_9 : f32 to vector<1000x1xf32>
    %add3A_11 = arith.addf %slice3A, %add3A_10 : vector<1000x1xf32>
    %get3A_12 = arith.constant 0 : index
    %get3A_13 = arith.constant 0 : index
    %get3A_14 = arith.constant 0 : index
    %get3A_15 = vector.load %arg1[%get3A_12, %get3A_13, %get3A_14] : memref<2x1000x128xf32, #tpu.memory_space<vmem>>, vector<1x1000x128xf32>
    %get3A_16 = vector.shape_cast %get3A_15 : vector<1x1000x128xf32> to vector<1000x128xf32>
    %get3A_17 = arith.constant 1 : index
    %get3A_18 = arith.constant 0 : index
    %get3A_19 = arith.constant 0 : index
    %get3A_20 = vector.load %arg1[%get3A_17, %get3A_18, %get3A_19] : memref<2x1000x128xf32, #tpu.memory_space<vmem>>, vector<1x1000x128xf32>
    %get3A_21 = vector.shape_cast %get3A_20 : vector<1x1000x128xf32> to vector<1000x128xf32>
    %add3A_22 = arith.addf %get3A_16, %get3A_21 : vector<1000x128xf32>
    %get3A_23 = arith.constant 0 : index
    %get3A_24 = arith.constant 0 : index
    %get3A_25 = vector.load %arg2[%get3A_23, %get3A_24] : memref<1000x128xf32, #tpu.memory_space<vmem>>, vector<1000x128xf32>
    %add3A_26 = arith.addf %add3A_22, %get3A_25 : vector<1000x128xf32>
    %div3A = vector.broadcast %add3A_11 : vector<1000x1xf32> to vector<1000x128xf32>
    %div3A_27 = arith.divf %add3A_26, %div3A : vector<1000x128xf32>
    %get3A_28 = arith.constant 0 : index
    %get3A_29 = arith.constant 0 : index
    %get3A_30 = vector.load %arg4[%get3A_28, %get3A_29] : memref<128x128xf32, #tpu.memory_space<vmem>>, vector<128x128xf32>
    %dot_general3A = arith.constant dense<0.000000e+00> : vector<1000x128xf32>
    %dot_general3A_31 = tpu.matmul %div3A_27, %get3A_30, %dot_general3A {dimension_numbers = #tpu.dot_dimension_numbers<[1], [0], [0], [1], [0, 0, 1, 1], [], []>, transpose_lhs_hint = false} : vector<1000x128xf32>, vector<128x128xf32>, vector<1000x128xf32> -> vector<1000x128xf32>
    %get3A_32 = arith.constant 0 : index
    %get3A_33 = arith.constant 0 : index
    %get3A_34 = vector.load %arg5[%get3A_32, %get3A_33] : memref<1x128xf32, #tpu.memory_space<vmem>>, vector<1x128xf32>
    %add3A_35 = vector.broadcast %get3A_34 : vector<1x128xf32> to vector<1000x128xf32>
    %add3A_36 = arith.addf %dot_general3A_31, %add3A_35 : vector<1000x128xf32>
    %max3A = arith.constant 0.000000e+00 : f32
    %max3A_37 = vector.broadcast %max3A : f32 to vector<1000x128xf32>
    %max3A_38 = arith.maximumf %add3A_36, %max3A_37 : vector<1000x128xf32>
    %swap3A = arith.constant 0 : index
    %swap3A_39 = arith.constant 0 : index
    %swap3A_40 = vector.load %arg6[%swap3A, %swap3A_39] : memref<1000x128xf32, #tpu.memory_space<vmem>>, vector<1000x128xf32>
    tpu.vector_store %arg6[%swap3A, %swap3A_39], %max3A_38 {strides = array<i32>} : memref<1000x128xf32, #tpu.memory_space<vmem>>, vector<1000x128xf32>,
    return
  }
  func.func @transform_0(%arg0: i32) -> (i32, i32, i32) {
    %c0_i32 = arith.constant 0 : i32
    %c0_i32_0 = arith.constant 0 : i32
    %c0_i32_1 = arith.constant 0 : i32
    return %c0_i32, %arg0, %c0_i32_0 : i32, i32, i32
  }
  func.func @transform_1(%arg0: i32) -> (i32, i32) {
    %c0_i32 = arith.constant 0 : i32
    %c0_i32_0 = arith.constant 0 : i32
    return %arg0, %c0_i32 : i32, i32
  }
  func.func @transform_2(%arg0: i32) -> (i32, i32, i32) {
    %c0_i32 = arith.constant 0 : i32
    %c0_i32_0 = arith.constant 0 : i32
    %c0_i32_1 = arith.constant 0 : i32
    return %c0_i32, %arg0, %c0_i32_0 : i32, i32, i32
  }
  func.func @transform_3(%arg0: i32) -> (i32, i32) {
    %c0_i32 = arith.constant 0 : i32
    %c0_i32_0 = arith.constant 0 : i32
    %c0_i32_1 = arith.constant 0 : i32
    return %c0_i32, %c0_i32_0 : i32, i32
  }
  func.func @transform_4(%arg0: i32) -> (i32, i32) {
    %c0_i32 = arith.constant 0 : i32
    %c0_i32_0 = arith.constant 0 : i32
    %c0_i32_1 = arith.constant 0 : i32
    return %c0_i32, %c0_i32_0 : i32, i32
  }
  func.func @transform_5(%arg0: i32) -> (i32, i32) {
    %c0_i32 = arith.constant 0 : i32
    %c0_i32_0 = arith.constant 0 : i32
    return %arg0, %c0_i32 : i32, i32
  }
}

module attributes {stable_mosaic.version = 14 : i64} {
  func.func @_tc2_body(%arg0: i32, %arg1: memref<2x1000x128xf32, #tpu.memory_space<vmem>>, %arg2: memref<1000x128xf32, #tpu.memory_space<vmem>>, %arg3: memref<2x1000x128xf32, #tpu.memory_space<vmem>>, %arg4: memref<128x128xf32, #tpu.memory_space<vmem>>, %arg5: memref<1x128xf32, #tpu.memory_space<vmem>>, %arg6: memref<128x128xf32, #tpu.memory_space<vmem>>, %arg7: memref<1x128xf32, #tpu.memory_space<vmem>>, %arg8: memref<128x32xf32, #tpu.memory_space<vmem>>, %arg9: memref<1x32xf32, #tpu.memory_space<vmem>>, %arg10: memref<128x128xf32, #tpu.memory_space<vmem>>, %arg11: memref<1x128xf32, #tpu.memory_space<vmem>>, %arg12: memref<128x16xf32, #tpu.memory_space<vmem>>, %arg13: memref<1x16xf32, #tpu.memory_space<vmem>>, %arg14: memref<1000x32xf32, #tpu.memory_space<vmem>>, %arg15: memref<1000x16xf32, #tpu.memory_space<vmem>>) attributes {dimension_semantics = [#tpu.dimension_semantics<arbitrary>], iteration_bounds = array<i64: 10>, scalar_prefetch = 0 : i64, scratch_operands = 0 : i64, tpu.core_type = #tpu.core_type<tc>, window_params = [{transform_indices = @transform_0, window_bounds = array<i64: 2, 1000, 128>}, {transform_indices = @transform_1, window_bounds = array<i64: 1000, 128>}, {transform_indices = @transform_2, window_bounds = array<i64: 2, 1000, 128>}, {pipeline_mode = #tpu.pipeline_mode<synchronous>, transform_indices = @transform_3, window_bounds = array<i64: 128, 128>}, {pipeline_mode = #tpu.pipeline_mode<synchronous>, transform_indices = @transform_4, window_bounds = array<i64: 1, 128>}, {pipeline_mode = #tpu.pipeline_mode<synchronous>, transform_indices = @transform_5, window_bounds = array<i64: 128, 128>}, {pipeline_mode = #tpu.pipeline_mode<synchronous>, transform_indices = @transform_6, window_bounds = array<i64: 1, 128>}, {pipeline_mode = #tpu.pipeline_mode<synchronous>, transform_indices = @transform_7, window_bounds = array<i64: 128, 32>}, {pipeline_mode = #tpu.pipeline_mode<synchronous>, transform_indices = @transform_8, window_bounds = array<i64: 1, 32>}, {pipeline_mode = #tpu.pipeline_mode<synchronous>, transform_indices = @transform_9, window_bounds = array<i64: 128, 128>}, {pipeline_mode = #tpu.pipeline_mode<synchronous>, transform_indices = @transform_10, window_bounds = array<i64: 1, 128>}, {pipeline_mode = #tpu.pipeline_mode<synchronous>, transform_indices = @transform_11, window_bounds = array<i64: 128, 16>}, {pipeline_mode = #tpu.pipeline_mode<synchronous>, transform_indices = @transform_12, window_bounds = array<i64: 1, 16>}, {transform_indices = @transform_13, window_bounds = array<i64: 1000, 32>}, {transform_indices = @transform_14, window_bounds = array<i64: 1000, 16>}]} {
    %get3A = arith.constant 0 : index
    %get3A_0 = arith.constant 0 : index
    %get3A_1 = arith.constant 0 : index
    %get3A_2 = vector.load %arg3[%get3A, %get3A_0, %get3A_1] : memref<2x1000x128xf32, #tpu.memory_space<vmem>>, vector<1x1000x128xf32>
    %get3A_3 = vector.shape_cast %get3A_2 : vector<1x1000x128xf32> to vector<1000x128xf32>
    %get3A_4 = arith.constant 1 : index
    %get3A_5 = arith.constant 0 : index
    %get3A_6 = arith.constant 0 : index
    %get3A_7 = vector.load %arg3[%get3A_4, %get3A_5, %get3A_6] : memref<2x1000x128xf32, #tpu.memory_space<vmem>>, vector<1x1000x128xf32>
    %get3A_8 = vector.shape_cast %get3A_7 : vector<1x1000x128xf32> to vector<1000x128xf32>
    %add3A = arith.addf %get3A_3, %get3A_8 : vector<1000x128xf32>
    %slice3A = vector.extract_strided_slice %add3A {offsets = [0, 0], sizes = [1000, 1], strides = [1, 1]} : vector<1000x128xf32> to vector<1000x1xf32>
    %add3A_9 = arith.constant 1.000000e+00 : f32
    %add3A_10 = vector.broadcast %add3A_9 : f32 to vector<1000x1xf32>
    %add3A_11 = arith.addf %slice3A, %add3A_10 : vector<1000x1xf32>
    %get3A_12 = arith.constant 0 : index
    %get3A_13 = arith.constant 0 : index
    %get3A_14 = arith.constant 0 : index
    %get3A_15 = vector.load %arg1[%get3A_12, %get3A_13, %get3A_14] : memref<2x1000x128xf32, #tpu.memory_space<vmem>>, vector<1x1000x128xf32>
    %get3A_16 = vector.shape_cast %get3A_15 : vector<1x1000x128xf32> to vector<1000x128xf32>
    %get3A_17 = arith.constant 1 : index
    %get3A_18 = arith.constant 0 : index
    %get3A_19 = arith.constant 0 : index
    %get3A_20 = vector.load %arg1[%get3A_17, %get3A_18, %get3A_19] : memref<2x1000x128xf32, #tpu.memory_space<vmem>>, vector<1x1000x128xf32>
    %get3A_21 = vector.shape_cast %get3A_20 : vector<1x1000x128xf32> to vector<1000x128xf32>
    %add3A_22 = arith.addf %get3A_16, %get3A_21 : vector<1000x128xf32>
    %get3A_23 = arith.constant 0 : index
    %get3A_24 = arith.constant 0 : index
    %get3A_25 = vector.load %arg2[%get3A_23, %get3A_24] : memref<1000x128xf32, #tpu.memory_space<vmem>>, vector<1000x128xf32>
    %add3A_26 = arith.addf %add3A_22, %get3A_25 : vector<1000x128xf32>
    %div3A = vector.broadcast %add3A_11 : vector<1000x1xf32> to vector<1000x128xf32>
    %div3A_27 = arith.divf %add3A_26, %div3A : vector<1000x128xf32>
    %get3A_28 = arith.constant 0 : index
    %get3A_29 = arith.constant 0 : index
    %get3A_30 = vector.load %arg4[%get3A_28, %get3A_29] : memref<128x128xf32, #tpu.memory_space<vmem>>, vector<128x128xf32>
    %dot_general3A = arith.constant dense<0.000000e+00> : vector<1000x128xf32>
    %dot_general3A_31 = tpu.matmul %div3A_27, %get3A_30, %dot_general3A {dimension_numbers = #tpu.dot_dimension_numbers<[1], [0], [0], [1], [0, 0, 1, 1], [], []>, transpose_lhs_hint = false} : vector<1000x128xf32>, vector<128x128xf32>, vector<1000x128xf32> -> vector<1000x128xf32>
    %get3A_32 = arith.constant 0 : index
    %get3A_33 = arith.constant 0 : index
    %get3A_34 = vector.load %arg5[%get3A_32, %get3A_33] : memref<1x128xf32, #tpu.memory_space<vmem>>, vector<1x128xf32>
    %add3A_35 = vector.broadcast %get3A_34 : vector<1x128xf32> to vector<1000x128xf32>
    %add3A_36 = arith.addf %dot_general3A_31, %add3A_35 : vector<1000x128xf32>
    %get3A_37 = arith.constant 0 : index
    %get3A_38 = arith.constant 0 : index
    %get3A_39 = vector.load %arg6[%get3A_37, %get3A_38] : memref<128x128xf32, #tpu.memory_space<vmem>>, vector<128x128xf32>
    %dot_general3A_40 = arith.constant dense<0.000000e+00> : vector<1000x128xf32>
    %dot_general3A_41 = tpu.matmul %add3A_36, %get3A_39, %dot_general3A_40 {dimension_numbers = #tpu.dot_dimension_numbers<[1], [0], [0], [1], [0, 0, 1, 1], [], []>, transpose_lhs_hint = false} : vector<1000x128xf32>, vector<128x128xf32>, vector<1000x128xf32> -> vector<1000x128xf32>
    %get3A_42 = arith.constant 0 : index
    %get3A_43 = arith.constant 0 : index
    %get3A_44 = vector.load %arg7[%get3A_42, %get3A_43] : memref<1x128xf32, #tpu.memory_space<vmem>>, vector<1x128xf32>
    %add3A_45 = vector.broadcast %get3A_44 : vector<1x128xf32> to vector<1000x128xf32>
    %add3A_46 = arith.addf %dot_general3A_41, %add3A_45 : vector<1000x128xf32>
    %max3A = arith.constant 0.000000e+00 : f32
    %max3A_47 = vector.broadcast %max3A : f32 to vector<1000x128xf32>
    %max3A_48 = arith.maximumf %add3A_46, %max3A_47 : vector<1000x128xf32>
    %get3A_49 = arith.constant 0 : index
    %get3A_50 = arith.constant 0 : index
    %get3A_51 = vector.load %arg8[%get3A_49, %get3A_50] : memref<128x32xf32, #tpu.memory_space<vmem>>, vector<128x32xf32>
    %dot_general3A_52 = arith.constant dense<0.000000e+00> : vector<1000x32xf32>
    %dot_general3A_53 = tpu.matmul %max3A_48, %get3A_51, %dot_general3A_52 {dimension_numbers = #tpu.dot_dimension_numbers<[1], [0], [0], [1], [0, 0, 1, 1], [], []>, transpose_lhs_hint = false} : vector<1000x128xf32>, vector<128x32xf32>, vector<1000x32xf32> -> vector<1000x32xf32>
    %get3A_54 = arith.constant 0 : index
    %get3A_55 = arith.constant 0 : index
    %get3A_56 = vector.load %arg9[%get3A_54, %get3A_55] : memref<1x32xf32, #tpu.memory_space<vmem>>, vector<1x32xf32>
    %add3A_57 = vector.broadcast %get3A_56 : vector<1x32xf32> to vector<1000x32xf32>
    %add3A_58 = arith.addf %dot_general3A_53, %add3A_57 : vector<1000x32xf32>
    %mul3A = arith.mulf %add3A_58, %add3A_58 : vector<1000x32xf32>
    %reduce_sum3A = arith.constant dense<0.000000e+00> : vector<1000xf32>
    %reduce_sum3A_59 = vector.multi_reduction <add>, %mul3A, %reduce_sum3A [1] : vector<1000x32xf32> to vector<1000xf32>
    %broadcast_in_dim3A = vector.shape_cast %reduce_sum3A_59 : vector<1000xf32> to vector<1000x1xf32>
    %sqrt3A = math.sqrt %broadcast_in_dim3A : vector<1000x1xf32>
    %max3A_60 = arith.constant 9.99999996E-13 : f32
    %max3A_61 = vector.broadcast %max3A_60 : f32 to vector<1000x1xf32>
    %max3A_62 = arith.maximumf %sqrt3A, %max3A_61 : vector<1000x1xf32>
    %div3A_63 = vector.broadcast %max3A_62 : vector<1000x1xf32> to vector<1000x32xf32>
    %div3A_64 = arith.divf %add3A_58, %div3A_63 : vector<1000x32xf32>
    %swap3A = arith.constant 0 : index
    %swap3A_65 = arith.constant 0 : index
    %swap3A_66 = vector.load %arg14[%swap3A, %swap3A_65] : memref<1000x32xf32, #tpu.memory_space<vmem>>, vector<1000x32xf32>
    tpu.vector_store %arg14[%swap3A, %swap3A_65], %div3A_64 {strides = array<i32>} : memref<1000x32xf32, #tpu.memory_space<vmem>>, vector<1000x32xf32>,
    %get3A_67 = arith.constant 0 : index
    %get3A_68 = arith.constant 0 : index
    %get3A_69 = vector.load %arg10[%get3A_67, %get3A_68] : memref<128x128xf32, #tpu.memory_space<vmem>>, vector<128x128xf32>
    %dot_general3A_70 = arith.constant dense<0.000000e+00> : vector<1000x128xf32>
    %dot_general3A_71 = tpu.matmul %add3A_36, %get3A_69, %dot_general3A_70 {dimension_numbers = #tpu.dot_dimension_numbers<[1], [0], [0], [1], [0, 0, 1, 1], [], []>, transpose_lhs_hint = false} : vector<1000x128xf32>, vector<128x128xf32>, vector<1000x128xf32> -> vector<1000x128xf32>
    %get3A_72 = arith.constant 0 : index
    %get3A_73 = arith.constant 0 : index
    %get3A_74 = vector.load %arg11[%get3A_72, %get3A_73] : memref<1x128xf32, #tpu.memory_space<vmem>>, vector<1x128xf32>
    %add3A_75 = vector.broadcast %get3A_74 : vector<1x128xf32> to vector<1000x128xf32>
    %add3A_76 = arith.addf %dot_general3A_71, %add3A_75 : vector<1000x128xf32>
    %max3A_77 = arith.constant 0.000000e+00 : f32
    %max3A_78 = vector.broadcast %max3A_77 : f32 to vector<1000x128xf32>
    %max3A_79 = arith.maximumf %add3A_76, %max3A_78 : vector<1000x128xf32>
    %get3A_80 = arith.constant 0 : index
    %get3A_81 = arith.constant 0 : index
    %get3A_82 = vector.load %arg12[%get3A_80, %get3A_81] : memref<128x16xf32, #tpu.memory_space<vmem>>, vector<128x16xf32>
    %dot_general3A_83 = arith.constant dense<0.000000e+00> : vector<1000x16xf32>
    %dot_general3A_84 = tpu.matmul %max3A_79, %get3A_82, %dot_general3A_83 {dimension_numbers = #tpu.dot_dimension_numbers<[1], [0], [0], [1], [0, 0, 1, 1], [], []>, transpose_lhs_hint = false} : vector<1000x128xf32>, vector<128x16xf32>, vector<1000x16xf32> -> vector<1000x16xf32>
    %get3A_85 = arith.constant 0 : index
    %get3A_86 = arith.constant 0 : index
    %get3A_87 = vector.load %arg13[%get3A_85, %get3A_86] : memref<1x16xf32, #tpu.memory_space<vmem>>, vector<1x16xf32>
    %add3A_88 = vector.broadcast %get3A_87 : vector<1x16xf32> to vector<1000x16xf32>
    %add3A_89 = arith.addf %dot_general3A_84, %add3A_88 : vector<1000x16xf32>
    %reduce_max3A = arith.constant dense<0xFF800000> : vector<1000xf32>
    %reduce_max3A_90 = vector.multi_reduction <maximumf>, %add3A_89, %reduce_max3A [1] : vector<1000x16xf32> to vector<1000xf32>
    %broadcast_in_dim3A_91 = vector.shape_cast %reduce_max3A_90 : vector<1000xf32> to vector<1000x1xf32>
    %sub3A = vector.broadcast %broadcast_in_dim3A_91 : vector<1000x1xf32> to vector<1000x16xf32>
    %sub3A_92 = arith.subf %add3A_89, %sub3A : vector<1000x16xf32>
    %exp3A = math.exp %sub3A_92 : vector<1000x16xf32>
    %reduce_sum3A_93 = arith.constant dense<0.000000e+00> : vector<1000xf32>
    %reduce_sum3A_94 = vector.multi_reduction <add>, %exp3A, %reduce_sum3A_93 [1] : vector<1000x16xf32> to vector<1000xf32>
    %broadcast_in_dim3A_95 = vector.shape_cast %reduce_sum3A_94 : vector<1000xf32> to vector<1000x1xf32>
    %div3A_96 = vector.broadcast %broadcast_in_dim3A_95 : vector<1000x1xf32> to vector<1000x16xf32>
    %div3A_97 = arith.divf %exp3A, %div3A_96 : vector<1000x16xf32>
    %swap3A_98 = arith.constant 0 : index
    %swap3A_99 = arith.constant 0 : index
    %swap3A_100 = vector.load %arg15[%swap3A_98, %swap3A_99] : memref<1000x16xf32, #tpu.memory_space<vmem>>, vector<1000x16xf32>
    tpu.vector_store %arg15[%swap3A_98, %swap3A_99], %div3A_97 {strides = array<i32>} : memref<1000x16xf32, #tpu.memory_space<vmem>>, vector<1000x16xf32>,
    return
  }
  func.func @transform_0(%arg0: i32) -> (i32, i32, i32) {
    %c0_i32 = arith.constant 0 : i32
    %c0_i32_0 = arith.constant 0 : i32
    %c0_i32_1 = arith.constant 0 : i32
    return %c0_i32, %arg0, %c0_i32_0 : i32, i32, i32
  }
  func.func @transform_1(%arg0: i32) -> (i32, i32) {
    %c0_i32 = arith.constant 0 : i32
    %c0_i32_0 = arith.constant 0 : i32
    return %arg0, %c0_i32 : i32, i32
  }
  func.func @transform_2(%arg0: i32) -> (i32, i32, i32) {
    %c0_i32 = arith.constant 0 : i32
    %c0_i32_0 = arith.constant 0 : i32
    %c0_i32_1 = arith.constant 0 : i32
    return %c0_i32, %arg0, %c0_i32_0 : i32, i32, i32
  }
  func.func @transform_3(%arg0: i32) -> (i32, i32) {
    %c0_i32 = arith.constant 0 : i32
    %c0_i32_0 = arith.constant 0 : i32
    %c0_i32_1 = arith.constant 0 : i32
    return %c0_i32, %c0_i32_0 : i32, i32
  }
  func.func @transform_4(%arg0: i32) -> (i32, i32) {
    %c0_i32 = arith.constant 0 : i32
    %c0_i32_0 = arith.constant 0 : i32
    %c0_i32_1 = arith.constant 0 : i32
    return %c0_i32, %c0_i32_0 : i32, i32
  }
  func.func @transform_5(%arg0: i32) -> (i32, i32) {
    %c0_i32 = arith.constant 0 : i32
    %c0_i32_0 = arith.constant 0 : i32
    %c0_i32_1 = arith.constant 0 : i32
    return %c0_i32, %c0_i32_0 : i32, i32
  }
  func.func @transform_6(%arg0: i32) -> (i32, i32) {
    %c0_i32 = arith.constant 0 : i32
    %c0_i32_0 = arith.constant 0 : i32
    %c0_i32_1 = arith.constant 0 : i32
    return %c0_i32, %c0_i32_0 : i32, i32
  }
  func.func @transform_7(%arg0: i32) -> (i32, i32) {
    %c0_i32 = arith.constant 0 : i32
    %c0_i32_0 = arith.constant 0 : i32
    %c0_i32_1 = arith.constant 0 : i32
    return %c0_i32, %c0_i32_0 : i32, i32
  }
  func.func @transform_8(%arg0: i32) -> (i32, i32) {
    %c0_i32 = arith.constant 0 : i32
    %c0_i32_0 = arith.constant 0 : i32
    %c0_i32_1 = arith.constant 0 : i32
    return %c0_i32, %c0_i32_0 : i32, i32
  }
  func.func @transform_9(%arg0: i32) -> (i32, i32) {
    %c0_i32 = arith.constant 0 : i32
    %c0_i32_0 = arith.constant 0 : i32
    %c0_i32_1 = arith.constant 0 : i32
    return %c0_i32, %c0_i32_0 : i32, i32
  }
  func.func @transform_10(%arg0: i32) -> (i32, i32) {
    %c0_i32 = arith.constant 0 : i32
    %c0_i32_0 = arith.constant 0 : i32
    %c0_i32_1 = arith.constant 0 : i32
    return %c0_i32, %c0_i32_0 : i32, i32
  }
  func.func @transform_11(%arg0: i32) -> (i32, i32) {
    %c0_i32 = arith.constant 0 : i32
    %c0_i32_0 = arith.constant 0 : i32
    %c0_i32_1 = arith.constant 0 : i32
    return %c0_i32, %c0_i32_0 : i32, i32
  }
  func.func @transform_12(%arg0: i32) -> (i32, i32) {
    %c0_i32 = arith.constant 0 : i32
    %c0_i32_0 = arith.constant 0 : i32
    %c0_i32_1 = arith.constant 0 : i32
    return %c0_i32, %c0_i32_0 : i32, i32
  }
  func.func @transform_13(%arg0: i32) -> (i32, i32) {
    %c0_i32 = arith.constant 0 : i32
    %c0_i32_0 = arith.constant 0 : i32
    return %arg0, %c0_i32 : i32, i32
  }
  func.func @transform_14(%arg0: i32) -> (i32, i32) {
    %c0_i32 = arith.constant 0 : i32
    %c0_i32_0 = arith.constant 0 : i32
    return %arg0, %c0_i32 : i32, i32
  }
}

</mosaic_0001>

<sc_bundles>
// kernel: kernel.12.cloned.1.call-start
scs
__scs_entry_jumppad:
0x0: {  	(pc) =	sbr.rel $0x88, $3  }
0x1: {  	(tag) =	ssettag $0x0;
	lr =	simm.s32 $0x1  }
0x2: {  	[smem:$0x3F91] =	sst lr;
	_ =	strace $0xD0000000  }
0x3: {  	_ = 	snop  }
0x4: {  	_ = 	snop  }
0x5: {  	_ = 	snop  }
0x6: {  	_ = 	snop  }
0x7: {  	_ = 	snop  }
__scs_overlays_trampoline_lowered:
0x8: {  	[smem:$0x3FA0] =	sst s0  }
0x9: {  	[smem:$0x3FA1] =	sst s1  }
0xa: {  	[smem:$0x3FA2] =	sst s2  }
0xb: {  	[smem:$0x3FA3] =	sst s3  }
0xc: {  	[smem:$0x3FA4] =	sst s4  }
0xd: {  	[smem:$0x3FA5] =	sst s5  }
0xe: {  	[smem:$0x3FA6] =	sst s6  }
0xf: {  	[smem:$0x3FA7] =	sst s7  }
0x10: {  	[smem:$0x3FA8] =	sst s8  }
0x11: {  	[smem:$0x3FA9] =	sst s9;
	s0 =	simm.s32 @!p0 $0x0  }
0x12: {  	s1 =	sld [smem:$0x3F8F];
	s0 =	simm.s32 @p0 $0x1  }
0x13: {  	[smem:$0x3FAA] =	sst s0;
	s0 =	simm.s32 @!p1 $0x0  }
0x14: {  	s2 =	sld [smem:$0x3F8E];
	s0 =	simm.s32 @p1 $0x1  }
0x15: {  	[smem:$0x3FAB] =	sst s0;
	s0 =	simm.s32 @!p2 $0x0  }
0x16: {  	s3 =	sld [smem:$0x3FDB];
	s0 =	simm.s32 @p2 $0x1  }
0x17: {  	s4 =	simm.s32 $0x1BF5;
	[smem:$0x3FAD] =	sst s0  }
0x18: {  	s0 =	sld [smem:$0x3F90];
	_ =	swait.ge [sflag:s4], $0x0  }
0x19: {  	s7 =	sld [smem:$0x3F91]  }
0x1a: {  	s8 =	sadd.s32 $0xFFFFE003, lr  }
0x1b: {  	s9 =	sadd.s32 $0xFFFFFEF7, lr;
	s5 =	simm.s32 $0xFFFFFFFF;
	p2 =	slt.u32 s8, $0xFFFFF086  }
0x1c: {  	p1 =	slt.u32 s9, $0xF7A;
	s5 =	simm.s32 @!p2 $0x0  }
0x1d: {  	s5 =	simm.s32 @p1 $0x1;
	p0 =	seq.s32 s7, s2  }
0x1e: {  	s7 =	smul.u32 @!p0 $0xF7A, s2;
	p2 =	seq.s32 @!p0 s5, $0x0  }
0x1f: {  	s9 =	smul.u32 $0xF7A, s1;
	s8 =	simm.s32 @!p0 $0x1BF5;
	p2 =	por !p2, p0  }
0x20: {  	[sflag:s8] =	ssyncset.s32 @!p0 $0xFFFFF086;
	s6 =	sadd.s32 @!p0 s3, s7;
	s7 =	simm.s32 @!p0 $0x108  }
0x21: {  	s3 =	sadd.s32 s3, s9;
	s6 =	sadd.s32 @!p0 $0x88, s6;
	s7 =	simm.s32 @p2 $0x1082  }
0x22: {  	[simem:s7], [sflag:s8] =	dma.local @!p0 [hbm:s6], $0xF7A  }
0x23: {  	s9 =	sor.u32 $0xD0000000, s2;
	s6 =	simm.s32 $0x108;
	_ =	swait.ge @!p0 [sflag:s8], $0x0  }
0x24: {  	s3 =	sadd.s32 $0x88, s3;
	s6 =	simm.s32 @!p1 $0x1082;
	[sflag:s4] =	ssyncset.s32 $0xFFFFF086  }
0x25: {  	[simem:s6], [sflag:s4] =	dma.local [hbm:s3], $0xF7A  }
0x26: {  	[smem:$0x3F91] =	sst s1;
	(tag) =	ssettag s2;
	_ =	strace s9  }
0x27: {  	s1 =	sld [smem:$0x3FA1]  }
0x28: {  	s2 =	sld [smem:$0x3FA2]  }
0x29: {  	s4 =	sld [smem:$0x3FA4]  }
0x2a: {  	p0 =	seq.s32 s5, $0x0;
	s5 =	sld [smem:$0x3FA5]  }
0x2b: {  	s6 =	sld [smem:$0x3FA6]  }
0x2c: {  	s7 =	sld [smem:$0x3FA7]  }
0x2d: {  	s3 =	simm.s32 $0x108;
	s8 =	sld [smem:$0x3FA8]  }
0x2e: {  	s3 =	simm.s32 @!p0 $0x1082;
	s9 =	sld [smem:$0x3FA9]  }
0x2f: {  	lr =	sadd.s32 s0, s3;
	s0 =	sld [smem:$0x3FA0]  }
0x30: {  	s3 =	sld [smem:$0x3FA3]  }
0x31: {  	[smem:$0x3FAC] =	sst s10  }
0x32: {  	s10 =	sld [smem:$0x3FAA];
	_ =	sdelay $0x3  }
0x33: {  	p0 =	seq.s32 s10, $0x1;
	s10 =	sld [smem:$0x3FAC];
	_ =	sdelay $0x3  }
0x34: {  	[smem:$0x3FAC] =	sst s10  }
0x35: {  	s10 =	sld [smem:$0x3FAB];
	_ =	sdelay $0x3  }
0x36: {  	p1 =	seq.s32 s10, $0x1;
	s10 =	sld [smem:$0x3FAC];
	_ =	sdelay $0x3  }
0x37: {  	[smem:$0x3FAC] =	sst s10  }
0x38: {  	s10 =	sld [smem:$0x3FAD]  }
0x39: {  	_ = 	snop;
	(pc) =	sbr.ind lr, $3  }
0x3a: {  	_ = 	snop  }
0x3b: {  	_ = 	snop  }
0x3c: {  	p2 =	seq.s32 s10, $0x1;
	s10 =	sld [smem:$0x3FAC]  }
0x3d: {  	_ =	shalt  }
0x3e: {  	_ =	shalt  }
0x3f: {  	_ =	shalt  }
0x40: {  	_ =	shalt  }
0x41: {  	_ =	shalt  }
0x42: {  	_ =	shalt  }
0x43: {  	_ =	shalt  }
0x44: {  	_ =	shalt  }
0x45: {  	_ =	shalt  }
0x46: {  	_ =	shalt  }
0x47: {  	_ =	shalt  }
0x48: {  	_ =	shalt  }
0x49: {  	_ =	shalt  }
0x4a: {  	_ =	shalt  }
0x4b: {  	_ =	shalt  }
0x4c: {  	_ =	shalt  }
0x4d: {  	_ =	shalt  }
0x4e: {  	_ =	shalt  }
0x4f: {  	_ =	shalt  }
0x50: {  	_ =	shalt  }
0x51: {  	_ =	shalt  }
0x52: {  	_ =	shalt  }
0x53: {  	_ =	shalt  }
0x54: {  	_ =	shalt  }
0x55: {  	_ =	shalt  }
0x56: {  	_ =	shalt  }
0x57: {  	_ =	shalt  }
0x58: {  	_ =	shalt  }
0x59: {  	_ =	shalt  }
0x5a: {  	_ =	shalt  }
0x5b: {  	_ =	shalt  }
0x5c: {  	_ =	shalt  }
0x5d: {  	_ =	shalt  }
0x5e: {  	_ =	shalt  }
0x5f: {  	_ =	shalt  }
0x60: {  	_ =	shalt  }
0x61: {  	_ =	shalt  }
0x62: {  	_ =	shalt  }
0x63: {  	_ =	shalt  }
0x64: {  	_ =	shalt  }
0x65: {  	_ =	shalt  }
0x66: {  	_ =	shalt  }
0x67: {  	_ =	shalt  }
0x68: {  	_ =	shalt  }
0x69: {  	_ =	shalt  }
0x6a: {  	_ =	shalt  }
0x6b: {  	_ =	shalt  }
0x6c: {  	_ =	shalt  }
0x6d: {  	_ =	shalt  }
0x6e: {  	_ =	shalt  }
0x6f: {  	_ =	shalt  }
0x70: {  	_ =	shalt  }
0x71: {  	_ =	shalt  }
0x72: {  	_ =	shalt  }
0x73: {  	_ =	shalt  }
0x74: {  	_ =	shalt  }
0x75: {  	_ =	shalt  }
0x76: {  	_ =	shalt  }
0x77: {  	_ =	shalt  }
0x78: {  	_ =	shalt  }
0x79: {  	_ =	shalt  }
0x7a: {  	_ =	shalt  }
0x7b: {  	_ =	shalt  }
0x7c: {  	_ =	shalt  }
0x7d: {  	_ =	shalt  }
0x7e: {  	_ =	shalt  }
0x7f: {  	_ =	shalt  }
0x80: {  	_ =	shalt  }
0x81: {  	_ =	shalt  }
0x82: {  	_ =	shalt  }
0x83: {  	_ =	shalt  }
0x84: {  	_ =	shalt  }
0x85: {  	_ =	shalt  }
0x86: {  	_ =	shalt  }
0x87: {  	_ =	shalt  }
.Lfunc_end0:
.L_simem_size_0:
called_computation_lowered:
.L_overlay_start_0:
0x88: {  	s2 =	sld [smem:$0x3FD9]  }
0x89: {  	s3 =	sld [smem:$0x3FFE];
	_ =	sdelay $0x1  }
0x8a: {  	s1 =	srdreg.scid  }
0x8b: {  	s0 =	sand.u32 $0x1, s1  }
0x8c: {  	s17 =	sshll.u32 s0, $0xA;
	s2 =	sadd.s32 s3, s2  }
0x8d: {  	s2 =	sadd.s32 s2, s17  }
0x8e: {  	[smem:$0x3FB8] =	sst s2  }
0x8f: {  	_ = 	snop  }
0x90: {  	s18 =	sld [smem:$0x3FC9];
	(tm) =	ssettm $0x1  }
0x91: {  	s19 =	sld [smem:$0x3FFB];
	_ =	sdelay $0x3  }
0x92: {  	_ =	strace s19  }
0x93: {  	s2 =	sld [smem:$0x3FFC];
	_ =	sdelay $0x3  }
0x94: {  	_ =	strace s2  }
0x95: {  	s2 =	sld [smem:$0x3FFD];
	_ =	sdelay $0x3  }
0x96: {  	_ =	strace s2  }
0x97: {  	_ =	strace $0x8FFFFFFF  }
0x98: {  	s20 =	sld [smem:$0x3FDB];
	_ =	sdelay $0x1  }
0x99: {  	s4 =	simm.s32 $_scs_section_size  }
0x9a: {  	s5 =	simm.s32 $_size__tile_overlayer_lowered;
	s6 =	simm.s32 $_tile_overlayer_lowered  }
0x9b: {  	s7 =	simm.s32 $0x1BFF;
	s21 =	sshll.u32 s6, $0x1;
	s4 =	sadd.s32 s4, s20  }
0x9c: {  	s22 =	simm.s32 $0x0;
	s5 =	sshll.u32 s5, $0x1;
	s6 =	sadd.s32 s21, s4  }
0x9d: {  	[timem:s22], [sflag:s7] =	dma.local [hbm:s6], s5  }
0x9e: {  	_ =	swait.ge [sflag:s7], s5  }
0x9f: {  	s5 =	ssub.s32 $0x0, s5;
	[sflag:s7] =	ssyncset.done $0x0  }
0xa0: {  	[sflag:s7] =	ssyncadd.s32 s5;
	_ =	sdelay $0x1  }
0xa1: {  	s23 =	simm.s32 $0x1B8B  }
0xa2: {  	_ =	swait.ge [sflag:s23], $0x1  }
0xa3: {  	[sflag:s23] =	ssyncset.done $0x0  }
0xa4: {  	[sflag:s23] =	ssyncadd.s32 $0xFFFFFFFF  }
0xa5: {  	s5 =	sld [smem:$0x0]  }
0xa6: {  	s6 =	sand.u32 $0xFFFFFFFE, s1  }
0xa7: {  	p0 =	sne.s32 s1, s6  }
0xa8: {  	s6 =	sshll.u32 @p0 s6, $0xE  }
0xa9: {  	s6 =	sadd.s32 @p0 $0x11B8D, s6;
	s7 =	sshll.u32 @p0 s5, $0x11  }
0xaa: {  	s6 =	sor.u32 @p0 s7, s6  }
0xab: {  	[sflag:s6] =	ssyncadd.remote.s32 @p0 $0x1;
	_ =	sdelay $0x1  }
0xac: {  	s6 =	simm.s32 @p0 $0x1B8D  }
0xad: {  	_ =	swait.eq @p0 [sflag:s6], $0x1  }
0xae: {  	[sflag:s6] =	ssyncadd.s32 @p0 $0xFFFFFFFF  }
0xaf: {  	s7 =	sshll.u32 @!p0 s1, $0xE  }
0xb0: {  	s7 =	sor.u32 @!p0 $0x4000, s7;
	s6 =	simm.s32 @!p0 $0x1B8D  }
0xb1: {  	s5 =	sshll.u32 @!p0 s5, $0x11;
	s7 =	sadd.s32 @!p0 $0x11B8D, s7;
	_ =	swait.eq @!p0 [sflag:s6], $0x1  }
0xb2: {  	s5 =	sor.u32 @!p0 s5, s7;
	[sflag:s6] =	ssyncadd.s32 @!p0 $0xFFFFFFFF  }
0xb3: {  	s25 =	simm.s32 $0x1B8E;
	s24 =	sld [smem:$0x3FFE];
	[sflag:s5] =	ssyncadd.remote.s32 @!p0 $0x1  }
0xb4: {  	s26 =	simm.s32 $execute0_lowered;
	[smem:$0x3FD2] =	sst s25  }
0xb5: {  	s6 =	sshll.u32 s26, $0x1;
	_ =	strace $0x8000004C;
	[dreg:$0x1] =	wrdreg $0xFFFFFFFF  }
0xb6: {  	s28 =	simm.s32 $_size_execute0_lowered;
	s4 =	sadd.s32 s4, s6;
	[dreg:$0x0] =	wrdreg $0x0  }
0xb7: {  	s6 =	sshll.u32 s28, $0x1;
	[dreg:$0x2] =	wrdreg s4  }
0xb8: {  	[dreg:$0x3] =	wrdreg s6  }
0xb9: {  	[dreg:$0x4] =	wrdreg $0xC0  }
0xba: {  	_ =	task [dreg:s22], $0x5FFFF  }
0xbb: {  	[dreg:$0x1] =	wrdreg $0xFFFFFFFF  }
0xbc: {  	[dreg:$0x0] =	wrdreg $0x60  }
0xbd: {  	[dreg:$0x2] =	wrdreg s18  }
0xbe: {  	[dreg:$0x3] =	wrdreg s24  }
0xbf: {  	[dreg:$0x4] =	wrdreg $0xA9000  }
0xc0: {  	[dreg:$0x5] =	wrdreg $0x9  }
0xc1: {  	_ =	task.clear_ibuf [dreg:s22], $0x6FFFF;
	_ =	strace $0x9000004C  }
0xc2: {  	s29 =	simm.s32 $0x9;
	_ =	strace $0x8000004E  }
0xc3: {  	_ =	swait.ge [sflag:s29], $0x1  }
0xc4: {  	[sflag:s29] =	ssyncadd.s32 $0xFFFFFFFF  }
0xc5: {  	_ =	strace $0x9000004E  }
0xc6: {  	_ =	sfence  }
0xc7: {  	s30 =	sld [smem:$0x0];
	_ =	sdelay $0x2  }
0xc8: {  	s31 =	sshll.u32 s1, $0xD;
	s1 =	sshrl.u32 s1, $0x2  }
0xc9: {  	s4 =	sand.u32 $0x4000, s31;
	s1 =	sadd.s32 s1, s30  }
0xca: {  	s0 =	sor.u32 s4, s0;
	s1 =	sshll.u32 s1, $0x11  }
0xcb: {  	s0 =	sor.u32 s1, s0  }
0xcc: {  	s0 =	sadd.s32 $0x8F2B, s0  }
0xcd: {  	[sflag:s0] =	ssyncadd.remote.s32 $0x1  }
0xce: {  	_ =	sfence.sel $0xFFFF  }
0xcf: {  	[dreg:$0x0] =	wrdreg $0xFFFFFFFF;
	(pc) =	sbr.abs _section_cstart, $3  }
0xd0: {  	[dreg:$0x1] =	wrdreg $0xFFFFFFFF  }
0xd1: {  	_ =	task.clear_ibuf [dreg:s22], $0x2FFFF;
	_ =	strace $0x9FFFFFFF  }
0xd2: {  	(tm) =	ssettm $0x7FFFFFFF  }
0xd3: {  	_ =	shalt  }
tec
execute0_lowered:
.L_overlay_start_1:
0x0: {  	(tag) =	ssettag $0x1  }
0x1: {  	s1 =	rddreg [dreg:$0x0]  }
0x2: {  	s0 =	srdreg.scid;
	s9 =	rddreg [dreg:$0x1]  }
0x3: {  	s17 =	stileid.u32;
	s3 =	rddreg [dreg:$0x2];
	s5 =	simm.s32 $0x0  }
0x4: {  	s19 =	simm.s32 $0x2900;
	s20 =	simm.s32 $0x2800;
	s21 =	simm.s32 $0x80  }
0x5: {  	s22 =	simm.s32 $0x6900;
	s23 =	simm.s32 $0x2880;
	s24 =	simm.s32 $0x1  }
0x6: {  	s25 =	simm.s32 $0x2;
	s28 =	simm.s32 $0x0;
	s7 =	smul.u32 $0x2780, s17  }
0x7: {  	s0 =	sand.u32 $0x1, s0;
	[smem:$0x7FF] =	sst s5;
	s26 =	smul.u32 $0x4F000, s17  }
0x8: {  	s6 =	sadd.s32 $0xE6800, s9;
	s12 =	sadd.s32 $0xF0800, s9;
	s15 =	smul.u32 $0x13C00, s17  }
0x9: {  	s16 =	sadd.s32 $0x128400, s3;
	p0 =	seq.s32 s17, $0xF;
	s2 =	sshll.u32 s0, $0x4  }
0xa: {  	_ =	strace $0x8000004D;
	s11 =	ssub.s32 $0x2, s0;
	s0 =	smul.u32 $0x13A000, s0  }
0xb: {  	s16 =	sshrl.u32 @p0 s16, $0x3;
	s2 =	sor.u32 s17, s2;
	s10 =	sadd.s32 s7, s9  }
0xc: {  	s13 =	sshrl.u32 s11, $0x1;
	s14 =	sshrl.u32 s26, $0x2;
	s4 =	smul.u32 $0x2800, s2  }
0xd: {  	s13 =	ssub.s32 s11, s13;
	s18 =	sadd.s32 s14, s3;
	s30 =	sadd.s32 s15, s0  }
0xe: {  	s0 =	sshrl.u32 s0, $0x3;
	s15 =	simm.s32 $0x3;
	s31 =	sshrl.u32 s30, $0x3  }
0xf: {  	s0 =	sadd.s32 s12, s0;
	s13 =	smax.u32 s13, $0x1;
	s18 =	sshrl.u32 @!p0 s18, $0x3  }
0x10: {  	s2 =	sshrl.u32 s4, $0x3;
	s11 =	sadd.s32 s12, s31;
	s12 =	sadd.s32 $0x25080, s0  }
0x11: {  	s0 =	sshll.u32 @!p0 s17, $0x6;
	s8 =	sadd.s32 s2, s9;
	s9 =	sadd.s32 $0x47480, s9  }
0x12: {  	s29 =	sadd.s32 $0x18400, s8;
	s8 =	sadd.s32 $0x22400, s10;
	s10 =	sadd.s32 s6, s2  }
0x13: {  	s17 =	sor.u32 @!p0 $0x1C03, s0;
	[dreg:$0x4] =	wrdreg s29;
	s14 =	sadd.s32 $0x4F0, s10  }
.LBB2_1:
0x14: {  	s0 =	rddreg [dreg:$0x4]  }
0x15: {  	[tilespmem:s5], [sflag:$0x3] =	stream.linear.gather [hbm4b:s0+s5], $0x2800, $0x38;
	[tilespmem:$0x1E300] =	vst v63  }
0x16: {  	_ =	swait.ge [sflag:s15], $0x2800  }
0x17: {  	[sflag:s15] =	ssyncset.done $0x0  }
0x18: {  	s0 =	simm.s32 @p0 $0x1FC3;
	[sflag:s15] =	ssyncadd.s32 $0xFFFFD800  }
0x19: {  	[spmem:s16], [sflag:s0] =	dma.local @p0 [hbm:s9], $0x2380  }
0x1a: {  	s0 =	simm.s32 @p0 $0x3  }
0x1b: {  	_ =	swait.ge @p0 [sflag:s0], $0x2380  }
0x1c: {  	[sflag:s0] =	ssyncset.done @p0 $0x0  }
0x1d: {  	[sflag:s0] =	ssyncadd.s32 @p0 $0xFFFFDC80;
	s0 =	simm.s32 @!p0 $0x3  }
0x1e: {  	[spmem:s18], [sflag:s17] =	dma.local @!p0 [hbm:s8], $0x2780  }
0x1f: {  	_ =	swait.ge @!p0 [sflag:s0], $0x2780  }
0x20: {  	s7 =	simm.s32 $0x0;
	[sflag:s0] =	ssyncset.done @!p0 $0x0  }
0x21: {  	s2 =	simm.s32 $0x80;
	[sflag:s0] =	ssyncadd.s32 @!p0 $0xFFFFD880;
	s0 =	sand.u32 $0x3C00, s7  }
0x22: {  	s2 =	sand.u32 $0x380, s2;
	[bflag:$0x0] =	sbarrier.arrive $0xFFFF;
	s0 =	sadd.s32 s4, s0  }
0x23: {  	[tilespmem:s19], [sflag:$0x1] =	stream.indirect.gather [hbm4b:s1+s21], $0x80, s5, s21, $0xb8;
	[tilespmem:$0x1E300] =	vst v63  }
0x24: {  	s0 =	sor.u32 s0, s2  }
0x25: {  	[tilespmem:s20], [sflag:$0x1] =	stream.linear.gather [hbm4b:s10+s5], $0x80, $0x38;
	[tilespmem:$0x1E300] =	vst v63  }
0x26: {  	s0 =	sshrl.u32 s0, $0x3  }
0x27: {  	[tilespmem:s22], [sflag:$0x2] =	stream.indirect.gather [hbm4b:s1+s21], $0x80, s21, s21, $0xb8;
	[tilespmem:$0x1E300] =	vst v63  }
0x28: {  	s0 =	sadd.s32 s6, s0  }
0x29: {  	[tilespmem:s23], [sflag:$0x2] =	stream.linear.gather [hbm4b:s0+s5], $0x80, $0x38;
	[tilespmem:$0x1E300] =	vst v63  }
0x2a: {  	_ =	swait.ge [sflag:s24], $0x4000  }
0x2b: {  	[sflag:s24] =	ssyncset.done $0x0  }
0x2c: {  	[sflag:s24] =	ssyncadd.s32 $0xFFFFC000  }
0x2d: {  	_ =	swait.ge [sflag:s24], $0x80  }
0x2e: {  	s26 =	simm.s32 $0x100;
	[sflag:s24] =	ssyncset.done $0x0  }
0x2f: {  	s7 =	sand.u32 $0x7C00, s26;
	[sflag:s24] =	ssyncadd.s32 $0xFFFFFF80  }
0x30: {  	[spmem:s3] =	stream.indirect.scatter.add.f32 [tilespmem:s19], [sflag:$0x3], $0x80, s20, s21, $0xb8;
	[tilespmem:$0x1E300] =	vst v63  }
0x31: {  	s2 =	sadd.s32 s4, s7;
	s0 =	sand.u32 $0x300, s26;
	_ =	swait.ge [sflag:s15], $0x4000  }
0x32: {  	s0 =	sor.u32 s0, s2;
	[sflag:s15] =	ssyncset.done $0x0  }
0x33: {  	s26 =	simm.s32 $0x100;
	s0 =	sshrl.u32 s0, $0x3;
	[sflag:s15] =	ssyncadd.s32 $0xFFFFC000  }
0x34: {  	[tilespmem:s19], [sflag:$0x1] =	stream.indirect.gather [hbm4b:s1+s21], $0x80, s26, s21, $0xb8;
	[tilespmem:$0x1E300] =	vst v63  }
0x35: {  	s0 =	sadd.s32 s6, s0  }
0x36: {  	[tilespmem:s20], [sflag:$0x1] =	stream.linear.gather [hbm4b:s0+s5], $0x80, $0x38;
	[tilespmem:$0x1E300] =	vst v63  }
0x37: {  	_ =	swait.ge [sflag:s25], $0x4000  }
0x38: {  	s30 =	simm.s32 $0x200;
	s31 =	simm.s32 $0x300;
	[sflag:s25] =	ssyncset.done $0x0  }
0x39: {  	s29 =	simm.s32 $0x180;
	s26 =	simm.s32 $0x100;
	[sflag:s25] =	ssyncadd.s32 $0xFFFFC000  }
0x3a: {  	s0 =	sand.u32 $0x3C00, s26;
	s26 =	simm.s32 $0x180;
	_ =	swait.ge [sflag:s25], $0x80  }
.LBB2_2:
0x3b: {  	s0 =	sadd.s32 s4, s0  }
0x3c: {  	s26 =	sand.u32 $0x380, s26;
	[sflag:s25] =	ssyncset.done $0x0;
	s7 =	smov.u32 s31  }
0x3d: {  	s2 =	sadd.s32 $0x100, s31;
	s0 =	sor.u32 s0, s26;
	[sflag:s25] =	ssyncadd.s32 $0xFFFFFF80  }
0x3e: {  	[spmem:s3] =	stream.indirect.scatter.add.f32 [tilespmem:s22], [sflag:$0x3], $0x80, s23, s21, $0xb8;
	[tilespmem:$0x1E300] =	vst v63  }
0x3f: {  	p1 =	sne.s32 s31, $0x2700;
	s0 =	sshrl.u32 s0, $0x3;
	_ =	swait.ge [sflag:s15], $0x4000  }
0x40: {  	[sflag:s15] =	ssyncset.done $0x0  }
0x41: {  	[sflag:s15] =	ssyncadd.s32 $0xFFFFC000  }
0x42: {  	[tilespmem:s22], [sflag:$0x2] =	stream.indirect.gather [hbm4b:s1+s21], $0x80, s29, s21, $0xb8;
	[tilespmem:$0x1E300] =	vst v63  }
0x43: {  	s0 =	sadd.s32 s6, s0  }
0x44: {  	[tilespmem:s23], [sflag:$0x2] =	stream.linear.gather [hbm4b:s0+s5], $0x80, $0x38;
	[tilespmem:$0x1E300] =	vst v63  }
0x45: {  	_ =	swait.ge [sflag:s24], $0x4000  }
0x46: {  	[sflag:s24] =	ssyncset.done $0x0  }
0x47: {  	[sflag:s24] =	ssyncadd.s32 $0xFFFFC000  }
0x48: {  	_ =	swait.ge [sflag:s24], $0x80  }
0x49: {  	[sflag:s24] =	ssyncset.done $0x0  }
0x4a: {  	[sflag:s24] =	ssyncadd.s32 $0xFFFFFF80  }
0x4b: {  	[spmem:s3] =	stream.indirect.scatter.add.f32 [tilespmem:s19], [sflag:$0x3], $0x80, s20, s21, $0xb8;
	[tilespmem:$0x1E300] =	vst v63  }
0x4c: {  	s0 =	sand.u32 $0x7C00, s30;
	_ =	swait.ge [sflag:s15], $0x4000  }
0x4d: {  	s26 =	sand.u32 $0x300, s30;
	s0 =	sadd.s32 s4, s0;
	[sflag:s15] =	ssyncset.done $0x0  }
0x4e: {  	s30 =	sadd.s32 $0x80, s29;
	s0 =	sor.u32 s26, s0;
	[sflag:s15] =	ssyncadd.s32 $0xFFFFC000  }
0x4f: {  	[tilespmem:s19], [sflag:$0x1] =	stream.indirect.gather [hbm4b:s1+s21], $0x80, s30, s21, $0xb8;
	[tilespmem:$0x1E300] =	vst v63  }
0x50: {  	s0 =	sshrl.u32 s0, $0x3;
	s30 =	smov.u32 s7  }
0x51: {  	s0 =	sadd.s32 s6, s0  }
0x52: {  	[tilespmem:s20], [sflag:$0x1] =	stream.linear.gather [hbm4b:s0+s5], $0x80, $0x38;
	[tilespmem:$0x1E300] =	vst v63  }
.Ltmp0:
0x53: {  	_ = 	snop;
	(pc) =	sbr.rel @p1 .LBB2_2-.Ltmp0, $4  }
0x54: {  	_ =	swait.ge [sflag:s25], $0x4000  }
0x55: {  	s31 =	smov.u32 s2;
	[sflag:s25] =	ssyncset.done $0x0  }
0x56: {  	s29 =	sadd.s32 $0x100, s29;
	s0 =	sadd.s32 $0xFFFFFF00, s30;
	[sflag:s25] =	ssyncadd.s32 $0xFFFFC000  }
0x57: {  	s26 =	sadd.s32 $0xFFFFFF80, s30;
	s0 =	sand.u32 $0x3C00, s0;
	_ =	swait.ge [sflag:s25], $0x80  }
0x58: {  	[sflag:s25] =	ssyncset.done $0x0  }
0x59: {  	[sflag:s25] =	ssyncadd.s32 $0xFFFFFF80  }
0x5a: {  	[spmem:s3] =	stream.indirect.scatter.add.f32 [tilespmem:s22], [sflag:$0x3], $0x80, s23, s21, $0xb8;
	[tilespmem:$0x1E300] =	vst v63  }
0x5b: {  	s0 =	sadd.s32 s4, s0;
	s2 =	sand.u32 $0x380, s26;
	_ =	swait.ge [sflag:s15], $0x4000  }
0x5c: {  	s0 =	sor.u32 s0, s2;
	[sflag:s15] =	ssyncset.done $0x0  }
0x5d: {  	s0 =	sshrl.u32 s0, $0x3;
	[sflag:s15] =	ssyncadd.s32 $0xFFFFC000  }
0x5e: {  	[tilespmem:s22], [sflag:$0x2] =	stream.indirect.gather [hbm4b:s1+s21], $0x80, s29, s21, $0xb8;
	[tilespmem:$0x1E300] =	vst v63  }
0x5f: {  	s0 =	sadd.s32 s6, s0  }
0x60: {  	[tilespmem:s23], [sflag:$0x2] =	stream.linear.gather [hbm4b:s0+s5], $0x80, $0x38;
	[tilespmem:$0x1E300] =	vst v63  }
0x61: {  	_ =	swait.ge [sflag:s24], $0x4000  }
0x62: {  	[sflag:s24] =	ssyncset.done $0x0  }
0x63: {  	[sflag:s24] =	ssyncadd.s32 $0xFFFFC000  }
0x64: {  	_ =	swait.ge [sflag:s24], $0x80  }
0x65: {  	[sflag:s24] =	ssyncset.done $0x0  }
0x66: {  	s26 =	sand.u32 $0x7C00, s30;
	[sflag:s24] =	ssyncadd.s32 $0xFFFFFF80  }
0x67: {  	[spmem:s3] =	stream.indirect.scatter.add.f32 [tilespmem:s19], [sflag:$0x3], $0x80, s20, s21, $0xb8;
	[tilespmem:$0x1E300] =	vst v63  }
0x68: {  	s30 =	sand.u32 $0x300, s30;
	s0 =	sadd.s32 s4, s26;
	_ =	swait.ge [sflag:s15], $0x4000  }
0x69: {  	s0 =	sor.u32 s30, s0;
	[sflag:s15] =	ssyncset.done $0x0  }
0x6a: {  	s7 =	sadd.s32 $0x80, s29;
	s0 =	sshrl.u32 s0, $0x3;
	[sflag:s15] =	ssyncadd.s32 $0xFFFFC000  }
0x6b: {  	[tilespmem:s19], [sflag:$0x1] =	stream.indirect.gather [hbm4b:s1+s21], $0x80, s7, s21, $0xb8;
	[tilespmem:$0x1E300] =	vst v63  }
0x6c: {  	s0 =	sadd.s32 s6, s0  }
0x6d: {  	[tilespmem:s20], [sflag:$0x1] =	stream.linear.gather [hbm4b:s0+s5], $0x80, $0x38;
	[tilespmem:$0x1E300] =	vst v63  }
0x6e: {  	_ =	swait.ge [sflag:s25], $0x4000  }
0x6f: {  	[sflag:s25] =	ssyncset.done $0x0  }
0x70: {  	[sflag:s25] =	ssyncadd.s32 $0xFFFFC000  }
0x71: {  	_ =	swait.ge [sflag:s25], $0x80  }
0x72: {  	[sflag:s25] =	ssyncset.done $0x0  }
0x73: {  	[sflag:s25] =	ssyncadd.s32 $0xFFFFFF80  }
0x74: {  	[spmem:s3] =	stream.indirect.scatter.add.f32 [tilespmem:s22], [sflag:$0x3], $0x80, s23, s21, $0xb8;
	[tilespmem:$0x1E300] =	vst v63  }
0x75: {  	_ =	swait.ge [sflag:s15], $0x4000  }
0x76: {  	[sflag:s15] =	ssyncset.done $0x0  }
0x77: {  	s31 =	simm.s32 $0x2780;
	[sflag:s15] =	ssyncadd.s32 $0xFFFFC000  }
0x78: {  	[tilespmem:s22], [sflag:$0x2] =	stream.indirect.gather [hbm4b:s1+s21], $0x80, s31, s21, $0xb8;
	[tilespmem:$0x1E300] =	vst v63  }
0x79: {  	_ = 	snop  }
0x7a: {  	[tilespmem:s23], [sflag:$0x2] =	stream.linear.gather [hbm4b:s14+s5], $0x80, $0x38;
	[tilespmem:$0x1E300] =	vst v63  }
0x7b: {  	_ =	swait.ge [sflag:s24], $0x4000  }
0x7c: {  	[sflag:s24] =	ssyncset.done $0x0  }
0x7d: {  	[sflag:s24] =	ssyncadd.s32 $0xFFFFC000  }
0x7e: {  	_ =	swait.ge [sflag:s24], $0x80  }
0x7f: {  	[sflag:s24] =	ssyncset.done $0x0  }
0x80: {  	[sflag:s24] =	ssyncadd.s32 $0xFFFFFF80  }
0x81: {  	[spmem:s3] =	stream.indirect.scatter.add.f32 [tilespmem:s19], [sflag:$0x3], $0x80, s20, s21, $0xb8;
	[tilespmem:$0x1E300] =	vst v63  }
0x82: {  	_ =	swait.ge [sflag:s15], $0x4000  }
0x83: {  	[sflag:s15] =	ssyncset.done $0x0  }
0x84: {  	[sflag:s15] =	ssyncadd.s32 $0xFFFFC000  }
0x85: {  	_ =	swait.ge [sflag:s25], $0x4000  }
0x86: {  	[sflag:s25] =	ssyncset.done $0x0  }
0x87: {  	[sflag:s25] =	ssyncadd.s32 $0xFFFFC000  }
0x88: {  	_ =	swait.ge [sflag:s25], $0x80  }
0x89: {  	[sflag:s25] =	ssyncset.done $0x0  }
0x8a: {  	[sflag:s25] =	ssyncadd.s32 $0xFFFFFF80  }
0x8b: {  	[spmem:s3] =	stream.indirect.scatter.add.f32 [tilespmem:s22], [sflag:$0x3], $0x80, s23, s21, $0xb8;
	[tilespmem:$0x1E300] =	vst v63  }
0x8c: {  	_ =	swait.ge [sflag:s15], $0x4000  }
0x8d: {  	[sflag:s15] =	ssyncset.done $0x0  }
0x8e: {  	[sflag:s15] =	ssyncadd.s32 $0xFFFFC000  }
0x8f: {  	s0 =	simm.s32 @p0 $0x1FC3;
	[bflag:$0x0] =	sbarrier.arrive $0xFFFF  }
0x90: {  	[hbm:s12], [sflag:s0] =	dma.local @p0 [spmem:s16], $0x2380  }
0x91: {  	s0 =	simm.s32 @p0 $0x3  }
0x92: {  	s28 =	sadd.s32 $0x1, s28;
	_ =	swait.ge @p0 [sflag:s0], $0x2380  }
0x93: {  	p1 =	sne.s32 s28, s13;
	[sflag:s0] =	ssyncset.done @p0 $0x0  }
.Ltmp1:
0x94: {  	[sflag:s0] =	ssyncadd.s32 @p0 $0xFFFFDC80;
	s0 =	simm.s32 @!p0 $0x3;
	(pc) =	sbr.rel @p1 .LBB2_1-.Ltmp1, $4  }
0x95: {  	[hbm:s11], [sflag:s17] =	dma.local @!p0 [spmem:s18], $0x2780  }
0x96: {  	_ =	swait.ge @!p0 [sflag:s0], $0x2780  }
0x97: {  	[sflag:s0] =	ssyncset.done @!p0 $0x0  }
0x98: {  	[sflag:s0] =	ssyncadd.s32 @!p0 $0xFFFFD880  }
0x99: {  	_ =	sfence.sel $0x180000  }
0x9a: {  	[bflag:$0x0] =	sbarrier.arrive $0xFFFF  }
0x9b: {  	_ =	strace $0x9000004D  }
0x9c: {  	s0 =	stileid.u32;
	[bflag:$0x2] =	sbarrier.arrive $0xFFFF  }
0x9d: {  	p0 =	sne.s32 s0, $0x0;
	s0 =	rddreg [dreg:$0x3]  }
0x9e: {  	s0 =	sadd.s32 @!p0 $0x100000, s0  }
0x9f: {  	[sflag:s0] =	ssyncadd.tile.s32 @!p0 $0x1;
	_ =	shalt  }
.Lfunc_end2:
_tile_overlayer_lowered:
.L_overlay_start_2:
0xa0: {  	(tag) =	ssettag $0x2  }
0xa1: {  	s0 =	rddreg [dreg:$0x0];
	s2 =	stileid.u32  }
0xa2: {  	s1 =	rddreg [dreg:$0x1];
	p0 =	sne.s32 s2, $0x0  }
0xa3: {  	s3 =	rddreg [dreg:$0x2];
	[bflag:$0x3] =	sbarrier.arrive $0xFFFF;
	s2 =	simm.s32 @!p0 $0x1C03  }
0xa4: {  	[timem:s3], [sflag:s2] =	dma.local @!p0 [hbm:s0], s1  }
0xa5: {  	s0 =	simm.s32 @!p0 $0x3  }
0xa6: {  	_ =	swait.ge @!p0 [sflag:s0], s1  }
0xa7: {  	s1 =	ssub.s32 @!p0 $0x0, s1;
	[sflag:s0] =	ssyncset.done @!p0 $0x0  }
0xa8: {  	[sflag:s0] =	ssyncadd.s32 @!p0 s1  }
0xa9: {  	[bflag:$0x3] =	sbarrier.arrive $0xFFFF  }
0xaa: {  	_ =	shalt  }

// kernel: kernel.15.cloned.1.call-start
scs
__scs_entry_jumppad:
0x0: {  	(pc) =	sbr.rel $0x88, $3  }
0x1: {  	(tag) =	ssettag $0x0;
	lr =	simm.s32 $0x1  }
0x2: {  	[smem:$0x3F91] =	sst lr;
	_ =	strace $0xD0000000  }
0x3: {  	_ = 	snop  }
0x4: {  	_ = 	snop  }
0x5: {  	_ = 	snop  }
0x6: {  	_ = 	snop  }
0x7: {  	_ = 	snop  }
__scs_overlays_trampoline_lowered:
0x8: {  	[smem:$0x3FA0] =	sst s0  }
0x9: {  	[smem:$0x3FA1] =	sst s1  }
0xa: {  	[smem:$0x3FA2] =	sst s2  }
0xb: {  	[smem:$0x3FA3] =	sst s3  }
0xc: {  	[smem:$0x3FA4] =	sst s4  }
0xd: {  	[smem:$0x3FA5] =	sst s5  }
0xe: {  	[smem:$0x3FA6] =	sst s6  }
0xf: {  	[smem:$0x3FA7] =	sst s7  }
0x10: {  	[smem:$0x3FA8] =	sst s8  }
0x11: {  	[smem:$0x3FA9] =	sst s9;
	s0 =	simm.s32 @!p0 $0x0  }
0x12: {  	s1 =	sld [smem:$0x3F8F];
	s0 =	simm.s32 @p0 $0x1  }
0x13: {  	[smem:$0x3FAA] =	sst s0;
	s0 =	simm.s32 @!p1 $0x0  }
0x14: {  	s2 =	sld [smem:$0x3F8E];
	s0 =	simm.s32 @p1 $0x1  }
0x15: {  	[smem:$0x3FAB] =	sst s0;
	s0 =	simm.s32 @!p2 $0x0  }
0x16: {  	s3 =	sld [smem:$0x3FDB];
	s0 =	simm.s32 @p2 $0x1  }
0x17: {  	s4 =	simm.s32 $0x1BF5;
	[smem:$0x3FAD] =	sst s0  }
0x18: {  	s0 =	sld [smem:$0x3F90];
	_ =	swait.ge [sflag:s4], $0x0  }
0x19: {  	s7 =	sld [smem:$0x3F91]  }
0x1a: {  	s8 =	sadd.s32 $0xFFFFE003, lr  }
0x1b: {  	s9 =	sadd.s32 $0xFFFFFEF7, lr;
	s5 =	simm.s32 $0xFFFFFFFF;
	p2 =	slt.u32 s8, $0xFFFFF086  }
0x1c: {  	p1 =	slt.u32 s9, $0xF7A;
	s5 =	simm.s32 @!p2 $0x0  }
0x1d: {  	s5 =	simm.s32 @p1 $0x1;
	p0 =	seq.s32 s7, s2  }
0x1e: {  	s7 =	smul.u32 @!p0 $0xF7A, s2;
	p2 =	seq.s32 @!p0 s5, $0x0  }
0x1f: {  	s9 =	smul.u32 $0xF7A, s1;
	s8 =	simm.s32 @!p0 $0x1BF5;
	p2 =	por !p2, p0  }
0x20: {  	[sflag:s8] =	ssyncset.s32 @!p0 $0xFFFFF086;
	s6 =	sadd.s32 @!p0 s3, s7;
	s7 =	simm.s32 @!p0 $0x108  }
0x21: {  	s3 =	sadd.s32 s3, s9;
	s6 =	sadd.s32 @!p0 $0x88, s6;
	s7 =	simm.s32 @p2 $0x1082  }
0x22: {  	[simem:s7], [sflag:s8] =	dma.local @!p0 [hbm:s6], $0xF7A  }
0x23: {  	s9 =	sor.u32 $0xD0000000, s2;
	s6 =	simm.s32 $0x108;
	_ =	swait.ge @!p0 [sflag:s8], $0x0  }
0x24: {  	s3 =	sadd.s32 $0x88, s3;
	s6 =	simm.s32 @!p1 $0x1082;
	[sflag:s4] =	ssyncset.s32 $0xFFFFF086  }
0x25: {  	[simem:s6], [sflag:s4] =	dma.local [hbm:s3], $0xF7A  }
0x26: {  	[smem:$0x3F91] =	sst s1;
	(tag) =	ssettag s2;
	_ =	strace s9  }
0x27: {  	s1 =	sld [smem:$0x3FA1]  }
0x28: {  	s2 =	sld [smem:$0x3FA2]  }
0x29: {  	s4 =	sld [smem:$0x3FA4]  }
0x2a: {  	p0 =	seq.s32 s5, $0x0;
	s5 =	sld [smem:$0x3FA5]  }
0x2b: {  	s6 =	sld [smem:$0x3FA6]  }
0x2c: {  	s7 =	sld [smem:$0x3FA7]  }
0x2d: {  	s3 =	simm.s32 $0x108;
	s8 =	sld [smem:$0x3FA8]  }
0x2e: {  	s3 =	simm.s32 @!p0 $0x1082;
	s9 =	sld [smem:$0x3FA9]  }
0x2f: {  	lr =	sadd.s32 s0, s3;
	s0 =	sld [smem:$0x3FA0]  }
0x30: {  	s3 =	sld [smem:$0x3FA3]  }
0x31: {  	[smem:$0x3FAC] =	sst s10  }
0x32: {  	s10 =	sld [smem:$0x3FAA];
	_ =	sdelay $0x3  }
0x33: {  	p0 =	seq.s32 s10, $0x1;
	s10 =	sld [smem:$0x3FAC];
	_ =	sdelay $0x3  }
0x34: {  	[smem:$0x3FAC] =	sst s10  }
0x35: {  	s10 =	sld [smem:$0x3FAB];
	_ =	sdelay $0x3  }
0x36: {  	p1 =	seq.s32 s10, $0x1;
	s10 =	sld [smem:$0x3FAC];
	_ =	sdelay $0x3  }
0x37: {  	[smem:$0x3FAC] =	sst s10  }
0x38: {  	s10 =	sld [smem:$0x3FAD]  }
0x39: {  	_ = 	snop;
	(pc) =	sbr.ind lr, $3  }
0x3a: {  	_ = 	snop  }
0x3b: {  	_ = 	snop  }
0x3c: {  	p2 =	seq.s32 s10, $0x1;
	s10 =	sld [smem:$0x3FAC]  }
0x3d: {  	_ =	shalt  }
0x3e: {  	_ =	shalt  }
0x3f: {  	_ =	shalt  }
0x40: {  	_ =	shalt  }
0x41: {  	_ =	shalt  }
0x42: {  	_ =	shalt  }
0x43: {  	_ =	shalt  }
0x44: {  	_ =	shalt  }
0x45: {  	_ =	shalt  }
0x46: {  	_ =	shalt  }
0x47: {  	_ =	shalt  }
0x48: {  	_ =	shalt  }
0x49: {  	_ =	shalt  }
0x4a: {  	_ =	shalt  }
0x4b: {  	_ =	shalt  }
0x4c: {  	_ =	shalt  }
0x4d: {  	_ =	shalt  }
0x4e: {  	_ =	shalt  }
0x4f: {  	_ =	shalt  }
0x50: {  	_ =	shalt  }
0x51: {  	_ =	shalt  }
0x52: {  	_ =	shalt  }
0x53: {  	_ =	shalt  }
0x54: {  	_ =	shalt  }
0x55: {  	_ =	shalt  }
0x56: {  	_ =	shalt  }
0x57: {  	_ =	shalt  }
0x58: {  	_ =	shalt  }
0x59: {  	_ =	shalt  }
0x5a: {  	_ =	shalt  }
0x5b: {  	_ =	shalt  }
0x5c: {  	_ =	shalt  }
0x5d: {  	_ =	shalt  }
0x5e: {  	_ =	shalt  }
0x5f: {  	_ =	shalt  }
0x60: {  	_ =	shalt  }
0x61: {  	_ =	shalt  }
0x62: {  	_ =	shalt  }
0x63: {  	_ =	shalt  }
0x64: {  	_ =	shalt  }
0x65: {  	_ =	shalt  }
0x66: {  	_ =	shalt  }
0x67: {  	_ =	shalt  }
0x68: {  	_ =	shalt  }
0x69: {  	_ =	shalt  }
0x6a: {  	_ =	shalt  }
0x6b: {  	_ =	shalt  }
0x6c: {  	_ =	shalt  }
0x6d: {  	_ =	shalt  }
0x6e: {  	_ =	shalt  }
0x6f: {  	_ =	shalt  }
0x70: {  	_ =	shalt  }
0x71: {  	_ =	shalt  }
0x72: {  	_ =	shalt  }
0x73: {  	_ =	shalt  }
0x74: {  	_ =	shalt  }
0x75: {  	_ =	shalt  }
0x76: {  	_ =	shalt  }
0x77: {  	_ =	shalt  }
0x78: {  	_ =	shalt  }
0x79: {  	_ =	shalt  }
0x7a: {  	_ =	shalt  }
0x7b: {  	_ =	shalt  }
0x7c: {  	_ =	shalt  }
0x7d: {  	_ =	shalt  }
0x7e: {  	_ =	shalt  }
0x7f: {  	_ =	shalt  }
0x80: {  	_ =	shalt  }
0x81: {  	_ =	shalt  }
0x82: {  	_ =	shalt  }
0x83: {  	_ =	shalt  }
0x84: {  	_ =	shalt  }
0x85: {  	_ =	shalt  }
0x86: {  	_ =	shalt  }
0x87: {  	_ =	shalt  }
.Lfunc_end0:
.L_simem_size_0:
called_computation.1_lowered:
.L_overlay_start_0:
0x88: {  	s2 =	sld [smem:$0x3FD9]  }
0x89: {  	s3 =	sld [smem:$0x3FFE];
	_ =	sdelay $0x1  }
0x8a: {  	s1 =	srdreg.scid  }
0x8b: {  	s0 =	sand.u32 $0x1, s1  }
0x8c: {  	s17 =	sshll.u32 s0, $0xA;
	s2 =	sadd.s32 s3, s2  }
0x8d: {  	s2 =	sadd.s32 s2, s17  }
0x8e: {  	[smem:$0x3FB8] =	sst s2  }
0x8f: {  	_ = 	snop  }
0x90: {  	s2 =	sld [smem:$0x3FC7];
	(tm) =	ssettm $0x1  }
0x91: {  	s18 =	sld [smem:$0x3FFB];
	_ =	sdelay $0x3  }
0x92: {  	_ =	strace s18  }
0x93: {  	s3 =	sld [smem:$0x3FFC];
	_ =	sdelay $0x3  }
0x94: {  	_ =	strace s3  }
0x95: {  	s3 =	sld [smem:$0x3FFD];
	_ =	sdelay $0x3  }
0x96: {  	_ =	strace s3  }
0x97: {  	_ =	strace $0x8FFFFFFF  }
0x98: {  	s19 =	sld [smem:$0x3FDB];
	_ =	sdelay $0x1  }
0x99: {  	s4 =	simm.s32 $_scs_section_size  }
0x9a: {  	s5 =	simm.s32 $_size__tile_overlayer_lowered;
	s6 =	simm.s32 $_tile_overlayer_lowered  }
0x9b: {  	s22 =	simm.s32 $0x1BFF;
	s21 =	sshll.u32 s6, $0x1;
	s3 =	sadd.s32 s4, s19  }
0x9c: {  	s7 =	simm.s32 $0x0;
	s20 =	sshll.u32 s5, $0x1;
	s5 =	sadd.s32 s21, s3  }
0x9d: {  	[timem:s7], [sflag:s22] =	dma.local [hbm:s5], s20  }
0x9e: {  	_ =	swait.ge [sflag:s22], s20  }
0x9f: {  	s4 =	ssub.s32 $0x0, s20;
	[sflag:s22] =	ssyncset.done $0x0  }
0xa0: {  	[sflag:s22] =	ssyncadd.s32 s4;
	_ =	sdelay $0x1  }
0xa1: {  	s23 =	simm.s32 $0x1B8B  }
0xa2: {  	_ =	swait.ge [sflag:s23], $0x1  }
0xa3: {  	[sflag:s23] =	ssyncset.done $0x0  }
0xa4: {  	s25 =	simm.s32 $0x1B8E;
	s24 =	sld [smem:$0x3FFE];
	[sflag:s23] =	ssyncadd.s32 $0xFFFFFFFF  }
0xa5: {  	s26 =	simm.s32 $execute0_lowered;
	[smem:$0x3FD2] =	sst s25  }
0xa6: {  	s5 =	sshll.u32 s26, $0x1;
	_ =	strace $0x80000046;
	[dreg:$0x1] =	wrdreg $0xFFFFFFFF  }
0xa7: {  	s28 =	simm.s32 $_size_execute0_lowered;
	s3 =	sadd.s32 s3, s5;
	[dreg:$0x0] =	wrdreg $0x0  }
0xa8: {  	s5 =	sshll.u32 s28, $0x1;
	[dreg:$0x2] =	wrdreg s3  }
0xa9: {  	[dreg:$0x3] =	wrdreg s5  }
0xaa: {  	[dreg:$0x4] =	wrdreg $0xC0  }
0xab: {  	_ =	task [dreg:s7], $0x5FFFF  }
0xac: {  	[dreg:$0x1] =	wrdreg $0xFFFFFFFF  }
0xad: {  	[dreg:$0x0] =	wrdreg $0x60  }
0xae: {  	[dreg:$0x2] =	wrdreg s2  }
0xaf: {  	[dreg:$0x3] =	wrdreg s24  }
0xb0: {  	[dreg:$0x4] =	wrdreg $0xA9000  }
0xb1: {  	[dreg:$0x5] =	wrdreg $0xB  }
0xb2: {  	_ =	task.clear_ibuf [dreg:s7], $0x6FFFF;
	_ =	strace $0x90000046  }
0xb3: {  	s29 =	simm.s32 $0xB;
	_ =	strace $0x80000048  }
0xb4: {  	_ =	swait.ge [sflag:s29], $0x1  }
0xb5: {  	[sflag:s29] =	ssyncadd.s32 $0xFFFFFFFF  }
0xb6: {  	_ =	strace $0x90000048  }
0xb7: {  	_ =	sfence  }
0xb8: {  	s30 =	sld [smem:$0x0];
	_ =	sdelay $0x2  }
0xb9: {  	s31 =	sshll.u32 s1, $0xD;
	s1 =	sshrl.u32 s1, $0x2  }
0xba: {  	s3 =	sand.u32 $0x4000, s31;
	s1 =	sadd.s32 s1, s30  }
0xbb: {  	s0 =	sor.u32 s3, s0;
	s1 =	sshll.u32 s1, $0x11  }
0xbc: {  	s0 =	sor.u32 s1, s0  }
0xbd: {  	s0 =	sadd.s32 $0x8F2B, s0  }
0xbe: {  	[sflag:s0] =	ssyncadd.remote.s32 $0x1  }
0xbf: {  	_ =	sfence.sel $0xFFFF  }
0xc0: {  	[dreg:$0x0] =	wrdreg $0xFFFFFFFF;
	(pc) =	sbr.abs _section_cstart, $3  }
0xc1: {  	[dreg:$0x1] =	wrdreg $0xFFFFFFFF  }
0xc2: {  	_ =	task.clear_ibuf [dreg:s7], $0x2FFFF;
	_ =	strace $0x9FFFFFFF  }
0xc3: {  	(tm) =	ssettm $0x7FFFFFFF  }
tec
execute0_lowered:
.L_overlay_start_1:
0x0: {  	(tag) =	ssettag $0x1  }
0x1: {  	s1 =	rddreg [dreg:$0x0]  }
0x2: {  	s0 =	srdreg.scid;
	s9 =	rddreg [dreg:$0x1]  }
0x3: {  	s17 =	stileid.u32;
	s3 =	rddreg [dreg:$0x2];
	s5 =	simm.s32 $0x0  }
0x4: {  	s19 =	simm.s32 $0x2900;
	s20 =	simm.s32 $0x2800;
	s21 =	simm.s32 $0x80  }
0x5: {  	s22 =	simm.s32 $0x6900;
	s23 =	simm.s32 $0x2880;
	s24 =	simm.s32 $0x1  }
0x6: {  	s25 =	simm.s32 $0x2;
	s28 =	simm.s32 $0x0;
	s7 =	smul.u32 $0x2780, s17  }
0x7: {  	s0 =	sand.u32 $0x1, s0;
	[smem:$0x7FF] =	sst s5;
	s26 =	smul.u32 $0x4F000, s17  }
0x8: {  	s6 =	sadd.s32 $0x4400, s9;
	s12 =	sadd.s32 $0x49800, s9;
	s15 =	smul.u32 $0x13C00, s17  }
0x9: {  	s16 =	sadd.s32 $0x128400, s3;
	p0 =	seq.s32 s17, $0xF;
	s2 =	sshll.u32 s0, $0x4  }
0xa: {  	_ =	strace $0x80000047;
	s11 =	ssub.s32 $0x2, s0;
	s0 =	smul.u32 $0x13A000, s0  }
0xb: {  	s16 =	sshrl.u32 @p0 s16, $0x3;
	s2 =	sor.u32 s17, s2;
	s10 =	sadd.s32 s7, s9  }
0xc: {  	s13 =	sshrl.u32 s11, $0x1;
	s14 =	sshrl.u32 s26, $0x2;
	s4 =	smul.u32 $0x2800, s2  }
0xd: {  	s13 =	ssub.s32 s11, s13;
	s18 =	sadd.s32 s14, s3;
	s30 =	sadd.s32 s15, s0  }
0xe: {  	s0 =	sshrl.u32 s0, $0x3;
	s15 =	simm.s32 $0x3;
	s31 =	sshrl.u32 s30, $0x3  }
0xf: {  	s0 =	sadd.s32 s12, s0;
	s13 =	smax.u32 s13, $0x1;
	s18 =	sshrl.u32 @!p0 s18, $0x3  }
0x10: {  	s2 =	sshrl.u32 s4, $0x3;
	s11 =	sadd.s32 s12, s31;
	s12 =	sadd.s32 $0x25080, s0  }
0x11: {  	s0 =	sshll.u32 @!p0 s17, $0x6;
	s8 =	sadd.s32 s2, s9;
	s9 =	sadd.s32 $0x47480, s9  }
0x12: {  	s29 =	sadd.s32 $0xE400, s8;
	s8 =	sadd.s32 $0x22400, s10;
	s10 =	sadd.s32 s6, s2  }
0x13: {  	s17 =	sor.u32 @!p0 $0x1C03, s0;
	[dreg:$0x4] =	wrdreg s29;
	s14 =	sadd.s32 $0x4F0, s10  }
.LBB2_1:
0x14: {  	s0 =	rddreg [dreg:$0x4]  }
0x15: {  	[tilespmem:s5], [sflag:$0x3] =	stream.linear.gather [hbm4b:s0+s5], $0x2800, $0x38;
	[tilespmem:$0x1E300] =	vst v63  }
0x16: {  	_ =	swait.ge [sflag:s15], $0x2800  }
0x17: {  	[sflag:s15] =	ssyncset.done $0x0  }
0x18: {  	s0 =	simm.s32 @p0 $0x1FC3;
	[sflag:s15] =	ssyncadd.s32 $0xFFFFD800  }
0x19: {  	[spmem:s16], [sflag:s0] =	dma.local @p0 [hbm:s9], $0x2380  }
0x1a: {  	s0 =	simm.s32 @p0 $0x3  }
0x1b: {  	_ =	swait.ge @p0 [sflag:s0], $0x2380  }
0x1c: {  	[sflag:s0] =	ssyncset.done @p0 $0x0  }
0x1d: {  	[sflag:s0] =	ssyncadd.s32 @p0 $0xFFFFDC80;
	s0 =	simm.s32 @!p0 $0x3  }
0x1e: {  	[spmem:s18], [sflag:s17] =	dma.local @!p0 [hbm:s8], $0x2780  }
0x1f: {  	_ =	swait.ge @!p0 [sflag:s0], $0x2780  }
0x20: {  	s7 =	simm.s32 $0x0;
	[sflag:s0] =	ssyncset.done @!p0 $0x0  }
0x21: {  	s2 =	simm.s32 $0x80;
	[sflag:s0] =	ssyncadd.s32 @!p0 $0xFFFFD880;
	s0 =	sand.u32 $0x3C00, s7  }
0x22: {  	s2 =	sand.u32 $0x380, s2;
	[bflag:$0x0] =	sbarrier.arrive $0xFFFF;
	s0 =	sadd.s32 s4, s0  }
0x23: {  	[tilespmem:s19], [sflag:$0x1] =	stream.indirect.gather [hbm4b:s1+s21], $0x80, s5, s21, $0xb8;
	[tilespmem:$0x1E300] =	vst v63  }
0x24: {  	s0 =	sor.u32 s0, s2  }
0x25: {  	[tilespmem:s20], [sflag:$0x1] =	stream.linear.gather [hbm4b:s10+s5], $0x80, $0x38;
	[tilespmem:$0x1E300] =	vst v63  }
0x26: {  	s0 =	sshrl.u32 s0, $0x3  }
0x27: {  	[tilespmem:s22], [sflag:$0x2] =	stream.indirect.gather [hbm4b:s1+s21], $0x80, s21, s21, $0xb8;
	[tilespmem:$0x1E300] =	vst v63  }
0x28: {  	s0 =	sadd.s32 s6, s0  }
0x29: {  	[tilespmem:s23], [sflag:$0x2] =	stream.linear.gather [hbm4b:s0+s5], $0x80, $0x38;
	[tilespmem:$0x1E300] =	vst v63  }
0x2a: {  	_ =	swait.ge [sflag:s24], $0x4000  }
0x2b: {  	[sflag:s24] =	ssyncset.done $0x0  }
0x2c: {  	[sflag:s24] =	ssyncadd.s32 $0xFFFFC000  }
0x2d: {  	_ =	swait.ge [sflag:s24], $0x80  }
0x2e: {  	s26 =	simm.s32 $0x100;
	[sflag:s24] =	ssyncset.done $0x0  }
0x2f: {  	s7 =	sand.u32 $0x7C00, s26;
	[sflag:s24] =	ssyncadd.s32 $0xFFFFFF80  }
0x30: {  	[spmem:s3] =	stream.indirect.scatter.add.f32 [tilespmem:s19], [sflag:$0x3], $0x80, s20, s21, $0xb8;
	[tilespmem:$0x1E300] =	vst v63  }
0x31: {  	s2 =	sadd.s32 s4, s7;
	s0 =	sand.u32 $0x300, s26;
	_ =	swait.ge [sflag:s15], $0x4000  }
0x32: {  	s0 =	sor.u32 s0, s2;
	[sflag:s15] =	ssyncset.done $0x0  }
0x33: {  	s26 =	simm.s32 $0x100;
	s0 =	sshrl.u32 s0, $0x3;
	[sflag:s15] =	ssyncadd.s32 $0xFFFFC000  }
0x34: {  	[tilespmem:s19], [sflag:$0x1] =	stream.indirect.gather [hbm4b:s1+s21], $0x80, s26, s21, $0xb8;
	[tilespmem:$0x1E300] =	vst v63  }
0x35: {  	s0 =	sadd.s32 s6, s0  }
0x36: {  	[tilespmem:s20], [sflag:$0x1] =	stream.linear.gather [hbm4b:s0+s5], $0x80, $0x38;
	[tilespmem:$0x1E300] =	vst v63  }
0x37: {  	_ =	swait.ge [sflag:s25], $0x4000  }
0x38: {  	s30 =	simm.s32 $0x200;
	s31 =	simm.s32 $0x300;
	[sflag:s25] =	ssyncset.done $0x0  }
0x39: {  	s29 =	simm.s32 $0x180;
	s26 =	simm.s32 $0x100;
	[sflag:s25] =	ssyncadd.s32 $0xFFFFC000  }
0x3a: {  	s0 =	sand.u32 $0x3C00, s26;
	s26 =	simm.s32 $0x180;
	_ =	swait.ge [sflag:s25], $0x80  }
.LBB2_2:
0x3b: {  	s0 =	sadd.s32 s4, s0  }
0x3c: {  	s26 =	sand.u32 $0x380, s26;
	[sflag:s25] =	ssyncset.done $0x0;
	s7 =	smov.u32 s31  }
0x3d: {  	s2 =	sadd.s32 $0x100, s31;
	s0 =	sor.u32 s0, s26;
	[sflag:s25] =	ssyncadd.s32 $0xFFFFFF80  }
0x3e: {  	[spmem:s3] =	stream.indirect.scatter.add.f32 [tilespmem:s22], [sflag:$0x3], $0x80, s23, s21, $0xb8;
	[tilespmem:$0x1E300] =	vst v63  }
0x3f: {  	p1 =	sne.s32 s31, $0x2700;
	s0 =	sshrl.u32 s0, $0x3;
	_ =	swait.ge [sflag:s15], $0x4000  }
0x40: {  	[sflag:s15] =	ssyncset.done $0x0  }
0x41: {  	[sflag:s15] =	ssyncadd.s32 $0xFFFFC000  }
0x42: {  	[tilespmem:s22], [sflag:$0x2] =	stream.indirect.gather [hbm4b:s1+s21], $0x80, s29, s21, $0xb8;
	[tilespmem:$0x1E300] =	vst v63  }
0x43: {  	s0 =	sadd.s32 s6, s0  }
0x44: {  	[tilespmem:s23], [sflag:$0x2] =	stream.linear.gather [hbm4b:s0+s5], $0x80, $0x38;
	[tilespmem:$0x1E300] =	vst v63  }
0x45: {  	_ =	swait.ge [sflag:s24], $0x4000  }
0x46: {  	[sflag:s24] =	ssyncset.done $0x0  }
0x47: {  	[sflag:s24] =	ssyncadd.s32 $0xFFFFC000  }
0x48: {  	_ =	swait.ge [sflag:s24], $0x80  }
0x49: {  	[sflag:s24] =	ssyncset.done $0x0  }
0x4a: {  	[sflag:s24] =	ssyncadd.s32 $0xFFFFFF80  }
0x4b: {  	[spmem:s3] =	stream.indirect.scatter.add.f32 [tilespmem:s19], [sflag:$0x3], $0x80, s20, s21, $0xb8;
	[tilespmem:$0x1E300] =	vst v63  }
0x4c: {  	s0 =	sand.u32 $0x7C00, s30;
	_ =	swait.ge [sflag:s15], $0x4000  }
0x4d: {  	s26 =	sand.u32 $0x300, s30;
	s0 =	sadd.s32 s4, s0;
	[sflag:s15] =	ssyncset.done $0x0  }
0x4e: {  	s30 =	sadd.s32 $0x80, s29;
	s0 =	sor.u32 s26, s0;
	[sflag:s15] =	ssyncadd.s32 $0xFFFFC000  }
0x4f: {  	[tilespmem:s19], [sflag:$0x1] =	stream.indirect.gather [hbm4b:s1+s21], $0x80, s30, s21, $0xb8;
	[tilespmem:$0x1E300] =	vst v63  }
0x50: {  	s0 =	sshrl.u32 s0, $0x3;
	s30 =	smov.u32 s7  }
0x51: {  	s0 =	sadd.s32 s6, s0  }
0x52: {  	[tilespmem:s20], [sflag:$0x1] =	stream.linear.gather [hbm4b:s0+s5], $0x80, $0x38;
	[tilespmem:$0x1E300] =	vst v63  }
.Ltmp0:
0x53: {  	_ = 	snop;
	(pc) =	sbr.rel @p1 .LBB2_2-.Ltmp0, $4  }
0x54: {  	_ =	swait.ge [sflag:s25], $0x4000  }
0x55: {  	s31 =	smov.u32 s2;
	[sflag:s25] =	ssyncset.done $0x0  }
0x56: {  	s29 =	sadd.s32 $0x100, s29;
	s0 =	sadd.s32 $0xFFFFFF00, s30;
	[sflag:s25] =	ssyncadd.s32 $0xFFFFC000  }
0x57: {  	s26 =	sadd.s32 $0xFFFFFF80, s30;
	s0 =	sand.u32 $0x3C00, s0;
	_ =	swait.ge [sflag:s25], $0x80  }
0x58: {  	[sflag:s25] =	ssyncset.done $0x0  }
0x59: {  	[sflag:s25] =	ssyncadd.s32 $0xFFFFFF80  }
0x5a: {  	[spmem:s3] =	stream.indirect.scatter.add.f32 [tilespmem:s22], [sflag:$0x3], $0x80, s23, s21, $0xb8;
	[tilespmem:$0x1E300] =	vst v63  }
0x5b: {  	s0 =	sadd.s32 s4, s0;
	s2 =	sand.u32 $0x380, s26;
	_ =	swait.ge [sflag:s15], $0x4000  }
0x5c: {  	s0 =	sor.u32 s0, s2;
	[sflag:s15] =	ssyncset.done $0x0  }
0x5d: {  	s0 =	sshrl.u32 s0, $0x3;
	[sflag:s15] =	ssyncadd.s32 $0xFFFFC000  }
0x5e: {  	[tilespmem:s22], [sflag:$0x2] =	stream.indirect.gather [hbm4b:s1+s21], $0x80, s29, s21, $0xb8;
	[tilespmem:$0x1E300] =	vst v63  }
0x5f: {  	s0 =	sadd.s32 s6, s0  }
0x60: {  	[tilespmem:s23], [sflag:$0x2] =	stream.linear.gather [hbm4b:s0+s5], $0x80, $0x38;
	[tilespmem:$0x1E300] =	vst v63  }
0x61: {  	_ =	swait.ge [sflag:s24], $0x4000  }
0x62: {  	[sflag:s24] =	ssyncset.done $0x0  }
0x63: {  	[sflag:s24] =	ssyncadd.s32 $0xFFFFC000  }
0x64: {  	_ =	swait.ge [sflag:s24], $0x80  }
0x65: {  	[sflag:s24] =	ssyncset.done $0x0  }
0x66: {  	s26 =	sand.u32 $0x7C00, s30;
	[sflag:s24] =	ssyncadd.s32 $0xFFFFFF80  }
0x67: {  	[spmem:s3] =	stream.indirect.scatter.add.f32 [tilespmem:s19], [sflag:$0x3], $0x80, s20, s21, $0xb8;
	[tilespmem:$0x1E300] =	vst v63  }
0x68: {  	s30 =	sand.u32 $0x300, s30;
	s0 =	sadd.s32 s4, s26;
	_ =	swait.ge [sflag:s15], $0x4000  }
0x69: {  	s0 =	sor.u32 s30, s0;
	[sflag:s15] =	ssyncset.done $0x0  }
0x6a: {  	s7 =	sadd.s32 $0x80, s29;
	s0 =	sshrl.u32 s0, $0x3;
	[sflag:s15] =	ssyncadd.s32 $0xFFFFC000  }
0x6b: {  	[tilespmem:s19], [sflag:$0x1] =	stream.indirect.gather [hbm4b:s1+s21], $0x80, s7, s21, $0xb8;
	[tilespmem:$0x1E300] =	vst v63  }
0x6c: {  	s0 =	sadd.s32 s6, s0  }
0x6d: {  	[tilespmem:s20], [sflag:$0x1] =	stream.linear.gather [hbm4b:s0+s5], $0x80, $0x38;
	[tilespmem:$0x1E300] =	vst v63  }
0x6e: {  	_ =	swait.ge [sflag:s25], $0x4000  }
0x6f: {  	[sflag:s25] =	ssyncset.done $0x0  }
0x70: {  	[sflag:s25] =	ssyncadd.s32 $0xFFFFC000  }
0x71: {  	_ =	swait.ge [sflag:s25], $0x80  }
0x72: {  	[sflag:s25] =	ssyncset.done $0x0  }
0x73: {  	[sflag:s25] =	ssyncadd.s32 $0xFFFFFF80  }
0x74: {  	[spmem:s3] =	stream.indirect.scatter.add.f32 [tilespmem:s22], [sflag:$0x3], $0x80, s23, s21, $0xb8;
	[tilespmem:$0x1E300] =	vst v63  }
0x75: {  	_ =	swait.ge [sflag:s15], $0x4000  }
0x76: {  	[sflag:s15] =	ssyncset.done $0x0  }
0x77: {  	s31 =	simm.s32 $0x2780;
	[sflag:s15] =	ssyncadd.s32 $0xFFFFC000  }
0x78: {  	[tilespmem:s22], [sflag:$0x2] =	stream.indirect.gather [hbm4b:s1+s21], $0x80, s31, s21, $0xb8;
	[tilespmem:$0x1E300] =	vst v63  }
0x79: {  	_ = 	snop  }
0x7a: {  	[tilespmem:s23], [sflag:$0x2] =	stream.linear.gather [hbm4b:s14+s5], $0x80, $0x38;
	[tilespmem:$0x1E300] =	vst v63  }
0x7b: {  	_ =	swait.ge [sflag:s24], $0x4000  }
0x7c: {  	[sflag:s24] =	ssyncset.done $0x0  }
0x7d: {  	[sflag:s24] =	ssyncadd.s32 $0xFFFFC000  }
0x7e: {  	_ =	swait.ge [sflag:s24], $0x80  }
0x7f: {  	[sflag:s24] =	ssyncset.done $0x0  }
0x80: {  	[sflag:s24] =	ssyncadd.s32 $0xFFFFFF80  }
0x81: {  	[spmem:s3] =	stream.indirect.scatter.add.f32 [tilespmem:s19], [sflag:$0x3], $0x80, s20, s21, $0xb8;
	[tilespmem:$0x1E300] =	vst v63  }
0x82: {  	_ =	swait.ge [sflag:s15], $0x4000  }
0x83: {  	[sflag:s15] =	ssyncset.done $0x0  }
0x84: {  	[sflag:s15] =	ssyncadd.s32 $0xFFFFC000  }
0x85: {  	_ =	swait.ge [sflag:s25], $0x4000  }
0x86: {  	[sflag:s25] =	ssyncset.done $0x0  }
0x87: {  	[sflag:s25] =	ssyncadd.s32 $0xFFFFC000  }
0x88: {  	_ =	swait.ge [sflag:s25], $0x80  }
0x89: {  	[sflag:s25] =	ssyncset.done $0x0  }
0x8a: {  	[sflag:s25] =	ssyncadd.s32 $0xFFFFFF80  }
0x8b: {  	[spmem:s3] =	stream.indirect.scatter.add.f32 [tilespmem:s22], [sflag:$0x3], $0x80, s23, s21, $0xb8;
	[tilespmem:$0x1E300] =	vst v63  }
0x8c: {  	_ =	swait.ge [sflag:s15], $0x4000  }
0x8d: {  	[sflag:s15] =	ssyncset.done $0x0  }
0x8e: {  	[sflag:s15] =	ssyncadd.s32 $0xFFFFC000  }
0x8f: {  	s0 =	simm.s32 @p0 $0x1FC3;
	[bflag:$0x0] =	sbarrier.arrive $0xFFFF  }
0x90: {  	[hbm:s12], [sflag:s0] =	dma.local @p0 [spmem:s16], $0x2380  }
0x91: {  	s0 =	simm.s32 @p0 $0x3  }
0x92: {  	s28 =	sadd.s32 $0x1, s28;
	_ =	swait.ge @p0 [sflag:s0], $0x2380  }
0x93: {  	p1 =	sne.s32 s28, s13;
	[sflag:s0] =	ssyncset.done @p0 $0x0  }
.Ltmp1:
0x94: {  	[sflag:s0] =	ssyncadd.s32 @p0 $0xFFFFDC80;
	s0 =	simm.s32 @!p0 $0x3;
	(pc) =	sbr.rel @p1 .LBB2_1-.Ltmp1, $4  }
0x95: {  	[hbm:s11], [sflag:s17] =	dma.local @!p0 [spmem:s18], $0x2780  }
0x96: {  	_ =	swait.ge @!p0 [sflag:s0], $0x2780  }
0x97: {  	[sflag:s0] =	ssyncset.done @!p0 $0x0  }
0x98: {  	[sflag:s0] =	ssyncadd.s32 @!p0 $0xFFFFD880  }
0x99: {  	_ =	sfence.sel $0x180000  }
0x9a: {  	[bflag:$0x0] =	sbarrier.arrive $0xFFFF  }
0x9b: {  	_ =	strace $0x90000047  }
0x9c: {  	s0 =	stileid.u32;
	[bflag:$0x2] =	sbarrier.arrive $0xFFFF  }
0x9d: {  	p0 =	sne.s32 s0, $0x0;
	s0 =	rddreg [dreg:$0x3]  }
0x9e: {  	s0 =	sadd.s32 @!p0 $0x100000, s0  }
0x9f: {  	[sflag:s0] =	ssyncadd.tile.s32 @!p0 $0x1;
	_ =	shalt  }
.Lfunc_end2:
_tile_overlayer_lowered:
.L_overlay_start_2:
0xa0: {  	(tag) =	ssettag $0x2  }
0xa1: {  	s0 =	rddreg [dreg:$0x0];
	s2 =	stileid.u32  }
0xa2: {  	s1 =	rddreg [dreg:$0x1];
	p0 =	sne.s32 s2, $0x0  }
0xa3: {  	s3 =	rddreg [dreg:$0x2];
	[bflag:$0x3] =	sbarrier.arrive $0xFFFF;
	s2 =	simm.s32 @!p0 $0x1C03  }
0xa4: {  	[timem:s3], [sflag:s2] =	dma.local @!p0 [hbm:s0], s1  }
0xa5: {  	s0 =	simm.s32 @!p0 $0x3  }
0xa6: {  	_ =	swait.ge @!p0 [sflag:s0], s1  }
0xa7: {  	s1 =	ssub.s32 @!p0 $0x0, s1;
	[sflag:s0] =	ssyncset.done @!p0 $0x0  }
0xa8: {  	[sflag:s0] =	ssyncadd.s32 @!p0 s1  }
0xa9: {  	[bflag:$0x3] =	sbarrier.arrive $0xFFFF  }
0xaa: {  	_ =	shalt  }

// kernel: kernel.18.cloned.1.call-start
scs
__scs_entry_jumppad:
0x0: {  	(pc) =	sbr.rel $0x88, $3  }
0x1: {  	(tag) =	ssettag $0x0;
	lr =	simm.s32 $0x1  }
0x2: {  	[smem:$0x3F91] =	sst lr;
	_ =	strace $0xD0000000  }
0x3: {  	_ = 	snop  }
0x4: {  	_ = 	snop  }
0x5: {  	_ = 	snop  }
0x6: {  	_ = 	snop  }
0x7: {  	_ = 	snop  }
__scs_overlays_trampoline_lowered:
0x8: {  	[smem:$0x3FA0] =	sst s0  }
0x9: {  	[smem:$0x3FA1] =	sst s1  }
0xa: {  	[smem:$0x3FA2] =	sst s2  }
0xb: {  	[smem:$0x3FA3] =	sst s3  }
0xc: {  	[smem:$0x3FA4] =	sst s4  }
0xd: {  	[smem:$0x3FA5] =	sst s5  }
0xe: {  	[smem:$0x3FA6] =	sst s6  }
0xf: {  	[smem:$0x3FA7] =	sst s7  }
0x10: {  	[smem:$0x3FA8] =	sst s8  }
0x11: {  	[smem:$0x3FA9] =	sst s9;
	s0 =	simm.s32 @!p0 $0x0  }
0x12: {  	s1 =	sld [smem:$0x3F8F];
	s0 =	simm.s32 @p0 $0x1  }
0x13: {  	[smem:$0x3FAA] =	sst s0;
	s0 =	simm.s32 @!p1 $0x0  }
0x14: {  	s2 =	sld [smem:$0x3F8E];
	s0 =	simm.s32 @p1 $0x1  }
0x15: {  	[smem:$0x3FAB] =	sst s0;
	s0 =	simm.s32 @!p2 $0x0  }
0x16: {  	s3 =	sld [smem:$0x3FDB];
	s0 =	simm.s32 @p2 $0x1  }
0x17: {  	s4 =	simm.s32 $0x1BF5;
	[smem:$0x3FAD] =	sst s0  }
0x18: {  	s0 =	sld [smem:$0x3F90];
	_ =	swait.ge [sflag:s4], $0x0  }
0x19: {  	s7 =	sld [smem:$0x3F91]  }
0x1a: {  	s8 =	sadd.s32 $0xFFFFE003, lr  }
0x1b: {  	s9 =	sadd.s32 $0xFFFFFEF7, lr;
	s5 =	simm.s32 $0xFFFFFFFF;
	p2 =	slt.u32 s8, $0xFFFFF086  }
0x1c: {  	p1 =	slt.u32 s9, $0xF7A;
	s5 =	simm.s32 @!p2 $0x0  }
0x1d: {  	s5 =	simm.s32 @p1 $0x1;
	p0 =	seq.s32 s7, s2  }
0x1e: {  	s7 =	smul.u32 @!p0 $0xF7A, s2;
	p2 =	seq.s32 @!p0 s5, $0x0  }
0x1f: {  	s9 =	smul.u32 $0xF7A, s1;
	s8 =	simm.s32 @!p0 $0x1BF5;
	p2 =	por !p2, p0  }
0x20: {  	[sflag:s8] =	ssyncset.s32 @!p0 $0xFFFFF086;
	s6 =	sadd.s32 @!p0 s3, s7;
	s7 =	simm.s32 @!p0 $0x108  }
0x21: {  	s3 =	sadd.s32 s3, s9;
	s6 =	sadd.s32 @!p0 $0x88, s6;
	s7 =	simm.s32 @p2 $0x1082  }
0x22: {  	[simem:s7], [sflag:s8] =	dma.local @!p0 [hbm:s6], $0xF7A  }
0x23: {  	s9 =	sor.u32 $0xD0000000, s2;
	s6 =	simm.s32 $0x108;
	_ =	swait.ge @!p0 [sflag:s8], $0x0  }
0x24: {  	s3 =	sadd.s32 $0x88, s3;
	s6 =	simm.s32 @!p1 $0x1082;
	[sflag:s4] =	ssyncset.s32 $0xFFFFF086  }
0x25: {  	[simem:s6], [sflag:s4] =	dma.local [hbm:s3], $0xF7A  }
0x26: {  	[smem:$0x3F91] =	sst s1;
	(tag) =	ssettag s2;
	_ =	strace s9  }
0x27: {  	s1 =	sld [smem:$0x3FA1]  }
0x28: {  	s2 =	sld [smem:$0x3FA2]  }
0x29: {  	s4 =	sld [smem:$0x3FA4]  }
0x2a: {  	p0 =	seq.s32 s5, $0x0;
	s5 =	sld [smem:$0x3FA5]  }
0x2b: {  	s6 =	sld [smem:$0x3FA6]  }
0x2c: {  	s7 =	sld [smem:$0x3FA7]  }
0x2d: {  	s3 =	simm.s32 $0x108;
	s8 =	sld [smem:$0x3FA8]  }
0x2e: {  	s3 =	simm.s32 @!p0 $0x1082;
	s9 =	sld [smem:$0x3FA9]  }
0x2f: {  	lr =	sadd.s32 s0, s3;
	s0 =	sld [smem:$0x3FA0]  }
0x30: {  	s3 =	sld [smem:$0x3FA3]  }
0x31: {  	[smem:$0x3FAC] =	sst s10  }
0x32: {  	s10 =	sld [smem:$0x3FAA];
	_ =	sdelay $0x3  }
0x33: {  	p0 =	seq.s32 s10, $0x1;
	s10 =	sld [smem:$0x3FAC];
	_ =	sdelay $0x3  }
0x34: {  	[smem:$0x3FAC] =	sst s10  }
0x35: {  	s10 =	sld [smem:$0x3FAB];
	_ =	sdelay $0x3  }
0x36: {  	p1 =	seq.s32 s10, $0x1;
	s10 =	sld [smem:$0x3FAC];
	_ =	sdelay $0x3  }
0x37: {  	[smem:$0x3FAC] =	sst s10  }
0x38: {  	s10 =	sld [smem:$0x3FAD]  }
0x39: {  	_ = 	snop;
	(pc) =	sbr.ind lr, $3  }
0x3a: {  	_ = 	snop  }
0x3b: {  	_ = 	snop  }
0x3c: {  	p2 =	seq.s32 s10, $0x1;
	s10 =	sld [smem:$0x3FAC]  }
0x3d: {  	_ =	shalt  }
0x3e: {  	_ =	shalt  }
0x3f: {  	_ =	shalt  }
0x40: {  	_ =	shalt  }
0x41: {  	_ =	shalt  }
0x42: {  	_ =	shalt  }
0x43: {  	_ =	shalt  }
0x44: {  	_ =	shalt  }
0x45: {  	_ =	shalt  }
0x46: {  	_ =	shalt  }
0x47: {  	_ =	shalt  }
0x48: {  	_ =	shalt  }
0x49: {  	_ =	shalt  }
0x4a: {  	_ =	shalt  }
0x4b: {  	_ =	shalt  }
0x4c: {  	_ =	shalt  }
0x4d: {  	_ =	shalt  }
0x4e: {  	_ =	shalt  }
0x4f: {  	_ =	shalt  }
0x50: {  	_ =	shalt  }
0x51: {  	_ =	shalt  }
0x52: {  	_ =	shalt  }
0x53: {  	_ =	shalt  }
0x54: {  	_ =	shalt  }
0x55: {  	_ =	shalt  }
0x56: {  	_ =	shalt  }
0x57: {  	_ =	shalt  }
0x58: {  	_ =	shalt  }
0x59: {  	_ =	shalt  }
0x5a: {  	_ =	shalt  }
0x5b: {  	_ =	shalt  }
0x5c: {  	_ =	shalt  }
0x5d: {  	_ =	shalt  }
0x5e: {  	_ =	shalt  }
0x5f: {  	_ =	shalt  }
0x60: {  	_ =	shalt  }
0x61: {  	_ =	shalt  }
0x62: {  	_ =	shalt  }
0x63: {  	_ =	shalt  }
0x64: {  	_ =	shalt  }
0x65: {  	_ =	shalt  }
0x66: {  	_ =	shalt  }
0x67: {  	_ =	shalt  }
0x68: {  	_ =	shalt  }
0x69: {  	_ =	shalt  }
0x6a: {  	_ =	shalt  }
0x6b: {  	_ =	shalt  }
0x6c: {  	_ =	shalt  }
0x6d: {  	_ =	shalt  }
0x6e: {  	_ =	shalt  }
0x6f: {  	_ =	shalt  }
0x70: {  	_ =	shalt  }
0x71: {  	_ =	shalt  }
0x72: {  	_ =	shalt  }
0x73: {  	_ =	shalt  }
0x74: {  	_ =	shalt  }
0x75: {  	_ =	shalt  }
0x76: {  	_ =	shalt  }
0x77: {  	_ =	shalt  }
0x78: {  	_ =	shalt  }
0x79: {  	_ =	shalt  }
0x7a: {  	_ =	shalt  }
0x7b: {  	_ =	shalt  }
0x7c: {  	_ =	shalt  }
0x7d: {  	_ =	shalt  }
0x7e: {  	_ =	shalt  }
0x7f: {  	_ =	shalt  }
0x80: {  	_ =	shalt  }
0x81: {  	_ =	shalt  }
0x82: {  	_ =	shalt  }
0x83: {  	_ =	shalt  }
0x84: {  	_ =	shalt  }
0x85: {  	_ =	shalt  }
0x86: {  	_ =	shalt  }
0x87: {  	_ =	shalt  }
.Lfunc_end0:
.L_simem_size_0:
called_computation.2_lowered:
.L_overlay_start_0:
0x88: {  	s2 =	sld [smem:$0x3FD9]  }
0x89: {  	s3 =	sld [smem:$0x3FFE];
	_ =	sdelay $0x1  }
0x8a: {  	s1 =	srdreg.scid  }
0x8b: {  	s0 =	sand.u32 $0x1, s1  }
0x8c: {  	s15 =	sshll.u32 s0, $0xA;
	s2 =	sadd.s32 s3, s2  }
0x8d: {  	s2 =	sadd.s32 s2, s15  }
0x8e: {  	[smem:$0x3FB8] =	sst s2  }
0x8f: {  	_ = 	snop  }
0x90: {  	s2 =	sld [smem:$0x3FD0];
	_ =	sdelay $0x2  }
0x91: {  	s16 =	simm.s32 $0xD;
	s4 =	simm.s32 $0x10  }
0x92: {  	[smem:s4], [sflag:s16] =	dma.local [hbm:s2], $0x1  }
0x93: {  	_ =	swait.eq [sflag:s16], $0x1  }
0x94: {  	[sflag:s16] =	ssyncset.done $0x0  }
0x95: {  	[sflag:s16] =	ssyncadd.s32 $0xFFFFFFFF  }
0x96: {  	s17 =	sld [smem:$0x13];
	(tm) =	ssettm $0x1  }
0x97: {  	s18 =	sld [smem:$0x3FFB];
	_ =	sdelay $0x3  }
0x98: {  	_ =	strace s18  }
0x99: {  	s2 =	sld [smem:$0x3FFC];
	_ =	sdelay $0x3  }
0x9a: {  	_ =	strace s2  }
0x9b: {  	s2 =	sld [smem:$0x3FFD];
	_ =	sdelay $0x3  }
0x9c: {  	_ =	strace s2  }
0x9d: {  	_ =	strace $0x8FFFFFFF  }
0x9e: {  	s19 =	sld [smem:$0x3FDB];
	_ =	sdelay $0x1  }
0x9f: {  	s20 =	simm.s32 $_scs_section_size  }
0xa0: {  	s5 =	simm.s32 $_size__tile_overlayer_lowered;
	s6 =	simm.s32 $_tile_overlayer_lowered  }
0xa1: {  	s7 =	simm.s32 $0x1BFF;
	s21 =	sshll.u32 s6, $0x1;
	s4 =	sadd.s32 s20, s19  }
0xa2: {  	s22 =	simm.s32 $0x0;
	s5 =	sshll.u32 s5, $0x1;
	s6 =	sadd.s32 s21, s4  }
0xa3: {  	[timem:s22], [sflag:s7] =	dma.local [hbm:s6], s5  }
0xa4: {  	_ =	swait.ge [sflag:s7], s5  }
0xa5: {  	s5 =	ssub.s32 $0x0, s5;
	[sflag:s7] =	ssyncset.done $0x0  }
0xa6: {  	[sflag:s7] =	ssyncadd.s32 s5;
	_ =	sdelay $0x1  }
0xa7: {  	s23 =	simm.s32 $0x1B8B  }
0xa8: {  	_ =	swait.ge [sflag:s23], $0x1  }
0xa9: {  	[sflag:s23] =	ssyncset.done $0x0  }
0xaa: {  	[sflag:s23] =	ssyncadd.s32 $0xFFFFFFFF  }
0xab: {  	s5 =	sld [smem:$0x0]  }
0xac: {  	s6 =	sand.u32 $0xFFFFFFFE, s1  }
0xad: {  	p0 =	sne.s32 s1, s6  }
0xae: {  	s6 =	sshll.u32 @p0 s6, $0xE  }
0xaf: {  	s6 =	sadd.s32 @p0 $0x11B8D, s6;
	s7 =	sshll.u32 @p0 s5, $0x11  }
0xb0: {  	s6 =	sor.u32 @p0 s7, s6  }
0xb1: {  	[sflag:s6] =	ssyncadd.remote.s32 @p0 $0x1;
	_ =	sdelay $0x1  }
0xb2: {  	s6 =	simm.s32 @p0 $0x1B8D  }
0xb3: {  	_ =	swait.eq @p0 [sflag:s6], $0x1  }
0xb4: {  	[sflag:s6] =	ssyncadd.s32 @p0 $0xFFFFFFFF  }
0xb5: {  	s7 =	sshll.u32 @!p0 s1, $0xE  }
0xb6: {  	s7 =	sor.u32 @!p0 $0x4000, s7;
	s6 =	simm.s32 @!p0 $0x1B8D  }
0xb7: {  	s5 =	sshll.u32 @!p0 s5, $0x11;
	s7 =	sadd.s32 @!p0 $0x11B8D, s7;
	_ =	swait.eq @!p0 [sflag:s6], $0x1  }
0xb8: {  	s5 =	sor.u32 @!p0 s5, s7;
	[sflag:s6] =	ssyncadd.s32 @!p0 $0xFFFFFFFF  }
0xb9: {  	s25 =	simm.s32 $0x1B8E;
	s24 =	sld [smem:$0x3FFE];
	[sflag:s5] =	ssyncadd.remote.s32 @!p0 $0x1  }
0xba: {  	s26 =	simm.s32 $execute0_lowered;
	[smem:$0x3FD2] =	sst s25  }
0xbb: {  	s6 =	sshll.u32 s26, $0x1;
	_ =	strace $0x8000004F;
	[dreg:$0x1] =	wrdreg $0xFFFFFFFF  }
0xbc: {  	s28 =	simm.s32 $_size_execute0_lowered;
	s4 =	sadd.s32 s4, s6;
	[dreg:$0x0] =	wrdreg $0x0  }
0xbd: {  	s6 =	sshll.u32 s28, $0x1;
	[dreg:$0x2] =	wrdreg s4  }
0xbe: {  	[dreg:$0x3] =	wrdreg s6  }
0xbf: {  	[dreg:$0x4] =	wrdreg $0xC0  }
0xc0: {  	_ =	task [dreg:s22], $0x5FFFF  }
0xc1: {  	[dreg:$0x1] =	wrdreg $0xFFFFFFFF  }
0xc2: {  	[dreg:$0x0] =	wrdreg $0x60  }
0xc3: {  	[dreg:$0x2] =	wrdreg s24  }
0xc4: {  	[dreg:$0x3] =	wrdreg s17  }
0xc5: {  	[dreg:$0x4] =	wrdreg $0x68000  }
0xc6: {  	[dreg:$0x5] =	wrdreg $0xA  }
0xc7: {  	_ =	task.clear_ibuf [dreg:s22], $0x6FFFF;
	_ =	strace $0x9000004F  }
0xc8: {  	s29 =	simm.s32 $0xA;
	_ =	strace $0x80000051  }
0xc9: {  	_ =	swait.ge [sflag:s29], $0x1  }
0xca: {  	[sflag:s29] =	ssyncadd.s32 $0xFFFFFFFF  }
0xcb: {  	_ =	strace $0x90000051  }
0xcc: {  	_ =	sfence  }
0xcd: {  	s30 =	sld [smem:$0x0];
	_ =	sdelay $0x2  }
0xce: {  	s31 =	sshll.u32 s1, $0xD;
	s1 =	sshrl.u32 s1, $0x2  }
0xcf: {  	s4 =	sand.u32 $0x4000, s31;
	s1 =	sadd.s32 s1, s30  }
0xd0: {  	s0 =	sor.u32 s4, s0;
	s1 =	sshll.u32 s1, $0x11  }
0xd1: {  	s0 =	sor.u32 s1, s0  }
0xd2: {  	s0 =	sadd.s32 $0x8F2B, s0  }
0xd3: {  	[sflag:s0] =	ssyncadd.remote.s32 $0x1  }
0xd4: {  	_ =	sfence.sel $0xFFFF  }
0xd5: {  	[dreg:$0x0] =	wrdreg $0xFFFFFFFF;
	(pc) =	sbr.abs _section_cstart, $3  }
0xd6: {  	[dreg:$0x1] =	wrdreg $0xFFFFFFFF  }
0xd7: {  	_ =	task.clear_ibuf [dreg:s22], $0x2FFFF;
	_ =	strace $0x9FFFFFFF  }
0xd8: {  	(tm) =	ssettm $0x7FFFFFFF  }
0xd9: {  	_ =	shalt  }
tec
execute0_lowered:
.L_overlay_start_1:
0x0: {  	(tag) =	ssettag $0x1  }
0x1: {  	s7 =	rddreg [dreg:$0x0]  }
0x2: {  	s0 =	srdreg.scid;
	s2 =	rddreg [dreg:$0x1]  }
0x3: {  	s3 =	rddreg [dreg:$0x2];
	s5 =	sand.u32 $0x1, s0;
	s0 =	stileid.u32  }
0x4: {  	s4 =	simm.s32 $0x0;
	s17 =	simm.s32 $0x0;
	s8 =	smul.u32 $0x2780, s0  }
0x5: {  	[smem:$0x7FF] =	sst s4;
	s11 =	sadd.s32 $0x13F000, s7;
	s10 =	smul.u32 $0x4F000, s0  }
0x6: {  	s14 =	sadd.s32 $0x128400, s3;
	s1 =	sshll.u32 s5, $0x4;
	s13 =	smul.u32 $0x13A000, s5  }
0x7: {  	s9 =	ssub.s32 $0x2, s5;
	s29 =	smul.u32 $0x13C00, s0;
	p0 =	seq.s32 s0, $0xF  }
0x8: {  	s6 =	sor.u32 s0, s1;
	s1 =	rddreg [dreg:$0x3];
	_ =	strace $0x80000050  }
0x9: {  	s12 =	sshrl.u32 s9, $0x1;
	s16 =	sshll.u32 @!p0 s0, $0x6;
	s6 =	smul.u32 $0x500, s6  }
0xa: {  	s8 =	sadd.s32 s8, s7;
	s12 =	ssub.s32 s9, s12;
	s28 =	sshrl.u32 s10, $0x2  }
0xb: {  	s30 =	sadd.s32 s29, s13;
	s31 =	sshrl.u32 s13, $0x3;
	s13 =	sshrl.u32 @p0 s14, $0x3  }
0xc: {  	s14 =	sor.u32 @!p0 $0x1C01, s16;
	s16 =	simm.s32 $0x80;
	s15 =	sadd.s32 s28, s3  }
0xd: {  	s9 =	sadd.s32 s11, s31;
	s10 =	smax.u32 s12, $0x1;
	s12 =	simm.s32 $0x2800  }
0xe: {  	s6 =	sadd.s32 s6, s7;
	s7 =	sadd.s32 $0x47480, s7;
	s9 =	sadd.s32 $0x25080, s9  }
0xf: {  	s5 =	sadd.s32 $0xE6800, s6;
	s6 =	sadd.s32 $0x22400, s8;
	s8 =	sshrl.u32 s30, $0x3  }
0x10: {  	s15 =	sshrl.u32 @!p0 s15, $0x3;
	s8 =	sadd.s32 s11, s8;
	s11 =	simm.s32 $0x1  }
.LBB2_1:
0x11: {  	[tilespmem:s4], [sflag:$0x1] =	stream.linear.gather [hbm4b:s5+s4], $0x2800, $0x38;
	[tilespmem:$0x1A200] =	vst v63  }
0x12: {  	_ =	swait.ge [sflag:s11], $0x2800  }
0x13: {  	[sflag:s11] =	ssyncset.done $0x0  }
0x14: {  	[sflag:s11] =	ssyncadd.s32 $0xFFFFD800  }
0x15: {  	[tilespmem:s12], [sflag:$0x1] =	stream.linear.gather [hbm4b:s2+s4], $0x4000, $0x38;
	[tilespmem:$0x1A200] =	vst v63  }
0x16: {  	_ =	swait.ge [sflag:s11], $0x4000  }
0x17: {  	[sflag:s11] =	ssyncset.done $0x0  }
0x18: {  	s18 =	simm.s32 @p0 $0x1FC1;
	[sflag:s11] =	ssyncadd.s32 $0xFFFFC000  }
0x19: {  	[spmem:s13], [sflag:s18] =	dma.local @p0 [hbm:s7], $0x2380  }
0x1a: {  	s18 =	simm.s32 @p0 $0x1  }
0x1b: {  	_ =	swait.ge @p0 [sflag:s18], $0x2380  }
0x1c: {  	[sflag:s18] =	ssyncset.done @p0 $0x0  }
0x1d: {  	[sflag:s18] =	ssyncadd.s32 @p0 $0xFFFFDC80;
	s18 =	simm.s32 @!p0 $0x1  }
0x1e: {  	[spmem:s15], [sflag:s14] =	dma.local @!p0 [hbm:s6], $0x2780  }
0x1f: {  	_ =	swait.ge @!p0 [sflag:s18], $0x2780  }
0x20: {  	[sflag:s18] =	ssyncset.done @!p0 $0x0  }
0x21: {  	[sflag:s18] =	ssyncadd.s32 @!p0 $0xFFFFD880  }
0x22: {  	s31 =	simm.s32 $0x0;
	[bflag:$0x0] =	sbarrier.arrive $0xFFFF  }
0x23: {  	[spmem:s3] =	stream.indirect.scatter.add.f32 [tilespmem:s12], [sflag:$0x1], $0x80, s31, s16, $0xb8;
	[tilespmem:$0x1A200] =	vst v63  }
0x24: {  	_ =	swait.ge [sflag:s11], $0x4000  }
0x25: {  	s18 =	simm.s32 $0x200;
	[sflag:s11] =	ssyncset.done $0x0  }
.LBB2_2:
0x26: {  	s19 =	sshra.s32 s18, $0x2;
	[sflag:s11] =	ssyncadd.s32 $0xFFFFC000;
	p1 =	sne.s32 s18, $0x9E00  }
0x27: {  	[spmem:s3] =	stream.indirect.scatter.add.f32 [tilespmem:s12], [sflag:$0x1], $0x80, s19, s16, $0xb8;
	[tilespmem:$0x1A200] =	vst v63  }
.Ltmp0:
0x28: {  	_ = 	snop;
	(pc) =	sbr.rel @p1 .LBB2_2-.Ltmp0, $4  }
0x29: {  	_ = 	snop  }
0x2a: {  	s18 =	sadd.s32 $0x200, s18  }
0x2b: {  	_ =	swait.ge [sflag:s11], $0x4000  }
0x2c: {  	[sflag:s11] =	ssyncset.done $0x0  }
0x2d: {  	[sflag:s11] =	ssyncadd.s32 $0xFFFFC000  }
0x2e: {  	s18 =	simm.s32 @p0 $0x1FC1;
	[bflag:$0x0] =	sbarrier.arrive $0xFFFF  }
0x2f: {  	[hbm:s9], [sflag:s18] =	dma.local @p0 [spmem:s13], $0x2380  }
0x30: {  	s18 =	simm.s32 @p0 $0x1  }
0x31: {  	s17 =	sadd.s32 $0x1, s17;
	_ =	swait.ge @p0 [sflag:s18], $0x2380  }
0x32: {  	p1 =	sne.s32 s17, s10;
	[sflag:s18] =	ssyncset.done @p0 $0x0  }
.Ltmp1:
0x33: {  	[sflag:s18] =	ssyncadd.s32 @p0 $0xFFFFDC80;
	s18 =	simm.s32 @!p0 $0x1;
	(pc) =	sbr.rel @p1 .LBB2_1-.Ltmp1, $4  }
0x34: {  	[hbm:s8], [sflag:s14] =	dma.local @!p0 [spmem:s15], $0x2780  }
0x35: {  	_ =	swait.ge @!p0 [sflag:s18], $0x2780  }
0x36: {  	[sflag:s18] =	ssyncset.done @!p0 $0x0  }
0x37: {  	[sflag:s18] =	ssyncadd.s32 @!p0 $0xFFFFD880  }
0x38: {  	_ =	sfence.sel $0x180000  }
0x39: {  	[bflag:$0x0] =	sbarrier.arrive $0xFFFF  }
0x3a: {  	p0 =	sne.s32 s0, $0x0;
	_ =	strace $0x90000050  }
0x3b: {  	s0 =	sadd.s32 @!p0 $0x100000, s1;
	[bflag:$0x2] =	sbarrier.arrive $0xFFFF  }
0x3c: {  	[sflag:s0] =	ssyncadd.tile.s32 @!p0 $0x1;
	_ =	shalt  }
.Lfunc_end2:
_tile_overlayer_lowered:
.L_overlay_start_2:
0x3d: {  	(tag) =	ssettag $0x2  }
0x3e: {  	s0 =	rddreg [dreg:$0x0];
	s2 =	stileid.u32  }
0x3f: {  	s1 =	rddreg [dreg:$0x1];
	p0 =	sne.s32 s2, $0x0  }
0x40: {  	s3 =	rddreg [dreg:$0x2];
	[bflag:$0x3] =	sbarrier.arrive $0xFFFF;
	s2 =	simm.s32 @!p0 $0x1C01  }
0x41: {  	[timem:s3], [sflag:s2] =	dma.local @!p0 [hbm:s0], s1  }
0x42: {  	s0 =	simm.s32 @!p0 $0x1  }
0x43: {  	_ =	swait.ge @!p0 [sflag:s0], s1  }
0x44: {  	s1 =	ssub.s32 @!p0 $0x0, s1;
	[sflag:s0] =	ssyncset.done @!p0 $0x0  }
0x45: {  	[sflag:s0] =	ssyncadd.s32 @!p0 s1  }
0x46: {  	[bflag:$0x3] =	sbarrier.arrive $0xFFFF  }
0x47: {  	_ =	shalt  }

// kernel: kernel.21.cloned.1.call-start
scs
__scs_entry_jumppad:
0x0: {  	(pc) =	sbr.rel $0x88, $3  }
0x1: {  	(tag) =	ssettag $0x0;
	lr =	simm.s32 $0x1  }
0x2: {  	[smem:$0x3F91] =	sst lr;
	_ =	strace $0xD0000000  }
0x3: {  	_ = 	snop  }
0x4: {  	_ = 	snop  }
0x5: {  	_ = 	snop  }
0x6: {  	_ = 	snop  }
0x7: {  	_ = 	snop  }
__scs_overlays_trampoline_lowered:
0x8: {  	[smem:$0x3FA0] =	sst s0  }
0x9: {  	[smem:$0x3FA1] =	sst s1  }
0xa: {  	[smem:$0x3FA2] =	sst s2  }
0xb: {  	[smem:$0x3FA3] =	sst s3  }
0xc: {  	[smem:$0x3FA4] =	sst s4  }
0xd: {  	[smem:$0x3FA5] =	sst s5  }
0xe: {  	[smem:$0x3FA6] =	sst s6  }
0xf: {  	[smem:$0x3FA7] =	sst s7  }
0x10: {  	[smem:$0x3FA8] =	sst s8  }
0x11: {  	[smem:$0x3FA9] =	sst s9;
	s0 =	simm.s32 @!p0 $0x0  }
0x12: {  	s1 =	sld [smem:$0x3F8F];
	s0 =	simm.s32 @p0 $0x1  }
0x13: {  	[smem:$0x3FAA] =	sst s0;
	s0 =	simm.s32 @!p1 $0x0  }
0x14: {  	s2 =	sld [smem:$0x3F8E];
	s0 =	simm.s32 @p1 $0x1  }
0x15: {  	[smem:$0x3FAB] =	sst s0;
	s0 =	simm.s32 @!p2 $0x0  }
0x16: {  	s3 =	sld [smem:$0x3FDB];
	s0 =	simm.s32 @p2 $0x1  }
0x17: {  	s4 =	simm.s32 $0x1BF5;
	[smem:$0x3FAD] =	sst s0  }
0x18: {  	s0 =	sld [smem:$0x3F90];
	_ =	swait.ge [sflag:s4], $0x0  }
0x19: {  	s7 =	sld [smem:$0x3F91]  }
0x1a: {  	s8 =	sadd.s32 $0xFFFFE003, lr  }
0x1b: {  	s9 =	sadd.s32 $0xFFFFFEF7, lr;
	s5 =	simm.s32 $0xFFFFFFFF;
	p2 =	slt.u32 s8, $0xFFFFF086  }
0x1c: {  	p1 =	slt.u32 s9, $0xF7A;
	s5 =	simm.s32 @!p2 $0x0  }
0x1d: {  	s5 =	simm.s32 @p1 $0x1;
	p0 =	seq.s32 s7, s2  }
0x1e: {  	s7 =	smul.u32 @!p0 $0xF7A, s2;
	p2 =	seq.s32 @!p0 s5, $0x0  }
0x1f: {  	s9 =	smul.u32 $0xF7A, s1;
	s8 =	simm.s32 @!p0 $0x1BF5;
	p2 =	por !p2, p0  }
0x20: {  	[sflag:s8] =	ssyncset.s32 @!p0 $0xFFFFF086;
	s6 =	sadd.s32 @!p0 s3, s7;
	s7 =	simm.s32 @!p0 $0x108  }
0x21: {  	s3 =	sadd.s32 s3, s9;
	s6 =	sadd.s32 @!p0 $0x88, s6;
	s7 =	simm.s32 @p2 $0x1082  }
0x22: {  	[simem:s7], [sflag:s8] =	dma.local @!p0 [hbm:s6], $0xF7A  }
0x23: {  	s9 =	sor.u32 $0xD0000000, s2;
	s6 =	simm.s32 $0x108;
	_ =	swait.ge @!p0 [sflag:s8], $0x0  }
0x24: {  	s3 =	sadd.s32 $0x88, s3;
	s6 =	simm.s32 @!p1 $0x1082;
	[sflag:s4] =	ssyncset.s32 $0xFFFFF086  }
0x25: {  	[simem:s6], [sflag:s4] =	dma.local [hbm:s3], $0xF7A  }
0x26: {  	[smem:$0x3F91] =	sst s1;
	(tag) =	ssettag s2;
	_ =	strace s9  }
0x27: {  	s1 =	sld [smem:$0x3FA1]  }
0x28: {  	s2 =	sld [smem:$0x3FA2]  }
0x29: {  	s4 =	sld [smem:$0x3FA4]  }
0x2a: {  	p0 =	seq.s32 s5, $0x0;
	s5 =	sld [smem:$0x3FA5]  }
0x2b: {  	s6 =	sld [smem:$0x3FA6]  }
0x2c: {  	s7 =	sld [smem:$0x3FA7]  }
0x2d: {  	s3 =	simm.s32 $0x108;
	s8 =	sld [smem:$0x3FA8]  }
0x2e: {  	s3 =	simm.s32 @!p0 $0x1082;
	s9 =	sld [smem:$0x3FA9]  }
0x2f: {  	lr =	sadd.s32 s0, s3;
	s0 =	sld [smem:$0x3FA0]  }
0x30: {  	s3 =	sld [smem:$0x3FA3]  }
0x31: {  	[smem:$0x3FAC] =	sst s10  }
0x32: {  	s10 =	sld [smem:$0x3FAA];
	_ =	sdelay $0x3  }
0x33: {  	p0 =	seq.s32 s10, $0x1;
	s10 =	sld [smem:$0x3FAC];
	_ =	sdelay $0x3  }
0x34: {  	[smem:$0x3FAC] =	sst s10  }
0x35: {  	s10 =	sld [smem:$0x3FAB];
	_ =	sdelay $0x3  }
0x36: {  	p1 =	seq.s32 s10, $0x1;
	s10 =	sld [smem:$0x3FAC];
	_ =	sdelay $0x3  }
0x37: {  	[smem:$0x3FAC] =	sst s10  }
0x38: {  	s10 =	sld [smem:$0x3FAD]  }
0x39: {  	_ = 	snop;
	(pc) =	sbr.ind lr, $3  }
0x3a: {  	_ = 	snop  }
0x3b: {  	_ = 	snop  }
0x3c: {  	p2 =	seq.s32 s10, $0x1;
	s10 =	sld [smem:$0x3FAC]  }
0x3d: {  	_ =	shalt  }
0x3e: {  	_ =	shalt  }
0x3f: {  	_ =	shalt  }
0x40: {  	_ =	shalt  }
0x41: {  	_ =	shalt  }
0x42: {  	_ =	shalt  }
0x43: {  	_ =	shalt  }
0x44: {  	_ =	shalt  }
0x45: {  	_ =	shalt  }
0x46: {  	_ =	shalt  }
0x47: {  	_ =	shalt  }
0x48: {  	_ =	shalt  }
0x49: {  	_ =	shalt  }
0x4a: {  	_ =	shalt  }
0x4b: {  	_ =	shalt  }
0x4c: {  	_ =	shalt  }
0x4d: {  	_ =	shalt  }
0x4e: {  	_ =	shalt  }
0x4f: {  	_ =	shalt  }
0x50: {  	_ =	shalt  }
0x51: {  	_ =	shalt  }
0x52: {  	_ =	shalt  }
0x53: {  	_ =	shalt  }
0x54: {  	_ =	shalt  }
0x55: {  	_ =	shalt  }
0x56: {  	_ =	shalt  }
0x57: {  	_ =	shalt  }
0x58: {  	_ =	shalt  }
0x59: {  	_ =	shalt  }
0x5a: {  	_ =	shalt  }
0x5b: {  	_ =	shalt  }
0x5c: {  	_ =	shalt  }
0x5d: {  	_ =	shalt  }
0x5e: {  	_ =	shalt  }
0x5f: {  	_ =	shalt  }
0x60: {  	_ =	shalt  }
0x61: {  	_ =	shalt  }
0x62: {  	_ =	shalt  }
0x63: {  	_ =	shalt  }
0x64: {  	_ =	shalt  }
0x65: {  	_ =	shalt  }
0x66: {  	_ =	shalt  }
0x67: {  	_ =	shalt  }
0x68: {  	_ =	shalt  }
0x69: {  	_ =	shalt  }
0x6a: {  	_ =	shalt  }
0x6b: {  	_ =	shalt  }
0x6c: {  	_ =	shalt  }
0x6d: {  	_ =	shalt  }
0x6e: {  	_ =	shalt  }
0x6f: {  	_ =	shalt  }
0x70: {  	_ =	shalt  }
0x71: {  	_ =	shalt  }
0x72: {  	_ =	shalt  }
0x73: {  	_ =	shalt  }
0x74: {  	_ =	shalt  }
0x75: {  	_ =	shalt  }
0x76: {  	_ =	shalt  }
0x77: {  	_ =	shalt  }
0x78: {  	_ =	shalt  }
0x79: {  	_ =	shalt  }
0x7a: {  	_ =	shalt  }
0x7b: {  	_ =	shalt  }
0x7c: {  	_ =	shalt  }
0x7d: {  	_ =	shalt  }
0x7e: {  	_ =	shalt  }
0x7f: {  	_ =	shalt  }
0x80: {  	_ =	shalt  }
0x81: {  	_ =	shalt  }
0x82: {  	_ =	shalt  }
0x83: {  	_ =	shalt  }
0x84: {  	_ =	shalt  }
0x85: {  	_ =	shalt  }
0x86: {  	_ =	shalt  }
0x87: {  	_ =	shalt  }
.Lfunc_end0:
.L_simem_size_0:
called_computation.3_lowered:
.L_overlay_start_0:
0x88: {  	s2 =	sld [smem:$0x3FD9]  }
0x89: {  	s3 =	sld [smem:$0x3FFE];
	_ =	sdelay $0x1  }
0x8a: {  	s1 =	srdreg.scid  }
0x8b: {  	s0 =	sand.u32 $0x1, s1  }
0x8c: {  	s15 =	sshll.u32 s0, $0xA;
	s2 =	sadd.s32 s3, s2  }
0x8d: {  	s2 =	sadd.s32 s2, s15  }
0x8e: {  	[smem:$0x3FB8] =	sst s2  }
0x8f: {  	_ = 	snop  }
0x90: {  	s2 =	sld [smem:$0x3FD0];
	_ =	sdelay $0x2  }
0x91: {  	s16 =	simm.s32 $0xD;
	s4 =	simm.s32 $0x10  }
0x92: {  	[smem:s4], [sflag:s16] =	dma.local [hbm:s2], $0x1  }
0x93: {  	_ =	swait.eq [sflag:s16], $0x1  }
0x94: {  	[sflag:s16] =	ssyncset.done $0x0  }
0x95: {  	[sflag:s16] =	ssyncadd.s32 $0xFFFFFFFF  }
0x96: {  	s17 =	sld [smem:$0x13];
	(tm) =	ssettm $0x1  }
0x97: {  	s18 =	sld [smem:$0x3FFB];
	_ =	sdelay $0x3  }
0x98: {  	_ =	strace s18  }
0x99: {  	s2 =	sld [smem:$0x3FFC];
	_ =	sdelay $0x3  }
0x9a: {  	_ =	strace s2  }
0x9b: {  	s2 =	sld [smem:$0x3FFD];
	_ =	sdelay $0x3  }
0x9c: {  	_ =	strace s2  }
0x9d: {  	_ =	strace $0x8FFFFFFF  }
0x9e: {  	s19 =	sld [smem:$0x3FDB];
	_ =	sdelay $0x1  }
0x9f: {  	s20 =	simm.s32 $_scs_section_size  }
0xa0: {  	s5 =	simm.s32 $_size__tile_overlayer_lowered;
	s6 =	simm.s32 $_tile_overlayer_lowered  }
0xa1: {  	s7 =	simm.s32 $0x1BFF;
	s21 =	sshll.u32 s6, $0x1;
	s4 =	sadd.s32 s20, s19  }
0xa2: {  	s22 =	simm.s32 $0x0;
	s5 =	sshll.u32 s5, $0x1;
	s6 =	sadd.s32 s21, s4  }
0xa3: {  	[timem:s22], [sflag:s7] =	dma.local [hbm:s6], s5  }
0xa4: {  	_ =	swait.ge [sflag:s7], s5  }
0xa5: {  	s5 =	ssub.s32 $0x0, s5;
	[sflag:s7] =	ssyncset.done $0x0  }
0xa6: {  	[sflag:s7] =	ssyncadd.s32 s5;
	_ =	sdelay $0x1  }
0xa7: {  	s23 =	simm.s32 $0x1B8B  }
0xa8: {  	_ =	swait.ge [sflag:s23], $0x1  }
0xa9: {  	[sflag:s23] =	ssyncset.done $0x0  }
0xaa: {  	[sflag:s23] =	ssyncadd.s32 $0xFFFFFFFF  }
0xab: {  	s5 =	sld [smem:$0x0]  }
0xac: {  	s6 =	sand.u32 $0xFFFFFFFE, s1  }
0xad: {  	p0 =	sne.s32 s1, s6  }
0xae: {  	s6 =	sshll.u32 @p0 s6, $0xE  }
0xaf: {  	s6 =	sadd.s32 @p0 $0x11B8D, s6;
	s7 =	sshll.u32 @p0 s5, $0x11  }
0xb0: {  	s6 =	sor.u32 @p0 s7, s6  }
0xb1: {  	[sflag:s6] =	ssyncadd.remote.s32 @p0 $0x1;
	_ =	sdelay $0x1  }
0xb2: {  	s6 =	simm.s32 @p0 $0x1B8D  }
0xb3: {  	_ =	swait.eq @p0 [sflag:s6], $0x1  }
0xb4: {  	[sflag:s6] =	ssyncadd.s32 @p0 $0xFFFFFFFF  }
0xb5: {  	s7 =	sshll.u32 @!p0 s1, $0xE  }
0xb6: {  	s7 =	sor.u32 @!p0 $0x4000, s7;
	s6 =	simm.s32 @!p0 $0x1B8D  }
0xb7: {  	s5 =	sshll.u32 @!p0 s5, $0x11;
	s7 =	sadd.s32 @!p0 $0x11B8D, s7;
	_ =	swait.eq @!p0 [sflag:s6], $0x1  }
0xb8: {  	s5 =	sor.u32 @!p0 s5, s7;
	[sflag:s6] =	ssyncadd.s32 @!p0 $0xFFFFFFFF  }
0xb9: {  	s25 =	simm.s32 $0x1B8E;
	s24 =	sld [smem:$0x3FFE];
	[sflag:s5] =	ssyncadd.remote.s32 @!p0 $0x1  }
0xba: {  	s26 =	simm.s32 $execute0_lowered;
	[smem:$0x3FD2] =	sst s25  }
0xbb: {  	s6 =	sshll.u32 s26, $0x1;
	_ =	strace $0x80000049;
	[dreg:$0x1] =	wrdreg $0xFFFFFFFF  }
0xbc: {  	s28 =	simm.s32 $_size_execute0_lowered;
	s4 =	sadd.s32 s4, s6;
	[dreg:$0x0] =	wrdreg $0x0  }
0xbd: {  	s6 =	sshll.u32 s28, $0x1;
	[dreg:$0x2] =	wrdreg s4  }
0xbe: {  	[dreg:$0x3] =	wrdreg s6  }
0xbf: {  	[dreg:$0x4] =	wrdreg $0xC0  }
0xc0: {  	_ =	task [dreg:s22], $0x5FFFF  }
0xc1: {  	[dreg:$0x1] =	wrdreg $0xFFFFFFFF  }
0xc2: {  	[dreg:$0x0] =	wrdreg $0x60  }
0xc3: {  	[dreg:$0x2] =	wrdreg s24  }
0xc4: {  	[dreg:$0x3] =	wrdreg s17  }
0xc5: {  	[dreg:$0x4] =	wrdreg $0x68000  }
0xc6: {  	[dreg:$0x5] =	wrdreg $0xC  }
0xc7: {  	_ =	task.clear_ibuf [dreg:s22], $0x6FFFF;
	_ =	strace $0x90000049  }
0xc8: {  	s29 =	simm.s32 $0xC;
	_ =	strace $0x8000004B  }
0xc9: {  	_ =	swait.ge [sflag:s29], $0x1  }
0xca: {  	[sflag:s29] =	ssyncadd.s32 $0xFFFFFFFF  }
0xcb: {  	_ =	strace $0x9000004B  }
0xcc: {  	_ =	sfence  }
0xcd: {  	s30 =	sld [smem:$0x0];
	_ =	sdelay $0x2  }
0xce: {  	s31 =	sshll.u32 s1, $0xD;
	s1 =	sshrl.u32 s1, $0x2  }
0xcf: {  	s4 =	sand.u32 $0x4000, s31;
	s1 =	sadd.s32 s1, s30  }
0xd0: {  	s0 =	sor.u32 s4, s0;
	s1 =	sshll.u32 s1, $0x11  }
0xd1: {  	s0 =	sor.u32 s1, s0  }
0xd2: {  	s0 =	sadd.s32 $0x8F2B, s0  }
0xd3: {  	[sflag:s0] =	ssyncadd.remote.s32 $0x1  }
0xd4: {  	_ =	sfence.sel $0xFFFF  }
0xd5: {  	[dreg:$0x0] =	wrdreg $0xFFFFFFFF;
	(pc) =	sbr.abs _section_cstart, $3  }
0xd6: {  	[dreg:$0x1] =	wrdreg $0xFFFFFFFF  }
0xd7: {  	_ =	task.clear_ibuf [dreg:s22], $0x2FFFF;
	_ =	strace $0x9FFFFFFF  }
0xd8: {  	(tm) =	ssettm $0x7FFFFFFF  }
0xd9: {  	_ =	shalt  }
tec
execute0_lowered:
.L_overlay_start_1:
0x0: {  	(tag) =	ssettag $0x1  }
0x1: {  	s7 =	rddreg [dreg:$0x0]  }
0x2: {  	s0 =	srdreg.scid;
	s2 =	rddreg [dreg:$0x1]  }
0x3: {  	s3 =	rddreg [dreg:$0x2];
	s5 =	sand.u32 $0x1, s0;
	s0 =	stileid.u32  }
0x4: {  	s4 =	simm.s32 $0x0;
	s17 =	simm.s32 $0x0;
	s8 =	smul.u32 $0x2780, s0  }
0x5: {  	[smem:$0x7FF] =	sst s4;
	s11 =	sadd.s32 $0x98000, s7;
	s10 =	smul.u32 $0x4F000, s0  }
0x6: {  	s14 =	sadd.s32 $0x128400, s3;
	s1 =	sshll.u32 s5, $0x4;
	s13 =	smul.u32 $0x13A000, s5  }
0x7: {  	s9 =	ssub.s32 $0x2, s5;
	s29 =	smul.u32 $0x13C00, s0;
	p0 =	seq.s32 s0, $0xF  }
0x8: {  	s6 =	sor.u32 s0, s1;
	s1 =	rddreg [dreg:$0x3];
	_ =	strace $0x8000004A  }
0x9: {  	s12 =	sshrl.u32 s9, $0x1;
	s16 =	sshll.u32 @!p0 s0, $0x6;
	s6 =	smul.u32 $0x500, s6  }
0xa: {  	s8 =	sadd.s32 s8, s7;
	s12 =	ssub.s32 s9, s12;
	s28 =	sshrl.u32 s10, $0x2  }
0xb: {  	s30 =	sadd.s32 s29, s13;
	s31 =	sshrl.u32 s13, $0x3;
	s13 =	sshrl.u32 @p0 s14, $0x3  }
0xc: {  	s14 =	sor.u32 @!p0 $0x1C01, s16;
	s16 =	simm.s32 $0x80;
	s15 =	sadd.s32 s28, s3  }
0xd: {  	s9 =	sadd.s32 s11, s31;
	s10 =	smax.u32 s12, $0x1;
	s12 =	simm.s32 $0x2800  }
0xe: {  	s6 =	sadd.s32 s6, s7;
	s7 =	sadd.s32 $0x47480, s7;
	s9 =	sadd.s32 $0x25080, s9  }
0xf: {  	s5 =	sadd.s32 $0x4400, s6;
	s6 =	sadd.s32 $0x22400, s8;
	s8 =	sshrl.u32 s30, $0x3  }
0x10: {  	s15 =	sshrl.u32 @!p0 s15, $0x3;
	s8 =	sadd.s32 s11, s8;
	s11 =	simm.s32 $0x1  }
.LBB2_1:
0x11: {  	[tilespmem:s4], [sflag:$0x1] =	stream.linear.gather [hbm4b:s5+s4], $0x2800, $0x38;
	[tilespmem:$0x1A200] =	vst v63  }
0x12: {  	_ =	swait.ge [sflag:s11], $0x2800  }
0x13: {  	[sflag:s11] =	ssyncset.done $0x0  }
0x14: {  	[sflag:s11] =	ssyncadd.s32 $0xFFFFD800  }
0x15: {  	[tilespmem:s12], [sflag:$0x1] =	stream.linear.gather [hbm4b:s2+s4], $0x4000, $0x38;
	[tilespmem:$0x1A200] =	vst v63  }
0x16: {  	_ =	swait.ge [sflag:s11], $0x4000  }
0x17: {  	[sflag:s11] =	ssyncset.done $0x0  }
0x18: {  	s18 =	simm.s32 @p0 $0x1FC1;
	[sflag:s11] =	ssyncadd.s32 $0xFFFFC000  }
0x19: {  	[spmem:s13], [sflag:s18] =	dma.local @p0 [hbm:s7], $0x2380  }
0x1a: {  	s18 =	simm.s32 @p0 $0x1  }
0x1b: {  	_ =	swait.ge @p0 [sflag:s18], $0x2380  }
0x1c: {  	[sflag:s18] =	ssyncset.done @p0 $0x0  }
0x1d: {  	[sflag:s18] =	ssyncadd.s32 @p0 $0xFFFFDC80;
	s18 =	simm.s32 @!p0 $0x1  }
0x1e: {  	[spmem:s15], [sflag:s14] =	dma.local @!p0 [hbm:s6], $0x2780  }
0x1f: {  	_ =	swait.ge @!p0 [sflag:s18], $0x2780  }
0x20: {  	[sflag:s18] =	ssyncset.done @!p0 $0x0  }
0x21: {  	[sflag:s18] =	ssyncadd.s32 @!p0 $0xFFFFD880  }
0x22: {  	s31 =	simm.s32 $0x0;
	[bflag:$0x0] =	sbarrier.arrive $0xFFFF  }
0x23: {  	[spmem:s3] =	stream.indirect.scatter.add.f32 [tilespmem:s12], [sflag:$0x1], $0x80, s31, s16, $0xb8;
	[tilespmem:$0x1A200] =	vst v63  }
0x24: {  	_ =	swait.ge [sflag:s11], $0x4000  }
0x25: {  	s18 =	simm.s32 $0x200;
	[sflag:s11] =	ssyncset.done $0x0  }
.LBB2_2:
0x26: {  	s19 =	sshra.s32 s18, $0x2;
	[sflag:s11] =	ssyncadd.s32 $0xFFFFC000;
	p1 =	sne.s32 s18, $0x9E00  }
0x27: {  	[spmem:s3] =	stream.indirect.scatter.add.f32 [tilespmem:s12], [sflag:$0x1], $0x80, s19, s16, $0xb8;
	[tilespmem:$0x1A200] =	vst v63  }
.Ltmp0:
0x28: {  	_ = 	snop;
	(pc) =	sbr.rel @p1 .LBB2_2-.Ltmp0, $4  }
0x29: {  	_ = 	snop  }
0x2a: {  	s18 =	sadd.s32 $0x200, s18  }
0x2b: {  	_ =	swait.ge [sflag:s11], $0x4000  }
0x2c: {  	[sflag:s11] =	ssyncset.done $0x0  }
0x2d: {  	[sflag:s11] =	ssyncadd.s32 $0xFFFFC000  }
0x2e: {  	s18 =	simm.s32 @p0 $0x1FC1;
	[bflag:$0x0] =	sbarrier.arrive $0xFFFF  }
0x2f: {  	[hbm:s9], [sflag:s18] =	dma.local @p0 [spmem:s13], $0x2380  }
0x30: {  	s18 =	simm.s32 @p0 $0x1  }
0x31: {  	s17 =	sadd.s32 $0x1, s17;
	_ =	swait.ge @p0 [sflag:s18], $0x2380  }
0x32: {  	p1 =	sne.s32 s17, s10;
	[sflag:s18] =	ssyncset.done @p0 $0x0  }
.Ltmp1:
0x33: {  	[sflag:s18] =	ssyncadd.s32 @p0 $0xFFFFDC80;
	s18 =	simm.s32 @!p0 $0x1;
	(pc) =	sbr.rel @p1 .LBB2_1-.Ltmp1, $4  }
0x34: {  	[hbm:s8], [sflag:s14] =	dma.local @!p0 [spmem:s15], $0x2780  }
0x35: {  	_ =	swait.ge @!p0 [sflag:s18], $0x2780  }
0x36: {  	[sflag:s18] =	ssyncset.done @!p0 $0x0  }
0x37: {  	[sflag:s18] =	ssyncadd.s32 @!p0 $0xFFFFD880  }
0x38: {  	_ =	sfence.sel $0x180000  }
0x39: {  	[bflag:$0x0] =	sbarrier.arrive $0xFFFF  }
0x3a: {  	p0 =	sne.s32 s0, $0x0;
	_ =	strace $0x9000004A  }
0x3b: {  	s0 =	sadd.s32 @!p0 $0x100000, s1;
	[bflag:$0x2] =	sbarrier.arrive $0xFFFF  }
0x3c: {  	[sflag:s0] =	ssyncadd.tile.s32 @!p0 $0x1;
	_ =	shalt  }
.Lfunc_end2:
_tile_overlayer_lowered:
.L_overlay_start_2:
0x3d: {  	(tag) =	ssettag $0x2  }
0x3e: {  	s0 =	rddreg [dreg:$0x0];
	s2 =	stileid.u32  }
0x3f: {  	s1 =	rddreg [dreg:$0x1];
	p0 =	sne.s32 s2, $0x0  }
0x40: {  	s3 =	rddreg [dreg:$0x2];
	[bflag:$0x3] =	sbarrier.arrive $0xFFFF;
	s2 =	simm.s32 @!p0 $0x1C01  }
0x41: {  	[timem:s3], [sflag:s2] =	dma.local @!p0 [hbm:s0], s1  }
0x42: {  	s0 =	simm.s32 @!p0 $0x1  }
0x43: {  	_ =	swait.ge @!p0 [sflag:s0], s1  }
0x44: {  	s1 =	ssub.s32 @!p0 $0x0, s1;
	[sflag:s0] =	ssyncset.done @!p0 $0x0  }
0x45: {  	[sflag:s0] =	ssyncadd.s32 @!p0 s1  }
0x46: {  	[bflag:$0x3] =	sbarrier.arrive $0xFFFF  }
0x47: {  	_ =	shalt  }

// kernel: kernel.24.cloned.1.call-start
scs
__scs_entry_jumppad:
0x0: {  	(pc) =	sbr.rel $0x88, $3  }
0x1: {  	(tag) =	ssettag $0x0;
	lr =	simm.s32 $0x1  }
0x2: {  	[smem:$0x3F91] =	sst lr;
	_ =	strace $0xD0000000  }
0x3: {  	_ = 	snop  }
0x4: {  	_ = 	snop  }
0x5: {  	_ = 	snop  }
0x6: {  	_ = 	snop  }
0x7: {  	_ = 	snop  }
__scs_overlays_trampoline_lowered:
0x8: {  	[smem:$0x3FA0] =	sst s0  }
0x9: {  	[smem:$0x3FA1] =	sst s1  }
0xa: {  	[smem:$0x3FA2] =	sst s2  }
0xb: {  	[smem:$0x3FA3] =	sst s3  }
0xc: {  	[smem:$0x3FA4] =	sst s4  }
0xd: {  	[smem:$0x3FA5] =	sst s5  }
0xe: {  	[smem:$0x3FA6] =	sst s6  }
0xf: {  	[smem:$0x3FA7] =	sst s7  }
0x10: {  	[smem:$0x3FA8] =	sst s8  }
0x11: {  	[smem:$0x3FA9] =	sst s9;
	s0 =	simm.s32 @!p0 $0x0  }
0x12: {  	s1 =	sld [smem:$0x3F8F];
	s0 =	simm.s32 @p0 $0x1  }
0x13: {  	[smem:$0x3FAA] =	sst s0;
	s0 =	simm.s32 @!p1 $0x0  }
0x14: {  	s2 =	sld [smem:$0x3F8E];
	s0 =	simm.s32 @p1 $0x1  }
0x15: {  	[smem:$0x3FAB] =	sst s0;
	s0 =	simm.s32 @!p2 $0x0  }
0x16: {  	s3 =	sld [smem:$0x3FDB];
	s0 =	simm.s32 @p2 $0x1  }
0x17: {  	s4 =	simm.s32 $0x1BF5;
	[smem:$0x3FAD] =	sst s0  }
0x18: {  	s0 =	sld [smem:$0x3F90];
	_ =	swait.ge [sflag:s4], $0x0  }
0x19: {  	s7 =	sld [smem:$0x3F91]  }
0x1a: {  	s8 =	sadd.s32 $0xFFFFE003, lr  }
0x1b: {  	s9 =	sadd.s32 $0xFFFFFEF7, lr;
	s5 =	simm.s32 $0xFFFFFFFF;
	p2 =	slt.u32 s8, $0xFFFFF086  }
0x1c: {  	p1 =	slt.u32 s9, $0xF7A;
	s5 =	simm.s32 @!p2 $0x0  }
0x1d: {  	s5 =	simm.s32 @p1 $0x1;
	p0 =	seq.s32 s7, s2  }
0x1e: {  	s7 =	smul.u32 @!p0 $0xF7A, s2;
	p2 =	seq.s32 @!p0 s5, $0x0  }
0x1f: {  	s9 =	smul.u32 $0xF7A, s1;
	s8 =	simm.s32 @!p0 $0x1BF5;
	p2 =	por !p2, p0  }
0x20: {  	[sflag:s8] =	ssyncset.s32 @!p0 $0xFFFFF086;
	s6 =	sadd.s32 @!p0 s3, s7;
	s7 =	simm.s32 @!p0 $0x108  }
0x21: {  	s3 =	sadd.s32 s3, s9;
	s6 =	sadd.s32 @!p0 $0x88, s6;
	s7 =	simm.s32 @p2 $0x1082  }
0x22: {  	[simem:s7], [sflag:s8] =	dma.local @!p0 [hbm:s6], $0xF7A  }
0x23: {  	s9 =	sor.u32 $0xD0000000, s2;
	s6 =	simm.s32 $0x108;
	_ =	swait.ge @!p0 [sflag:s8], $0x0  }
0x24: {  	s3 =	sadd.s32 $0x88, s3;
	s6 =	simm.s32 @!p1 $0x1082;
	[sflag:s4] =	ssyncset.s32 $0xFFFFF086  }
0x25: {  	[simem:s6], [sflag:s4] =	dma.local [hbm:s3], $0xF7A  }
0x26: {  	[smem:$0x3F91] =	sst s1;
	(tag) =	ssettag s2;
	_ =	strace s9  }
0x27: {  	s1 =	sld [smem:$0x3FA1]  }
0x28: {  	s2 =	sld [smem:$0x3FA2]  }
0x29: {  	s4 =	sld [smem:$0x3FA4]  }
0x2a: {  	p0 =	seq.s32 s5, $0x0;
	s5 =	sld [smem:$0x3FA5]  }
0x2b: {  	s6 =	sld [smem:$0x3FA6]  }
0x2c: {  	s7 =	sld [smem:$0x3FA7]  }
0x2d: {  	s3 =	simm.s32 $0x108;
	s8 =	sld [smem:$0x3FA8]  }
0x2e: {  	s3 =	simm.s32 @!p0 $0x1082;
	s9 =	sld [smem:$0x3FA9]  }
0x2f: {  	lr =	sadd.s32 s0, s3;
	s0 =	sld [smem:$0x3FA0]  }
0x30: {  	s3 =	sld [smem:$0x3FA3]  }
0x31: {  	[smem:$0x3FAC] =	sst s10  }
0x32: {  	s10 =	sld [smem:$0x3FAA];
	_ =	sdelay $0x3  }
0x33: {  	p0 =	seq.s32 s10, $0x1;
	s10 =	sld [smem:$0x3FAC];
	_ =	sdelay $0x3  }
0x34: {  	[smem:$0x3FAC] =	sst s10  }
0x35: {  	s10 =	sld [smem:$0x3FAB];
	_ =	sdelay $0x3  }
0x36: {  	p1 =	seq.s32 s10, $0x1;
	s10 =	sld [smem:$0x3FAC];
	_ =	sdelay $0x3  }
0x37: {  	[smem:$0x3FAC] =	sst s10  }
0x38: {  	s10 =	sld [smem:$0x3FAD]  }
0x39: {  	_ = 	snop;
	(pc) =	sbr.ind lr, $3  }
0x3a: {  	_ = 	snop  }
0x3b: {  	_ = 	snop  }
0x3c: {  	p2 =	seq.s32 s10, $0x1;
	s10 =	sld [smem:$0x3FAC]  }
0x3d: {  	_ =	shalt  }
0x3e: {  	_ =	shalt  }
0x3f: {  	_ =	shalt  }
0x40: {  	_ =	shalt  }
0x41: {  	_ =	shalt  }
0x42: {  	_ =	shalt  }
0x43: {  	_ =	shalt  }
0x44: {  	_ =	shalt  }
0x45: {  	_ =	shalt  }
0x46: {  	_ =	shalt  }
0x47: {  	_ =	shalt  }
0x48: {  	_ =	shalt  }
0x49: {  	_ =	shalt  }
0x4a: {  	_ =	shalt  }
0x4b: {  	_ =	shalt  }
0x4c: {  	_ =	shalt  }
0x4d: {  	_ =	shalt  }
0x4e: {  	_ =	shalt  }
0x4f: {  	_ =	shalt  }
0x50: {  	_ =	shalt  }
0x51: {  	_ =	shalt  }
0x52: {  	_ =	shalt  }
0x53: {  	_ =	shalt  }
0x54: {  	_ =	shalt  }
0x55: {  	_ =	shalt  }
0x56: {  	_ =	shalt  }
0x57: {  	_ =	shalt  }
0x58: {  	_ =	shalt  }
0x59: {  	_ =	shalt  }
0x5a: {  	_ =	shalt  }
0x5b: {  	_ =	shalt  }
0x5c: {  	_ =	shalt  }
0x5d: {  	_ =	shalt  }
0x5e: {  	_ =	shalt  }
0x5f: {  	_ =	shalt  }
0x60: {  	_ =	shalt  }
0x61: {  	_ =	shalt  }
0x62: {  	_ =	shalt  }
0x63: {  	_ =	shalt  }
0x64: {  	_ =	shalt  }
0x65: {  	_ =	shalt  }
0x66: {  	_ =	shalt  }
0x67: {  	_ =	shalt  }
0x68: {  	_ =	shalt  }
0x69: {  	_ =	shalt  }
0x6a: {  	_ =	shalt  }
0x6b: {  	_ =	shalt  }
0x6c: {  	_ =	shalt  }
0x6d: {  	_ =	shalt  }
0x6e: {  	_ =	shalt  }
0x6f: {  	_ =	shalt  }
0x70: {  	_ =	shalt  }
0x71: {  	_ =	shalt  }
0x72: {  	_ =	shalt  }
0x73: {  	_ =	shalt  }
0x74: {  	_ =	shalt  }
0x75: {  	_ =	shalt  }
0x76: {  	_ =	shalt  }
0x77: {  	_ =	shalt  }
0x78: {  	_ =	shalt  }
0x79: {  	_ =	shalt  }
0x7a: {  	_ =	shalt  }
0x7b: {  	_ =	shalt  }
0x7c: {  	_ =	shalt  }
0x7d: {  	_ =	shalt  }
0x7e: {  	_ =	shalt  }
0x7f: {  	_ =	shalt  }
0x80: {  	_ =	shalt  }
0x81: {  	_ =	shalt  }
0x82: {  	_ =	shalt  }
0x83: {  	_ =	shalt  }
0x84: {  	_ =	shalt  }
0x85: {  	_ =	shalt  }
0x86: {  	_ =	shalt  }
0x87: {  	_ =	shalt  }
.Lfunc_end0:
.L_simem_size_0:
called_computation.4_lowered:
.L_overlay_start_0:
0x88: {  	s2 =	sld [smem:$0x3FD9]  }
0x89: {  	s3 =	sld [smem:$0x3FFE];
	_ =	sdelay $0x1  }
0x8a: {  	s1 =	srdreg.scid  }
0x8b: {  	s0 =	sand.u32 $0x1, s1  }
0x8c: {  	s17 =	sshll.u32 s0, $0xA;
	s2 =	sadd.s32 s3, s2  }
0x8d: {  	s2 =	sadd.s32 s2, s17  }
0x8e: {  	[smem:$0x3FB8] =	sst s2  }
0x8f: {  	_ = 	snop  }
0x90: {  	(tm) =	ssettm $0x1  }
0x91: {  	s18 =	sld [smem:$0x3FFB];
	_ =	sdelay $0x3  }
0x92: {  	_ =	strace s18  }
0x93: {  	s2 =	sld [smem:$0x3FFC];
	_ =	sdelay $0x3  }
0x94: {  	_ =	strace s2  }
0x95: {  	s2 =	sld [smem:$0x3FFD];
	_ =	sdelay $0x3  }
0x96: {  	_ =	strace s2  }
0x97: {  	_ =	strace $0x8FFFFFFF  }
0x98: {  	s19 =	sld [smem:$0x3FDB];
	_ =	sdelay $0x1  }
0x99: {  	s20 =	simm.s32 $_scs_section_size  }
0x9a: {  	s4 =	simm.s32 $_size__tile_overlayer_lowered;
	s5 =	simm.s32 $_tile_overlayer_lowered  }
0x9b: {  	s6 =	simm.s32 $0x1BFF;
	s21 =	sshll.u32 s5, $0x1;
	s3 =	sadd.s32 s20, s19  }
0x9c: {  	s22 =	simm.s32 $0x0;
	s4 =	sshll.u32 s4, $0x1;
	s5 =	sadd.s32 s21, s3  }
0x9d: {  	[timem:s22], [sflag:s6] =	dma.local [hbm:s5], s4  }
0x9e: {  	_ =	swait.ge [sflag:s6], s4  }
0x9f: {  	s4 =	ssub.s32 $0x0, s4;
	[sflag:s6] =	ssyncset.done $0x0  }
0xa0: {  	[sflag:s6] =	ssyncadd.s32 s4;
	_ =	sdelay $0x1  }
0xa1: {  	s23 =	simm.s32 $0x1B8B  }
0xa2: {  	_ =	swait.ge [sflag:s23], $0x1  }
0xa3: {  	[sflag:s23] =	ssyncset.done $0x0  }
0xa4: {  	[sflag:s23] =	ssyncadd.s32 $0xFFFFFFFF  }
0xa5: {  	s4 =	sld [smem:$0x0]  }
0xa6: {  	s5 =	sand.u32 $0xFFFFFFFE, s1  }
0xa7: {  	p0 =	sne.s32 s1, s5  }
0xa8: {  	s5 =	sshll.u32 @p0 s5, $0xE  }
0xa9: {  	s5 =	sadd.s32 @p0 $0x11B8D, s5;
	s6 =	sshll.u32 @p0 s4, $0x11  }
0xaa: {  	s5 =	sor.u32 @p0 s6, s5  }
0xab: {  	[sflag:s5] =	ssyncadd.remote.s32 @p0 $0x1;
	_ =	sdelay $0x1  }
0xac: {  	s5 =	simm.s32 @p0 $0x1B8D  }
0xad: {  	_ =	swait.eq @p0 [sflag:s5], $0x1  }
0xae: {  	[sflag:s5] =	ssyncadd.s32 @p0 $0xFFFFFFFF  }
0xaf: {  	s6 =	sshll.u32 @!p0 s1, $0xE  }
0xb0: {  	s6 =	sor.u32 @!p0 $0x4000, s6;
	s5 =	simm.s32 @!p0 $0x1B8D  }
0xb1: {  	s4 =	sshll.u32 @!p0 s4, $0x11;
	s6 =	sadd.s32 @!p0 $0x11B8D, s6;
	_ =	swait.eq @!p0 [sflag:s5], $0x1  }
0xb2: {  	s4 =	sor.u32 @!p0 s4, s6;
	[sflag:s5] =	ssyncadd.s32 @!p0 $0xFFFFFFFF  }
0xb3: {  	s25 =	simm.s32 $0x1B8E;
	s24 =	sld [smem:$0x3FFE];
	[sflag:s4] =	ssyncadd.remote.s32 @!p0 $0x1  }
0xb4: {  	s26 =	simm.s32 $execute0_lowered;
	[smem:$0x3FD2] =	sst s25  }
0xb5: {  	s5 =	sshll.u32 s26, $0x1;
	_ =	strace $0x80000055;
	[dreg:$0x1] =	wrdreg $0xFFFFFFFF  }
0xb6: {  	s28 =	simm.s32 $_size_execute0_lowered;
	s3 =	sadd.s32 s3, s5;
	[dreg:$0x0] =	wrdreg $0x0  }
0xb7: {  	s5 =	sshll.u32 s28, $0x1;
	[dreg:$0x2] =	wrdreg s3  }
0xb8: {  	[dreg:$0x3] =	wrdreg s5  }
0xb9: {  	[dreg:$0x4] =	wrdreg $0xC0  }
0xba: {  	_ =	task [dreg:s22], $0x5FFFF  }
0xbb: {  	[dreg:$0x1] =	wrdreg $0xFFFFFFFF  }
0xbc: {  	[dreg:$0x0] =	wrdreg $0x60  }
0xbd: {  	[dreg:$0x2] =	wrdreg s24  }
0xbe: {  	[dreg:$0x3] =	wrdreg $0xA9000  }
0xbf: {  	[dreg:$0x4] =	wrdreg $0x9  }
0xc0: {  	_ =	task.clear_ibuf [dreg:s22], $0x5FFFF;
	_ =	strace $0x90000055  }
0xc1: {  	s29 =	simm.s32 $0x9;
	_ =	strace $0x80000057  }
0xc2: {  	_ =	swait.ge [sflag:s29], $0x1  }
0xc3: {  	[sflag:s29] =	ssyncadd.s32 $0xFFFFFFFF  }
0xc4: {  	_ =	strace $0x90000057  }
0xc5: {  	_ =	sfence  }
0xc6: {  	s30 =	sld [smem:$0x0];
	_ =	sdelay $0x2  }
0xc7: {  	s31 =	sshll.u32 s1, $0xD;
	s1 =	sshrl.u32 s1, $0x2  }
0xc8: {  	s4 =	sand.u32 $0x4000, s31;
	s1 =	sadd.s32 s1, s30  }
0xc9: {  	s0 =	sor.u32 s4, s0;
	s1 =	sshll.u32 s1, $0x11  }
0xca: {  	s0 =	sor.u32 s1, s0  }
0xcb: {  	s0 =	sadd.s32 $0x8F2B, s0  }
0xcc: {  	[sflag:s0] =	ssyncadd.remote.s32 $0x1  }
0xcd: {  	_ =	sfence.sel $0xFFFF  }
0xce: {  	[dreg:$0x0] =	wrdreg $0xFFFFFFFF;
	(pc) =	sbr.abs _section_cstart, $3  }
0xcf: {  	[dreg:$0x1] =	wrdreg $0xFFFFFFFF  }
0xd0: {  	_ =	task.clear_ibuf [dreg:s22], $0x2FFFF;
	_ =	strace $0x9FFFFFFF  }
0xd1: {  	(tm) =	ssettm $0x7FFFFFFF  }
tec
execute0_lowered:
.L_overlay_start_1:
0x0: {  	(tag) =	ssettag $0x1  }
0x1: {  	s0 =	srdreg.scid  }
0x2: {  	s17 =	stileid.u32;
	s9 =	rddreg [dreg:$0x0]  }
0x3: {  	s2 =	rddreg [dreg:$0x1];
	s4 =	simm.s32 $0x0;
	s19 =	simm.s32 $0x2900  }
0x4: {  	s20 =	simm.s32 $0x2800;
	s21 =	simm.s32 $0x80;
	s22 =	simm.s32 $0x6900  }
0x5: {  	s23 =	simm.s32 $0x2880;
	s24 =	simm.s32 $0x1;
	s25 =	simm.s32 $0x2  }
0x6: {  	s28 =	simm.s32 $0x0;
	s0 =	sand.u32 $0x1, s0;
	s7 =	smul.u32 $0x2780, s17  }
0x7: {  	[smem:$0x7FF] =	sst s4;
	s5 =	sadd.s32 $0x70A00, s9;
	s26 =	smul.u32 $0x4F000, s17  }
0x8: {  	s6 =	sadd.s32 $0xE6800, s9;
	s12 =	sadd.s32 $0xF0800, s9;
	s15 =	smul.u32 $0x13C00, s17  }
0x9: {  	s16 =	sadd.s32 $0x128400, s2;
	p0 =	seq.s32 s17, $0xF;
	s1 =	sshll.u32 s0, $0x4  }
0xa: {  	_ =	strace $0x80000056;
	s11 =	ssub.s32 $0x2, s0;
	s0 =	smul.u32 $0x13A000, s0  }
0xb: {  	s16 =	sshrl.u32 @p0 s16, $0x3;
	s1 =	sor.u32 s17, s1;
	s10 =	sadd.s32 s7, s9  }
0xc: {  	s13 =	sshrl.u32 s11, $0x1;
	s14 =	sshrl.u32 s26, $0x2;
	s3 =	smul.u32 $0x2800, s1  }
0xd: {  	s13 =	ssub.s32 s11, s13;
	s18 =	sadd.s32 s14, s2;
	s30 =	sadd.s32 s15, s0  }
0xe: {  	s0 =	sshrl.u32 s0, $0x3;
	s15 =	simm.s32 $0x3;
	s31 =	sshrl.u32 s30, $0x3  }
0xf: {  	s0 =	sadd.s32 s12, s0;
	s13 =	smax.u32 s13, $0x1;
	s18 =	sshrl.u32 @!p0 s18, $0x3  }
0x10: {  	s1 =	sshrl.u32 s3, $0x3;
	s11 =	sadd.s32 s12, s31;
	s12 =	sadd.s32 $0x25080, s0  }
0x11: {  	s0 =	sshll.u32 @!p0 s17, $0x6;
	s8 =	sadd.s32 s1, s9;
	s9 =	sadd.s32 $0x47480, s9  }
0x12: {  	s29 =	sadd.s32 $0x18400, s8;
	s8 =	sadd.s32 $0x22400, s10;
	s10 =	sadd.s32 s6, s1  }
0x13: {  	s17 =	sor.u32 @!p0 $0x1C03, s0;
	[dreg:$0x3] =	wrdreg s29;
	s14 =	sadd.s32 $0x4F0, s10  }
.LBB2_1:
0x14: {  	s0 =	rddreg [dreg:$0x3]  }
0x15: {  	[tilespmem:s4], [sflag:$0x3] =	stream.linear.gather [hbm4b:s0+s4], $0x2800, $0x38;
	[tilespmem:$0x1E300] =	vst v63  }
0x16: {  	_ =	swait.ge [sflag:s15], $0x2800  }
0x17: {  	[sflag:s15] =	ssyncset.done $0x0  }
0x18: {  	s0 =	simm.s32 @p0 $0x1FC3;
	[sflag:s15] =	ssyncadd.s32 $0xFFFFD800  }
0x19: {  	[spmem:s16], [sflag:s0] =	dma.local @p0 [hbm:s9], $0x2380  }
0x1a: {  	s0 =	simm.s32 @p0 $0x3  }
0x1b: {  	_ =	swait.ge @p0 [sflag:s0], $0x2380  }
0x1c: {  	[sflag:s0] =	ssyncset.done @p0 $0x0  }
0x1d: {  	[sflag:s0] =	ssyncadd.s32 @p0 $0xFFFFDC80;
	s0 =	simm.s32 @!p0 $0x3  }
0x1e: {  	[spmem:s18], [sflag:s17] =	dma.local @!p0 [hbm:s8], $0x2780  }
0x1f: {  	_ =	swait.ge @!p0 [sflag:s0], $0x2780  }
0x20: {  	s7 =	simm.s32 $0x0;
	[sflag:s0] =	ssyncset.done @!p0 $0x0  }
0x21: {  	s1 =	simm.s32 $0x80;
	[sflag:s0] =	ssyncadd.s32 @!p0 $0xFFFFD880;
	s0 =	sand.u32 $0x3C00, s7  }
0x22: {  	s1 =	sand.u32 $0x380, s1;
	[bflag:$0x0] =	sbarrier.arrive $0xFFFF;
	s0 =	sadd.s32 s3, s0  }
0x23: {  	[tilespmem:s19], [sflag:$0x1] =	stream.indirect.gather [hbm4b:s5+s21], $0x80, s4, s21, $0xb8;
	[tilespmem:$0x1E300] =	vst v63  }
0x24: {  	s0 =	sor.u32 s0, s1  }
0x25: {  	[tilespmem:s20], [sflag:$0x1] =	stream.linear.gather [hbm4b:s10+s4], $0x80, $0x38;
	[tilespmem:$0x1E300] =	vst v63  }
0x26: {  	s0 =	sshrl.u32 s0, $0x3  }
0x27: {  	[tilespmem:s22], [sflag:$0x2] =	stream.indirect.gather [hbm4b:s5+s21], $0x80, s21, s21, $0xb8;
	[tilespmem:$0x1E300] =	vst v63  }
0x28: {  	s0 =	sadd.s32 s6, s0  }
0x29: {  	[tilespmem:s23], [sflag:$0x2] =	stream.linear.gather [hbm4b:s0+s4], $0x80, $0x38;
	[tilespmem:$0x1E300] =	vst v63  }
0x2a: {  	_ =	swait.ge [sflag:s24], $0x4000  }
0x2b: {  	[sflag:s24] =	ssyncset.done $0x0  }
0x2c: {  	[sflag:s24] =	ssyncadd.s32 $0xFFFFC000  }
0x2d: {  	_ =	swait.ge [sflag:s24], $0x80  }
0x2e: {  	s26 =	simm.s32 $0x100;
	[sflag:s24] =	ssyncset.done $0x0  }
0x2f: {  	s7 =	sand.u32 $0x7C00, s26;
	[sflag:s24] =	ssyncadd.s32 $0xFFFFFF80  }
0x30: {  	[spmem:s2] =	stream.indirect.scatter.add.f32 [tilespmem:s19], [sflag:$0x3], $0x80, s20, s21, $0xb8;
	[tilespmem:$0x1E300] =	vst v63  }
0x31: {  	s1 =	sadd.s32 s3, s7;
	s0 =	sand.u32 $0x300, s26;
	_ =	swait.ge [sflag:s15], $0x4000  }
0x32: {  	s0 =	sor.u32 s0, s1;
	[sflag:s15] =	ssyncset.done $0x0  }
0x33: {  	s26 =	simm.s32 $0x100;
	s0 =	sshrl.u32 s0, $0x3;
	[sflag:s15] =	ssyncadd.s32 $0xFFFFC000  }
0x34: {  	[tilespmem:s19], [sflag:$0x1] =	stream.indirect.gather [hbm4b:s5+s21], $0x80, s26, s21, $0xb8;
	[tilespmem:$0x1E300] =	vst v63  }
0x35: {  	s0 =	sadd.s32 s6, s0  }
0x36: {  	[tilespmem:s20], [sflag:$0x1] =	stream.linear.gather [hbm4b:s0+s4], $0x80, $0x38;
	[tilespmem:$0x1E300] =	vst v63  }
0x37: {  	_ =	swait.ge [sflag:s25], $0x4000  }
0x38: {  	s30 =	simm.s32 $0x200;
	s31 =	simm.s32 $0x300;
	[sflag:s25] =	ssyncset.done $0x0  }
0x39: {  	s29 =	simm.s32 $0x180;
	s26 =	simm.s32 $0x100;
	[sflag:s25] =	ssyncadd.s32 $0xFFFFC000  }
0x3a: {  	s0 =	sand.u32 $0x3C00, s26;
	s26 =	simm.s32 $0x180;
	_ =	swait.ge [sflag:s25], $0x80  }
.LBB2_2:
0x3b: {  	s0 =	sadd.s32 s3, s0  }
0x3c: {  	s26 =	sand.u32 $0x380, s26;
	[sflag:s25] =	ssyncset.done $0x0;
	s7 =	smov.u32 s31  }
0x3d: {  	s1 =	sadd.s32 $0x100, s31;
	s0 =	sor.u32 s0, s26;
	[sflag:s25] =	ssyncadd.s32 $0xFFFFFF80  }
0x3e: {  	[spmem:s2] =	stream.indirect.scatter.add.f32 [tilespmem:s22], [sflag:$0x3], $0x80, s23, s21, $0xb8;
	[tilespmem:$0x1E300] =	vst v63  }
0x3f: {  	p1 =	sne.s32 s31, $0x2700;
	s0 =	sshrl.u32 s0, $0x3;
	_ =	swait.ge [sflag:s15], $0x4000  }
0x40: {  	[sflag:s15] =	ssyncset.done $0x0  }
0x41: {  	[sflag:s15] =	ssyncadd.s32 $0xFFFFC000  }
0x42: {  	[tilespmem:s22], [sflag:$0x2] =	stream.indirect.gather [hbm4b:s5+s21], $0x80, s29, s21, $0xb8;
	[tilespmem:$0x1E300] =	vst v63  }
0x43: {  	s0 =	sadd.s32 s6, s0  }
0x44: {  	[tilespmem:s23], [sflag:$0x2] =	stream.linear.gather [hbm4b:s0+s4], $0x80, $0x38;
	[tilespmem:$0x1E300] =	vst v63  }
0x45: {  	_ =	swait.ge [sflag:s24], $0x4000  }
0x46: {  	[sflag:s24] =	ssyncset.done $0x0  }
0x47: {  	[sflag:s24] =	ssyncadd.s32 $0xFFFFC000  }
0x48: {  	_ =	swait.ge [sflag:s24], $0x80  }
0x49: {  	[sflag:s24] =	ssyncset.done $0x0  }
0x4a: {  	[sflag:s24] =	ssyncadd.s32 $0xFFFFFF80  }
0x4b: {  	[spmem:s2] =	stream.indirect.scatter.add.f32 [tilespmem:s19], [sflag:$0x3], $0x80, s20, s21, $0xb8;
	[tilespmem:$0x1E300] =	vst v63  }
0x4c: {  	s0 =	sand.u32 $0x7C00, s30;
	_ =	swait.ge [sflag:s15], $0x4000  }
0x4d: {  	s26 =	sand.u32 $0x300, s30;
	s0 =	sadd.s32 s3, s0;
	[sflag:s15] =	ssyncset.done $0x0  }
0x4e: {  	s30 =	sadd.s32 $0x80, s29;
	s0 =	sor.u32 s26, s0;
	[sflag:s15] =	ssyncadd.s32 $0xFFFFC000  }
0x4f: {  	[tilespmem:s19], [sflag:$0x1] =	stream.indirect.gather [hbm4b:s5+s21], $0x80, s30, s21, $0xb8;
	[tilespmem:$0x1E300] =	vst v63  }
0x50: {  	s0 =	sshrl.u32 s0, $0x3;
	s30 =	smov.u32 s7  }
0x51: {  	s0 =	sadd.s32 s6, s0  }
0x52: {  	[tilespmem:s20], [sflag:$0x1] =	stream.linear.gather [hbm4b:s0+s4], $0x80, $0x38;
	[tilespmem:$0x1E300] =	vst v63  }
.Ltmp0:
0x53: {  	_ = 	snop;
	(pc) =	sbr.rel @p1 .LBB2_2-.Ltmp0, $4  }
0x54: {  	_ =	swait.ge [sflag:s25], $0x4000  }
0x55: {  	s31 =	smov.u32 s1;
	[sflag:s25] =	ssyncset.done $0x0  }
0x56: {  	s29 =	sadd.s32 $0x100, s29;
	s0 =	sadd.s32 $0xFFFFFF00, s30;
	[sflag:s25] =	ssyncadd.s32 $0xFFFFC000  }
0x57: {  	s26 =	sadd.s32 $0xFFFFFF80, s30;
	s0 =	sand.u32 $0x3C00, s0;
	_ =	swait.ge [sflag:s25], $0x80  }
0x58: {  	[sflag:s25] =	ssyncset.done $0x0  }
0x59: {  	[sflag:s25] =	ssyncadd.s32 $0xFFFFFF80  }
0x5a: {  	[spmem:s2] =	stream.indirect.scatter.add.f32 [tilespmem:s22], [sflag:$0x3], $0x80, s23, s21, $0xb8;
	[tilespmem:$0x1E300] =	vst v63  }
0x5b: {  	s0 =	sadd.s32 s3, s0;
	s1 =	sand.u32 $0x380, s26;
	_ =	swait.ge [sflag:s15], $0x4000  }
0x5c: {  	s0 =	sor.u32 s0, s1;
	[sflag:s15] =	ssyncset.done $0x0  }
0x5d: {  	s0 =	sshrl.u32 s0, $0x3;
	[sflag:s15] =	ssyncadd.s32 $0xFFFFC000  }
0x5e: {  	[tilespmem:s22], [sflag:$0x2] =	stream.indirect.gather [hbm4b:s5+s21], $0x80, s29, s21, $0xb8;
	[tilespmem:$0x1E300] =	vst v63  }
0x5f: {  	s0 =	sadd.s32 s6, s0  }
0x60: {  	[tilespmem:s23], [sflag:$0x2] =	stream.linear.gather [hbm4b:s0+s4], $0x80, $0x38;
	[tilespmem:$0x1E300] =	vst v63  }
0x61: {  	_ =	swait.ge [sflag:s24], $0x4000  }
0x62: {  	[sflag:s24] =	ssyncset.done $0x0  }
0x63: {  	[sflag:s24] =	ssyncadd.s32 $0xFFFFC000  }
0x64: {  	_ =	swait.ge [sflag:s24], $0x80  }
0x65: {  	[sflag:s24] =	ssyncset.done $0x0  }
0x66: {  	s26 =	sand.u32 $0x7C00, s30;
	[sflag:s24] =	ssyncadd.s32 $0xFFFFFF80  }
0x67: {  	[spmem:s2] =	stream.indirect.scatter.add.f32 [tilespmem:s19], [sflag:$0x3], $0x80, s20, s21, $0xb8;
	[tilespmem:$0x1E300] =	vst v63  }
0x68: {  	s30 =	sand.u32 $0x300, s30;
	s0 =	sadd.s32 s3, s26;
	_ =	swait.ge [sflag:s15], $0x4000  }
0x69: {  	s0 =	sor.u32 s30, s0;
	[sflag:s15] =	ssyncset.done $0x0  }
0x6a: {  	s7 =	sadd.s32 $0x80, s29;
	s0 =	sshrl.u32 s0, $0x3;
	[sflag:s15] =	ssyncadd.s32 $0xFFFFC000  }
0x6b: {  	[tilespmem:s19], [sflag:$0x1] =	stream.indirect.gather [hbm4b:s5+s21], $0x80, s7, s21, $0xb8;
	[tilespmem:$0x1E300] =	vst v63  }
0x6c: {  	s0 =	sadd.s32 s6, s0  }
0x6d: {  	[tilespmem:s20], [sflag:$0x1] =	stream.linear.gather [hbm4b:s0+s4], $0x80, $0x38;
	[tilespmem:$0x1E300] =	vst v63  }
0x6e: {  	_ =	swait.ge [sflag:s25], $0x4000  }
0x6f: {  	[sflag:s25] =	ssyncset.done $0x0  }
0x70: {  	[sflag:s25] =	ssyncadd.s32 $0xFFFFC000  }
0x71: {  	_ =	swait.ge [sflag:s25], $0x80  }
0x72: {  	[sflag:s25] =	ssyncset.done $0x0  }
0x73: {  	[sflag:s25] =	ssyncadd.s32 $0xFFFFFF80  }
0x74: {  	[spmem:s2] =	stream.indirect.scatter.add.f32 [tilespmem:s22], [sflag:$0x3], $0x80, s23, s21, $0xb8;
	[tilespmem:$0x1E300] =	vst v63  }
0x75: {  	_ =	swait.ge [sflag:s15], $0x4000  }
0x76: {  	[sflag:s15] =	ssyncset.done $0x0  }
0x77: {  	s31 =	simm.s32 $0x2780;
	[sflag:s15] =	ssyncadd.s32 $0xFFFFC000  }
0x78: {  	[tilespmem:s22], [sflag:$0x2] =	stream.indirect.gather [hbm4b:s5+s21], $0x80, s31, s21, $0xb8;
	[tilespmem:$0x1E300] =	vst v63  }
0x79: {  	_ = 	snop  }
0x7a: {  	[tilespmem:s23], [sflag:$0x2] =	stream.linear.gather [hbm4b:s14+s4], $0x80, $0x38;
	[tilespmem:$0x1E300] =	vst v63  }
0x7b: {  	_ =	swait.ge [sflag:s24], $0x4000  }
0x7c: {  	[sflag:s24] =	ssyncset.done $0x0  }
0x7d: {  	[sflag:s24] =	ssyncadd.s32 $0xFFFFC000  }
0x7e: {  	_ =	swait.ge [sflag:s24], $0x80  }
0x7f: {  	[sflag:s24] =	ssyncset.done $0x0  }
0x80: {  	[sflag:s24] =	ssyncadd.s32 $0xFFFFFF80  }
0x81: {  	[spmem:s2] =	stream.indirect.scatter.add.f32 [tilespmem:s19], [sflag:$0x3], $0x80, s20, s21, $0xb8;
	[tilespmem:$0x1E300] =	vst v63  }
0x82: {  	_ =	swait.ge [sflag:s15], $0x4000  }
0x83: {  	[sflag:s15] =	ssyncset.done $0x0  }
0x84: {  	[sflag:s15] =	ssyncadd.s32 $0xFFFFC000  }
0x85: {  	_ =	swait.ge [sflag:s25], $0x4000  }
0x86: {  	[sflag:s25] =	ssyncset.done $0x0  }
0x87: {  	[sflag:s25] =	ssyncadd.s32 $0xFFFFC000  }
0x88: {  	_ =	swait.ge [sflag:s25], $0x80  }
0x89: {  	[sflag:s25] =	ssyncset.done $0x0  }
0x8a: {  	[sflag:s25] =	ssyncadd.s32 $0xFFFFFF80  }
0x8b: {  	[spmem:s2] =	stream.indirect.scatter.add.f32 [tilespmem:s22], [sflag:$0x3], $0x80, s23, s21, $0xb8;
	[tilespmem:$0x1E300] =	vst v63  }
0x8c: {  	_ =	swait.ge [sflag:s15], $0x4000  }
0x8d: {  	[sflag:s15] =	ssyncset.done $0x0  }
0x8e: {  	[sflag:s15] =	ssyncadd.s32 $0xFFFFC000  }
0x8f: {  	s0 =	simm.s32 @p0 $0x1FC3;
	[bflag:$0x0] =	sbarrier.arrive $0xFFFF  }
0x90: {  	[hbm:s12], [sflag:s0] =	dma.local @p0 [spmem:s16], $0x2380  }
0x91: {  	s0 =	simm.s32 @p0 $0x3  }
0x92: {  	s28 =	sadd.s32 $0x1, s28;
	_ =	swait.ge @p0 [sflag:s0], $0x2380  }
0x93: {  	p1 =	sne.s32 s28, s13;
	[sflag:s0] =	ssyncset.done @p0 $0x0  }
.Ltmp1:
0x94: {  	[sflag:s0] =	ssyncadd.s32 @p0 $0xFFFFDC80;
	s0 =	simm.s32 @!p0 $0x3;
	(pc) =	sbr.rel @p1 .LBB2_1-.Ltmp1, $4  }
0x95: {  	[hbm:s11], [sflag:s17] =	dma.local @!p0 [spmem:s18], $0x2780  }
0x96: {  	_ =	swait.ge @!p0 [sflag:s0], $0x2780  }
0x97: {  	[sflag:s0] =	ssyncset.done @!p0 $0x0  }
0x98: {  	[sflag:s0] =	ssyncadd.s32 @!p0 $0xFFFFD880  }
0x99: {  	_ =	sfence.sel $0x180000  }
0x9a: {  	[bflag:$0x0] =	sbarrier.arrive $0xFFFF  }
0x9b: {  	_ =	strace $0x90000056  }
0x9c: {  	s0 =	stileid.u32;
	[bflag:$0x2] =	sbarrier.arrive $0xFFFF  }
0x9d: {  	p0 =	sne.s32 s0, $0x0;
	s0 =	rddreg [dreg:$0x2]  }
0x9e: {  	s0 =	sadd.s32 @!p0 $0x100000, s0  }
0x9f: {  	[sflag:s0] =	ssyncadd.tile.s32 @!p0 $0x1;
	_ =	shalt  }
.Lfunc_end2:
_tile_overlayer_lowered:
.L_overlay_start_2:
0xa0: {  	(tag) =	ssettag $0x2  }
0xa1: {  	s0 =	rddreg [dreg:$0x0];
	s2 =	stileid.u32  }
0xa2: {  	s1 =	rddreg [dreg:$0x1];
	p0 =	sne.s32 s2, $0x0  }
0xa3: {  	s3 =	rddreg [dreg:$0x2];
	[bflag:$0x3] =	sbarrier.arrive $0xFFFF;
	s2 =	simm.s32 @!p0 $0x1C03  }
0xa4: {  	[timem:s3], [sflag:s2] =	dma.local @!p0 [hbm:s0], s1  }
0xa5: {  	s0 =	simm.s32 @!p0 $0x3  }
0xa6: {  	_ =	swait.ge @!p0 [sflag:s0], s1  }
0xa7: {  	s1 =	ssub.s32 @!p0 $0x0, s1;
	[sflag:s0] =	ssyncset.done @!p0 $0x0  }
0xa8: {  	[sflag:s0] =	ssyncadd.s32 @!p0 s1  }
0xa9: {  	[bflag:$0x3] =	sbarrier.arrive $0xFFFF  }
0xaa: {  	_ =	shalt  }

// kernel: kernel.27.cloned.1.call-start
scs
__scs_entry_jumppad:
0x0: {  	(pc) =	sbr.rel $0x88, $3  }
0x1: {  	(tag) =	ssettag $0x0;
	lr =	simm.s32 $0x1  }
0x2: {  	[smem:$0x3F91] =	sst lr;
	_ =	strace $0xD0000000  }
0x3: {  	_ = 	snop  }
0x4: {  	_ = 	snop  }
0x5: {  	_ = 	snop  }
0x6: {  	_ = 	snop  }
0x7: {  	_ = 	snop  }
__scs_overlays_trampoline_lowered:
0x8: {  	[smem:$0x3FA0] =	sst s0  }
0x9: {  	[smem:$0x3FA1] =	sst s1  }
0xa: {  	[smem:$0x3FA2] =	sst s2  }
0xb: {  	[smem:$0x3FA3] =	sst s3  }
0xc: {  	[smem:$0x3FA4] =	sst s4  }
0xd: {  	[smem:$0x3FA5] =	sst s5  }
0xe: {  	[smem:$0x3FA6] =	sst s6  }
0xf: {  	[smem:$0x3FA7] =	sst s7  }
0x10: {  	[smem:$0x3FA8] =	sst s8  }
0x11: {  	[smem:$0x3FA9] =	sst s9;
	s0 =	simm.s32 @!p0 $0x0  }
0x12: {  	s1 =	sld [smem:$0x3F8F];
	s0 =	simm.s32 @p0 $0x1  }
0x13: {  	[smem:$0x3FAA] =	sst s0;
	s0 =	simm.s32 @!p1 $0x0  }
0x14: {  	s2 =	sld [smem:$0x3F8E];
	s0 =	simm.s32 @p1 $0x1  }
0x15: {  	[smem:$0x3FAB] =	sst s0;
	s0 =	simm.s32 @!p2 $0x0  }
0x16: {  	s3 =	sld [smem:$0x3FDB];
	s0 =	simm.s32 @p2 $0x1  }
0x17: {  	s4 =	simm.s32 $0x1BF5;
	[smem:$0x3FAD] =	sst s0  }
0x18: {  	s0 =	sld [smem:$0x3F90];
	_ =	swait.ge [sflag:s4], $0x0  }
0x19: {  	s7 =	sld [smem:$0x3F91]  }
0x1a: {  	s8 =	sadd.s32 $0xFFFFE003, lr  }
0x1b: {  	s9 =	sadd.s32 $0xFFFFFEF7, lr;
	s5 =	simm.s32 $0xFFFFFFFF;
	p2 =	slt.u32 s8, $0xFFFFF086  }
0x1c: {  	p1 =	slt.u32 s9, $0xF7A;
	s5 =	simm.s32 @!p2 $0x0  }
0x1d: {  	s5 =	simm.s32 @p1 $0x1;
	p0 =	seq.s32 s7, s2  }
0x1e: {  	s7 =	smul.u32 @!p0 $0xF7A, s2;
	p2 =	seq.s32 @!p0 s5, $0x0  }
0x1f: {  	s9 =	smul.u32 $0xF7A, s1;
	s8 =	simm.s32 @!p0 $0x1BF5;
	p2 =	por !p2, p0  }
0x20: {  	[sflag:s8] =	ssyncset.s32 @!p0 $0xFFFFF086;
	s6 =	sadd.s32 @!p0 s3, s7;
	s7 =	simm.s32 @!p0 $0x108  }
0x21: {  	s3 =	sadd.s32 s3, s9;
	s6 =	sadd.s32 @!p0 $0x88, s6;
	s7 =	simm.s32 @p2 $0x1082  }
0x22: {  	[simem:s7], [sflag:s8] =	dma.local @!p0 [hbm:s6], $0xF7A  }
0x23: {  	s9 =	sor.u32 $0xD0000000, s2;
	s6 =	simm.s32 $0x108;
	_ =	swait.ge @!p0 [sflag:s8], $0x0  }
0x24: {  	s3 =	sadd.s32 $0x88, s3;
	s6 =	simm.s32 @!p1 $0x1082;
	[sflag:s4] =	ssyncset.s32 $0xFFFFF086  }
0x25: {  	[simem:s6], [sflag:s4] =	dma.local [hbm:s3], $0xF7A  }
0x26: {  	[smem:$0x3F91] =	sst s1;
	(tag) =	ssettag s2;
	_ =	strace s9  }
0x27: {  	s1 =	sld [smem:$0x3FA1]  }
0x28: {  	s2 =	sld [smem:$0x3FA2]  }
0x29: {  	s4 =	sld [smem:$0x3FA4]  }
0x2a: {  	p0 =	seq.s32 s5, $0x0;
	s5 =	sld [smem:$0x3FA5]  }
0x2b: {  	s6 =	sld [smem:$0x3FA6]  }
0x2c: {  	s7 =	sld [smem:$0x3FA7]  }
0x2d: {  	s3 =	simm.s32 $0x108;
	s8 =	sld [smem:$0x3FA8]  }
0x2e: {  	s3 =	simm.s32 @!p0 $0x1082;
	s9 =	sld [smem:$0x3FA9]  }
0x2f: {  	lr =	sadd.s32 s0, s3;
	s0 =	sld [smem:$0x3FA0]  }
0x30: {  	s3 =	sld [smem:$0x3FA3]  }
0x31: {  	[smem:$0x3FAC] =	sst s10  }
0x32: {  	s10 =	sld [smem:$0x3FAA];
	_ =	sdelay $0x3  }
0x33: {  	p0 =	seq.s32 s10, $0x1;
	s10 =	sld [smem:$0x3FAC];
	_ =	sdelay $0x3  }
0x34: {  	[smem:$0x3FAC] =	sst s10  }
0x35: {  	s10 =	sld [smem:$0x3FAB];
	_ =	sdelay $0x3  }
0x36: {  	p1 =	seq.s32 s10, $0x1;
	s10 =	sld [smem:$0x3FAC];
	_ =	sdelay $0x3  }
0x37: {  	[smem:$0x3FAC] =	sst s10  }
0x38: {  	s10 =	sld [smem:$0x3FAD]  }
0x39: {  	_ = 	snop;
	(pc) =	sbr.ind lr, $3  }
0x3a: {  	_ = 	snop  }
0x3b: {  	_ = 	snop  }
0x3c: {  	p2 =	seq.s32 s10, $0x1;
	s10 =	sld [smem:$0x3FAC]  }
0x3d: {  	_ =	shalt  }
0x3e: {  	_ =	shalt  }
0x3f: {  	_ =	shalt  }
0x40: {  	_ =	shalt  }
0x41: {  	_ =	shalt  }
0x42: {  	_ =	shalt  }
0x43: {  	_ =	shalt  }
0x44: {  	_ =	shalt  }
0x45: {  	_ =	shalt  }
0x46: {  	_ =	shalt  }
0x47: {  	_ =	shalt  }
0x48: {  	_ =	shalt  }
0x49: {  	_ =	shalt  }
0x4a: {  	_ =	shalt  }
0x4b: {  	_ =	shalt  }
0x4c: {  	_ =	shalt  }
0x4d: {  	_ =	shalt  }
0x4e: {  	_ =	shalt  }
0x4f: {  	_ =	shalt  }
0x50: {  	_ =	shalt  }
0x51: {  	_ =	shalt  }
0x52: {  	_ =	shalt  }
0x53: {  	_ =	shalt  }
0x54: {  	_ =	shalt  }
0x55: {  	_ =	shalt  }
0x56: {  	_ =	shalt  }
0x57: {  	_ =	shalt  }
0x58: {  	_ =	shalt  }
0x59: {  	_ =	shalt  }
0x5a: {  	_ =	shalt  }
0x5b: {  	_ =	shalt  }
0x5c: {  	_ =	shalt  }
0x5d: {  	_ =	shalt  }
0x5e: {  	_ =	shalt  }
0x5f: {  	_ =	shalt  }
0x60: {  	_ =	shalt  }
0x61: {  	_ =	shalt  }
0x62: {  	_ =	shalt  }
0x63: {  	_ =	shalt  }
0x64: {  	_ =	shalt  }
0x65: {  	_ =	shalt  }
0x66: {  	_ =	shalt  }
0x67: {  	_ =	shalt  }
0x68: {  	_ =	shalt  }
0x69: {  	_ =	shalt  }
0x6a: {  	_ =	shalt  }
0x6b: {  	_ =	shalt  }
0x6c: {  	_ =	shalt  }
0x6d: {  	_ =	shalt  }
0x6e: {  	_ =	shalt  }
0x6f: {  	_ =	shalt  }
0x70: {  	_ =	shalt  }
0x71: {  	_ =	shalt  }
0x72: {  	_ =	shalt  }
0x73: {  	_ =	shalt  }
0x74: {  	_ =	shalt  }
0x75: {  	_ =	shalt  }
0x76: {  	_ =	shalt  }
0x77: {  	_ =	shalt  }
0x78: {  	_ =	shalt  }
0x79: {  	_ =	shalt  }
0x7a: {  	_ =	shalt  }
0x7b: {  	_ =	shalt  }
0x7c: {  	_ =	shalt  }
0x7d: {  	_ =	shalt  }
0x7e: {  	_ =	shalt  }
0x7f: {  	_ =	shalt  }
0x80: {  	_ =	shalt  }
0x81: {  	_ =	shalt  }
0x82: {  	_ =	shalt  }
0x83: {  	_ =	shalt  }
0x84: {  	_ =	shalt  }
0x85: {  	_ =	shalt  }
0x86: {  	_ =	shalt  }
0x87: {  	_ =	shalt  }
.Lfunc_end0:
.L_simem_size_0:
called_computation.5_lowered:
.L_overlay_start_0:
0x88: {  	s2 =	sld [smem:$0x3FD9]  }
0x89: {  	s3 =	sld [smem:$0x3FFE];
	_ =	sdelay $0x1  }
0x8a: {  	s1 =	srdreg.scid  }
0x8b: {  	s0 =	sand.u32 $0x1, s1  }
0x8c: {  	s17 =	sshll.u32 s0, $0xA;
	s2 =	sadd.s32 s3, s2  }
0x8d: {  	s2 =	sadd.s32 s2, s17  }
0x8e: {  	[smem:$0x3FB8] =	sst s2  }
0x8f: {  	_ = 	snop  }
0x90: {  	(tm) =	ssettm $0x1  }
0x91: {  	s18 =	sld [smem:$0x3FFB];
	_ =	sdelay $0x3  }
0x92: {  	_ =	strace s18  }
0x93: {  	s2 =	sld [smem:$0x3FFC];
	_ =	sdelay $0x3  }
0x94: {  	_ =	strace s2  }
0x95: {  	s2 =	sld [smem:$0x3FFD];
	_ =	sdelay $0x3  }
0x96: {  	_ =	strace s2  }
0x97: {  	_ =	strace $0x8FFFFFFF  }
0x98: {  	s19 =	sld [smem:$0x3FDB];
	_ =	sdelay $0x1  }
0x99: {  	s20 =	simm.s32 $_scs_section_size  }
0x9a: {  	s4 =	simm.s32 $_size__tile_overlayer_lowered;
	s5 =	simm.s32 $_tile_overlayer_lowered  }
0x9b: {  	s6 =	simm.s32 $0x1BFF;
	s21 =	sshll.u32 s5, $0x1;
	s3 =	sadd.s32 s20, s19  }
0x9c: {  	s22 =	simm.s32 $0x0;
	s4 =	sshll.u32 s4, $0x1;
	s5 =	sadd.s32 s21, s3  }
0x9d: {  	[timem:s22], [sflag:s6] =	dma.local [hbm:s5], s4  }
0x9e: {  	_ =	swait.ge [sflag:s6], s4  }
0x9f: {  	s4 =	ssub.s32 $0x0, s4;
	[sflag:s6] =	ssyncset.done $0x0  }
0xa0: {  	[sflag:s6] =	ssyncadd.s32 s4;
	_ =	sdelay $0x1  }
0xa1: {  	s23 =	simm.s32 $0x1B8B  }
0xa2: {  	_ =	swait.ge [sflag:s23], $0x1  }
0xa3: {  	[sflag:s23] =	ssyncset.done $0x0  }
0xa4: {  	[sflag:s23] =	ssyncadd.s32 $0xFFFFFFFF  }
0xa5: {  	s4 =	sld [smem:$0x0]  }
0xa6: {  	s5 =	sand.u32 $0xFFFFFFFE, s1  }
0xa7: {  	p0 =	sne.s32 s1, s5  }
0xa8: {  	s5 =	sshll.u32 @p0 s5, $0xE  }
0xa9: {  	s5 =	sadd.s32 @p0 $0x11B8D, s5;
	s6 =	sshll.u32 @p0 s4, $0x11  }
0xaa: {  	s5 =	sor.u32 @p0 s6, s5  }
0xab: {  	[sflag:s5] =	ssyncadd.remote.s32 @p0 $0x1;
	_ =	sdelay $0x1  }
0xac: {  	s5 =	simm.s32 @p0 $0x1B8D  }
0xad: {  	_ =	swait.eq @p0 [sflag:s5], $0x1  }
0xae: {  	[sflag:s5] =	ssyncadd.s32 @p0 $0xFFFFFFFF  }
0xaf: {  	s6 =	sshll.u32 @!p0 s1, $0xE  }
0xb0: {  	s6 =	sor.u32 @!p0 $0x4000, s6;
	s5 =	simm.s32 @!p0 $0x1B8D  }
0xb1: {  	s4 =	sshll.u32 @!p0 s4, $0x11;
	s6 =	sadd.s32 @!p0 $0x11B8D, s6;
	_ =	swait.eq @!p0 [sflag:s5], $0x1  }
0xb2: {  	s4 =	sor.u32 @!p0 s4, s6;
	[sflag:s5] =	ssyncadd.s32 @!p0 $0xFFFFFFFF  }
0xb3: {  	s25 =	simm.s32 $0x1B8E;
	s24 =	sld [smem:$0x3FFE];
	[sflag:s4] =	ssyncadd.remote.s32 @!p0 $0x1  }
0xb4: {  	s26 =	simm.s32 $execute0_lowered;
	[smem:$0x3FD2] =	sst s25  }
0xb5: {  	s5 =	sshll.u32 s26, $0x1;
	_ =	strace $0x80000052;
	[dreg:$0x1] =	wrdreg $0xFFFFFFFF  }
0xb6: {  	s28 =	simm.s32 $_size_execute0_lowered;
	s3 =	sadd.s32 s3, s5;
	[dreg:$0x0] =	wrdreg $0x0  }
0xb7: {  	s5 =	sshll.u32 s28, $0x1;
	[dreg:$0x2] =	wrdreg s3  }
0xb8: {  	[dreg:$0x3] =	wrdreg s5  }
0xb9: {  	[dreg:$0x4] =	wrdreg $0xC0  }
0xba: {  	_ =	task [dreg:s22], $0x5FFFF  }
0xbb: {  	[dreg:$0x1] =	wrdreg $0xFFFFFFFF  }
0xbc: {  	[dreg:$0x0] =	wrdreg $0x60  }
0xbd: {  	[dreg:$0x2] =	wrdreg s24  }
0xbe: {  	[dreg:$0x3] =	wrdreg $0xA9000  }
0xbf: {  	[dreg:$0x4] =	wrdreg $0xB  }
0xc0: {  	_ =	task.clear_ibuf [dreg:s22], $0x5FFFF;
	_ =	strace $0x90000052  }
0xc1: {  	s29 =	simm.s32 $0xB;
	_ =	strace $0x80000054  }
0xc2: {  	_ =	swait.ge [sflag:s29], $0x1  }
0xc3: {  	[sflag:s29] =	ssyncadd.s32 $0xFFFFFFFF  }
0xc4: {  	_ =	strace $0x90000054  }
0xc5: {  	_ =	sfence  }
0xc6: {  	s30 =	sld [smem:$0x0];
	_ =	sdelay $0x2  }
0xc7: {  	s31 =	sshll.u32 s1, $0xD;
	s1 =	sshrl.u32 s1, $0x2  }
0xc8: {  	s4 =	sand.u32 $0x4000, s31;
	s1 =	sadd.s32 s1, s30  }
0xc9: {  	s0 =	sor.u32 s4, s0;
	s1 =	sshll.u32 s1, $0x11  }
0xca: {  	s0 =	sor.u32 s1, s0  }
0xcb: {  	s0 =	sadd.s32 $0x8F2B, s0  }
0xcc: {  	[sflag:s0] =	ssyncadd.remote.s32 $0x1  }
0xcd: {  	_ =	sfence.sel $0xFFFF  }
0xce: {  	[dreg:$0x0] =	wrdreg $0xFFFFFFFF;
	(pc) =	sbr.abs _section_cstart, $3  }
0xcf: {  	[dreg:$0x1] =	wrdreg $0xFFFFFFFF  }
0xd0: {  	_ =	task.clear_ibuf [dreg:s22], $0x2FFFF;
	_ =	strace $0x9FFFFFFF  }
0xd1: {  	(tm) =	ssettm $0x7FFFFFFF  }
tec
execute0_lowered:
.L_overlay_start_1:
0x0: {  	(tag) =	ssettag $0x1  }
0x1: {  	s0 =	srdreg.scid  }
0x2: {  	s17 =	stileid.u32;
	s9 =	rddreg [dreg:$0x0]  }
0x3: {  	s2 =	rddreg [dreg:$0x1];
	s4 =	simm.s32 $0x0;
	s19 =	simm.s32 $0x2900  }
0x4: {  	s20 =	simm.s32 $0x2800;
	s21 =	simm.s32 $0x80;
	s22 =	simm.s32 $0x6900  }
0x5: {  	s23 =	simm.s32 $0x2880;
	s24 =	simm.s32 $0x1;
	s25 =	simm.s32 $0x2  }
0x6: {  	s28 =	simm.s32 $0x0;
	s0 =	sand.u32 $0x1, s0;
	s7 =	smul.u32 $0x2780, s17  }
0x7: {  	[smem:$0x7FF] =	sst s4;
	s5 =	sadd.s32 $0x49800, s9;
	s26 =	smul.u32 $0x4F000, s17  }
0x8: {  	s6 =	sadd.s32 $0x4400, s9;
	s12 =	sadd.s32 $0x18D800, s9;
	s15 =	smul.u32 $0x13C00, s17  }
0x9: {  	s16 =	sadd.s32 $0x128400, s2;
	p0 =	seq.s32 s17, $0xF;
	s1 =	sshll.u32 s0, $0x4  }
0xa: {  	_ =	strace $0x80000053;
	s11 =	ssub.s32 $0x2, s0;
	s0 =	smul.u32 $0x13A000, s0  }
0xb: {  	s16 =	sshrl.u32 @p0 s16, $0x3;
	s1 =	sor.u32 s17, s1;
	s10 =	sadd.s32 s7, s9  }
0xc: {  	s13 =	sshrl.u32 s11, $0x1;
	s14 =	sshrl.u32 s26, $0x2;
	s3 =	smul.u32 $0x2800, s1  }
0xd: {  	s13 =	ssub.s32 s11, s13;
	s18 =	sadd.s32 s14, s2;
	s30 =	sadd.s32 s15, s0  }
0xe: {  	s0 =	sshrl.u32 s0, $0x3;
	s15 =	simm.s32 $0x3;
	s31 =	sshrl.u32 s30, $0x3  }
0xf: {  	s0 =	sadd.s32 s12, s0;
	s13 =	smax.u32 s13, $0x1;
	s18 =	sshrl.u32 @!p0 s18, $0x3  }
0x10: {  	s1 =	sshrl.u32 s3, $0x3;
	s11 =	sadd.s32 s12, s31;
	s12 =	sadd.s32 $0x25080, s0  }
0x11: {  	s0 =	sshll.u32 @!p0 s17, $0x6;
	s8 =	sadd.s32 s1, s9;
	s9 =	sadd.s32 $0x47480, s9  }
0x12: {  	s29 =	sadd.s32 $0xE400, s8;
	s8 =	sadd.s32 $0x22400, s10;
	s10 =	sadd.s32 s6, s1  }
0x13: {  	s17 =	sor.u32 @!p0 $0x1C03, s0;
	[dreg:$0x3] =	wrdreg s29;
	s14 =	sadd.s32 $0x4F0, s10  }
.LBB2_1:
0x14: {  	s0 =	rddreg [dreg:$0x3]  }
0x15: {  	[tilespmem:s4], [sflag:$0x3] =	stream.linear.gather [hbm4b:s0+s4], $0x2800, $0x38;
	[tilespmem:$0x1E300] =	vst v63  }
0x16: {  	_ =	swait.ge [sflag:s15], $0x2800  }
0x17: {  	[sflag:s15] =	ssyncset.done $0x0  }
0x18: {  	s0 =	simm.s32 @p0 $0x1FC3;
	[sflag:s15] =	ssyncadd.s32 $0xFFFFD800  }
0x19: {  	[spmem:s16], [sflag:s0] =	dma.local @p0 [hbm:s9], $0x2380  }
0x1a: {  	s0 =	simm.s32 @p0 $0x3  }
0x1b: {  	_ =	swait.ge @p0 [sflag:s0], $0x2380  }
0x1c: {  	[sflag:s0] =	ssyncset.done @p0 $0x0  }
0x1d: {  	[sflag:s0] =	ssyncadd.s32 @p0 $0xFFFFDC80;
	s0 =	simm.s32 @!p0 $0x3  }
0x1e: {  	[spmem:s18], [sflag:s17] =	dma.local @!p0 [hbm:s8], $0x2780  }
0x1f: {  	_ =	swait.ge @!p0 [sflag:s0], $0x2780  }
0x20: {  	s7 =	simm.s32 $0x0;
	[sflag:s0] =	ssyncset.done @!p0 $0x0  }
0x21: {  	s1 =	simm.s32 $0x80;
	[sflag:s0] =	ssyncadd.s32 @!p0 $0xFFFFD880;
	s0 =	sand.u32 $0x3C00, s7  }
0x22: {  	s1 =	sand.u32 $0x380, s1;
	[bflag:$0x0] =	sbarrier.arrive $0xFFFF;
	s0 =	sadd.s32 s3, s0  }
0x23: {  	[tilespmem:s19], [sflag:$0x1] =	stream.indirect.gather [hbm4b:s5+s21], $0x80, s4, s21, $0xb8;
	[tilespmem:$0x1E300] =	vst v63  }
0x24: {  	s0 =	sor.u32 s0, s1  }
0x25: {  	[tilespmem:s20], [sflag:$0x1] =	stream.linear.gather [hbm4b:s10+s4], $0x80, $0x38;
	[tilespmem:$0x1E300] =	vst v63  }
0x26: {  	s0 =	sshrl.u32 s0, $0x3  }
0x27: {  	[tilespmem:s22], [sflag:$0x2] =	stream.indirect.gather [hbm4b:s5+s21], $0x80, s21, s21, $0xb8;
	[tilespmem:$0x1E300] =	vst v63  }
0x28: {  	s0 =	sadd.s32 s6, s0  }
0x29: {  	[tilespmem:s23], [sflag:$0x2] =	stream.linear.gather [hbm4b:s0+s4], $0x80, $0x38;
	[tilespmem:$0x1E300] =	vst v63  }
0x2a: {  	_ =	swait.ge [sflag:s24], $0x4000  }
0x2b: {  	[sflag:s24] =	ssyncset.done $0x0  }
0x2c: {  	[sflag:s24] =	ssyncadd.s32 $0xFFFFC000  }
0x2d: {  	_ =	swait.ge [sflag:s24], $0x80  }
0x2e: {  	s26 =	simm.s32 $0x100;
	[sflag:s24] =	ssyncset.done $0x0  }
0x2f: {  	s7 =	sand.u32 $0x7C00, s26;
	[sflag:s24] =	ssyncadd.s32 $0xFFFFFF80  }
0x30: {  	[spmem:s2] =	stream.indirect.scatter.add.f32 [tilespmem:s19], [sflag:$0x3], $0x80, s20, s21, $0xb8;
	[tilespmem:$0x1E300] =	vst v63  }
0x31: {  	s1 =	sadd.s32 s3, s7;
	s0 =	sand.u32 $0x300, s26;
	_ =	swait.ge [sflag:s15], $0x4000  }
0x32: {  	s0 =	sor.u32 s0, s1;
	[sflag:s15] =	ssyncset.done $0x0  }
0x33: {  	s26 =	simm.s32 $0x100;
	s0 =	sshrl.u32 s0, $0x3;
	[sflag:s15] =	ssyncadd.s32 $0xFFFFC000  }
0x34: {  	[tilespmem:s19], [sflag:$0x1] =	stream.indirect.gather [hbm4b:s5+s21], $0x80, s26, s21, $0xb8;
	[tilespmem:$0x1E300] =	vst v63  }
0x35: {  	s0 =	sadd.s32 s6, s0  }
0x36: {  	[tilespmem:s20], [sflag:$0x1] =	stream.linear.gather [hbm4b:s0+s4], $0x80, $0x38;
	[tilespmem:$0x1E300] =	vst v63  }
0x37: {  	_ =	swait.ge [sflag:s25], $0x4000  }
0x38: {  	s30 =	simm.s32 $0x200;
	s31 =	simm.s32 $0x300;
	[sflag:s25] =	ssyncset.done $0x0  }
0x39: {  	s29 =	simm.s32 $0x180;
	s26 =	simm.s32 $0x100;
	[sflag:s25] =	ssyncadd.s32 $0xFFFFC000  }
0x3a: {  	s0 =	sand.u32 $0x3C00, s26;
	s26 =	simm.s32 $0x180;
	_ =	swait.ge [sflag:s25], $0x80  }
.LBB2_2:
0x3b: {  	s0 =	sadd.s32 s3, s0  }
0x3c: {  	s26 =	sand.u32 $0x380, s26;
	[sflag:s25] =	ssyncset.done $0x0;
	s7 =	smov.u32 s31  }
0x3d: {  	s1 =	sadd.s32 $0x100, s31;
	s0 =	sor.u32 s0, s26;
	[sflag:s25] =	ssyncadd.s32 $0xFFFFFF80  }
0x3e: {  	[spmem:s2] =	stream.indirect.scatter.add.f32 [tilespmem:s22], [sflag:$0x3], $0x80, s23, s21, $0xb8;
	[tilespmem:$0x1E300] =	vst v63  }
0x3f: {  	p1 =	sne.s32 s31, $0x2700;
	s0 =	sshrl.u32 s0, $0x3;
	_ =	swait.ge [sflag:s15], $0x4000  }
0x40: {  	[sflag:s15] =	ssyncset.done $0x0  }
0x41: {  	[sflag:s15] =	ssyncadd.s32 $0xFFFFC000  }
0x42: {  	[tilespmem:s22], [sflag:$0x2] =	stream.indirect.gather [hbm4b:s5+s21], $0x80, s29, s21, $0xb8;
	[tilespmem:$0x1E300] =	vst v63  }
0x43: {  	s0 =	sadd.s32 s6, s0  }
0x44: {  	[tilespmem:s23], [sflag:$0x2] =	stream.linear.gather [hbm4b:s0+s4], $0x80, $0x38;
	[tilespmem:$0x1E300] =	vst v63  }
0x45: {  	_ =	swait.ge [sflag:s24], $0x4000  }
0x46: {  	[sflag:s24] =	ssyncset.done $0x0  }
0x47: {  	[sflag:s24] =	ssyncadd.s32 $0xFFFFC000  }
0x48: {  	_ =	swait.ge [sflag:s24], $0x80  }
0x49: {  	[sflag:s24] =	ssyncset.done $0x0  }
0x4a: {  	[sflag:s24] =	ssyncadd.s32 $0xFFFFFF80  }
0x4b: {  	[spmem:s2] =	stream.indirect.scatter.add.f32 [tilespmem:s19], [sflag:$0x3], $0x80, s20, s21, $0xb8;
	[tilespmem:$0x1E300] =	vst v63  }
0x4c: {  	s0 =	sand.u32 $0x7C00, s30;
	_ =	swait.ge [sflag:s15], $0x4000  }
0x4d: {  	s26 =	sand.u32 $0x300, s30;
	s0 =	sadd.s32 s3, s0;
	[sflag:s15] =	ssyncset.done $0x0  }
0x4e: {  	s30 =	sadd.s32 $0x80, s29;
	s0 =	sor.u32 s26, s0;
	[sflag:s15] =	ssyncadd.s32 $0xFFFFC000  }
0x4f: {  	[tilespmem:s19], [sflag:$0x1] =	stream.indirect.gather [hbm4b:s5+s21], $0x80, s30, s21, $0xb8;
	[tilespmem:$0x1E300] =	vst v63  }
0x50: {  	s0 =	sshrl.u32 s0, $0x3;
	s30 =	smov.u32 s7  }
0x51: {  	s0 =	sadd.s32 s6, s0  }
0x52: {  	[tilespmem:s20], [sflag:$0x1] =	stream.linear.gather [hbm4b:s0+s4], $0x80, $0x38;
	[tilespmem:$0x1E300] =	vst v63  }
.Ltmp0:
0x53: {  	_ = 	snop;
	(pc) =	sbr.rel @p1 .LBB2_2-.Ltmp0, $4  }
0x54: {  	_ =	swait.ge [sflag:s25], $0x4000  }
0x55: {  	s31 =	smov.u32 s1;
	[sflag:s25] =	ssyncset.done $0x0  }
0x56: {  	s29 =	sadd.s32 $0x100, s29;
	s0 =	sadd.s32 $0xFFFFFF00, s30;
	[sflag:s25] =	ssyncadd.s32 $0xFFFFC000  }
0x57: {  	s26 =	sadd.s32 $0xFFFFFF80, s30;
	s0 =	sand.u32 $0x3C00, s0;
	_ =	swait.ge [sflag:s25], $0x80  }
0x58: {  	[sflag:s25] =	ssyncset.done $0x0  }
0x59: {  	[sflag:s25] =	ssyncadd.s32 $0xFFFFFF80  }
0x5a: {  	[spmem:s2] =	stream.indirect.scatter.add.f32 [tilespmem:s22], [sflag:$0x3], $0x80, s23, s21, $0xb8;
	[tilespmem:$0x1E300] =	vst v63  }
0x5b: {  	s0 =	sadd.s32 s3, s0;
	s1 =	sand.u32 $0x380, s26;
	_ =	swait.ge [sflag:s15], $0x4000  }
0x5c: {  	s0 =	sor.u32 s0, s1;
	[sflag:s15] =	ssyncset.done $0x0  }
0x5d: {  	s0 =	sshrl.u32 s0, $0x3;
	[sflag:s15] =	ssyncadd.s32 $0xFFFFC000  }
0x5e: {  	[tilespmem:s22], [sflag:$0x2] =	stream.indirect.gather [hbm4b:s5+s21], $0x80, s29, s21, $0xb8;
	[tilespmem:$0x1E300] =	vst v63  }
0x5f: {  	s0 =	sadd.s32 s6, s0  }
0x60: {  	[tilespmem:s23], [sflag:$0x2] =	stream.linear.gather [hbm4b:s0+s4], $0x80, $0x38;
	[tilespmem:$0x1E300] =	vst v63  }
0x61: {  	_ =	swait.ge [sflag:s24], $0x4000  }
0x62: {  	[sflag:s24] =	ssyncset.done $0x0  }
0x63: {  	[sflag:s24] =	ssyncadd.s32 $0xFFFFC000  }
0x64: {  	_ =	swait.ge [sflag:s24], $0x80  }
0x65: {  	[sflag:s24] =	ssyncset.done $0x0  }
0x66: {  	s26 =	sand.u32 $0x7C00, s30;
	[sflag:s24] =	ssyncadd.s32 $0xFFFFFF80  }
0x67: {  	[spmem:s2] =	stream.indirect.scatter.add.f32 [tilespmem:s19], [sflag:$0x3], $0x80, s20, s21, $0xb8;
	[tilespmem:$0x1E300] =	vst v63  }
0x68: {  	s30 =	sand.u32 $0x300, s30;
	s0 =	sadd.s32 s3, s26;
	_ =	swait.ge [sflag:s15], $0x4000  }
0x69: {  	s0 =	sor.u32 s30, s0;
	[sflag:s15] =	ssyncset.done $0x0  }
0x6a: {  	s7 =	sadd.s32 $0x80, s29;
	s0 =	sshrl.u32 s0, $0x3;
	[sflag:s15] =	ssyncadd.s32 $0xFFFFC000  }
0x6b: {  	[tilespmem:s19], [sflag:$0x1] =	stream.indirect.gather [hbm4b:s5+s21], $0x80, s7, s21, $0xb8;
	[tilespmem:$0x1E300] =	vst v63  }
0x6c: {  	s0 =	sadd.s32 s6, s0  }
0x6d: {  	[tilespmem:s20], [sflag:$0x1] =	stream.linear.gather [hbm4b:s0+s4], $0x80, $0x38;
	[tilespmem:$0x1E300] =	vst v63  }
0x6e: {  	_ =	swait.ge [sflag:s25], $0x4000  }
0x6f: {  	[sflag:s25] =	ssyncset.done $0x0  }
0x70: {  	[sflag:s25] =	ssyncadd.s32 $0xFFFFC000  }
0x71: {  	_ =	swait.ge [sflag:s25], $0x80  }
0x72: {  	[sflag:s25] =	ssyncset.done $0x0  }
0x73: {  	[sflag:s25] =	ssyncadd.s32 $0xFFFFFF80  }
0x74: {  	[spmem:s2] =	stream.indirect.scatter.add.f32 [tilespmem:s22], [sflag:$0x3], $0x80, s23, s21, $0xb8;
	[tilespmem:$0x1E300] =	vst v63  }
0x75: {  	_ =	swait.ge [sflag:s15], $0x4000  }
0x76: {  	[sflag:s15] =	ssyncset.done $0x0  }
0x77: {  	s31 =	simm.s32 $0x2780;
	[sflag:s15] =	ssyncadd.s32 $0xFFFFC000  }
0x78: {  	[tilespmem:s22], [sflag:$0x2] =	stream.indirect.gather [hbm4b:s5+s21], $0x80, s31, s21, $0xb8;
	[tilespmem:$0x1E300] =	vst v63  }
0x79: {  	_ = 	snop  }
0x7a: {  	[tilespmem:s23], [sflag:$0x2] =	stream.linear.gather [hbm4b:s14+s4], $0x80, $0x38;
	[tilespmem:$0x1E300] =	vst v63  }
0x7b: {  	_ =	swait.ge [sflag:s24], $0x4000  }
0x7c: {  	[sflag:s24] =	ssyncset.done $0x0  }
0x7d: {  	[sflag:s24] =	ssyncadd.s32 $0xFFFFC000  }
0x7e: {  	_ =	swait.ge [sflag:s24], $0x80  }
0x7f: {  	[sflag:s24] =	ssyncset.done $0x0  }
0x80: {  	[sflag:s24] =	ssyncadd.s32 $0xFFFFFF80  }
0x81: {  	[spmem:s2] =	stream.indirect.scatter.add.f32 [tilespmem:s19], [sflag:$0x3], $0x80, s20, s21, $0xb8;
	[tilespmem:$0x1E300] =	vst v63  }
0x82: {  	_ =	swait.ge [sflag:s15], $0x4000  }
0x83: {  	[sflag:s15] =	ssyncset.done $0x0  }
0x84: {  	[sflag:s15] =	ssyncadd.s32 $0xFFFFC000  }
0x85: {  	_ =	swait.ge [sflag:s25], $0x4000  }
0x86: {  	[sflag:s25] =	ssyncset.done $0x0  }
0x87: {  	[sflag:s25] =	ssyncadd.s32 $0xFFFFC000  }
0x88: {  	_ =	swait.ge [sflag:s25], $0x80  }
0x89: {  	[sflag:s25] =	ssyncset.done $0x0  }
0x8a: {  	[sflag:s25] =	ssyncadd.s32 $0xFFFFFF80  }
0x8b: {  	[spmem:s2] =	stream.indirect.scatter.add.f32 [tilespmem:s22], [sflag:$0x3], $0x80, s23, s21, $0xb8;
	[tilespmem:$0x1E300] =	vst v63  }
0x8c: {  	_ =	swait.ge [sflag:s15], $0x4000  }
0x8d: {  	[sflag:s15] =	ssyncset.done $0x0  }
0x8e: {  	[sflag:s15] =	ssyncadd.s32 $0xFFFFC000  }
0x8f: {  	s0 =	simm.s32 @p0 $0x1FC3;
	[bflag:$0x0] =	sbarrier.arrive $0xFFFF  }
0x90: {  	[hbm:s12], [sflag:s0] =	dma.local @p0 [spmem:s16], $0x2380  }
0x91: {  	s0 =	simm.s32 @p0 $0x3  }
0x92: {  	s28 =	sadd.s32 $0x1, s28;
	_ =	swait.ge @p0 [sflag:s0], $0x2380  }
0x93: {  	p1 =	sne.s32 s28, s13;
	[sflag:s0] =	ssyncset.done @p0 $0x0  }
.Ltmp1:
0x94: {  	[sflag:s0] =	ssyncadd.s32 @p0 $0xFFFFDC80;
	s0 =	simm.s32 @!p0 $0x3;
	(pc) =	sbr.rel @p1 .LBB2_1-.Ltmp1, $4  }
0x95: {  	[hbm:s11], [sflag:s17] =	dma.local @!p0 [spmem:s18], $0x2780  }
0x96: {  	_ =	swait.ge @!p0 [sflag:s0], $0x2780  }
0x97: {  	[sflag:s0] =	ssyncset.done @!p0 $0x0  }
0x98: {  	[sflag:s0] =	ssyncadd.s32 @!p0 $0xFFFFD880  }
0x99: {  	_ =	sfence.sel $0x180000  }
0x9a: {  	[bflag:$0x0] =	sbarrier.arrive $0xFFFF  }
0x9b: {  	_ =	strace $0x90000053  }
0x9c: {  	s0 =	stileid.u32;
	[bflag:$0x2] =	sbarrier.arrive $0xFFFF  }
0x9d: {  	p0 =	sne.s32 s0, $0x0;
	s0 =	rddreg [dreg:$0x2]  }
0x9e: {  	s0 =	sadd.s32 @!p0 $0x100000, s0  }
0x9f: {  	[sflag:s0] =	ssyncadd.tile.s32 @!p0 $0x1;
	_ =	shalt  }
.Lfunc_end2:
_tile_overlayer_lowered:
.L_overlay_start_2:
0xa0: {  	(tag) =	ssettag $0x2  }
0xa1: {  	s0 =	rddreg [dreg:$0x0];
	s2 =	stileid.u32  }
0xa2: {  	s1 =	rddreg [dreg:$0x1];
	p0 =	sne.s32 s2, $0x0  }
0xa3: {  	s3 =	rddreg [dreg:$0x2];
	[bflag:$0x3] =	sbarrier.arrive $0xFFFF;
	s2 =	simm.s32 @!p0 $0x1C03  }
0xa4: {  	[timem:s3], [sflag:s2] =	dma.local @!p0 [hbm:s0], s1  }
0xa5: {  	s0 =	simm.s32 @!p0 $0x3  }
0xa6: {  	_ =	swait.ge @!p0 [sflag:s0], s1  }
0xa7: {  	s1 =	ssub.s32 @!p0 $0x0, s1;
	[sflag:s0] =	ssyncset.done @!p0 $0x0  }
0xa8: {  	[sflag:s0] =	ssyncadd.s32 @!p0 s1  }
0xa9: {  	[bflag:$0x3] =	sbarrier.arrive $0xFFFF  }
0xaa: {  	_ =	shalt  }

</sc_bundles>
